<compile_context>
chip_gen: v7x
topology: tpu7x:2x2x1
jax: 0.10.2.dev20260603
libtpu: 0.0.44.dev20260713+nightly
codegen_flags: <defaults>
</compile_context>

<pallas_src>
import functools

import jax
import jax.numpy as jnp
from jax import lax
from jax.experimental import pallas as pl
from jax.experimental.pallas import tpu as pltpu
from jax.experimental.pallas import tpu_sc as plsc

QT = 1024
NQB = 1
Q = QT // NQB
D = 16
N = 100000
K = 5
CHUNK = 4096
NPAD = 102400
NCHUNKS = NPAD // CHUNK
BIG = 3.0e38
BIGF = 3.0e38


def _topk_body(q_ref, s_ref, idx_out_ref, w_out_ref, runv_ref, runi_ref):
    i = pl.program_id(1)

    q = q_ref[...]
    qn = jnp.sqrt(jnp.sum(q * q, axis=1, keepdims=True))
    qh = q / jnp.maximum(qn, 1e-12)
    q_sq = jnp.sum(qh * qh, axis=1, keepdims=True)

    s = s_ref[...]
    sn = jnp.sqrt(jnp.sum(s * s, axis=1, keepdims=True))
    sh = s / jnp.maximum(sn, 1e-12)
    s_sq = jnp.sum(sh * sh, axis=1, keepdims=True)

    qa = jnp.concatenate([qh * -2.0, jnp.ones((Q, 1), jnp.float32)], axis=1)
    sa = jnp.concatenate([sh, s_sq], axis=1)
    sq = lax.dot_general(qa, sa, (((1,), (1,)), ((), ())),
                         preferred_element_type=jnp.float32)

    lanes = lax.broadcasted_iota(jnp.int32, (Q, CHUNK), 1).astype(jnp.float32)
    base_f = (i * CHUNK).astype(jnp.float32)
    sq = jnp.where(lanes + base_f >= N, BIG, sq)

    vals, idxs = [], []
    cur = sq
    for t in range(K):
        m = jnp.min(cur, axis=1, keepdims=True)
        sel = jnp.min(jnp.where(cur == m, lanes, BIGF), axis=1, keepdims=True)
        vals.append(m)
        idxs.append(sel + base_f)
        if t < K - 1:
            cur = jnp.where(lanes == sel, BIG, cur)
    padv = jnp.full((Q, 1), BIG, jnp.float32)
    padi = jnp.zeros((Q, 1), jnp.float32)
    cv = jnp.concatenate(vals + [padv, padv, padv], axis=1)
    ci = jnp.concatenate(idxs + [padi, padi, padi], axis=1)

    @pl.when(i == 0)
    def _init():
        runv_ref[...] = jnp.full((Q, 8), BIG, jnp.float32)
        runi_ref[...] = jnp.zeros((Q, 8), jnp.float32)

    mv = jnp.concatenate([runv_ref[...], cv], axis=1)
    mi = jnp.concatenate([runi_ref[...], ci], axis=1)
    slot = lax.broadcasted_iota(jnp.int32, (Q, 16), 1).astype(jnp.float32)
    nv, ni = [], []
    curm = mv
    for _ in range(K):
        m = jnp.min(curm, axis=1, keepdims=True)
        ssel = jnp.min(jnp.where(curm == m, slot, BIGF), axis=1, keepdims=True)
        gi = jnp.max(jnp.where(slot == ssel, mi, -1.0), axis=1, keepdims=True)
        nv.append(m)
        ni.append(gi)
        curm = jnp.where(slot == ssel, BIG, curm)
    runv_ref[...] = jnp.concatenate(nv + [padv, padv, padv], axis=1)
    runi_ref[...] = jnp.concatenate(ni + [padi, padi, padi], axis=1)

    @pl.when(i == NCHUNKS - 1)
    def _fin():
        v = runv_ref[...] + q_sq
        d = jnp.sqrt(jnp.maximum(v, 1e-12))
        w = 1.0 / (d + 1e-8)
        kmask = lax.broadcasted_iota(jnp.int32, (Q, 8), 1) < K
        w = jnp.where(kmask, w, 0.0)
        w_out_ref[...] = w / jnp.sum(w, axis=1, keepdims=True)
        idx_out_ref[...] = jnp.where(
            kmask, runi_ref[...].astype(jnp.int32), 0)


def _tc_topk(query, supports_padded, interpret=False):
    return pl.pallas_call(
        _topk_body,
        grid=(NQB, NCHUNKS),
        in_specs=[
            pl.BlockSpec((Q, D), lambda j, i: (j, 0)),
            pl.BlockSpec((CHUNK, D), lambda j, i: (i, 0)),
        ],
        out_specs=[
            pl.BlockSpec((Q, 8), lambda j, i: (j, 0)),
            pl.BlockSpec((Q, 8), lambda j, i: (j, 0)),
        ],
        out_shape=[
            jax.ShapeDtypeStruct((QT, 8), jnp.int32),
            jax.ShapeDtypeStruct((QT, 8), jnp.float32),
        ],
        scratch_shapes=[
            pltpu.VMEM((Q, 8), jnp.float32),
            pltpu.VMEM((Q, 8), jnp.float32),
        ],
        compiler_params=pltpu.CompilerParams(
            dimension_semantics=("parallel", "arbitrary")),
        interpret=interpret,
    )(query, supports_padded)


try:
    _SC_INFO = plsc.get_sparse_core_info()
    _NC = _SC_INFO.num_cores
    _NS = _SC_INFO.num_subcores
except Exception:
    _NC, _NS = 2, 16
_NW = _NC * _NS
_ROWS = QT * 8
_RW = _ROWS // _NW
_QW = QT // _NW


def _sc_combine_body(tgt_hbm, idx_hbm, wexp_hbm, out_hbm,
                     idx_v, rows_v, w_v, acc_v, sem):
    wid = lax.axis_index("s") * _NC + lax.axis_index("c")
    nslab = _RW // 128
    pltpu.sync_copy(idx_hbm.at[pl.ds(wid * nslab, nslab)], idx_v)
    for j in range(nslab):
        pltpu.async_copy(tgt_hbm.at[idx_v.at[j]],
                         rows_v.at[pl.ds(j * 128, 128)], sem).wait()
    pltpu.sync_copy(wexp_hbm.at[pl.ds(wid * _RW, _RW)], w_v)
    for qq in range(_QW):
        acc = rows_v[qq * 8, :] * w_v[qq * 8, :]
        for kk in range(1, 8):
            acc = acc + rows_v[qq * 8 + kk, :] * w_v[qq * 8 + kk, :]
        acc_v[qq, :] = acc
    pltpu.sync_copy(acc_v, out_hbm.at[pl.ds(wid * _QW, _QW)])


@functools.lru_cache(maxsize=1)
def _sc_combine_kernel():
    return pl.kernel(
        _sc_combine_body,
        mesh=plsc.VectorSubcoreMesh(core_axis_name="c", subcore_axis_name="s"),
        out_type=jax.ShapeDtypeStruct((QT, D), jnp.float32),
        scratch_types=[
            pltpu.VMEM((_RW // 128, 128), jnp.int32),
            pltpu.VMEM((_RW, D), jnp.float32),
            pltpu.VMEM((_RW, D), jnp.float32),
            pltpu.VMEM((_QW, D), jnp.float32),
            pltpu.SemaphoreType.DMA,
        ],
        compiler_params=pltpu.CompilerParams(use_tc_tiling_on_sc=False),
    )


def kernel(query, supports, targets, k):
    del k
    supports_padded = jnp.pad(supports, ((0, NPAD - N), (0, 0)))
    idx8, w8 = _tc_topk(query, supports_padded)
    idx_slab = idx8.reshape(_ROWS // 128, 128)
    w_exp = jnp.broadcast_to(w8.reshape(_ROWS, 1), (_ROWS, D))
    return _sc_combine_kernel()(targets, idx_slab, w_exp)

# --- scband reference (transcript-rebuilt; emitter-appended) ---
"""Pipeline reference for scband-shgr-71579924955643 (READ-ONLY COPY).

The authoritative reference and input builder live on the scoring server;
editing this copy changes nothing except your own understanding.
"""

import jax, jax.numpy as jnp
import numpy as np


def setup_inputs(seed: int = 0) -> dict:
    key = jax.random.key(seed)
    k1, k2, k3 = jax.random.split(key, 3)
    query = jax.random.normal(k1, (1024, 16), dtype=jnp.float32)
    supports = jax.random.normal(k2, (100000, 16), dtype=jnp.float32)
    targets = jax.random.normal(k3, (100000, 16), dtype=jnp.float32)
    return {"query": query, "supports": supports, "targets": targets, "k": 5}


def _normalize(x, eps=1e-12):
    n = jnp.linalg.norm(x, axis=-1, keepdims=True)
    return x / jnp.maximum(n, eps)


def reference(query, supports, targets, k):
    # SHGR.knn: normalize, cdist, smallest-k, inverse-distance weights, gather+weighted sum
    q = _normalize(query)
    s = _normalize(supports)
    # torch.cdist (p=2) via expanded squared-euclidean form
    sq = (jnp.sum(q * q, axis=-1, keepdims=True)
          + jnp.sum(s * s, axis=-1)[None, :]
          - 2.0 * (q @ s.T))
    dists_full = jnp.sqrt(jnp.maximum(sq, 1e-12))
    # topk smallest -> top_k of negated distances
    K_STATIC = 5
    neg_vals, indices = jax.lax.top_k(-dists_full, K_STATIC)
    dists = -neg_vals + 0.0 * jnp.asarray(k, dists_full.dtype)  # [Q, k]
    weights = 1.0 / (dists + 1e-08)
    weights = weights / jnp.sum(weights, axis=-1, keepdims=True)
    target_values = jnp.take(targets, indices, axis=0)  # [Q, k, t_dim]
    return jnp.sum(target_values * weights[..., None], axis=1)

if __name__ == "__main__":
    import jax
    _d = setup_inputs()
    print(jax.jit(kernel)(*tuple(_d.values())))

</pallas_src>

<mosaic_0001>
#map = affine_map<(d0, d1) -> (0, 0)>
module attributes {stable_mosaic.version = 14 : i64} {
  func.func @_sc_combine_body(%arg0: i32, %arg1: i32, %arg2: memref<100000x16xf32, #tpu.memory_space<hbm>>, %arg3: memref<64x128xi32, #tpu.memory_space<hbm>>, %arg4: memref<8192x16xf32, #tpu.memory_space<hbm>>, %arg5: memref<1024x16xf32, #tpu.memory_space<hbm>>, %arg6: memref<2x128xi32, #tpu.memory_space<vmem>>, %arg7: memref<256x16xf32, #tpu.memory_space<vmem>>, %arg8: memref<256x16xf32, #tpu.memory_space<vmem>>, %arg9: memref<32x16xf32, #tpu.memory_space<vmem>>, %arg10: memref<!tpu.dma_semaphore, #tpu.memory_space<semaphore_mem>>) attributes {dimension_semantics = [#tpu.dimension_semantics<core_parallel>, #tpu.dimension_semantics<subcore_parallel>], iteration_bounds = array<i64: 2, 16>, scalar_prefetch = 0 : i64, scratch_operands = 5 : i64, tpu.core_type = #tpu.core_type<sc_vector_subcore>, window_params = [{transform_indices = #map}, {transform_indices = #map}, {transform_indices = #map}, {transform_indices = #map}]} {
    %mul3A = arith.constant 2 : i32
    %mul3A_0 = arith.muli %arg1, %mul3A : i32
    %add3A = arith.addi %mul3A_0, %arg0 : i32
    %mul3A_1 = arith.constant 2 : i32
    %mul3A_2 = arith.muli %add3A, %mul3A_1 : i32
    "tpu.region"() ({
      %run_scoped3A = tpu.sem_alloc : memref<!tpu.dma_semaphore, #tpu.memory_space<semaphore_mem>>
      %dma_start3A_3275 = arith.constant 0 : i32
      %dma_start3A_3276 = tpu.memref_slice %arg3[%mul3A_2, %dma_start3A_3275] : memref<64x128xi32, #tpu.memory_space<hbm>> -> memref<2x128xi32, #tpu.memory_space<hbm>>
      %dma_start3A_3277 = arith.constant 0 : i32
      %dma_start3A_3278 = tpu.memref_slice %arg3[%mul3A_2, %dma_start3A_3277] : memref<64x128xi32, #tpu.memory_space<hbm>> -> memref<2x128xi32, #tpu.memory_space<hbm>>
      tpu.enqueue_dma source(%dma_start3A_3278 : memref<2x128xi32, #tpu.memory_space<hbm>>) target(%arg6 : memref<2x128xi32, #tpu.memory_space<vmem>>) target_semaphore(%run_scoped3A : memref<!tpu.dma_semaphore, #tpu.memory_space<semaphore_mem>>)
      %dma_wait3A_3279 = arith.constant 0 : i32
      %dma_wait3A_3280 = tpu.memref_slice %arg3[%mul3A_2, %dma_wait3A_3279] : memref<64x128xi32, #tpu.memory_space<hbm>> -> memref<2x128xi32, #tpu.memory_space<hbm>>
      %dma_wait3A_3281 = arith.constant 0 : i32
      %dma_wait3A_3282 = tpu.memref_slice %arg3[%mul3A_2, %dma_wait3A_3281] : memref<64x128xi32, #tpu.memory_space<hbm>> -> memref<2x128xi32, #tpu.memory_space<hbm>>
      tpu.wait_dma2 semaphore(%run_scoped3A : memref<!tpu.dma_semaphore, #tpu.memory_space<semaphore_mem>>) src(%dma_wait3A_3282 : memref<2x128xi32, #tpu.memory_space<hbm>>) dst(%arg6 : memref<2x128xi32, #tpu.memory_space<vmem>>)
      tpu.yield
    }) : () -> ()
    %dma_start3A = arith.constant 0 : i32
    %dma_start3A_3 = arith.constant 0 : i32
    %dma_start3A_4 = arith.constant 0 : i32
    %dma_start3A_5 = tpu.memref_slice %arg7[%dma_start3A_3, %dma_start3A_4] : memref<256x16xf32, #tpu.memory_space<vmem>> -> memref<128x16xf32, #tpu.memory_space<vmem>>
    %dma_start3A_6 = arith.constant 0 : i32
    %dma_start3A_7 = tpu.memref_slice %arg6[%dma_start3A, %dma_start3A_6] : memref<2x128xi32, #tpu.memory_space<vmem>> -> memref<1x128xi32, #tpu.memory_space<vmem>>
    %dma_start3A_8 = tpu.memref_squeeze %dma_start3A_7 : memref<1x128xi32, #tpu.memory_space<vmem>> -> memref<128xi32, #tpu.memory_space<vmem>>
    %dma_start3A_9 = arith.constant 0 : i32
    %dma_start3A_10 = arith.constant 0 : i32
    %dma_start3A_11 = tpu.memref_slice %arg2[%dma_start3A_9, %dma_start3A_10] : memref<100000x16xf32, #tpu.memory_space<hbm>> -> memref<100000x16xf32, #tpu.memory_space<hbm>>
    tpu.enqueue_indirect_dma source(%dma_start3A_11 : memref<100000x16xf32, #tpu.memory_space<hbm>>) target(%dma_start3A_5 : memref<128x16xf32, #tpu.memory_space<vmem>>) offsets(%dma_start3A_8 : memref<128xi32, #tpu.memory_space<vmem>>) semaphore(%arg10 : memref<!tpu.dma_semaphore, #tpu.memory_space<semaphore_mem>>)
    %dma_wait3A = arith.constant 0 : i32
    %dma_wait3A_12 = arith.constant 0 : i32
    %dma_wait3A_13 = arith.constant 0 : i32
    %dma_wait3A_14 = tpu.memref_slice %arg7[%dma_wait3A_12, %dma_wait3A_13] : memref<256x16xf32, #tpu.memory_space<vmem>> -> memref<128x16xf32, #tpu.memory_space<vmem>>
    %dma_wait3A_15 = arith.constant 0 : i32
    %dma_wait3A_16 = tpu.memref_slice %arg6[%dma_wait3A, %dma_wait3A_15] : memref<2x128xi32, #tpu.memory_space<vmem>> -> memref<1x128xi32, #tpu.memory_space<vmem>>
    %dma_wait3A_17 = tpu.memref_squeeze %dma_wait3A_16 : memref<1x128xi32, #tpu.memory_space<vmem>> -> memref<128xi32, #tpu.memory_space<vmem>>
    %dma_wait3A_18 = arith.constant 0 : i32
    %dma_wait3A_19 = arith.constant 0 : i32
    %dma_wait3A_20 = tpu.memref_slice %arg2[%dma_wait3A_18, %dma_wait3A_19] : memref<100000x16xf32, #tpu.memory_space<hbm>> -> memref<100000x16xf32, #tpu.memory_space<hbm>>
    tpu.wait_indirect_dma semaphore(%arg10 : memref<!tpu.dma_semaphore, #tpu.memory_space<semaphore_mem>>) src(%dma_wait3A_20 : memref<100000x16xf32, #tpu.memory_space<hbm>>) dst(%dma_wait3A_14 : memref<128x16xf32, #tpu.memory_space<vmem>>)
    %dma_start3A_21 = arith.constant 1 : i32
    %dma_start3A_22 = arith.constant 128 : i32
    %dma_start3A_23 = arith.constant 0 : i32
    %dma_start3A_24 = tpu.memref_slice %arg7[%dma_start3A_22, %dma_start3A_23] : memref<256x16xf32, #tpu.memory_space<vmem>> -> memref<128x16xf32, #tpu.memory_space<vmem>>
    %dma_start3A_25 = arith.constant 0 : i32
    %dma_start3A_26 = tpu.memref_slice %arg6[%dma_start3A_21, %dma_start3A_25] : memref<2x128xi32, #tpu.memory_space<vmem>> -> memref<1x128xi32, #tpu.memory_space<vmem>>
    %dma_start3A_27 = tpu.memref_squeeze %dma_start3A_26 : memref<1x128xi32, #tpu.memory_space<vmem>> -> memref<128xi32, #tpu.memory_space<vmem>>
    %dma_start3A_28 = arith.constant 0 : i32
    %dma_start3A_29 = arith.constant 0 : i32
    %dma_start3A_30 = tpu.memref_slice %arg2[%dma_start3A_28, %dma_start3A_29] : memref<100000x16xf32, #tpu.memory_space<hbm>> -> memref<100000x16xf32, #tpu.memory_space<hbm>>
    tpu.enqueue_indirect_dma source(%dma_start3A_30 : memref<100000x16xf32, #tpu.memory_space<hbm>>) target(%dma_start3A_24 : memref<128x16xf32, #tpu.memory_space<vmem>>) offsets(%dma_start3A_27 : memref<128xi32, #tpu.memory_space<vmem>>) semaphore(%arg10 : memref<!tpu.dma_semaphore, #tpu.memory_space<semaphore_mem>>)
    %dma_wait3A_31 = arith.constant 1 : i32
    %dma_wait3A_32 = arith.constant 128 : i32
    %dma_wait3A_33 = arith.constant 0 : i32
    %dma_wait3A_34 = tpu.memref_slice %arg7[%dma_wait3A_32, %dma_wait3A_33] : memref<256x16xf32, #tpu.memory_space<vmem>> -> memref<128x16xf32, #tpu.memory_space<vmem>>
    %dma_wait3A_35 = arith.constant 0 : i32
    %dma_wait3A_36 = tpu.memref_slice %arg6[%dma_wait3A_31, %dma_wait3A_35] : memref<2x128xi32, #tpu.memory_space<vmem>> -> memref<1x128xi32, #tpu.memory_space<vmem>>
    %dma_wait3A_37 = tpu.memref_squeeze %dma_wait3A_36 : memref<1x128xi32, #tpu.memory_space<vmem>> -> memref<128xi32, #tpu.memory_space<vmem>>
    %dma_wait3A_38 = arith.constant 0 : i32
    %dma_wait3A_39 = arith.constant 0 : i32
    %dma_wait3A_40 = tpu.memref_slice %arg2[%dma_wait3A_38, %dma_wait3A_39] : memref<100000x16xf32, #tpu.memory_space<hbm>> -> memref<100000x16xf32, #tpu.memory_space<hbm>>
    tpu.wait_indirect_dma semaphore(%arg10 : memref<!tpu.dma_semaphore, #tpu.memory_space<semaphore_mem>>) src(%dma_wait3A_40 : memref<100000x16xf32, #tpu.memory_space<hbm>>) dst(%dma_wait3A_34 : memref<128x16xf32, #tpu.memory_space<vmem>>)
    %mul3A_41 = arith.constant 256 : i32
    %mul3A_42 = arith.muli %add3A, %mul3A_41 : i32
    "tpu.region"() ({
      %run_scoped3A = tpu.sem_alloc : memref<!tpu.dma_semaphore, #tpu.memory_space<semaphore_mem>>
      %dma_start3A_3275 = arith.constant 0 : i32
      %dma_start3A_3276 = tpu.memref_slice %arg4[%mul3A_42, %dma_start3A_3275] : memref<8192x16xf32, #tpu.memory_space<hbm>> -> memref<256x16xf32, #tpu.memory_space<hbm>>
      %dma_start3A_3277 = arith.constant 0 : i32
      %dma_start3A_3278 = tpu.memref_slice %arg4[%mul3A_42, %dma_start3A_3277] : memref<8192x16xf32, #tpu.memory_space<hbm>> -> memref<256x16xf32, #tpu.memory_space<hbm>>
      tpu.enqueue_dma source(%dma_start3A_3278 : memref<256x16xf32, #tpu.memory_space<hbm>>) target(%arg8 : memref<256x16xf32, #tpu.memory_space<vmem>>) target_semaphore(%run_scoped3A : memref<!tpu.dma_semaphore, #tpu.memory_space<semaphore_mem>>)
      %dma_wait3A_3279 = arith.constant 0 : i32
      %dma_wait3A_3280 = tpu.memref_slice %arg4[%mul3A_42, %dma_wait3A_3279] : memref<8192x16xf32, #tpu.memory_space<hbm>> -> memref<256x16xf32, #tpu.memory_space<hbm>>
      %dma_wait3A_3281 = arith.constant 0 : i32
      %dma_wait3A_3282 = tpu.memref_slice %arg4[%mul3A_42, %dma_wait3A_3281] : memref<8192x16xf32, #tpu.memory_space<hbm>> -> memref<256x16xf32, #tpu.memory_space<hbm>>
      tpu.wait_dma2 semaphore(%run_scoped3A : memref<!tpu.dma_semaphore, #tpu.memory_space<semaphore_mem>>) src(%dma_wait3A_3282 : memref<256x16xf32, #tpu.memory_space<hbm>>) dst(%arg8 : memref<256x16xf32, #tpu.memory_space<vmem>>)
      tpu.yield
    }) : () -> ()
    %get3A = arith.constant 0 : i32
    %get3A_43 = arith.index_cast %get3A : i32 to index
    %get3A_44 = arith.constant 0 : index
    %get3A_45 = tpu.vector_load %arg7[%get3A_43, %get3A_44] {strides = array<i32>} : memref<256x16xf32, #tpu.memory_space<vmem>>, vector<1x16xf32>,
    %get3A_46 = vector.shape_cast %get3A_45 : vector<1x16xf32> to vector<16xf32>
    %get3A_47 = arith.constant 0 : i32
    %get3A_48 = arith.index_cast %get3A_47 : i32 to index
    %get3A_49 = arith.constant 0 : index
    %get3A_50 = tpu.vector_load %arg8[%get3A_48, %get3A_49] {strides = array<i32>} : memref<256x16xf32, #tpu.memory_space<vmem>>, vector<1x16xf32>,
    %get3A_51 = vector.shape_cast %get3A_50 : vector<1x16xf32> to vector<16xf32>
    %mul3A_52 = arith.mulf %get3A_46, %get3A_51 : vector<16xf32>
    %get3A_53 = arith.constant 1 : i32
    %get3A_54 = arith.index_cast %get3A_53 : i32 to index
    %get3A_55 = arith.constant 0 : index
    %get3A_56 = tpu.vector_load %arg7[%get3A_54, %get3A_55] {strides = array<i32>} : memref<256x16xf32, #tpu.memory_space<vmem>>, vector<1x16xf32>,
    %get3A_57 = vector.shape_cast %get3A_56 : vector<1x16xf32> to vector<16xf32>
    %get3A_58 = arith.constant 1 : i32
    %get3A_59 = arith.index_cast %get3A_58 : i32 to index
    %get3A_60 = arith.constant 0 : index
    %get3A_61 = tpu.vector_load %arg8[%get3A_59, %get3A_60] {strides = array<i32>} : memref<256x16xf32, #tpu.memory_space<vmem>>, vector<1x16xf32>,
    %get3A_62 = vector.shape_cast %get3A_61 : vector<1x16xf32> to vector<16xf32>
    %mul3A_63 = arith.mulf %get3A_57, %get3A_62 : vector<16xf32>
    %add3A_64 = arith.addf %mul3A_52, %mul3A_63 : vector<16xf32>
    %get3A_65 = arith.constant 2 : i32
    %get3A_66 = arith.index_cast %get3A_65 : i32 to index
    %get3A_67 = arith.constant 0 : index
    %get3A_68 = tpu.vector_load %arg7[%get3A_66, %get3A_67] {strides = array<i32>} : memref<256x16xf32, #tpu.memory_space<vmem>>, vector<1x16xf32>,
    %get3A_69 = vector.shape_cast %get3A_68 : vector<1x16xf32> to vector<16xf32>
    %get3A_70 = arith.constant 2 : i32
    %get3A_71 = arith.index_cast %get3A_70 : i32 to index
    %get3A_72 = arith.constant 0 : index
    %get3A_73 = tpu.vector_load %arg8[%get3A_71, %get3A_72] {strides = array<i32>} : memref<256x16xf32, #tpu.memory_space<vmem>>, vector<1x16xf32>,
    %get3A_74 = vector.shape_cast %get3A_73 : vector<1x16xf32> to vector<16xf32>
    %mul3A_75 = arith.mulf %get3A_69, %get3A_74 : vector<16xf32>
    %add3A_76 = arith.addf %add3A_64, %mul3A_75 : vector<16xf32>
    %get3A_77 = arith.constant 3 : i32
    %get3A_78 = arith.index_cast %get3A_77 : i32 to index
    %get3A_79 = arith.constant 0 : index
    %get3A_80 = tpu.vector_load %arg7[%get3A_78, %get3A_79] {strides = array<i32>} : memref<256x16xf32, #tpu.memory_space<vmem>>, vector<1x16xf32>,
    %get3A_81 = vector.shape_cast %get3A_80 : vector<1x16xf32> to vector<16xf32>
    %get3A_82 = arith.constant 3 : i32
    %get3A_83 = arith.index_cast %get3A_82 : i32 to index
    %get3A_84 = arith.constant 0 : index
    %get3A_85 = tpu.vector_load %arg8[%get3A_83, %get3A_84] {strides = array<i32>} : memref<256x16xf32, #tpu.memory_space<vmem>>, vector<1x16xf32>,
    %get3A_86 = vector.shape_cast %get3A_85 : vector<1x16xf32> to vector<16xf32>
    %mul3A_87 = arith.mulf %get3A_81, %get3A_86 : vector<16xf32>
    %add3A_88 = arith.addf %add3A_76, %mul3A_87 : vector<16xf32>
    %get3A_89 = arith.constant 4 : i32
    %get3A_90 = arith.index_cast %get3A_89 : i32 to index
    %get3A_91 = arith.constant 0 : index
    %get3A_92 = tpu.vector_load %arg7[%get3A_90, %get3A_91] {strides = array<i32>} : memref<256x16xf32, #tpu.memory_space<vmem>>, vector<1x16xf32>,
    %get3A_93 = vector.shape_cast %get3A_92 : vector<1x16xf32> to vector<16xf32>
    %get3A_94 = arith.constant 4 : i32
    %get3A_95 = arith.index_cast %get3A_94 : i32 to index
    %get3A_96 = arith.constant 0 : index
    %get3A_97 = tpu.vector_load %arg8[%get3A_95, %get3A_96] {strides = array<i32>} : memref<256x16xf32, #tpu.memory_space<vmem>>, vector<1x16xf32>,
    %get3A_98 = vector.shape_cast %get3A_97 : vector<1x16xf32> to vector<16xf32>
    %mul3A_99 = arith.mulf %get3A_93, %get3A_98 : vector<16xf32>
    %add3A_100 = arith.addf %add3A_88, %mul3A_99 : vector<16xf32>
    %get3A_101 = arith.constant 5 : i32
    %get3A_102 = arith.index_cast %get3A_101 : i32 to index
    %get3A_103 = arith.constant 0 : index
    %get3A_104 = tpu.vector_load %arg7[%get3A_102, %get3A_103] {strides = array<i32>} : memref<256x16xf32, #tpu.memory_space<vmem>>, vector<1x16xf32>,
    %get3A_105 = vector.shape_cast %get3A_104 : vector<1x16xf32> to vector<16xf32>
    %get3A_106 = arith.constant 5 : i32
    %get3A_107 = arith.index_cast %get3A_106 : i32 to index
    %get3A_108 = arith.constant 0 : index
    %get3A_109 = tpu.vector_load %arg8[%get3A_107, %get3A_108] {strides = array<i32>} : memref<256x16xf32, #tpu.memory_space<vmem>>, vector<1x16xf32>,
    %get3A_110 = vector.shape_cast %get3A_109 : vector<1x16xf32> to vector<16xf32>
    %mul3A_111 = arith.mulf %get3A_105, %get3A_110 : vector<16xf32>
    %add3A_112 = arith.addf %add3A_100, %mul3A_111 : vector<16xf32>
    %get3A_113 = arith.constant 6 : i32
    %get3A_114 = arith.index_cast %get3A_113 : i32 to index
    %get3A_115 = arith.constant 0 : index
    %get3A_116 = tpu.vector_load %arg7[%get3A_114, %get3A_115] {strides = array<i32>} : memref<256x16xf32, #tpu.memory_space<vmem>>, vector<1x16xf32>,
    %get3A_117 = vector.shape_cast %get3A_116 : vector<1x16xf32> to vector<16xf32>
    %get3A_118 = arith.constant 6 : i32
    %get3A_119 = arith.index_cast %get3A_118 : i32 to index
    %get3A_120 = arith.constant 0 : index
    %get3A_121 = tpu.vector_load %arg8[%get3A_119, %get3A_120] {strides = array<i32>} : memref<256x16xf32, #tpu.memory_space<vmem>>, vector<1x16xf32>,
    %get3A_122 = vector.shape_cast %get3A_121 : vector<1x16xf32> to vector<16xf32>
    %mul3A_123 = arith.mulf %get3A_117, %get3A_122 : vector<16xf32>
    %add3A_124 = arith.addf %add3A_112, %mul3A_123 : vector<16xf32>
    %get3A_125 = arith.constant 7 : i32
    %get3A_126 = arith.index_cast %get3A_125 : i32 to index
    %get3A_127 = arith.constant 0 : index
    %get3A_128 = tpu.vector_load %arg7[%get3A_126, %get3A_127] {strides = array<i32>} : memref<256x16xf32, #tpu.memory_space<vmem>>, vector<1x16xf32>,
    %get3A_129 = vector.shape_cast %get3A_128 : vector<1x16xf32> to vector<16xf32>
    %get3A_130 = arith.constant 7 : i32
    %get3A_131 = arith.index_cast %get3A_130 : i32 to index
    %get3A_132 = arith.constant 0 : index
    %get3A_133 = tpu.vector_load %arg8[%get3A_131, %get3A_132] {strides = array<i32>} : memref<256x16xf32, #tpu.memory_space<vmem>>, vector<1x16xf32>,
    %get3A_134 = vector.shape_cast %get3A_133 : vector<1x16xf32> to vector<16xf32>
    %mul3A_135 = arith.mulf %get3A_129, %get3A_134 : vector<16xf32>
    %add3A_136 = arith.addf %add3A_124, %mul3A_135 : vector<16xf32>
    %swap3A = arith.constant 0 : i32
    %swap3A_137 = arith.index_cast %swap3A : i32 to index
    %swap3A_138 = arith.constant 0 : index
    %swap3A_139 = tpu.vector_load %arg9[%swap3A_137, %swap3A_138] {strides = array<i32>} : memref<32x16xf32, #tpu.memory_space<vmem>>, vector<1x16xf32>,
    %swap3A_140 = vector.shape_cast %swap3A_139 : vector<1x16xf32> to vector<16xf32>
    %swap3A_141 = vector.shape_cast %add3A_136 : vector<16xf32> to vector<1x16xf32>
    tpu.vector_store %arg9[%swap3A_137, %swap3A_138], %swap3A_141 {strides = array<i32>} : memref<32x16xf32, #tpu.memory_space<vmem>>, vector<1x16xf32>,
    %get3A_142 = arith.constant 8 : i32
    %get3A_143 = arith.index_cast %get3A_142 : i32 to index
    %get3A_144 = arith.constant 0 : index
    %get3A_145 = tpu.vector_load %arg7[%get3A_143, %get3A_144] {strides = array<i32>} : memref<256x16xf32, #tpu.memory_space<vmem>>, vector<1x16xf32>,
    %get3A_146 = vector.shape_cast %get3A_145 : vector<1x16xf32> to vector<16xf32>
    %get3A_147 = arith.constant 8 : i32
    %get3A_148 = arith.index_cast %get3A_147 : i32 to index
    %get3A_149 = arith.constant 0 : index
    %get3A_150 = tpu.vector_load %arg8[%get3A_148, %get3A_149] {strides = array<i32>} : memref<256x16xf32, #tpu.memory_space<vmem>>, vector<1x16xf32>,
    %get3A_151 = vector.shape_cast %get3A_150 : vector<1x16xf32> to vector<16xf32>
    %mul3A_152 = arith.mulf %get3A_146, %get3A_151 : vector<16xf32>
    %get3A_153 = arith.constant 9 : i32
    %get3A_154 = arith.index_cast %get3A_153 : i32 to index
    %get3A_155 = arith.constant 0 : index
    %get3A_156 = tpu.vector_load %arg7[%get3A_154, %get3A_155] {strides = array<i32>} : memref<256x16xf32, #tpu.memory_space<vmem>>, vector<1x16xf32>,
    %get3A_157 = vector.shape_cast %get3A_156 : vector<1x16xf32> to vector<16xf32>
    %get3A_158 = arith.constant 9 : i32
    %get3A_159 = arith.index_cast %get3A_158 : i32 to index
    %get3A_160 = arith.constant 0 : index
    %get3A_161 = tpu.vector_load %arg8[%get3A_159, %get3A_160] {strides = array<i32>} : memref<256x16xf32, #tpu.memory_space<vmem>>, vector<1x16xf32>,
    %get3A_162 = vector.shape_cast %get3A_161 : vector<1x16xf32> to vector<16xf32>
    %mul3A_163 = arith.mulf %get3A_157, %get3A_162 : vector<16xf32>
    %add3A_164 = arith.addf %mul3A_152, %mul3A_163 : vector<16xf32>
    %get3A_165 = arith.constant 10 : i32
    %get3A_166 = arith.index_cast %get3A_165 : i32 to index
    %get3A_167 = arith.constant 0 : index
    %get3A_168 = tpu.vector_load %arg7[%get3A_166, %get3A_167] {strides = array<i32>} : memref<256x16xf32, #tpu.memory_space<vmem>>, vector<1x16xf32>,
    %get3A_169 = vector.shape_cast %get3A_168 : vector<1x16xf32> to vector<16xf32>
    %get3A_170 = arith.constant 10 : i32
    %get3A_171 = arith.index_cast %get3A_170 : i32 to index
    %get3A_172 = arith.constant 0 : index
    %get3A_173 = tpu.vector_load %arg8[%get3A_171, %get3A_172] {strides = array<i32>} : memref<256x16xf32, #tpu.memory_space<vmem>>, vector<1x16xf32>,
    %get3A_174 = vector.shape_cast %get3A_173 : vector<1x16xf32> to vector<16xf32>
    %mul3A_175 = arith.mulf %get3A_169, %get3A_174 : vector<16xf32>
    %add3A_176 = arith.addf %add3A_164, %mul3A_175 : vector<16xf32>
    %get3A_177 = arith.constant 11 : i32
    %get3A_178 = arith.index_cast %get3A_177 : i32 to index
    %get3A_179 = arith.constant 0 : index
    %get3A_180 = tpu.vector_load %arg7[%get3A_178, %get3A_179] {strides = array<i32>} : memref<256x16xf32, #tpu.memory_space<vmem>>, vector<1x16xf32>,
    %get3A_181 = vector.shape_cast %get3A_180 : vector<1x16xf32> to vector<16xf32>
    %get3A_182 = arith.constant 11 : i32
    %get3A_183 = arith.index_cast %get3A_182 : i32 to index
    %get3A_184 = arith.constant 0 : index
    %get3A_185 = tpu.vector_load %arg8[%get3A_183, %get3A_184] {strides = array<i32>} : memref<256x16xf32, #tpu.memory_space<vmem>>, vector<1x16xf32>,
    %get3A_186 = vector.shape_cast %get3A_185 : vector<1x16xf32> to vector<16xf32>
    %mul3A_187 = arith.mulf %get3A_181, %get3A_186 : vector<16xf32>
    %add3A_188 = arith.addf %add3A_176, %mul3A_187 : vector<16xf32>
    %get3A_189 = arith.constant 12 : i32
    %get3A_190 = arith.index_cast %get3A_189 : i32 to index
    %get3A_191 = arith.constant 0 : index
    %get3A_192 = tpu.vector_load %arg7[%get3A_190, %get3A_191] {strides = array<i32>} : memref<256x16xf32, #tpu.memory_space<vmem>>, vector<1x16xf32>,
    %get3A_193 = vector.shape_cast %get3A_192 : vector<1x16xf32> to vector<16xf32>
    %get3A_194 = arith.constant 12 : i32
    %get3A_195 = arith.index_cast %get3A_194 : i32 to index
    %get3A_196 = arith.constant 0 : index
    %get3A_197 = tpu.vector_load %arg8[%get3A_195, %get3A_196] {strides = array<i32>} : memref<256x16xf32, #tpu.memory_space<vmem>>, vector<1x16xf32>,
    %get3A_198 = vector.shape_cast %get3A_197 : vector<1x16xf32> to vector<16xf32>
    %mul3A_199 = arith.mulf %get3A_193, %get3A_198 : vector<16xf32>
    %add3A_200 = arith.addf %add3A_188, %mul3A_199 : vector<16xf32>
    %get3A_201 = arith.constant 13 : i32
    %get3A_202 = arith.index_cast %get3A_201 : i32 to index
    %get3A_203 = arith.constant 0 : index
    %get3A_204 = tpu.vector_load %arg7[%get3A_202, %get3A_203] {strides = array<i32>} : memref<256x16xf32, #tpu.memory_space<vmem>>, vector<1x16xf32>,
    %get3A_205 = vector.shape_cast %get3A_204 : vector<1x16xf32> to vector<16xf32>
    %get3A_206 = arith.constant 13 : i32
    %get3A_207 = arith.index_cast %get3A_206 : i32 to index
    %get3A_208 = arith.constant 0 : index
    %get3A_209 = tpu.vector_load %arg8[%get3A_207, %get3A_208] {strides = array<i32>} : memref<256x16xf32, #tpu.memory_space<vmem>>, vector<1x16xf32>,
    %get3A_210 = vector.shape_cast %get3A_209 : vector<1x16xf32> to vector<16xf32>
    %mul3A_211 = arith.mulf %get3A_205, %get3A_210 : vector<16xf32>
    %add3A_212 = arith.addf %add3A_200, %mul3A_211 : vector<16xf32>
    %get3A_213 = arith.constant 14 : i32
    %get3A_214 = arith.index_cast %get3A_213 : i32 to index
    %get3A_215 = arith.constant 0 : index
    %get3A_216 = tpu.vector_load %arg7[%get3A_214, %get3A_215] {strides = array<i32>} : memref<256x16xf32, #tpu.memory_space<vmem>>, vector<1x16xf32>,
    %get3A_217 = vector.shape_cast %get3A_216 : vector<1x16xf32> to vector<16xf32>
    %get3A_218 = arith.constant 14 : i32
    %get3A_219 = arith.index_cast %get3A_218 : i32 to index
    %get3A_220 = arith.constant 0 : index
    %get3A_221 = tpu.vector_load %arg8[%get3A_219, %get3A_220] {strides = array<i32>} : memref<256x16xf32, #tpu.memory_space<vmem>>, vector<1x16xf32>,
    %get3A_222 = vector.shape_cast %get3A_221 : vector<1x16xf32> to vector<16xf32>
    %mul3A_223 = arith.mulf %get3A_217, %get3A_222 : vector<16xf32>
    %add3A_224 = arith.addf %add3A_212, %mul3A_223 : vector<16xf32>
    %get3A_225 = arith.constant 15 : i32
    %get3A_226 = arith.index_cast %get3A_225 : i32 to index
    %get3A_227 = arith.constant 0 : index
    %get3A_228 = tpu.vector_load %arg7[%get3A_226, %get3A_227] {strides = array<i32>} : memref<256x16xf32, #tpu.memory_space<vmem>>, vector<1x16xf32>,
    %get3A_229 = vector.shape_cast %get3A_228 : vector<1x16xf32> to vector<16xf32>
    %get3A_230 = arith.constant 15 : i32
    %get3A_231 = arith.index_cast %get3A_230 : i32 to index
    %get3A_232 = arith.constant 0 : index
    %get3A_233 = tpu.vector_load %arg8[%get3A_231, %get3A_232] {strides = array<i32>} : memref<256x16xf32, #tpu.memory_space<vmem>>, vector<1x16xf32>,
    %get3A_234 = vector.shape_cast %get3A_233 : vector<1x16xf32> to vector<16xf32>
    %mul3A_235 = arith.mulf %get3A_229, %get3A_234 : vector<16xf32>
    %add3A_236 = arith.addf %add3A_224, %mul3A_235 : vector<16xf32>
    %swap3A_237 = arith.constant 1 : i32
    %swap3A_238 = arith.index_cast %swap3A_237 : i32 to index
    %swap3A_239 = arith.constant 0 : index
    %swap3A_240 = tpu.vector_load %arg9[%swap3A_238, %swap3A_239] {strides = array<i32>} : memref<32x16xf32, #tpu.memory_space<vmem>>, vector<1x16xf32>,
    %swap3A_241 = vector.shape_cast %swap3A_240 : vector<1x16xf32> to vector<16xf32>
    %swap3A_242 = vector.shape_cast %add3A_236 : vector<16xf32> to vector<1x16xf32>
    tpu.vector_store %arg9[%swap3A_238, %swap3A_239], %swap3A_242 {strides = array<i32>} : memref<32x16xf32, #tpu.memory_space<vmem>>, vector<1x16xf32>,
    %get3A_243 = arith.constant 16 : i32
    %get3A_244 = arith.index_cast %get3A_243 : i32 to index
    %get3A_245 = arith.constant 0 : index
    %get3A_246 = tpu.vector_load %arg7[%get3A_244, %get3A_245] {strides = array<i32>} : memref<256x16xf32, #tpu.memory_space<vmem>>, vector<1x16xf32>,
    %get3A_247 = vector.shape_cast %get3A_246 : vector<1x16xf32> to vector<16xf32>
    %get3A_248 = arith.constant 16 : i32
    %get3A_249 = arith.index_cast %get3A_248 : i32 to index
    %get3A_250 = arith.constant 0 : index
    %get3A_251 = tpu.vector_load %arg8[%get3A_249, %get3A_250] {strides = array<i32>} : memref<256x16xf32, #tpu.memory_space<vmem>>, vector<1x16xf32>,
    %get3A_252 = vector.shape_cast %get3A_251 : vector<1x16xf32> to vector<16xf32>
    %mul3A_253 = arith.mulf %get3A_247, %get3A_252 : vector<16xf32>
    %get3A_254 = arith.constant 17 : i32
    %get3A_255 = arith.index_cast %get3A_254 : i32 to index
    %get3A_256 = arith.constant 0 : index
    %get3A_257 = tpu.vector_load %arg7[%get3A_255, %get3A_256] {strides = array<i32>} : memref<256x16xf32, #tpu.memory_space<vmem>>, vector<1x16xf32>,
    %get3A_258 = vector.shape_cast %get3A_257 : vector<1x16xf32> to vector<16xf32>
    %get3A_259 = arith.constant 17 : i32
    %get3A_260 = arith.index_cast %get3A_259 : i32 to index
    %get3A_261 = arith.constant 0 : index
    %get3A_262 = tpu.vector_load %arg8[%get3A_260, %get3A_261] {strides = array<i32>} : memref<256x16xf32, #tpu.memory_space<vmem>>, vector<1x16xf32>,
    %get3A_263 = vector.shape_cast %get3A_262 : vector<1x16xf32> to vector<16xf32>
    %mul3A_264 = arith.mulf %get3A_258, %get3A_263 : vector<16xf32>
    %add3A_265 = arith.addf %mul3A_253, %mul3A_264 : vector<16xf32>
    %get3A_266 = arith.constant 18 : i32
    %get3A_267 = arith.index_cast %get3A_266 : i32 to index
    %get3A_268 = arith.constant 0 : index
    %get3A_269 = tpu.vector_load %arg7[%get3A_267, %get3A_268] {strides = array<i32>} : memref<256x16xf32, #tpu.memory_space<vmem>>, vector<1x16xf32>,
    %get3A_270 = vector.shape_cast %get3A_269 : vector<1x16xf32> to vector<16xf32>
    %get3A_271 = arith.constant 18 : i32
    %get3A_272 = arith.index_cast %get3A_271 : i32 to index
    %get3A_273 = arith.constant 0 : index
    %get3A_274 = tpu.vector_load %arg8[%get3A_272, %get3A_273] {strides = array<i32>} : memref<256x16xf32, #tpu.memory_space<vmem>>, vector<1x16xf32>,
    %get3A_275 = vector.shape_cast %get3A_274 : vector<1x16xf32> to vector<16xf32>
    %mul3A_276 = arith.mulf %get3A_270, %get3A_275 : vector<16xf32>
    %add3A_277 = arith.addf %add3A_265, %mul3A_276 : vector<16xf32>
    %get3A_278 = arith.constant 19 : i32
    %get3A_279 = arith.index_cast %get3A_278 : i32 to index
    %get3A_280 = arith.constant 0 : index
    %get3A_281 = tpu.vector_load %arg7[%get3A_279, %get3A_280] {strides = array<i32>} : memref<256x16xf32, #tpu.memory_space<vmem>>, vector<1x16xf32>,
    %get3A_282 = vector.shape_cast %get3A_281 : vector<1x16xf32> to vector<16xf32>
    %get3A_283 = arith.constant 19 : i32
    %get3A_284 = arith.index_cast %get3A_283 : i32 to index
    %get3A_285 = arith.constant 0 : index
    %get3A_286 = tpu.vector_load %arg8[%get3A_284, %get3A_285] {strides = array<i32>} : memref<256x16xf32, #tpu.memory_space<vmem>>, vector<1x16xf32>,
    %get3A_287 = vector.shape_cast %get3A_286 : vector<1x16xf32> to vector<16xf32>
    %mul3A_288 = arith.mulf %get3A_282, %get3A_287 : vector<16xf32>
    %add3A_289 = arith.addf %add3A_277, %mul3A_288 : vector<16xf32>
    %get3A_290 = arith.constant 20 : i32
    %get3A_291 = arith.index_cast %get3A_290 : i32 to index
    %get3A_292 = arith.constant 0 : index
    %get3A_293 = tpu.vector_load %arg7[%get3A_291, %get3A_292] {strides = array<i32>} : memref<256x16xf32, #tpu.memory_space<vmem>>, vector<1x16xf32>,
    %get3A_294 = vector.shape_cast %get3A_293 : vector<1x16xf32> to vector<16xf32>
    %get3A_295 = arith.constant 20 : i32
    %get3A_296 = arith.index_cast %get3A_295 : i32 to index
    %get3A_297 = arith.constant 0 : index
    %get3A_298 = tpu.vector_load %arg8[%get3A_296, %get3A_297] {strides = array<i32>} : memref<256x16xf32, #tpu.memory_space<vmem>>, vector<1x16xf32>,
    %get3A_299 = vector.shape_cast %get3A_298 : vector<1x16xf32> to vector<16xf32>
    %mul3A_300 = arith.mulf %get3A_294, %get3A_299 : vector<16xf32>
    %add3A_301 = arith.addf %add3A_289, %mul3A_300 : vector<16xf32>
    %get3A_302 = arith.constant 21 : i32
    %get3A_303 = arith.index_cast %get3A_302 : i32 to index
    %get3A_304 = arith.constant 0 : index
    %get3A_305 = tpu.vector_load %arg7[%get3A_303, %get3A_304] {strides = array<i32>} : memref<256x16xf32, #tpu.memory_space<vmem>>, vector<1x16xf32>,
    %get3A_306 = vector.shape_cast %get3A_305 : vector<1x16xf32> to vector<16xf32>
    %get3A_307 = arith.constant 21 : i32
    %get3A_308 = arith.index_cast %get3A_307 : i32 to index
    %get3A_309 = arith.constant 0 : index
    %get3A_310 = tpu.vector_load %arg8[%get3A_308, %get3A_309] {strides = array<i32>} : memref<256x16xf32, #tpu.memory_space<vmem>>, vector<1x16xf32>,
    %get3A_311 = vector.shape_cast %get3A_310 : vector<1x16xf32> to vector<16xf32>
    %mul3A_312 = arith.mulf %get3A_306, %get3A_311 : vector<16xf32>
    %add3A_313 = arith.addf %add3A_301, %mul3A_312 : vector<16xf32>
    %get3A_314 = arith.constant 22 : i32
    %get3A_315 = arith.index_cast %get3A_314 : i32 to index
    %get3A_316 = arith.constant 0 : index
    %get3A_317 = tpu.vector_load %arg7[%get3A_315, %get3A_316] {strides = array<i32>} : memref<256x16xf32, #tpu.memory_space<vmem>>, vector<1x16xf32>,
    %get3A_318 = vector.shape_cast %get3A_317 : vector<1x16xf32> to vector<16xf32>
    %get3A_319 = arith.constant 22 : i32
    %get3A_320 = arith.index_cast %get3A_319 : i32 to index
    %get3A_321 = arith.constant 0 : index
    %get3A_322 = tpu.vector_load %arg8[%get3A_320, %get3A_321] {strides = array<i32>} : memref<256x16xf32, #tpu.memory_space<vmem>>, vector<1x16xf32>,
    %get3A_323 = vector.shape_cast %get3A_322 : vector<1x16xf32> to vector<16xf32>
    %mul3A_324 = arith.mulf %get3A_318, %get3A_323 : vector<16xf32>
    %add3A_325 = arith.addf %add3A_313, %mul3A_324 : vector<16xf32>
    %get3A_326 = arith.constant 23 : i32
    %get3A_327 = arith.index_cast %get3A_326 : i32 to index
    %get3A_328 = arith.constant 0 : index
    %get3A_329 = tpu.vector_load %arg7[%get3A_327, %get3A_328] {strides = array<i32>} : memref<256x16xf32, #tpu.memory_space<vmem>>, vector<1x16xf32>,
    %get3A_330 = vector.shape_cast %get3A_329 : vector<1x16xf32> to vector<16xf32>
    %get3A_331 = arith.constant 23 : i32
    %get3A_332 = arith.index_cast %get3A_331 : i32 to index
    %get3A_333 = arith.constant 0 : index
    %get3A_334 = tpu.vector_load %arg8[%get3A_332, %get3A_333] {strides = array<i32>} : memref<256x16xf32, #tpu.memory_space<vmem>>, vector<1x16xf32>,
    %get3A_335 = vector.shape_cast %get3A_334 : vector<1x16xf32> to vector<16xf32>
    %mul3A_336 = arith.mulf %get3A_330, %get3A_335 : vector<16xf32>
    %add3A_337 = arith.addf %add3A_325, %mul3A_336 : vector<16xf32>
    %swap3A_338 = arith.constant 2 : i32
    %swap3A_339 = arith.index_cast %swap3A_338 : i32 to index
    %swap3A_340 = arith.constant 0 : index
    %swap3A_341 = tpu.vector_load %arg9[%swap3A_339, %swap3A_340] {strides = array<i32>} : memref<32x16xf32, #tpu.memory_space<vmem>>, vector<1x16xf32>,
    %swap3A_342 = vector.shape_cast %swap3A_341 : vector<1x16xf32> to vector<16xf32>
    %swap3A_343 = vector.shape_cast %add3A_337 : vector<16xf32> to vector<1x16xf32>
    tpu.vector_store %arg9[%swap3A_339, %swap3A_340], %swap3A_343 {strides = array<i32>} : memref<32x16xf32, #tpu.memory_space<vmem>>, vector<1x16xf32>,
    %get3A_344 = arith.constant 24 : i32
    %get3A_345 = arith.index_cast %get3A_344 : i32 to index
    %get3A_346 = arith.constant 0 : index
    %get3A_347 = tpu.vector_load %arg7[%get3A_345, %get3A_346] {strides = array<i32>} : memref<256x16xf32, #tpu.memory_space<vmem>>, vector<1x16xf32>,
    %get3A_348 = vector.shape_cast %get3A_347 : vector<1x16xf32> to vector<16xf32>
    %get3A_349 = arith.constant 24 : i32
    %get3A_350 = arith.index_cast %get3A_349 : i32 to index
    %get3A_351 = arith.constant 0 : index
    %get3A_352 = tpu.vector_load %arg8[%get3A_350, %get3A_351] {strides = array<i32>} : memref<256x16xf32, #tpu.memory_space<vmem>>, vector<1x16xf32>,
    %get3A_353 = vector.shape_cast %get3A_352 : vector<1x16xf32> to vector<16xf32>
    %mul3A_354 = arith.mulf %get3A_348, %get3A_353 : vector<16xf32>
    %get3A_355 = arith.constant 25 : i32
    %get3A_356 = arith.index_cast %get3A_355 : i32 to index
    %get3A_357 = arith.constant 0 : index
    %get3A_358 = tpu.vector_load %arg7[%get3A_356, %get3A_357] {strides = array<i32>} : memref<256x16xf32, #tpu.memory_space<vmem>>, vector<1x16xf32>,
    %get3A_359 = vector.shape_cast %get3A_358 : vector<1x16xf32> to vector<16xf32>
    %get3A_360 = arith.constant 25 : i32
    %get3A_361 = arith.index_cast %get3A_360 : i32 to index
    %get3A_362 = arith.constant 0 : index
    %get3A_363 = tpu.vector_load %arg8[%get3A_361, %get3A_362] {strides = array<i32>} : memref<256x16xf32, #tpu.memory_space<vmem>>, vector<1x16xf32>,
    %get3A_364 = vector.shape_cast %get3A_363 : vector<1x16xf32> to vector<16xf32>
    %mul3A_365 = arith.mulf %get3A_359, %get3A_364 : vector<16xf32>
    %add3A_366 = arith.addf %mul3A_354, %mul3A_365 : vector<16xf32>
    %get3A_367 = arith.constant 26 : i32
    %get3A_368 = arith.index_cast %get3A_367 : i32 to index
    %get3A_369 = arith.constant 0 : index
    %get3A_370 = tpu.vector_load %arg7[%get3A_368, %get3A_369] {strides = array<i32>} : memref<256x16xf32, #tpu.memory_space<vmem>>, vector<1x16xf32>,
    %get3A_371 = vector.shape_cast %get3A_370 : vector<1x16xf32> to vector<16xf32>
    %get3A_372 = arith.constant 26 : i32
    %get3A_373 = arith.index_cast %get3A_372 : i32 to index
    %get3A_374 = arith.constant 0 : index
    %get3A_375 = tpu.vector_load %arg8[%get3A_373, %get3A_374] {strides = array<i32>} : memref<256x16xf32, #tpu.memory_space<vmem>>, vector<1x16xf32>,
    %get3A_376 = vector.shape_cast %get3A_375 : vector<1x16xf32> to vector<16xf32>
    %mul3A_377 = arith.mulf %get3A_371, %get3A_376 : vector<16xf32>
    %add3A_378 = arith.addf %add3A_366, %mul3A_377 : vector<16xf32>
    %get3A_379 = arith.constant 27 : i32
    %get3A_380 = arith.index_cast %get3A_379 : i32 to index
    %get3A_381 = arith.constant 0 : index
    %get3A_382 = tpu.vector_load %arg7[%get3A_380, %get3A_381] {strides = array<i32>} : memref<256x16xf32, #tpu.memory_space<vmem>>, vector<1x16xf32>,
    %get3A_383 = vector.shape_cast %get3A_382 : vector<1x16xf32> to vector<16xf32>
    %get3A_384 = arith.constant 27 : i32
    %get3A_385 = arith.index_cast %get3A_384 : i32 to index
    %get3A_386 = arith.constant 0 : index
    %get3A_387 = tpu.vector_load %arg8[%get3A_385, %get3A_386] {strides = array<i32>} : memref<256x16xf32, #tpu.memory_space<vmem>>, vector<1x16xf32>,
    %get3A_388 = vector.shape_cast %get3A_387 : vector<1x16xf32> to vector<16xf32>
    %mul3A_389 = arith.mulf %get3A_383, %get3A_388 : vector<16xf32>
    %add3A_390 = arith.addf %add3A_378, %mul3A_389 : vector<16xf32>
    %get3A_391 = arith.constant 28 : i32
    %get3A_392 = arith.index_cast %get3A_391 : i32 to index
    %get3A_393 = arith.constant 0 : index
    %get3A_394 = tpu.vector_load %arg7[%get3A_392, %get3A_393] {strides = array<i32>} : memref<256x16xf32, #tpu.memory_space<vmem>>, vector<1x16xf32>,
    %get3A_395 = vector.shape_cast %get3A_394 : vector<1x16xf32> to vector<16xf32>
    %get3A_396 = arith.constant 28 : i32
    %get3A_397 = arith.index_cast %get3A_396 : i32 to index
    %get3A_398 = arith.constant 0 : index
    %get3A_399 = tpu.vector_load %arg8[%get3A_397, %get3A_398] {strides = array<i32>} : memref<256x16xf32, #tpu.memory_space<vmem>>, vector<1x16xf32>,
    %get3A_400 = vector.shape_cast %get3A_399 : vector<1x16xf32> to vector<16xf32>
    %mul3A_401 = arith.mulf %get3A_395, %get3A_400 : vector<16xf32>
    %add3A_402 = arith.addf %add3A_390, %mul3A_401 : vector<16xf32>
    %get3A_403 = arith.constant 29 : i32
    %get3A_404 = arith.index_cast %get3A_403 : i32 to index
    %get3A_405 = arith.constant 0 : index
    %get3A_406 = tpu.vector_load %arg7[%get3A_404, %get3A_405] {strides = array<i32>} : memref<256x16xf32, #tpu.memory_space<vmem>>, vector<1x16xf32>,
    %get3A_407 = vector.shape_cast %get3A_406 : vector<1x16xf32> to vector<16xf32>
    %get3A_408 = arith.constant 29 : i32
    %get3A_409 = arith.index_cast %get3A_408 : i32 to index
    %get3A_410 = arith.constant 0 : index
    %get3A_411 = tpu.vector_load %arg8[%get3A_409, %get3A_410] {strides = array<i32>} : memref<256x16xf32, #tpu.memory_space<vmem>>, vector<1x16xf32>,
    %get3A_412 = vector.shape_cast %get3A_411 : vector<1x16xf32> to vector<16xf32>
    %mul3A_413 = arith.mulf %get3A_407, %get3A_412 : vector<16xf32>
    %add3A_414 = arith.addf %add3A_402, %mul3A_413 : vector<16xf32>
    %get3A_415 = arith.constant 30 : i32
    %get3A_416 = arith.index_cast %get3A_415 : i32 to index
    %get3A_417 = arith.constant 0 : index
    %get3A_418 = tpu.vector_load %arg7[%get3A_416, %get3A_417] {strides = array<i32>} : memref<256x16xf32, #tpu.memory_space<vmem>>, vector<1x16xf32>,
    %get3A_419 = vector.shape_cast %get3A_418 : vector<1x16xf32> to vector<16xf32>
    %get3A_420 = arith.constant 30 : i32
    %get3A_421 = arith.index_cast %get3A_420 : i32 to index
    %get3A_422 = arith.constant 0 : index
    %get3A_423 = tpu.vector_load %arg8[%get3A_421, %get3A_422] {strides = array<i32>} : memref<256x16xf32, #tpu.memory_space<vmem>>, vector<1x16xf32>,
    %get3A_424 = vector.shape_cast %get3A_423 : vector<1x16xf32> to vector<16xf32>
    %mul3A_425 = arith.mulf %get3A_419, %get3A_424 : vector<16xf32>
    %add3A_426 = arith.addf %add3A_414, %mul3A_425 : vector<16xf32>
    %get3A_427 = arith.constant 31 : i32
    %get3A_428 = arith.index_cast %get3A_427 : i32 to index
    %get3A_429 = arith.constant 0 : index
    %get3A_430 = tpu.vector_load %arg7[%get3A_428, %get3A_429] {strides = array<i32>} : memref<256x16xf32, #tpu.memory_space<vmem>>, vector<1x16xf32>,
    %get3A_431 = vector.shape_cast %get3A_430 : vector<1x16xf32> to vector<16xf32>
    %get3A_432 = arith.constant 31 : i32
    %get3A_433 = arith.index_cast %get3A_432 : i32 to index
    %get3A_434 = arith.constant 0 : index
    %get3A_435 = tpu.vector_load %arg8[%get3A_433, %get3A_434] {strides = array<i32>} : memref<256x16xf32, #tpu.memory_space<vmem>>, vector<1x16xf32>,
    %get3A_436 = vector.shape_cast %get3A_435 : vector<1x16xf32> to vector<16xf32>
    %mul3A_437 = arith.mulf %get3A_431, %get3A_436 : vector<16xf32>
    %add3A_438 = arith.addf %add3A_426, %mul3A_437 : vector<16xf32>
    %swap3A_439 = arith.constant 3 : i32
    %swap3A_440 = arith.index_cast %swap3A_439 : i32 to index
    %swap3A_441 = arith.constant 0 : index
    %swap3A_442 = tpu.vector_load %arg9[%swap3A_440, %swap3A_441] {strides = array<i32>} : memref<32x16xf32, #tpu.memory_space<vmem>>, vector<1x16xf32>,
    %swap3A_443 = vector.shape_cast %swap3A_442 : vector<1x16xf32> to vector<16xf32>
    %swap3A_444 = vector.shape_cast %add3A_438 : vector<16xf32> to vector<1x16xf32>
    tpu.vector_store %arg9[%swap3A_440, %swap3A_441], %swap3A_444 {strides = array<i32>} : memref<32x16xf32, #tpu.memory_space<vmem>>, vector<1x16xf32>,
    %get3A_445 = arith.constant 32 : i32
    %get3A_446 = arith.index_cast %get3A_445 : i32 to index
    %get3A_447 = arith.constant 0 : index
    %get3A_448 = tpu.vector_load %arg7[%get3A_446, %get3A_447] {strides = array<i32>} : memref<256x16xf32, #tpu.memory_space<vmem>>, vector<1x16xf32>,
    %get3A_449 = vector.shape_cast %get3A_448 : vector<1x16xf32> to vector<16xf32>
    %get3A_450 = arith.constant 32 : i32
    %get3A_451 = arith.index_cast %get3A_450 : i32 to index
    %get3A_452 = arith.constant 0 : index
    %get3A_453 = tpu.vector_load %arg8[%get3A_451, %get3A_452] {strides = array<i32>} : memref<256x16xf32, #tpu.memory_space<vmem>>, vector<1x16xf32>,
    %get3A_454 = vector.shape_cast %get3A_453 : vector<1x16xf32> to vector<16xf32>
    %mul3A_455 = arith.mulf %get3A_449, %get3A_454 : vector<16xf32>
    %get3A_456 = arith.constant 33 : i32
    %get3A_457 = arith.index_cast %get3A_456 : i32 to index
    %get3A_458 = arith.constant 0 : index
    %get3A_459 = tpu.vector_load %arg7[%get3A_457, %get3A_458] {strides = array<i32>} : memref<256x16xf32, #tpu.memory_space<vmem>>, vector<1x16xf32>,
    %get3A_460 = vector.shape_cast %get3A_459 : vector<1x16xf32> to vector<16xf32>
    %get3A_461 = arith.constant 33 : i32
    %get3A_462 = arith.index_cast %get3A_461 : i32 to index
    %get3A_463 = arith.constant 0 : index
    %get3A_464 = tpu.vector_load %arg8[%get3A_462, %get3A_463] {strides = array<i32>} : memref<256x16xf32, #tpu.memory_space<vmem>>, vector<1x16xf32>,
    %get3A_465 = vector.shape_cast %get3A_464 : vector<1x16xf32> to vector<16xf32>
    %mul3A_466 = arith.mulf %get3A_460, %get3A_465 : vector<16xf32>
    %add3A_467 = arith.addf %mul3A_455, %mul3A_466 : vector<16xf32>
    %get3A_468 = arith.constant 34 : i32
    %get3A_469 = arith.index_cast %get3A_468 : i32 to index
    %get3A_470 = arith.constant 0 : index
    %get3A_471 = tpu.vector_load %arg7[%get3A_469, %get3A_470] {strides = array<i32>} : memref<256x16xf32, #tpu.memory_space<vmem>>, vector<1x16xf32>,
    %get3A_472 = vector.shape_cast %get3A_471 : vector<1x16xf32> to vector<16xf32>
    %get3A_473 = arith.constant 34 : i32
    %get3A_474 = arith.index_cast %get3A_473 : i32 to index
    %get3A_475 = arith.constant 0 : index
    %get3A_476 = tpu.vector_load %arg8[%get3A_474, %get3A_475] {strides = array<i32>} : memref<256x16xf32, #tpu.memory_space<vmem>>, vector<1x16xf32>,
    %get3A_477 = vector.shape_cast %get3A_476 : vector<1x16xf32> to vector<16xf32>
    %mul3A_478 = arith.mulf %get3A_472, %get3A_477 : vector<16xf32>
    %add3A_479 = arith.addf %add3A_467, %mul3A_478 : vector<16xf32>
    %get3A_480 = arith.constant 35 : i32
    %get3A_481 = arith.index_cast %get3A_480 : i32 to index
    %get3A_482 = arith.constant 0 : index
    %get3A_483 = tpu.vector_load %arg7[%get3A_481, %get3A_482] {strides = array<i32>} : memref<256x16xf32, #tpu.memory_space<vmem>>, vector<1x16xf32>,
    %get3A_484 = vector.shape_cast %get3A_483 : vector<1x16xf32> to vector<16xf32>
    %get3A_485 = arith.constant 35 : i32
    %get3A_486 = arith.index_cast %get3A_485 : i32 to index
    %get3A_487 = arith.constant 0 : index
    %get3A_488 = tpu.vector_load %arg8[%get3A_486, %get3A_487] {strides = array<i32>} : memref<256x16xf32, #tpu.memory_space<vmem>>, vector<1x16xf32>,
    %get3A_489 = vector.shape_cast %get3A_488 : vector<1x16xf32> to vector<16xf32>
    %mul3A_490 = arith.mulf %get3A_484, %get3A_489 : vector<16xf32>
    %add3A_491 = arith.addf %add3A_479, %mul3A_490 : vector<16xf32>
    %get3A_492 = arith.constant 36 : i32
    %get3A_493 = arith.index_cast %get3A_492 : i32 to index
    %get3A_494 = arith.constant 0 : index
    %get3A_495 = tpu.vector_load %arg7[%get3A_493, %get3A_494] {strides = array<i32>} : memref<256x16xf32, #tpu.memory_space<vmem>>, vector<1x16xf32>,
    %get3A_496 = vector.shape_cast %get3A_495 : vector<1x16xf32> to vector<16xf32>
    %get3A_497 = arith.constant 36 : i32
    %get3A_498 = arith.index_cast %get3A_497 : i32 to index
    %get3A_499 = arith.constant 0 : index
    %get3A_500 = tpu.vector_load %arg8[%get3A_498, %get3A_499] {strides = array<i32>} : memref<256x16xf32, #tpu.memory_space<vmem>>, vector<1x16xf32>,
    %get3A_501 = vector.shape_cast %get3A_500 : vector<1x16xf32> to vector<16xf32>
    %mul3A_502 = arith.mulf %get3A_496, %get3A_501 : vector<16xf32>
    %add3A_503 = arith.addf %add3A_491, %mul3A_502 : vector<16xf32>
    %get3A_504 = arith.constant 37 : i32
    %get3A_505 = arith.index_cast %get3A_504 : i32 to index
    %get3A_506 = arith.constant 0 : index
    %get3A_507 = tpu.vector_load %arg7[%get3A_505, %get3A_506] {strides = array<i32>} : memref<256x16xf32, #tpu.memory_space<vmem>>, vector<1x16xf32>,
    %get3A_508 = vector.shape_cast %get3A_507 : vector<1x16xf32> to vector<16xf32>
    %get3A_509 = arith.constant 37 : i32
    %get3A_510 = arith.index_cast %get3A_509 : i32 to index
    %get3A_511 = arith.constant 0 : index
    %get3A_512 = tpu.vector_load %arg8[%get3A_510, %get3A_511] {strides = array<i32>} : memref<256x16xf32, #tpu.memory_space<vmem>>, vector<1x16xf32>,
    %get3A_513 = vector.shape_cast %get3A_512 : vector<1x16xf32> to vector<16xf32>
    %mul3A_514 = arith.mulf %get3A_508, %get3A_513 : vector<16xf32>
    %add3A_515 = arith.addf %add3A_503, %mul3A_514 : vector<16xf32>
    %get3A_516 = arith.constant 38 : i32
    %get3A_517 = arith.index_cast %get3A_516 : i32 to index
    %get3A_518 = arith.constant 0 : index
    %get3A_519 = tpu.vector_load %arg7[%get3A_517, %get3A_518] {strides = array<i32>} : memref<256x16xf32, #tpu.memory_space<vmem>>, vector<1x16xf32>,
    %get3A_520 = vector.shape_cast %get3A_519 : vector<1x16xf32> to vector<16xf32>
    %get3A_521 = arith.constant 38 : i32
    %get3A_522 = arith.index_cast %get3A_521 : i32 to index
    %get3A_523 = arith.constant 0 : index
    %get3A_524 = tpu.vector_load %arg8[%get3A_522, %get3A_523] {strides = array<i32>} : memref<256x16xf32, #tpu.memory_space<vmem>>, vector<1x16xf32>,
    %get3A_525 = vector.shape_cast %get3A_524 : vector<1x16xf32> to vector<16xf32>
    %mul3A_526 = arith.mulf %get3A_520, %get3A_525 : vector<16xf32>
    %add3A_527 = arith.addf %add3A_515, %mul3A_526 : vector<16xf32>
    %get3A_528 = arith.constant 39 : i32
    %get3A_529 = arith.index_cast %get3A_528 : i32 to index
    %get3A_530 = arith.constant 0 : index
    %get3A_531 = tpu.vector_load %arg7[%get3A_529, %get3A_530] {strides = array<i32>} : memref<256x16xf32, #tpu.memory_space<vmem>>, vector<1x16xf32>,
    %get3A_532 = vector.shape_cast %get3A_531 : vector<1x16xf32> to vector<16xf32>
    %get3A_533 = arith.constant 39 : i32
    %get3A_534 = arith.index_cast %get3A_533 : i32 to index
    %get3A_535 = arith.constant 0 : index
    %get3A_536 = tpu.vector_load %arg8[%get3A_534, %get3A_535] {strides = array<i32>} : memref<256x16xf32, #tpu.memory_space<vmem>>, vector<1x16xf32>,
    %get3A_537 = vector.shape_cast %get3A_536 : vector<1x16xf32> to vector<16xf32>
    %mul3A_538 = arith.mulf %get3A_532, %get3A_537 : vector<16xf32>
    %add3A_539 = arith.addf %add3A_527, %mul3A_538 : vector<16xf32>
    %swap3A_540 = arith.constant 4 : i32
    %swap3A_541 = arith.index_cast %swap3A_540 : i32 to index
    %swap3A_542 = arith.constant 0 : index
    %swap3A_543 = tpu.vector_load %arg9[%swap3A_541, %swap3A_542] {strides = array<i32>} : memref<32x16xf32, #tpu.memory_space<vmem>>, vector<1x16xf32>,
    %swap3A_544 = vector.shape_cast %swap3A_543 : vector<1x16xf32> to vector<16xf32>
    %swap3A_545 = vector.shape_cast %add3A_539 : vector<16xf32> to vector<1x16xf32>
    tpu.vector_store %arg9[%swap3A_541, %swap3A_542], %swap3A_545 {strides = array<i32>} : memref<32x16xf32, #tpu.memory_space<vmem>>, vector<1x16xf32>,
    %get3A_546 = arith.constant 40 : i32
    %get3A_547 = arith.index_cast %get3A_546 : i32 to index
    %get3A_548 = arith.constant 0 : index
    %get3A_549 = tpu.vector_load %arg7[%get3A_547, %get3A_548] {strides = array<i32>} : memref<256x16xf32, #tpu.memory_space<vmem>>, vector<1x16xf32>,
    %get3A_550 = vector.shape_cast %get3A_549 : vector<1x16xf32> to vector<16xf32>
    %get3A_551 = arith.constant 40 : i32
    %get3A_552 = arith.index_cast %get3A_551 : i32 to index
    %get3A_553 = arith.constant 0 : index
    %get3A_554 = tpu.vector_load %arg8[%get3A_552, %get3A_553] {strides = array<i32>} : memref<256x16xf32, #tpu.memory_space<vmem>>, vector<1x16xf32>,
    %get3A_555 = vector.shape_cast %get3A_554 : vector<1x16xf32> to vector<16xf32>
    %mul3A_556 = arith.mulf %get3A_550, %get3A_555 : vector<16xf32>
    %get3A_557 = arith.constant 41 : i32
    %get3A_558 = arith.index_cast %get3A_557 : i32 to index
    %get3A_559 = arith.constant 0 : index
    %get3A_560 = tpu.vector_load %arg7[%get3A_558, %get3A_559] {strides = array<i32>} : memref<256x16xf32, #tpu.memory_space<vmem>>, vector<1x16xf32>,
    %get3A_561 = vector.shape_cast %get3A_560 : vector<1x16xf32> to vector<16xf32>
    %get3A_562 = arith.constant 41 : i32
    %get3A_563 = arith.index_cast %get3A_562 : i32 to index
    %get3A_564 = arith.constant 0 : index
    %get3A_565 = tpu.vector_load %arg8[%get3A_563, %get3A_564] {strides = array<i32>} : memref<256x16xf32, #tpu.memory_space<vmem>>, vector<1x16xf32>,
    %get3A_566 = vector.shape_cast %get3A_565 : vector<1x16xf32> to vector<16xf32>
    %mul3A_567 = arith.mulf %get3A_561, %get3A_566 : vector<16xf32>
    %add3A_568 = arith.addf %mul3A_556, %mul3A_567 : vector<16xf32>
    %get3A_569 = arith.constant 42 : i32
    %get3A_570 = arith.index_cast %get3A_569 : i32 to index
    %get3A_571 = arith.constant 0 : index
    %get3A_572 = tpu.vector_load %arg7[%get3A_570, %get3A_571] {strides = array<i32>} : memref<256x16xf32, #tpu.memory_space<vmem>>, vector<1x16xf32>,
    %get3A_573 = vector.shape_cast %get3A_572 : vector<1x16xf32> to vector<16xf32>
    %get3A_574 = arith.constant 42 : i32
    %get3A_575 = arith.index_cast %get3A_574 : i32 to index
    %get3A_576 = arith.constant 0 : index
    %get3A_577 = tpu.vector_load %arg8[%get3A_575, %get3A_576] {strides = array<i32>} : memref<256x16xf32, #tpu.memory_space<vmem>>, vector<1x16xf32>,
    %get3A_578 = vector.shape_cast %get3A_577 : vector<1x16xf32> to vector<16xf32>
    %mul3A_579 = arith.mulf %get3A_573, %get3A_578 : vector<16xf32>
    %add3A_580 = arith.addf %add3A_568, %mul3A_579 : vector<16xf32>
    %get3A_581 = arith.constant 43 : i32
    %get3A_582 = arith.index_cast %get3A_581 : i32 to index
    %get3A_583 = arith.constant 0 : index
    %get3A_584 = tpu.vector_load %arg7[%get3A_582, %get3A_583] {strides = array<i32>} : memref<256x16xf32, #tpu.memory_space<vmem>>, vector<1x16xf32>,
    %get3A_585 = vector.shape_cast %get3A_584 : vector<1x16xf32> to vector<16xf32>
    %get3A_586 = arith.constant 43 : i32
    %get3A_587 = arith.index_cast %get3A_586 : i32 to index
    %get3A_588 = arith.constant 0 : index
    %get3A_589 = tpu.vector_load %arg8[%get3A_587, %get3A_588] {strides = array<i32>} : memref<256x16xf32, #tpu.memory_space<vmem>>, vector<1x16xf32>,
    %get3A_590 = vector.shape_cast %get3A_589 : vector<1x16xf32> to vector<16xf32>
    %mul3A_591 = arith.mulf %get3A_585, %get3A_590 : vector<16xf32>
    %add3A_592 = arith.addf %add3A_580, %mul3A_591 : vector<16xf32>
    %get3A_593 = arith.constant 44 : i32
    %get3A_594 = arith.index_cast %get3A_593 : i32 to index
    %get3A_595 = arith.constant 0 : index
    %get3A_596 = tpu.vector_load %arg7[%get3A_594, %get3A_595] {strides = array<i32>} : memref<256x16xf32, #tpu.memory_space<vmem>>, vector<1x16xf32>,
    %get3A_597 = vector.shape_cast %get3A_596 : vector<1x16xf32> to vector<16xf32>
    %get3A_598 = arith.constant 44 : i32
    %get3A_599 = arith.index_cast %get3A_598 : i32 to index
    %get3A_600 = arith.constant 0 : index
    %get3A_601 = tpu.vector_load %arg8[%get3A_599, %get3A_600] {strides = array<i32>} : memref<256x16xf32, #tpu.memory_space<vmem>>, vector<1x16xf32>,
    %get3A_602 = vector.shape_cast %get3A_601 : vector<1x16xf32> to vector<16xf32>
    %mul3A_603 = arith.mulf %get3A_597, %get3A_602 : vector<16xf32>
    %add3A_604 = arith.addf %add3A_592, %mul3A_603 : vector<16xf32>
    %get3A_605 = arith.constant 45 : i32
    %get3A_606 = arith.index_cast %get3A_605 : i32 to index
    %get3A_607 = arith.constant 0 : index
    %get3A_608 = tpu.vector_load %arg7[%get3A_606, %get3A_607] {strides = array<i32>} : memref<256x16xf32, #tpu.memory_space<vmem>>, vector<1x16xf32>,
    %get3A_609 = vector.shape_cast %get3A_608 : vector<1x16xf32> to vector<16xf32>
    %get3A_610 = arith.constant 45 : i32
    %get3A_611 = arith.index_cast %get3A_610 : i32 to index
    %get3A_612 = arith.constant 0 : index
    %get3A_613 = tpu.vector_load %arg8[%get3A_611, %get3A_612] {strides = array<i32>} : memref<256x16xf32, #tpu.memory_space<vmem>>, vector<1x16xf32>,
    %get3A_614 = vector.shape_cast %get3A_613 : vector<1x16xf32> to vector<16xf32>
    %mul3A_615 = arith.mulf %get3A_609, %get3A_614 : vector<16xf32>
    %add3A_616 = arith.addf %add3A_604, %mul3A_615 : vector<16xf32>
    %get3A_617 = arith.constant 46 : i32
    %get3A_618 = arith.index_cast %get3A_617 : i32 to index
    %get3A_619 = arith.constant 0 : index
    %get3A_620 = tpu.vector_load %arg7[%get3A_618, %get3A_619] {strides = array<i32>} : memref<256x16xf32, #tpu.memory_space<vmem>>, vector<1x16xf32>,
    %get3A_621 = vector.shape_cast %get3A_620 : vector<1x16xf32> to vector<16xf32>
    %get3A_622 = arith.constant 46 : i32
    %get3A_623 = arith.index_cast %get3A_622 : i32 to index
    %get3A_624 = arith.constant 0 : index
    %get3A_625 = tpu.vector_load %arg8[%get3A_623, %get3A_624] {strides = array<i32>} : memref<256x16xf32, #tpu.memory_space<vmem>>, vector<1x16xf32>,
    %get3A_626 = vector.shape_cast %get3A_625 : vector<1x16xf32> to vector<16xf32>
    %mul3A_627 = arith.mulf %get3A_621, %get3A_626 : vector<16xf32>
    %add3A_628 = arith.addf %add3A_616, %mul3A_627 : vector<16xf32>
    %get3A_629 = arith.constant 47 : i32
    %get3A_630 = arith.index_cast %get3A_629 : i32 to index
    %get3A_631 = arith.constant 0 : index
    %get3A_632 = tpu.vector_load %arg7[%get3A_630, %get3A_631] {strides = array<i32>} : memref<256x16xf32, #tpu.memory_space<vmem>>, vector<1x16xf32>,
    %get3A_633 = vector.shape_cast %get3A_632 : vector<1x16xf32> to vector<16xf32>
    %get3A_634 = arith.constant 47 : i32
    %get3A_635 = arith.index_cast %get3A_634 : i32 to index
    %get3A_636 = arith.constant 0 : index
    %get3A_637 = tpu.vector_load %arg8[%get3A_635, %get3A_636] {strides = array<i32>} : memref<256x16xf32, #tpu.memory_space<vmem>>, vector<1x16xf32>,
    %get3A_638 = vector.shape_cast %get3A_637 : vector<1x16xf32> to vector<16xf32>
    %mul3A_639 = arith.mulf %get3A_633, %get3A_638 : vector<16xf32>
    %add3A_640 = arith.addf %add3A_628, %mul3A_639 : vector<16xf32>
    %swap3A_641 = arith.constant 5 : i32
    %swap3A_642 = arith.index_cast %swap3A_641 : i32 to index
    %swap3A_643 = arith.constant 0 : index
    %swap3A_644 = tpu.vector_load %arg9[%swap3A_642, %swap3A_643] {strides = array<i32>} : memref<32x16xf32, #tpu.memory_space<vmem>>, vector<1x16xf32>,
    %swap3A_645 = vector.shape_cast %swap3A_644 : vector<1x16xf32> to vector<16xf32>
    %swap3A_646 = vector.shape_cast %add3A_640 : vector<16xf32> to vector<1x16xf32>
    tpu.vector_store %arg9[%swap3A_642, %swap3A_643], %swap3A_646 {strides = array<i32>} : memref<32x16xf32, #tpu.memory_space<vmem>>, vector<1x16xf32>,
    %get3A_647 = arith.constant 48 : i32
    %get3A_648 = arith.index_cast %get3A_647 : i32 to index
    %get3A_649 = arith.constant 0 : index
    %get3A_650 = tpu.vector_load %arg7[%get3A_648, %get3A_649] {strides = array<i32>} : memref<256x16xf32, #tpu.memory_space<vmem>>, vector<1x16xf32>,
    %get3A_651 = vector.shape_cast %get3A_650 : vector<1x16xf32> to vector<16xf32>
    %get3A_652 = arith.constant 48 : i32
    %get3A_653 = arith.index_cast %get3A_652 : i32 to index
    %get3A_654 = arith.constant 0 : index
    %get3A_655 = tpu.vector_load %arg8[%get3A_653, %get3A_654] {strides = array<i32>} : memref<256x16xf32, #tpu.memory_space<vmem>>, vector<1x16xf32>,
    %get3A_656 = vector.shape_cast %get3A_655 : vector<1x16xf32> to vector<16xf32>
    %mul3A_657 = arith.mulf %get3A_651, %get3A_656 : vector<16xf32>
    %get3A_658 = arith.constant 49 : i32
    %get3A_659 = arith.index_cast %get3A_658 : i32 to index
    %get3A_660 = arith.constant 0 : index
    %get3A_661 = tpu.vector_load %arg7[%get3A_659, %get3A_660] {strides = array<i32>} : memref<256x16xf32, #tpu.memory_space<vmem>>, vector<1x16xf32>,
    %get3A_662 = vector.shape_cast %get3A_661 : vector<1x16xf32> to vector<16xf32>
    %get3A_663 = arith.constant 49 : i32
    %get3A_664 = arith.index_cast %get3A_663 : i32 to index
    %get3A_665 = arith.constant 0 : index
    %get3A_666 = tpu.vector_load %arg8[%get3A_664, %get3A_665] {strides = array<i32>} : memref<256x16xf32, #tpu.memory_space<vmem>>, vector<1x16xf32>,
    %get3A_667 = vector.shape_cast %get3A_666 : vector<1x16xf32> to vector<16xf32>
    %mul3A_668 = arith.mulf %get3A_662, %get3A_667 : vector<16xf32>
    %add3A_669 = arith.addf %mul3A_657, %mul3A_668 : vector<16xf32>
    %get3A_670 = arith.constant 50 : i32
    %get3A_671 = arith.index_cast %get3A_670 : i32 to index
    %get3A_672 = arith.constant 0 : index
    %get3A_673 = tpu.vector_load %arg7[%get3A_671, %get3A_672] {strides = array<i32>} : memref<256x16xf32, #tpu.memory_space<vmem>>, vector<1x16xf32>,
    %get3A_674 = vector.shape_cast %get3A_673 : vector<1x16xf32> to vector<16xf32>
    %get3A_675 = arith.constant 50 : i32
    %get3A_676 = arith.index_cast %get3A_675 : i32 to index
    %get3A_677 = arith.constant 0 : index
    %get3A_678 = tpu.vector_load %arg8[%get3A_676, %get3A_677] {strides = array<i32>} : memref<256x16xf32, #tpu.memory_space<vmem>>, vector<1x16xf32>,
    %get3A_679 = vector.shape_cast %get3A_678 : vector<1x16xf32> to vector<16xf32>
    %mul3A_680 = arith.mulf %get3A_674, %get3A_679 : vector<16xf32>
    %add3A_681 = arith.addf %add3A_669, %mul3A_680 : vector<16xf32>
    %get3A_682 = arith.constant 51 : i32
    %get3A_683 = arith.index_cast %get3A_682 : i32 to index
    %get3A_684 = arith.constant 0 : index
    %get3A_685 = tpu.vector_load %arg7[%get3A_683, %get3A_684] {strides = array<i32>} : memref<256x16xf32, #tpu.memory_space<vmem>>, vector<1x16xf32>,
    %get3A_686 = vector.shape_cast %get3A_685 : vector<1x16xf32> to vector<16xf32>
    %get3A_687 = arith.constant 51 : i32
    %get3A_688 = arith.index_cast %get3A_687 : i32 to index
    %get3A_689 = arith.constant 0 : index
    %get3A_690 = tpu.vector_load %arg8[%get3A_688, %get3A_689] {strides = array<i32>} : memref<256x16xf32, #tpu.memory_space<vmem>>, vector<1x16xf32>,
    %get3A_691 = vector.shape_cast %get3A_690 : vector<1x16xf32> to vector<16xf32>
    %mul3A_692 = arith.mulf %get3A_686, %get3A_691 : vector<16xf32>
    %add3A_693 = arith.addf %add3A_681, %mul3A_692 : vector<16xf32>
    %get3A_694 = arith.constant 52 : i32
    %get3A_695 = arith.index_cast %get3A_694 : i32 to index
    %get3A_696 = arith.constant 0 : index
    %get3A_697 = tpu.vector_load %arg7[%get3A_695, %get3A_696] {strides = array<i32>} : memref<256x16xf32, #tpu.memory_space<vmem>>, vector<1x16xf32>,
    %get3A_698 = vector.shape_cast %get3A_697 : vector<1x16xf32> to vector<16xf32>
    %get3A_699 = arith.constant 52 : i32
    %get3A_700 = arith.index_cast %get3A_699 : i32 to index
    %get3A_701 = arith.constant 0 : index
    %get3A_702 = tpu.vector_load %arg8[%get3A_700, %get3A_701] {strides = array<i32>} : memref<256x16xf32, #tpu.memory_space<vmem>>, vector<1x16xf32>,
    %get3A_703 = vector.shape_cast %get3A_702 : vector<1x16xf32> to vector<16xf32>
    %mul3A_704 = arith.mulf %get3A_698, %get3A_703 : vector<16xf32>
    %add3A_705 = arith.addf %add3A_693, %mul3A_704 : vector<16xf32>
    %get3A_706 = arith.constant 53 : i32
    %get3A_707 = arith.index_cast %get3A_706 : i32 to index
    %get3A_708 = arith.constant 0 : index
    %get3A_709 = tpu.vector_load %arg7[%get3A_707, %get3A_708] {strides = array<i32>} : memref<256x16xf32, #tpu.memory_space<vmem>>, vector<1x16xf32>,
    %get3A_710 = vector.shape_cast %get3A_709 : vector<1x16xf32> to vector<16xf32>
    %get3A_711 = arith.constant 53 : i32
    %get3A_712 = arith.index_cast %get3A_711 : i32 to index
    %get3A_713 = arith.constant 0 : index
    %get3A_714 = tpu.vector_load %arg8[%get3A_712, %get3A_713] {strides = array<i32>} : memref<256x16xf32, #tpu.memory_space<vmem>>, vector<1x16xf32>,
    %get3A_715 = vector.shape_cast %get3A_714 : vector<1x16xf32> to vector<16xf32>
    %mul3A_716 = arith.mulf %get3A_710, %get3A_715 : vector<16xf32>
    %add3A_717 = arith.addf %add3A_705, %mul3A_716 : vector<16xf32>
    %get3A_718 = arith.constant 54 : i32
    %get3A_719 = arith.index_cast %get3A_718 : i32 to index
    %get3A_720 = arith.constant 0 : index
    %get3A_721 = tpu.vector_load %arg7[%get3A_719, %get3A_720] {strides = array<i32>} : memref<256x16xf32, #tpu.memory_space<vmem>>, vector<1x16xf32>,
    %get3A_722 = vector.shape_cast %get3A_721 : vector<1x16xf32> to vector<16xf32>
    %get3A_723 = arith.constant 54 : i32
    %get3A_724 = arith.index_cast %get3A_723 : i32 to index
    %get3A_725 = arith.constant 0 : index
    %get3A_726 = tpu.vector_load %arg8[%get3A_724, %get3A_725] {strides = array<i32>} : memref<256x16xf32, #tpu.memory_space<vmem>>, vector<1x16xf32>,
    %get3A_727 = vector.shape_cast %get3A_726 : vector<1x16xf32> to vector<16xf32>
    %mul3A_728 = arith.mulf %get3A_722, %get3A_727 : vector<16xf32>
    %add3A_729 = arith.addf %add3A_717, %mul3A_728 : vector<16xf32>
    %get3A_730 = arith.constant 55 : i32
    %get3A_731 = arith.index_cast %get3A_730 : i32 to index
    %get3A_732 = arith.constant 0 : index
    %get3A_733 = tpu.vector_load %arg7[%get3A_731, %get3A_732] {strides = array<i32>} : memref<256x16xf32, #tpu.memory_space<vmem>>, vector<1x16xf32>,
    %get3A_734 = vector.shape_cast %get3A_733 : vector<1x16xf32> to vector<16xf32>
    %get3A_735 = arith.constant 55 : i32
    %get3A_736 = arith.index_cast %get3A_735 : i32 to index
    %get3A_737 = arith.constant 0 : index
    %get3A_738 = tpu.vector_load %arg8[%get3A_736, %get3A_737] {strides = array<i32>} : memref<256x16xf32, #tpu.memory_space<vmem>>, vector<1x16xf32>,
    %get3A_739 = vector.shape_cast %get3A_738 : vector<1x16xf32> to vector<16xf32>
    %mul3A_740 = arith.mulf %get3A_734, %get3A_739 : vector<16xf32>
    %add3A_741 = arith.addf %add3A_729, %mul3A_740 : vector<16xf32>
    %swap3A_742 = arith.constant 6 : i32
    %swap3A_743 = arith.index_cast %swap3A_742 : i32 to index
    %swap3A_744 = arith.constant 0 : index
    %swap3A_745 = tpu.vector_load %arg9[%swap3A_743, %swap3A_744] {strides = array<i32>} : memref<32x16xf32, #tpu.memory_space<vmem>>, vector<1x16xf32>,
    %swap3A_746 = vector.shape_cast %swap3A_745 : vector<1x16xf32> to vector<16xf32>
    %swap3A_747 = vector.shape_cast %add3A_741 : vector<16xf32> to vector<1x16xf32>
    tpu.vector_store %arg9[%swap3A_743, %swap3A_744], %swap3A_747 {strides = array<i32>} : memref<32x16xf32, #tpu.memory_space<vmem>>, vector<1x16xf32>,
    %get3A_748 = arith.constant 56 : i32
    %get3A_749 = arith.index_cast %get3A_748 : i32 to index
    %get3A_750 = arith.constant 0 : index
    %get3A_751 = tpu.vector_load %arg7[%get3A_749, %get3A_750] {strides = array<i32>} : memref<256x16xf32, #tpu.memory_space<vmem>>, vector<1x16xf32>,
    %get3A_752 = vector.shape_cast %get3A_751 : vector<1x16xf32> to vector<16xf32>
    %get3A_753 = arith.constant 56 : i32
    %get3A_754 = arith.index_cast %get3A_753 : i32 to index
    %get3A_755 = arith.constant 0 : index
    %get3A_756 = tpu.vector_load %arg8[%get3A_754, %get3A_755] {strides = array<i32>} : memref<256x16xf32, #tpu.memory_space<vmem>>, vector<1x16xf32>,
    %get3A_757 = vector.shape_cast %get3A_756 : vector<1x16xf32> to vector<16xf32>
    %mul3A_758 = arith.mulf %get3A_752, %get3A_757 : vector<16xf32>
    %get3A_759 = arith.constant 57 : i32
    %get3A_760 = arith.index_cast %get3A_759 : i32 to index
    %get3A_761 = arith.constant 0 : index
    %get3A_762 = tpu.vector_load %arg7[%get3A_760, %get3A_761] {strides = array<i32>} : memref<256x16xf32, #tpu.memory_space<vmem>>, vector<1x16xf32>,
    %get3A_763 = vector.shape_cast %get3A_762 : vector<1x16xf32> to vector<16xf32>
    %get3A_764 = arith.constant 57 : i32
    %get3A_765 = arith.index_cast %get3A_764 : i32 to index
    %get3A_766 = arith.constant 0 : index
    %get3A_767 = tpu.vector_load %arg8[%get3A_765, %get3A_766] {strides = array<i32>} : memref<256x16xf32, #tpu.memory_space<vmem>>, vector<1x16xf32>,
    %get3A_768 = vector.shape_cast %get3A_767 : vector<1x16xf32> to vector<16xf32>
    %mul3A_769 = arith.mulf %get3A_763, %get3A_768 : vector<16xf32>
    %add3A_770 = arith.addf %mul3A_758, %mul3A_769 : vector<16xf32>
    %get3A_771 = arith.constant 58 : i32
    %get3A_772 = arith.index_cast %get3A_771 : i32 to index
    %get3A_773 = arith.constant 0 : index
    %get3A_774 = tpu.vector_load %arg7[%get3A_772, %get3A_773] {strides = array<i32>} : memref<256x16xf32, #tpu.memory_space<vmem>>, vector<1x16xf32>,
    %get3A_775 = vector.shape_cast %get3A_774 : vector<1x16xf32> to vector<16xf32>
    %get3A_776 = arith.constant 58 : i32
    %get3A_777 = arith.index_cast %get3A_776 : i32 to index
    %get3A_778 = arith.constant 0 : index
    %get3A_779 = tpu.vector_load %arg8[%get3A_777, %get3A_778] {strides = array<i32>} : memref<256x16xf32, #tpu.memory_space<vmem>>, vector<1x16xf32>,
    %get3A_780 = vector.shape_cast %get3A_779 : vector<1x16xf32> to vector<16xf32>
    %mul3A_781 = arith.mulf %get3A_775, %get3A_780 : vector<16xf32>
    %add3A_782 = arith.addf %add3A_770, %mul3A_781 : vector<16xf32>
    %get3A_783 = arith.constant 59 : i32
    %get3A_784 = arith.index_cast %get3A_783 : i32 to index
    %get3A_785 = arith.constant 0 : index
    %get3A_786 = tpu.vector_load %arg7[%get3A_784, %get3A_785] {strides = array<i32>} : memref<256x16xf32, #tpu.memory_space<vmem>>, vector<1x16xf32>,
    %get3A_787 = vector.shape_cast %get3A_786 : vector<1x16xf32> to vector<16xf32>
    %get3A_788 = arith.constant 59 : i32
    %get3A_789 = arith.index_cast %get3A_788 : i32 to index
    %get3A_790 = arith.constant 0 : index
    %get3A_791 = tpu.vector_load %arg8[%get3A_789, %get3A_790] {strides = array<i32>} : memref<256x16xf32, #tpu.memory_space<vmem>>, vector<1x16xf32>,
    %get3A_792 = vector.shape_cast %get3A_791 : vector<1x16xf32> to vector<16xf32>
    %mul3A_793 = arith.mulf %get3A_787, %get3A_792 : vector<16xf32>
    %add3A_794 = arith.addf %add3A_782, %mul3A_793 : vector<16xf32>
    %get3A_795 = arith.constant 60 : i32
    %get3A_796 = arith.index_cast %get3A_795 : i32 to index
    %get3A_797 = arith.constant 0 : index
    %get3A_798 = tpu.vector_load %arg7[%get3A_796, %get3A_797] {strides = array<i32>} : memref<256x16xf32, #tpu.memory_space<vmem>>, vector<1x16xf32>,
    %get3A_799 = vector.shape_cast %get3A_798 : vector<1x16xf32> to vector<16xf32>
    %get3A_800 = arith.constant 60 : i32
    %get3A_801 = arith.index_cast %get3A_800 : i32 to index
    %get3A_802 = arith.constant 0 : index
    %get3A_803 = tpu.vector_load %arg8[%get3A_801, %get3A_802] {strides = array<i32>} : memref<256x16xf32, #tpu.memory_space<vmem>>, vector<1x16xf32>,
    %get3A_804 = vector.shape_cast %get3A_803 : vector<1x16xf32> to vector<16xf32>
    %mul3A_805 = arith.mulf %get3A_799, %get3A_804 : vector<16xf32>
    %add3A_806 = arith.addf %add3A_794, %mul3A_805 : vector<16xf32>
    %get3A_807 = arith.constant 61 : i32
    %get3A_808 = arith.index_cast %get3A_807 : i32 to index
    %get3A_809 = arith.constant 0 : index
    %get3A_810 = tpu.vector_load %arg7[%get3A_808, %get3A_809] {strides = array<i32>} : memref<256x16xf32, #tpu.memory_space<vmem>>, vector<1x16xf32>,
    %get3A_811 = vector.shape_cast %get3A_810 : vector<1x16xf32> to vector<16xf32>
    %get3A_812 = arith.constant 61 : i32
    %get3A_813 = arith.index_cast %get3A_812 : i32 to index
    %get3A_814 = arith.constant 0 : index
    %get3A_815 = tpu.vector_load %arg8[%get3A_813, %get3A_814] {strides = array<i32>} : memref<256x16xf32, #tpu.memory_space<vmem>>, vector<1x16xf32>,
    %get3A_816 = vector.shape_cast %get3A_815 : vector<1x16xf32> to vector<16xf32>
    %mul3A_817 = arith.mulf %get3A_811, %get3A_816 : vector<16xf32>
    %add3A_818 = arith.addf %add3A_806, %mul3A_817 : vector<16xf32>
    %get3A_819 = arith.constant 62 : i32
    %get3A_820 = arith.index_cast %get3A_819 : i32 to index
    %get3A_821 = arith.constant 0 : index
    %get3A_822 = tpu.vector_load %arg7[%get3A_820, %get3A_821] {strides = array<i32>} : memref<256x16xf32, #tpu.memory_space<vmem>>, vector<1x16xf32>,
    %get3A_823 = vector.shape_cast %get3A_822 : vector<1x16xf32> to vector<16xf32>
    %get3A_824 = arith.constant 62 : i32
    %get3A_825 = arith.index_cast %get3A_824 : i32 to index
    %get3A_826 = arith.constant 0 : index
    %get3A_827 = tpu.vector_load %arg8[%get3A_825, %get3A_826] {strides = array<i32>} : memref<256x16xf32, #tpu.memory_space<vmem>>, vector<1x16xf32>,
    %get3A_828 = vector.shape_cast %get3A_827 : vector<1x16xf32> to vector<16xf32>
    %mul3A_829 = arith.mulf %get3A_823, %get3A_828 : vector<16xf32>
    %add3A_830 = arith.addf %add3A_818, %mul3A_829 : vector<16xf32>
    %get3A_831 = arith.constant 63 : i32
    %get3A_832 = arith.index_cast %get3A_831 : i32 to index
    %get3A_833 = arith.constant 0 : index
    %get3A_834 = tpu.vector_load %arg7[%get3A_832, %get3A_833] {strides = array<i32>} : memref<256x16xf32, #tpu.memory_space<vmem>>, vector<1x16xf32>,
    %get3A_835 = vector.shape_cast %get3A_834 : vector<1x16xf32> to vector<16xf32>
    %get3A_836 = arith.constant 63 : i32
    %get3A_837 = arith.index_cast %get3A_836 : i32 to index
    %get3A_838 = arith.constant 0 : index
    %get3A_839 = tpu.vector_load %arg8[%get3A_837, %get3A_838] {strides = array<i32>} : memref<256x16xf32, #tpu.memory_space<vmem>>, vector<1x16xf32>,
    %get3A_840 = vector.shape_cast %get3A_839 : vector<1x16xf32> to vector<16xf32>
    %mul3A_841 = arith.mulf %get3A_835, %get3A_840 : vector<16xf32>
    %add3A_842 = arith.addf %add3A_830, %mul3A_841 : vector<16xf32>
    %swap3A_843 = arith.constant 7 : i32
    %swap3A_844 = arith.index_cast %swap3A_843 : i32 to index
    %swap3A_845 = arith.constant 0 : index
    %swap3A_846 = tpu.vector_load %arg9[%swap3A_844, %swap3A_845] {strides = array<i32>} : memref<32x16xf32, #tpu.memory_space<vmem>>, vector<1x16xf32>,
    %swap3A_847 = vector.shape_cast %swap3A_846 : vector<1x16xf32> to vector<16xf32>
    %swap3A_848 = vector.shape_cast %add3A_842 : vector<16xf32> to vector<1x16xf32>
    tpu.vector_store %arg9[%swap3A_844, %swap3A_845], %swap3A_848 {strides = array<i32>} : memref<32x16xf32, #tpu.memory_space<vmem>>, vector<1x16xf32>,
    %get3A_849 = arith.constant 64 : i32
    %get3A_850 = arith.index_cast %get3A_849 : i32 to index
    %get3A_851 = arith.constant 0 : index
    %get3A_852 = tpu.vector_load %arg7[%get3A_850, %get3A_851] {strides = array<i32>} : memref<256x16xf32, #tpu.memory_space<vmem>>, vector<1x16xf32>,
    %get3A_853 = vector.shape_cast %get3A_852 : vector<1x16xf32> to vector<16xf32>
    %get3A_854 = arith.constant 64 : i32
    %get3A_855 = arith.index_cast %get3A_854 : i32 to index
    %get3A_856 = arith.constant 0 : index
    %get3A_857 = tpu.vector_load %arg8[%get3A_855, %get3A_856] {strides = array<i32>} : memref<256x16xf32, #tpu.memory_space<vmem>>, vector<1x16xf32>,
    %get3A_858 = vector.shape_cast %get3A_857 : vector<1x16xf32> to vector<16xf32>
    %mul3A_859 = arith.mulf %get3A_853, %get3A_858 : vector<16xf32>
    %get3A_860 = arith.constant 65 : i32
    %get3A_861 = arith.index_cast %get3A_860 : i32 to index
    %get3A_862 = arith.constant 0 : index
    %get3A_863 = tpu.vector_load %arg7[%get3A_861, %get3A_862] {strides = array<i32>} : memref<256x16xf32, #tpu.memory_space<vmem>>, vector<1x16xf32>,
    %get3A_864 = vector.shape_cast %get3A_863 : vector<1x16xf32> to vector<16xf32>
    %get3A_865 = arith.constant 65 : i32
    %get3A_866 = arith.index_cast %get3A_865 : i32 to index
    %get3A_867 = arith.constant 0 : index
    %get3A_868 = tpu.vector_load %arg8[%get3A_866, %get3A_867] {strides = array<i32>} : memref<256x16xf32, #tpu.memory_space<vmem>>, vector<1x16xf32>,
    %get3A_869 = vector.shape_cast %get3A_868 : vector<1x16xf32> to vector<16xf32>
    %mul3A_870 = arith.mulf %get3A_864, %get3A_869 : vector<16xf32>
    %add3A_871 = arith.addf %mul3A_859, %mul3A_870 : vector<16xf32>
    %get3A_872 = arith.constant 66 : i32
    %get3A_873 = arith.index_cast %get3A_872 : i32 to index
    %get3A_874 = arith.constant 0 : index
    %get3A_875 = tpu.vector_load %arg7[%get3A_873, %get3A_874] {strides = array<i32>} : memref<256x16xf32, #tpu.memory_space<vmem>>, vector<1x16xf32>,
    %get3A_876 = vector.shape_cast %get3A_875 : vector<1x16xf32> to vector<16xf32>
    %get3A_877 = arith.constant 66 : i32
    %get3A_878 = arith.index_cast %get3A_877 : i32 to index
    %get3A_879 = arith.constant 0 : index
    %get3A_880 = tpu.vector_load %arg8[%get3A_878, %get3A_879] {strides = array<i32>} : memref<256x16xf32, #tpu.memory_space<vmem>>, vector<1x16xf32>,
    %get3A_881 = vector.shape_cast %get3A_880 : vector<1x16xf32> to vector<16xf32>
    %mul3A_882 = arith.mulf %get3A_876, %get3A_881 : vector<16xf32>
    %add3A_883 = arith.addf %add3A_871, %mul3A_882 : vector<16xf32>
    %get3A_884 = arith.constant 67 : i32
    %get3A_885 = arith.index_cast %get3A_884 : i32 to index
    %get3A_886 = arith.constant 0 : index
    %get3A_887 = tpu.vector_load %arg7[%get3A_885, %get3A_886] {strides = array<i32>} : memref<256x16xf32, #tpu.memory_space<vmem>>, vector<1x16xf32>,
    %get3A_888 = vector.shape_cast %get3A_887 : vector<1x16xf32> to vector<16xf32>
    %get3A_889 = arith.constant 67 : i32
    %get3A_890 = arith.index_cast %get3A_889 : i32 to index
    %get3A_891 = arith.constant 0 : index
    %get3A_892 = tpu.vector_load %arg8[%get3A_890, %get3A_891] {strides = array<i32>} : memref<256x16xf32, #tpu.memory_space<vmem>>, vector<1x16xf32>,
    %get3A_893 = vector.shape_cast %get3A_892 : vector<1x16xf32> to vector<16xf32>
    %mul3A_894 = arith.mulf %get3A_888, %get3A_893 : vector<16xf32>
    %add3A_895 = arith.addf %add3A_883, %mul3A_894 : vector<16xf32>
    %get3A_896 = arith.constant 68 : i32
    %get3A_897 = arith.index_cast %get3A_896 : i32 to index
    %get3A_898 = arith.constant 0 : index
    %get3A_899 = tpu.vector_load %arg7[%get3A_897, %get3A_898] {strides = array<i32>} : memref<256x16xf32, #tpu.memory_space<vmem>>, vector<1x16xf32>,
    %get3A_900 = vector.shape_cast %get3A_899 : vector<1x16xf32> to vector<16xf32>
    %get3A_901 = arith.constant 68 : i32
    %get3A_902 = arith.index_cast %get3A_901 : i32 to index
    %get3A_903 = arith.constant 0 : index
    %get3A_904 = tpu.vector_load %arg8[%get3A_902, %get3A_903] {strides = array<i32>} : memref<256x16xf32, #tpu.memory_space<vmem>>, vector<1x16xf32>,
    %get3A_905 = vector.shape_cast %get3A_904 : vector<1x16xf32> to vector<16xf32>
    %mul3A_906 = arith.mulf %get3A_900, %get3A_905 : vector<16xf32>
    %add3A_907 = arith.addf %add3A_895, %mul3A_906 : vector<16xf32>
    %get3A_908 = arith.constant 69 : i32
    %get3A_909 = arith.index_cast %get3A_908 : i32 to index
    %get3A_910 = arith.constant 0 : index
    %get3A_911 = tpu.vector_load %arg7[%get3A_909, %get3A_910] {strides = array<i32>} : memref<256x16xf32, #tpu.memory_space<vmem>>, vector<1x16xf32>,
    %get3A_912 = vector.shape_cast %get3A_911 : vector<1x16xf32> to vector<16xf32>
    %get3A_913 = arith.constant 69 : i32
    %get3A_914 = arith.index_cast %get3A_913 : i32 to index
    %get3A_915 = arith.constant 0 : index
    %get3A_916 = tpu.vector_load %arg8[%get3A_914, %get3A_915] {strides = array<i32>} : memref<256x16xf32, #tpu.memory_space<vmem>>, vector<1x16xf32>,
    %get3A_917 = vector.shape_cast %get3A_916 : vector<1x16xf32> to vector<16xf32>
    %mul3A_918 = arith.mulf %get3A_912, %get3A_917 : vector<16xf32>
    %add3A_919 = arith.addf %add3A_907, %mul3A_918 : vector<16xf32>
    %get3A_920 = arith.constant 70 : i32
    %get3A_921 = arith.index_cast %get3A_920 : i32 to index
    %get3A_922 = arith.constant 0 : index
    %get3A_923 = tpu.vector_load %arg7[%get3A_921, %get3A_922] {strides = array<i32>} : memref<256x16xf32, #tpu.memory_space<vmem>>, vector<1x16xf32>,
    %get3A_924 = vector.shape_cast %get3A_923 : vector<1x16xf32> to vector<16xf32>
    %get3A_925 = arith.constant 70 : i32
    %get3A_926 = arith.index_cast %get3A_925 : i32 to index
    %get3A_927 = arith.constant 0 : index
    %get3A_928 = tpu.vector_load %arg8[%get3A_926, %get3A_927] {strides = array<i32>} : memref<256x16xf32, #tpu.memory_space<vmem>>, vector<1x16xf32>,
    %get3A_929 = vector.shape_cast %get3A_928 : vector<1x16xf32> to vector<16xf32>
    %mul3A_930 = arith.mulf %get3A_924, %get3A_929 : vector<16xf32>
    %add3A_931 = arith.addf %add3A_919, %mul3A_930 : vector<16xf32>
    %get3A_932 = arith.constant 71 : i32
    %get3A_933 = arith.index_cast %get3A_932 : i32 to index
    %get3A_934 = arith.constant 0 : index
    %get3A_935 = tpu.vector_load %arg7[%get3A_933, %get3A_934] {strides = array<i32>} : memref<256x16xf32, #tpu.memory_space<vmem>>, vector<1x16xf32>,
    %get3A_936 = vector.shape_cast %get3A_935 : vector<1x16xf32> to vector<16xf32>
    %get3A_937 = arith.constant 71 : i32
    %get3A_938 = arith.index_cast %get3A_937 : i32 to index
    %get3A_939 = arith.constant 0 : index
    %get3A_940 = tpu.vector_load %arg8[%get3A_938, %get3A_939] {strides = array<i32>} : memref<256x16xf32, #tpu.memory_space<vmem>>, vector<1x16xf32>,
    %get3A_941 = vector.shape_cast %get3A_940 : vector<1x16xf32> to vector<16xf32>
    %mul3A_942 = arith.mulf %get3A_936, %get3A_941 : vector<16xf32>
    %add3A_943 = arith.addf %add3A_931, %mul3A_942 : vector<16xf32>
    %swap3A_944 = arith.constant 8 : i32
    %swap3A_945 = arith.index_cast %swap3A_944 : i32 to index
    %swap3A_946 = arith.constant 0 : index
    %swap3A_947 = tpu.vector_load %arg9[%swap3A_945, %swap3A_946] {strides = array<i32>} : memref<32x16xf32, #tpu.memory_space<vmem>>, vector<1x16xf32>,
    %swap3A_948 = vector.shape_cast %swap3A_947 : vector<1x16xf32> to vector<16xf32>
    %swap3A_949 = vector.shape_cast %add3A_943 : vector<16xf32> to vector<1x16xf32>
    tpu.vector_store %arg9[%swap3A_945, %swap3A_946], %swap3A_949 {strides = array<i32>} : memref<32x16xf32, #tpu.memory_space<vmem>>, vector<1x16xf32>,
    %get3A_950 = arith.constant 72 : i32
    %get3A_951 = arith.index_cast %get3A_950 : i32 to index
    %get3A_952 = arith.constant 0 : index
    %get3A_953 = tpu.vector_load %arg7[%get3A_951, %get3A_952] {strides = array<i32>} : memref<256x16xf32, #tpu.memory_space<vmem>>, vector<1x16xf32>,
    %get3A_954 = vector.shape_cast %get3A_953 : vector<1x16xf32> to vector<16xf32>
    %get3A_955 = arith.constant 72 : i32
    %get3A_956 = arith.index_cast %get3A_955 : i32 to index
    %get3A_957 = arith.constant 0 : index
    %get3A_958 = tpu.vector_load %arg8[%get3A_956, %get3A_957] {strides = array<i32>} : memref<256x16xf32, #tpu.memory_space<vmem>>, vector<1x16xf32>,
    %get3A_959 = vector.shape_cast %get3A_958 : vector<1x16xf32> to vector<16xf32>
    %mul3A_960 = arith.mulf %get3A_954, %get3A_959 : vector<16xf32>
    %get3A_961 = arith.constant 73 : i32
    %get3A_962 = arith.index_cast %get3A_961 : i32 to index
    %get3A_963 = arith.constant 0 : index
    %get3A_964 = tpu.vector_load %arg7[%get3A_962, %get3A_963] {strides = array<i32>} : memref<256x16xf32, #tpu.memory_space<vmem>>, vector<1x16xf32>,
    %get3A_965 = vector.shape_cast %get3A_964 : vector<1x16xf32> to vector<16xf32>
    %get3A_966 = arith.constant 73 : i32
    %get3A_967 = arith.index_cast %get3A_966 : i32 to index
    %get3A_968 = arith.constant 0 : index
    %get3A_969 = tpu.vector_load %arg8[%get3A_967, %get3A_968] {strides = array<i32>} : memref<256x16xf32, #tpu.memory_space<vmem>>, vector<1x16xf32>,
    %get3A_970 = vector.shape_cast %get3A_969 : vector<1x16xf32> to vector<16xf32>
    %mul3A_971 = arith.mulf %get3A_965, %get3A_970 : vector<16xf32>
    %add3A_972 = arith.addf %mul3A_960, %mul3A_971 : vector<16xf32>
    %get3A_973 = arith.constant 74 : i32
    %get3A_974 = arith.index_cast %get3A_973 : i32 to index
    %get3A_975 = arith.constant 0 : index
    %get3A_976 = tpu.vector_load %arg7[%get3A_974, %get3A_975] {strides = array<i32>} : memref<256x16xf32, #tpu.memory_space<vmem>>, vector<1x16xf32>,
    %get3A_977 = vector.shape_cast %get3A_976 : vector<1x16xf32> to vector<16xf32>
    %get3A_978 = arith.constant 74 : i32
    %get3A_979 = arith.index_cast %get3A_978 : i32 to index
    %get3A_980 = arith.constant 0 : index
    %get3A_981 = tpu.vector_load %arg8[%get3A_979, %get3A_980] {strides = array<i32>} : memref<256x16xf32, #tpu.memory_space<vmem>>, vector<1x16xf32>,
    %get3A_982 = vector.shape_cast %get3A_981 : vector<1x16xf32> to vector<16xf32>
    %mul3A_983 = arith.mulf %get3A_977, %get3A_982 : vector<16xf32>
    %add3A_984 = arith.addf %add3A_972, %mul3A_983 : vector<16xf32>
    %get3A_985 = arith.constant 75 : i32
    %get3A_986 = arith.index_cast %get3A_985 : i32 to index
    %get3A_987 = arith.constant 0 : index
    %get3A_988 = tpu.vector_load %arg7[%get3A_986, %get3A_987] {strides = array<i32>} : memref<256x16xf32, #tpu.memory_space<vmem>>, vector<1x16xf32>,
    %get3A_989 = vector.shape_cast %get3A_988 : vector<1x16xf32> to vector<16xf32>
    %get3A_990 = arith.constant 75 : i32
    %get3A_991 = arith.index_cast %get3A_990 : i32 to index
    %get3A_992 = arith.constant 0 : index
    %get3A_993 = tpu.vector_load %arg8[%get3A_991, %get3A_992] {strides = array<i32>} : memref<256x16xf32, #tpu.memory_space<vmem>>, vector<1x16xf32>,
    %get3A_994 = vector.shape_cast %get3A_993 : vector<1x16xf32> to vector<16xf32>
    %mul3A_995 = arith.mulf %get3A_989, %get3A_994 : vector<16xf32>
    %add3A_996 = arith.addf %add3A_984, %mul3A_995 : vector<16xf32>
    %get3A_997 = arith.constant 76 : i32
    %get3A_998 = arith.index_cast %get3A_997 : i32 to index
    %get3A_999 = arith.constant 0 : index
    %get3A_1000 = tpu.vector_load %arg7[%get3A_998, %get3A_999] {strides = array<i32>} : memref<256x16xf32, #tpu.memory_space<vmem>>, vector<1x16xf32>,
    %get3A_1001 = vector.shape_cast %get3A_1000 : vector<1x16xf32> to vector<16xf32>
    %get3A_1002 = arith.constant 76 : i32
    %get3A_1003 = arith.index_cast %get3A_1002 : i32 to index
    %get3A_1004 = arith.constant 0 : index
    %get3A_1005 = tpu.vector_load %arg8[%get3A_1003, %get3A_1004] {strides = array<i32>} : memref<256x16xf32, #tpu.memory_space<vmem>>, vector<1x16xf32>,
    %get3A_1006 = vector.shape_cast %get3A_1005 : vector<1x16xf32> to vector<16xf32>
    %mul3A_1007 = arith.mulf %get3A_1001, %get3A_1006 : vector<16xf32>
    %add3A_1008 = arith.addf %add3A_996, %mul3A_1007 : vector<16xf32>
    %get3A_1009 = arith.constant 77 : i32
    %get3A_1010 = arith.index_cast %get3A_1009 : i32 to index
    %get3A_1011 = arith.constant 0 : index
    %get3A_1012 = tpu.vector_load %arg7[%get3A_1010, %get3A_1011] {strides = array<i32>} : memref<256x16xf32, #tpu.memory_space<vmem>>, vector<1x16xf32>,
    %get3A_1013 = vector.shape_cast %get3A_1012 : vector<1x16xf32> to vector<16xf32>
    %get3A_1014 = arith.constant 77 : i32
    %get3A_1015 = arith.index_cast %get3A_1014 : i32 to index
    %get3A_1016 = arith.constant 0 : index
    %get3A_1017 = tpu.vector_load %arg8[%get3A_1015, %get3A_1016] {strides = array<i32>} : memref<256x16xf32, #tpu.memory_space<vmem>>, vector<1x16xf32>,
    %get3A_1018 = vector.shape_cast %get3A_1017 : vector<1x16xf32> to vector<16xf32>
    %mul3A_1019 = arith.mulf %get3A_1013, %get3A_1018 : vector<16xf32>
    %add3A_1020 = arith.addf %add3A_1008, %mul3A_1019 : vector<16xf32>
    %get3A_1021 = arith.constant 78 : i32
    %get3A_1022 = arith.index_cast %get3A_1021 : i32 to index
    %get3A_1023 = arith.constant 0 : index
    %get3A_1024 = tpu.vector_load %arg7[%get3A_1022, %get3A_1023] {strides = array<i32>} : memref<256x16xf32, #tpu.memory_space<vmem>>, vector<1x16xf32>,
    %get3A_1025 = vector.shape_cast %get3A_1024 : vector<1x16xf32> to vector<16xf32>
    %get3A_1026 = arith.constant 78 : i32
    %get3A_1027 = arith.index_cast %get3A_1026 : i32 to index
    %get3A_1028 = arith.constant 0 : index
    %get3A_1029 = tpu.vector_load %arg8[%get3A_1027, %get3A_1028] {strides = array<i32>} : memref<256x16xf32, #tpu.memory_space<vmem>>, vector<1x16xf32>,
    %get3A_1030 = vector.shape_cast %get3A_1029 : vector<1x16xf32> to vector<16xf32>
    %mul3A_1031 = arith.mulf %get3A_1025, %get3A_1030 : vector<16xf32>
    %add3A_1032 = arith.addf %add3A_1020, %mul3A_1031 : vector<16xf32>
    %get3A_1033 = arith.constant 79 : i32
    %get3A_1034 = arith.index_cast %get3A_1033 : i32 to index
    %get3A_1035 = arith.constant 0 : index
    %get3A_1036 = tpu.vector_load %arg7[%get3A_1034, %get3A_1035] {strides = array<i32>} : memref<256x16xf32, #tpu.memory_space<vmem>>, vector<1x16xf32>,
    %get3A_1037 = vector.shape_cast %get3A_1036 : vector<1x16xf32> to vector<16xf32>
    %get3A_1038 = arith.constant 79 : i32
    %get3A_1039 = arith.index_cast %get3A_1038 : i32 to index
    %get3A_1040 = arith.constant 0 : index
    %get3A_1041 = tpu.vector_load %arg8[%get3A_1039, %get3A_1040] {strides = array<i32>} : memref<256x16xf32, #tpu.memory_space<vmem>>, vector<1x16xf32>,
    %get3A_1042 = vector.shape_cast %get3A_1041 : vector<1x16xf32> to vector<16xf32>
    %mul3A_1043 = arith.mulf %get3A_1037, %get3A_1042 : vector<16xf32>
    %add3A_1044 = arith.addf %add3A_1032, %mul3A_1043 : vector<16xf32>
    %swap3A_1045 = arith.constant 9 : i32
    %swap3A_1046 = arith.index_cast %swap3A_1045 : i32 to index
    %swap3A_1047 = arith.constant 0 : index
    %swap3A_1048 = tpu.vector_load %arg9[%swap3A_1046, %swap3A_1047] {strides = array<i32>} : memref<32x16xf32, #tpu.memory_space<vmem>>, vector<1x16xf32>,
    %swap3A_1049 = vector.shape_cast %swap3A_1048 : vector<1x16xf32> to vector<16xf32>
    %swap3A_1050 = vector.shape_cast %add3A_1044 : vector<16xf32> to vector<1x16xf32>
    tpu.vector_store %arg9[%swap3A_1046, %swap3A_1047], %swap3A_1050 {strides = array<i32>} : memref<32x16xf32, #tpu.memory_space<vmem>>, vector<1x16xf32>,
    %get3A_1051 = arith.constant 80 : i32
    %get3A_1052 = arith.index_cast %get3A_1051 : i32 to index
    %get3A_1053 = arith.constant 0 : index
    %get3A_1054 = tpu.vector_load %arg7[%get3A_1052, %get3A_1053] {strides = array<i32>} : memref<256x16xf32, #tpu.memory_space<vmem>>, vector<1x16xf32>,
    %get3A_1055 = vector.shape_cast %get3A_1054 : vector<1x16xf32> to vector<16xf32>
    %get3A_1056 = arith.constant 80 : i32
    %get3A_1057 = arith.index_cast %get3A_1056 : i32 to index
    %get3A_1058 = arith.constant 0 : index
    %get3A_1059 = tpu.vector_load %arg8[%get3A_1057, %get3A_1058] {strides = array<i32>} : memref<256x16xf32, #tpu.memory_space<vmem>>, vector<1x16xf32>,
    %get3A_1060 = vector.shape_cast %get3A_1059 : vector<1x16xf32> to vector<16xf32>
    %mul3A_1061 = arith.mulf %get3A_1055, %get3A_1060 : vector<16xf32>
    %get3A_1062 = arith.constant 81 : i32
    %get3A_1063 = arith.index_cast %get3A_1062 : i32 to index
    %get3A_1064 = arith.constant 0 : index
    %get3A_1065 = tpu.vector_load %arg7[%get3A_1063, %get3A_1064] {strides = array<i32>} : memref<256x16xf32, #tpu.memory_space<vmem>>, vector<1x16xf32>,
    %get3A_1066 = vector.shape_cast %get3A_1065 : vector<1x16xf32> to vector<16xf32>
    %get3A_1067 = arith.constant 81 : i32
    %get3A_1068 = arith.index_cast %get3A_1067 : i32 to index
    %get3A_1069 = arith.constant 0 : index
    %get3A_1070 = tpu.vector_load %arg8[%get3A_1068, %get3A_1069] {strides = array<i32>} : memref<256x16xf32, #tpu.memory_space<vmem>>, vector<1x16xf32>,
    %get3A_1071 = vector.shape_cast %get3A_1070 : vector<1x16xf32> to vector<16xf32>
    %mul3A_1072 = arith.mulf %get3A_1066, %get3A_1071 : vector<16xf32>
    %add3A_1073 = arith.addf %mul3A_1061, %mul3A_1072 : vector<16xf32>
    %get3A_1074 = arith.constant 82 : i32
    %get3A_1075 = arith.index_cast %get3A_1074 : i32 to index
    %get3A_1076 = arith.constant 0 : index
    %get3A_1077 = tpu.vector_load %arg7[%get3A_1075, %get3A_1076] {strides = array<i32>} : memref<256x16xf32, #tpu.memory_space<vmem>>, vector<1x16xf32>,
    %get3A_1078 = vector.shape_cast %get3A_1077 : vector<1x16xf32> to vector<16xf32>
    %get3A_1079 = arith.constant 82 : i32
    %get3A_1080 = arith.index_cast %get3A_1079 : i32 to index
    %get3A_1081 = arith.constant 0 : index
    %get3A_1082 = tpu.vector_load %arg8[%get3A_1080, %get3A_1081] {strides = array<i32>} : memref<256x16xf32, #tpu.memory_space<vmem>>, vector<1x16xf32>,
    %get3A_1083 = vector.shape_cast %get3A_1082 : vector<1x16xf32> to vector<16xf32>
    %mul3A_1084 = arith.mulf %get3A_1078, %get3A_1083 : vector<16xf32>
    %add3A_1085 = arith.addf %add3A_1073, %mul3A_1084 : vector<16xf32>
    %get3A_1086 = arith.constant 83 : i32
    %get3A_1087 = arith.index_cast %get3A_1086 : i32 to index
    %get3A_1088 = arith.constant 0 : index
    %get3A_1089 = tpu.vector_load %arg7[%get3A_1087, %get3A_1088] {strides = array<i32>} : memref<256x16xf32, #tpu.memory_space<vmem>>, vector<1x16xf32>,
    %get3A_1090 = vector.shape_cast %get3A_1089 : vector<1x16xf32> to vector<16xf32>
    %get3A_1091 = arith.constant 83 : i32
    %get3A_1092 = arith.index_cast %get3A_1091 : i32 to index
    %get3A_1093 = arith.constant 0 : index
    %get3A_1094 = tpu.vector_load %arg8[%get3A_1092, %get3A_1093] {strides = array<i32>} : memref<256x16xf32, #tpu.memory_space<vmem>>, vector<1x16xf32>,
    %get3A_1095 = vector.shape_cast %get3A_1094 : vector<1x16xf32> to vector<16xf32>
    %mul3A_1096 = arith.mulf %get3A_1090, %get3A_1095 : vector<16xf32>
    %add3A_1097 = arith.addf %add3A_1085, %mul3A_1096 : vector<16xf32>
    %get3A_1098 = arith.constant 84 : i32
    %get3A_1099 = arith.index_cast %get3A_1098 : i32 to index
    %get3A_1100 = arith.constant 0 : index
    %get3A_1101 = tpu.vector_load %arg7[%get3A_1099, %get3A_1100] {strides = array<i32>} : memref<256x16xf32, #tpu.memory_space<vmem>>, vector<1x16xf32>,
    %get3A_1102 = vector.shape_cast %get3A_1101 : vector<1x16xf32> to vector<16xf32>
    %get3A_1103 = arith.constant 84 : i32
    %get3A_1104 = arith.index_cast %get3A_1103 : i32 to index
    %get3A_1105 = arith.constant 0 : index
    %get3A_1106 = tpu.vector_load %arg8[%get3A_1104, %get3A_1105] {strides = array<i32>} : memref<256x16xf32, #tpu.memory_space<vmem>>, vector<1x16xf32>,
    %get3A_1107 = vector.shape_cast %get3A_1106 : vector<1x16xf32> to vector<16xf32>
    %mul3A_1108 = arith.mulf %get3A_1102, %get3A_1107 : vector<16xf32>
    %add3A_1109 = arith.addf %add3A_1097, %mul3A_1108 : vector<16xf32>
    %get3A_1110 = arith.constant 85 : i32
    %get3A_1111 = arith.index_cast %get3A_1110 : i32 to index
    %get3A_1112 = arith.constant 0 : index
    %get3A_1113 = tpu.vector_load %arg7[%get3A_1111, %get3A_1112] {strides = array<i32>} : memref<256x16xf32, #tpu.memory_space<vmem>>, vector<1x16xf32>,
    %get3A_1114 = vector.shape_cast %get3A_1113 : vector<1x16xf32> to vector<16xf32>
    %get3A_1115 = arith.constant 85 : i32
    %get3A_1116 = arith.index_cast %get3A_1115 : i32 to index
    %get3A_1117 = arith.constant 0 : index
    %get3A_1118 = tpu.vector_load %arg8[%get3A_1116, %get3A_1117] {strides = array<i32>} : memref<256x16xf32, #tpu.memory_space<vmem>>, vector<1x16xf32>,
    %get3A_1119 = vector.shape_cast %get3A_1118 : vector<1x16xf32> to vector<16xf32>
    %mul3A_1120 = arith.mulf %get3A_1114, %get3A_1119 : vector<16xf32>
    %add3A_1121 = arith.addf %add3A_1109, %mul3A_1120 : vector<16xf32>
    %get3A_1122 = arith.constant 86 : i32
    %get3A_1123 = arith.index_cast %get3A_1122 : i32 to index
    %get3A_1124 = arith.constant 0 : index
    %get3A_1125 = tpu.vector_load %arg7[%get3A_1123, %get3A_1124] {strides = array<i32>} : memref<256x16xf32, #tpu.memory_space<vmem>>, vector<1x16xf32>,
    %get3A_1126 = vector.shape_cast %get3A_1125 : vector<1x16xf32> to vector<16xf32>
    %get3A_1127 = arith.constant 86 : i32
    %get3A_1128 = arith.index_cast %get3A_1127 : i32 to index
    %get3A_1129 = arith.constant 0 : index
    %get3A_1130 = tpu.vector_load %arg8[%get3A_1128, %get3A_1129] {strides = array<i32>} : memref<256x16xf32, #tpu.memory_space<vmem>>, vector<1x16xf32>,
    %get3A_1131 = vector.shape_cast %get3A_1130 : vector<1x16xf32> to vector<16xf32>
    %mul3A_1132 = arith.mulf %get3A_1126, %get3A_1131 : vector<16xf32>
    %add3A_1133 = arith.addf %add3A_1121, %mul3A_1132 : vector<16xf32>
    %get3A_1134 = arith.constant 87 : i32
    %get3A_1135 = arith.index_cast %get3A_1134 : i32 to index
    %get3A_1136 = arith.constant 0 : index
    %get3A_1137 = tpu.vector_load %arg7[%get3A_1135, %get3A_1136] {strides = array<i32>} : memref<256x16xf32, #tpu.memory_space<vmem>>, vector<1x16xf32>,
    %get3A_1138 = vector.shape_cast %get3A_1137 : vector<1x16xf32> to vector<16xf32>
    %get3A_1139 = arith.constant 87 : i32
    %get3A_1140 = arith.index_cast %get3A_1139 : i32 to index
    %get3A_1141 = arith.constant 0 : index
    %get3A_1142 = tpu.vector_load %arg8[%get3A_1140, %get3A_1141] {strides = array<i32>} : memref<256x16xf32, #tpu.memory_space<vmem>>, vector<1x16xf32>,
    %get3A_1143 = vector.shape_cast %get3A_1142 : vector<1x16xf32> to vector<16xf32>
    %mul3A_1144 = arith.mulf %get3A_1138, %get3A_1143 : vector<16xf32>
    %add3A_1145 = arith.addf %add3A_1133, %mul3A_1144 : vector<16xf32>
    %swap3A_1146 = arith.constant 10 : i32
    %swap3A_1147 = arith.index_cast %swap3A_1146 : i32 to index
    %swap3A_1148 = arith.constant 0 : index
    %swap3A_1149 = tpu.vector_load %arg9[%swap3A_1147, %swap3A_1148] {strides = array<i32>} : memref<32x16xf32, #tpu.memory_space<vmem>>, vector<1x16xf32>,
    %swap3A_1150 = vector.shape_cast %swap3A_1149 : vector<1x16xf32> to vector<16xf32>
    %swap3A_1151 = vector.shape_cast %add3A_1145 : vector<16xf32> to vector<1x16xf32>
    tpu.vector_store %arg9[%swap3A_1147, %swap3A_1148], %swap3A_1151 {strides = array<i32>} : memref<32x16xf32, #tpu.memory_space<vmem>>, vector<1x16xf32>,
    %get3A_1152 = arith.constant 88 : i32
    %get3A_1153 = arith.index_cast %get3A_1152 : i32 to index
    %get3A_1154 = arith.constant 0 : index
    %get3A_1155 = tpu.vector_load %arg7[%get3A_1153, %get3A_1154] {strides = array<i32>} : memref<256x16xf32, #tpu.memory_space<vmem>>, vector<1x16xf32>,
    %get3A_1156 = vector.shape_cast %get3A_1155 : vector<1x16xf32> to vector<16xf32>
    %get3A_1157 = arith.constant 88 : i32
    %get3A_1158 = arith.index_cast %get3A_1157 : i32 to index
    %get3A_1159 = arith.constant 0 : index
    %get3A_1160 = tpu.vector_load %arg8[%get3A_1158, %get3A_1159] {strides = array<i32>} : memref<256x16xf32, #tpu.memory_space<vmem>>, vector<1x16xf32>,
    %get3A_1161 = vector.shape_cast %get3A_1160 : vector<1x16xf32> to vector<16xf32>
    %mul3A_1162 = arith.mulf %get3A_1156, %get3A_1161 : vector<16xf32>
    %get3A_1163 = arith.constant 89 : i32
    %get3A_1164 = arith.index_cast %get3A_1163 : i32 to index
    %get3A_1165 = arith.constant 0 : index
    %get3A_1166 = tpu.vector_load %arg7[%get3A_1164, %get3A_1165] {strides = array<i32>} : memref<256x16xf32, #tpu.memory_space<vmem>>, vector<1x16xf32>,
    %get3A_1167 = vector.shape_cast %get3A_1166 : vector<1x16xf32> to vector<16xf32>
    %get3A_1168 = arith.constant 89 : i32
    %get3A_1169 = arith.index_cast %get3A_1168 : i32 to index
    %get3A_1170 = arith.constant 0 : index
    %get3A_1171 = tpu.vector_load %arg8[%get3A_1169, %get3A_1170] {strides = array<i32>} : memref<256x16xf32, #tpu.memory_space<vmem>>, vector<1x16xf32>,
    %get3A_1172 = vector.shape_cast %get3A_1171 : vector<1x16xf32> to vector<16xf32>
    %mul3A_1173 = arith.mulf %get3A_1167, %get3A_1172 : vector<16xf32>
    %add3A_1174 = arith.addf %mul3A_1162, %mul3A_1173 : vector<16xf32>
    %get3A_1175 = arith.constant 90 : i32
    %get3A_1176 = arith.index_cast %get3A_1175 : i32 to index
    %get3A_1177 = arith.constant 0 : index
    %get3A_1178 = tpu.vector_load %arg7[%get3A_1176, %get3A_1177] {strides = array<i32>} : memref<256x16xf32, #tpu.memory_space<vmem>>, vector<1x16xf32>,
    %get3A_1179 = vector.shape_cast %get3A_1178 : vector<1x16xf32> to vector<16xf32>
    %get3A_1180 = arith.constant 90 : i32
    %get3A_1181 = arith.index_cast %get3A_1180 : i32 to index
    %get3A_1182 = arith.constant 0 : index
    %get3A_1183 = tpu.vector_load %arg8[%get3A_1181, %get3A_1182] {strides = array<i32>} : memref<256x16xf32, #tpu.memory_space<vmem>>, vector<1x16xf32>,
    %get3A_1184 = vector.shape_cast %get3A_1183 : vector<1x16xf32> to vector<16xf32>
    %mul3A_1185 = arith.mulf %get3A_1179, %get3A_1184 : vector<16xf32>
    %add3A_1186 = arith.addf %add3A_1174, %mul3A_1185 : vector<16xf32>
    %get3A_1187 = arith.constant 91 : i32
    %get3A_1188 = arith.index_cast %get3A_1187 : i32 to index
    %get3A_1189 = arith.constant 0 : index
    %get3A_1190 = tpu.vector_load %arg7[%get3A_1188, %get3A_1189] {strides = array<i32>} : memref<256x16xf32, #tpu.memory_space<vmem>>, vector<1x16xf32>,
    %get3A_1191 = vector.shape_cast %get3A_1190 : vector<1x16xf32> to vector<16xf32>
    %get3A_1192 = arith.constant 91 : i32
    %get3A_1193 = arith.index_cast %get3A_1192 : i32 to index
    %get3A_1194 = arith.constant 0 : index
    %get3A_1195 = tpu.vector_load %arg8[%get3A_1193, %get3A_1194] {strides = array<i32>} : memref<256x16xf32, #tpu.memory_space<vmem>>, vector<1x16xf32>,
    %get3A_1196 = vector.shape_cast %get3A_1195 : vector<1x16xf32> to vector<16xf32>
    %mul3A_1197 = arith.mulf %get3A_1191, %get3A_1196 : vector<16xf32>
    %add3A_1198 = arith.addf %add3A_1186, %mul3A_1197 : vector<16xf32>
    %get3A_1199 = arith.constant 92 : i32
    %get3A_1200 = arith.index_cast %get3A_1199 : i32 to index
    %get3A_1201 = arith.constant 0 : index
    %get3A_1202 = tpu.vector_load %arg7[%get3A_1200, %get3A_1201] {strides = array<i32>} : memref<256x16xf32, #tpu.memory_space<vmem>>, vector<1x16xf32>,
    %get3A_1203 = vector.shape_cast %get3A_1202 : vector<1x16xf32> to vector<16xf32>
    %get3A_1204 = arith.constant 92 : i32
    %get3A_1205 = arith.index_cast %get3A_1204 : i32 to index
    %get3A_1206 = arith.constant 0 : index
    %get3A_1207 = tpu.vector_load %arg8[%get3A_1205, %get3A_1206] {strides = array<i32>} : memref<256x16xf32, #tpu.memory_space<vmem>>, vector<1x16xf32>,
    %get3A_1208 = vector.shape_cast %get3A_1207 : vector<1x16xf32> to vector<16xf32>
    %mul3A_1209 = arith.mulf %get3A_1203, %get3A_1208 : vector<16xf32>
    %add3A_1210 = arith.addf %add3A_1198, %mul3A_1209 : vector<16xf32>
    %get3A_1211 = arith.constant 93 : i32
    %get3A_1212 = arith.index_cast %get3A_1211 : i32 to index
    %get3A_1213 = arith.constant 0 : index
    %get3A_1214 = tpu.vector_load %arg7[%get3A_1212, %get3A_1213] {strides = array<i32>} : memref<256x16xf32, #tpu.memory_space<vmem>>, vector<1x16xf32>,
    %get3A_1215 = vector.shape_cast %get3A_1214 : vector<1x16xf32> to vector<16xf32>
    %get3A_1216 = arith.constant 93 : i32
    %get3A_1217 = arith.index_cast %get3A_1216 : i32 to index
    %get3A_1218 = arith.constant 0 : index
    %get3A_1219 = tpu.vector_load %arg8[%get3A_1217, %get3A_1218] {strides = array<i32>} : memref<256x16xf32, #tpu.memory_space<vmem>>, vector<1x16xf32>,
    %get3A_1220 = vector.shape_cast %get3A_1219 : vector<1x16xf32> to vector<16xf32>
    %mul3A_1221 = arith.mulf %get3A_1215, %get3A_1220 : vector<16xf32>
    %add3A_1222 = arith.addf %add3A_1210, %mul3A_1221 : vector<16xf32>
    %get3A_1223 = arith.constant 94 : i32
    %get3A_1224 = arith.index_cast %get3A_1223 : i32 to index
    %get3A_1225 = arith.constant 0 : index
    %get3A_1226 = tpu.vector_load %arg7[%get3A_1224, %get3A_1225] {strides = array<i32>} : memref<256x16xf32, #tpu.memory_space<vmem>>, vector<1x16xf32>,
    %get3A_1227 = vector.shape_cast %get3A_1226 : vector<1x16xf32> to vector<16xf32>
    %get3A_1228 = arith.constant 94 : i32
    %get3A_1229 = arith.index_cast %get3A_1228 : i32 to index
    %get3A_1230 = arith.constant 0 : index
    %get3A_1231 = tpu.vector_load %arg8[%get3A_1229, %get3A_1230] {strides = array<i32>} : memref<256x16xf32, #tpu.memory_space<vmem>>, vector<1x16xf32>,
    %get3A_1232 = vector.shape_cast %get3A_1231 : vector<1x16xf32> to vector<16xf32>
    %mul3A_1233 = arith.mulf %get3A_1227, %get3A_1232 : vector<16xf32>
    %add3A_1234 = arith.addf %add3A_1222, %mul3A_1233 : vector<16xf32>
    %get3A_1235 = arith.constant 95 : i32
    %get3A_1236 = arith.index_cast %get3A_1235 : i32 to index
    %get3A_1237 = arith.constant 0 : index
    %get3A_1238 = tpu.vector_load %arg7[%get3A_1236, %get3A_1237] {strides = array<i32>} : memref<256x16xf32, #tpu.memory_space<vmem>>, vector<1x16xf32>,
    %get3A_1239 = vector.shape_cast %get3A_1238 : vector<1x16xf32> to vector<16xf32>
    %get3A_1240 = arith.constant 95 : i32
    %get3A_1241 = arith.index_cast %get3A_1240 : i32 to index
    %get3A_1242 = arith.constant 0 : index
    %get3A_1243 = tpu.vector_load %arg8[%get3A_1241, %get3A_1242] {strides = array<i32>} : memref<256x16xf32, #tpu.memory_space<vmem>>, vector<1x16xf32>,
    %get3A_1244 = vector.shape_cast %get3A_1243 : vector<1x16xf32> to vector<16xf32>
    %mul3A_1245 = arith.mulf %get3A_1239, %get3A_1244 : vector<16xf32>
    %add3A_1246 = arith.addf %add3A_1234, %mul3A_1245 : vector<16xf32>
    %swap3A_1247 = arith.constant 11 : i32
    %swap3A_1248 = arith.index_cast %swap3A_1247 : i32 to index
    %swap3A_1249 = arith.constant 0 : index
    %swap3A_1250 = tpu.vector_load %arg9[%swap3A_1248, %swap3A_1249] {strides = array<i32>} : memref<32x16xf32, #tpu.memory_space<vmem>>, vector<1x16xf32>,
    %swap3A_1251 = vector.shape_cast %swap3A_1250 : vector<1x16xf32> to vector<16xf32>
    %swap3A_1252 = vector.shape_cast %add3A_1246 : vector<16xf32> to vector<1x16xf32>
    tpu.vector_store %arg9[%swap3A_1248, %swap3A_1249], %swap3A_1252 {strides = array<i32>} : memref<32x16xf32, #tpu.memory_space<vmem>>, vector<1x16xf32>,
    %get3A_1253 = arith.constant 96 : i32
    %get3A_1254 = arith.index_cast %get3A_1253 : i32 to index
    %get3A_1255 = arith.constant 0 : index
    %get3A_1256 = tpu.vector_load %arg7[%get3A_1254, %get3A_1255] {strides = array<i32>} : memref<256x16xf32, #tpu.memory_space<vmem>>, vector<1x16xf32>,
    %get3A_1257 = vector.shape_cast %get3A_1256 : vector<1x16xf32> to vector<16xf32>
    %get3A_1258 = arith.constant 96 : i32
    %get3A_1259 = arith.index_cast %get3A_1258 : i32 to index
    %get3A_1260 = arith.constant 0 : index
    %get3A_1261 = tpu.vector_load %arg8[%get3A_1259, %get3A_1260] {strides = array<i32>} : memref<256x16xf32, #tpu.memory_space<vmem>>, vector<1x16xf32>,
    %get3A_1262 = vector.shape_cast %get3A_1261 : vector<1x16xf32> to vector<16xf32>
    %mul3A_1263 = arith.mulf %get3A_1257, %get3A_1262 : vector<16xf32>
    %get3A_1264 = arith.constant 97 : i32
    %get3A_1265 = arith.index_cast %get3A_1264 : i32 to index
    %get3A_1266 = arith.constant 0 : index
    %get3A_1267 = tpu.vector_load %arg7[%get3A_1265, %get3A_1266] {strides = array<i32>} : memref<256x16xf32, #tpu.memory_space<vmem>>, vector<1x16xf32>,
    %get3A_1268 = vector.shape_cast %get3A_1267 : vector<1x16xf32> to vector<16xf32>
    %get3A_1269 = arith.constant 97 : i32
    %get3A_1270 = arith.index_cast %get3A_1269 : i32 to index
    %get3A_1271 = arith.constant 0 : index
    %get3A_1272 = tpu.vector_load %arg8[%get3A_1270, %get3A_1271] {strides = array<i32>} : memref<256x16xf32, #tpu.memory_space<vmem>>, vector<1x16xf32>,
    %get3A_1273 = vector.shape_cast %get3A_1272 : vector<1x16xf32> to vector<16xf32>
    %mul3A_1274 = arith.mulf %get3A_1268, %get3A_1273 : vector<16xf32>
    %add3A_1275 = arith.addf %mul3A_1263, %mul3A_1274 : vector<16xf32>
    %get3A_1276 = arith.constant 98 : i32
    %get3A_1277 = arith.index_cast %get3A_1276 : i32 to index
    %get3A_1278 = arith.constant 0 : index
    %get3A_1279 = tpu.vector_load %arg7[%get3A_1277, %get3A_1278] {strides = array<i32>} : memref<256x16xf32, #tpu.memory_space<vmem>>, vector<1x16xf32>,
    %get3A_1280 = vector.shape_cast %get3A_1279 : vector<1x16xf32> to vector<16xf32>
    %get3A_1281 = arith.constant 98 : i32
    %get3A_1282 = arith.index_cast %get3A_1281 : i32 to index
    %get3A_1283 = arith.constant 0 : index
    %get3A_1284 = tpu.vector_load %arg8[%get3A_1282, %get3A_1283] {strides = array<i32>} : memref<256x16xf32, #tpu.memory_space<vmem>>, vector<1x16xf32>,
    %get3A_1285 = vector.shape_cast %get3A_1284 : vector<1x16xf32> to vector<16xf32>
    %mul3A_1286 = arith.mulf %get3A_1280, %get3A_1285 : vector<16xf32>
    %add3A_1287 = arith.addf %add3A_1275, %mul3A_1286 : vector<16xf32>
    %get3A_1288 = arith.constant 99 : i32
    %get3A_1289 = arith.index_cast %get3A_1288 : i32 to index
    %get3A_1290 = arith.constant 0 : index
    %get3A_1291 = tpu.vector_load %arg7[%get3A_1289, %get3A_1290] {strides = array<i32>} : memref<256x16xf32, #tpu.memory_space<vmem>>, vector<1x16xf32>,
    %get3A_1292 = vector.shape_cast %get3A_1291 : vector<1x16xf32> to vector<16xf32>
    %get3A_1293 = arith.constant 99 : i32
    %get3A_1294 = arith.index_cast %get3A_1293 : i32 to index
    %get3A_1295 = arith.constant 0 : index
    %get3A_1296 = tpu.vector_load %arg8[%get3A_1294, %get3A_1295] {strides = array<i32>} : memref<256x16xf32, #tpu.memory_space<vmem>>, vector<1x16xf32>,
    %get3A_1297 = vector.shape_cast %get3A_1296 : vector<1x16xf32> to vector<16xf32>
    %mul3A_1298 = arith.mulf %get3A_1292, %get3A_1297 : vector<16xf32>
    %add3A_1299 = arith.addf %add3A_1287, %mul3A_1298 : vector<16xf32>
    %get3A_1300 = arith.constant 100 : i32
    %get3A_1301 = arith.index_cast %get3A_1300 : i32 to index
    %get3A_1302 = arith.constant 0 : index
    %get3A_1303 = tpu.vector_load %arg7[%get3A_1301, %get3A_1302] {strides = array<i32>} : memref<256x16xf32, #tpu.memory_space<vmem>>, vector<1x16xf32>,
    %get3A_1304 = vector.shape_cast %get3A_1303 : vector<1x16xf32> to vector<16xf32>
    %get3A_1305 = arith.constant 100 : i32
    %get3A_1306 = arith.index_cast %get3A_1305 : i32 to index
    %get3A_1307 = arith.constant 0 : index
    %get3A_1308 = tpu.vector_load %arg8[%get3A_1306, %get3A_1307] {strides = array<i32>} : memref<256x16xf32, #tpu.memory_space<vmem>>, vector<1x16xf32>,
    %get3A_1309 = vector.shape_cast %get3A_1308 : vector<1x16xf32> to vector<16xf32>
    %mul3A_1310 = arith.mulf %get3A_1304, %get3A_1309 : vector<16xf32>
    %add3A_1311 = arith.addf %add3A_1299, %mul3A_1310 : vector<16xf32>
    %get3A_1312 = arith.constant 101 : i32
    %get3A_1313 = arith.index_cast %get3A_1312 : i32 to index
    %get3A_1314 = arith.constant 0 : index
    %get3A_1315 = tpu.vector_load %arg7[%get3A_1313, %get3A_1314] {strides = array<i32>} : memref<256x16xf32, #tpu.memory_space<vmem>>, vector<1x16xf32>,
    %get3A_1316 = vector.shape_cast %get3A_1315 : vector<1x16xf32> to vector<16xf32>
    %get3A_1317 = arith.constant 101 : i32
    %get3A_1318 = arith.index_cast %get3A_1317 : i32 to index
    %get3A_1319 = arith.constant 0 : index
    %get3A_1320 = tpu.vector_load %arg8[%get3A_1318, %get3A_1319] {strides = array<i32>} : memref<256x16xf32, #tpu.memory_space<vmem>>, vector<1x16xf32>,
    %get3A_1321 = vector.shape_cast %get3A_1320 : vector<1x16xf32> to vector<16xf32>
    %mul3A_1322 = arith.mulf %get3A_1316, %get3A_1321 : vector<16xf32>
    %add3A_1323 = arith.addf %add3A_1311, %mul3A_1322 : vector<16xf32>
    %get3A_1324 = arith.constant 102 : i32
    %get3A_1325 = arith.index_cast %get3A_1324 : i32 to index
    %get3A_1326 = arith.constant 0 : index
    %get3A_1327 = tpu.vector_load %arg7[%get3A_1325, %get3A_1326] {strides = array<i32>} : memref<256x16xf32, #tpu.memory_space<vmem>>, vector<1x16xf32>,
    %get3A_1328 = vector.shape_cast %get3A_1327 : vector<1x16xf32> to vector<16xf32>
    %get3A_1329 = arith.constant 102 : i32
    %get3A_1330 = arith.index_cast %get3A_1329 : i32 to index
    %get3A_1331 = arith.constant 0 : index
    %get3A_1332 = tpu.vector_load %arg8[%get3A_1330, %get3A_1331] {strides = array<i32>} : memref<256x16xf32, #tpu.memory_space<vmem>>, vector<1x16xf32>,
    %get3A_1333 = vector.shape_cast %get3A_1332 : vector<1x16xf32> to vector<16xf32>
    %mul3A_1334 = arith.mulf %get3A_1328, %get3A_1333 : vector<16xf32>
    %add3A_1335 = arith.addf %add3A_1323, %mul3A_1334 : vector<16xf32>
    %get3A_1336 = arith.constant 103 : i32
    %get3A_1337 = arith.index_cast %get3A_1336 : i32 to index
    %get3A_1338 = arith.constant 0 : index
    %get3A_1339 = tpu.vector_load %arg7[%get3A_1337, %get3A_1338] {strides = array<i32>} : memref<256x16xf32, #tpu.memory_space<vmem>>, vector<1x16xf32>,
    %get3A_1340 = vector.shape_cast %get3A_1339 : vector<1x16xf32> to vector<16xf32>
    %get3A_1341 = arith.constant 103 : i32
    %get3A_1342 = arith.index_cast %get3A_1341 : i32 to index
    %get3A_1343 = arith.constant 0 : index
    %get3A_1344 = tpu.vector_load %arg8[%get3A_1342, %get3A_1343] {strides = array<i32>} : memref<256x16xf32, #tpu.memory_space<vmem>>, vector<1x16xf32>,
    %get3A_1345 = vector.shape_cast %get3A_1344 : vector<1x16xf32> to vector<16xf32>
    %mul3A_1346 = arith.mulf %get3A_1340, %get3A_1345 : vector<16xf32>
    %add3A_1347 = arith.addf %add3A_1335, %mul3A_1346 : vector<16xf32>
    %swap3A_1348 = arith.constant 12 : i32
    %swap3A_1349 = arith.index_cast %swap3A_1348 : i32 to index
    %swap3A_1350 = arith.constant 0 : index
    %swap3A_1351 = tpu.vector_load %arg9[%swap3A_1349, %swap3A_1350] {strides = array<i32>} : memref<32x16xf32, #tpu.memory_space<vmem>>, vector<1x16xf32>,
    %swap3A_1352 = vector.shape_cast %swap3A_1351 : vector<1x16xf32> to vector<16xf32>
    %swap3A_1353 = vector.shape_cast %add3A_1347 : vector<16xf32> to vector<1x16xf32>
    tpu.vector_store %arg9[%swap3A_1349, %swap3A_1350], %swap3A_1353 {strides = array<i32>} : memref<32x16xf32, #tpu.memory_space<vmem>>, vector<1x16xf32>,
    %get3A_1354 = arith.constant 104 : i32
    %get3A_1355 = arith.index_cast %get3A_1354 : i32 to index
    %get3A_1356 = arith.constant 0 : index
    %get3A_1357 = tpu.vector_load %arg7[%get3A_1355, %get3A_1356] {strides = array<i32>} : memref<256x16xf32, #tpu.memory_space<vmem>>, vector<1x16xf32>,
    %get3A_1358 = vector.shape_cast %get3A_1357 : vector<1x16xf32> to vector<16xf32>
    %get3A_1359 = arith.constant 104 : i32
    %get3A_1360 = arith.index_cast %get3A_1359 : i32 to index
    %get3A_1361 = arith.constant 0 : index
    %get3A_1362 = tpu.vector_load %arg8[%get3A_1360, %get3A_1361] {strides = array<i32>} : memref<256x16xf32, #tpu.memory_space<vmem>>, vector<1x16xf32>,
    %get3A_1363 = vector.shape_cast %get3A_1362 : vector<1x16xf32> to vector<16xf32>
    %mul3A_1364 = arith.mulf %get3A_1358, %get3A_1363 : vector<16xf32>
    %get3A_1365 = arith.constant 105 : i32
    %get3A_1366 = arith.index_cast %get3A_1365 : i32 to index
    %get3A_1367 = arith.constant 0 : index
    %get3A_1368 = tpu.vector_load %arg7[%get3A_1366, %get3A_1367] {strides = array<i32>} : memref<256x16xf32, #tpu.memory_space<vmem>>, vector<1x16xf32>,
    %get3A_1369 = vector.shape_cast %get3A_1368 : vector<1x16xf32> to vector<16xf32>
    %get3A_1370 = arith.constant 105 : i32
    %get3A_1371 = arith.index_cast %get3A_1370 : i32 to index
    %get3A_1372 = arith.constant 0 : index
    %get3A_1373 = tpu.vector_load %arg8[%get3A_1371, %get3A_1372] {strides = array<i32>} : memref<256x16xf32, #tpu.memory_space<vmem>>, vector<1x16xf32>,
    %get3A_1374 = vector.shape_cast %get3A_1373 : vector<1x16xf32> to vector<16xf32>
    %mul3A_1375 = arith.mulf %get3A_1369, %get3A_1374 : vector<16xf32>
    %add3A_1376 = arith.addf %mul3A_1364, %mul3A_1375 : vector<16xf32>
    %get3A_1377 = arith.constant 106 : i32
    %get3A_1378 = arith.index_cast %get3A_1377 : i32 to index
    %get3A_1379 = arith.constant 0 : index
    %get3A_1380 = tpu.vector_load %arg7[%get3A_1378, %get3A_1379] {strides = array<i32>} : memref<256x16xf32, #tpu.memory_space<vmem>>, vector<1x16xf32>,
    %get3A_1381 = vector.shape_cast %get3A_1380 : vector<1x16xf32> to vector<16xf32>
    %get3A_1382 = arith.constant 106 : i32
    %get3A_1383 = arith.index_cast %get3A_1382 : i32 to index
    %get3A_1384 = arith.constant 0 : index
    %get3A_1385 = tpu.vector_load %arg8[%get3A_1383, %get3A_1384] {strides = array<i32>} : memref<256x16xf32, #tpu.memory_space<vmem>>, vector<1x16xf32>,
    %get3A_1386 = vector.shape_cast %get3A_1385 : vector<1x16xf32> to vector<16xf32>
    %mul3A_1387 = arith.mulf %get3A_1381, %get3A_1386 : vector<16xf32>
    %add3A_1388 = arith.addf %add3A_1376, %mul3A_1387 : vector<16xf32>
    %get3A_1389 = arith.constant 107 : i32
    %get3A_1390 = arith.index_cast %get3A_1389 : i32 to index
    %get3A_1391 = arith.constant 0 : index
    %get3A_1392 = tpu.vector_load %arg7[%get3A_1390, %get3A_1391] {strides = array<i32>} : memref<256x16xf32, #tpu.memory_space<vmem>>, vector<1x16xf32>,
    %get3A_1393 = vector.shape_cast %get3A_1392 : vector<1x16xf32> to vector<16xf32>
    %get3A_1394 = arith.constant 107 : i32
    %get3A_1395 = arith.index_cast %get3A_1394 : i32 to index
    %get3A_1396 = arith.constant 0 : index
    %get3A_1397 = tpu.vector_load %arg8[%get3A_1395, %get3A_1396] {strides = array<i32>} : memref<256x16xf32, #tpu.memory_space<vmem>>, vector<1x16xf32>,
    %get3A_1398 = vector.shape_cast %get3A_1397 : vector<1x16xf32> to vector<16xf32>
    %mul3A_1399 = arith.mulf %get3A_1393, %get3A_1398 : vector<16xf32>
    %add3A_1400 = arith.addf %add3A_1388, %mul3A_1399 : vector<16xf32>
    %get3A_1401 = arith.constant 108 : i32
    %get3A_1402 = arith.index_cast %get3A_1401 : i32 to index
    %get3A_1403 = arith.constant 0 : index
    %get3A_1404 = tpu.vector_load %arg7[%get3A_1402, %get3A_1403] {strides = array<i32>} : memref<256x16xf32, #tpu.memory_space<vmem>>, vector<1x16xf32>,
    %get3A_1405 = vector.shape_cast %get3A_1404 : vector<1x16xf32> to vector<16xf32>
    %get3A_1406 = arith.constant 108 : i32
    %get3A_1407 = arith.index_cast %get3A_1406 : i32 to index
    %get3A_1408 = arith.constant 0 : index
    %get3A_1409 = tpu.vector_load %arg8[%get3A_1407, %get3A_1408] {strides = array<i32>} : memref<256x16xf32, #tpu.memory_space<vmem>>, vector<1x16xf32>,
    %get3A_1410 = vector.shape_cast %get3A_1409 : vector<1x16xf32> to vector<16xf32>
    %mul3A_1411 = arith.mulf %get3A_1405, %get3A_1410 : vector<16xf32>
    %add3A_1412 = arith.addf %add3A_1400, %mul3A_1411 : vector<16xf32>
    %get3A_1413 = arith.constant 109 : i32
    %get3A_1414 = arith.index_cast %get3A_1413 : i32 to index
    %get3A_1415 = arith.constant 0 : index
    %get3A_1416 = tpu.vector_load %arg7[%get3A_1414, %get3A_1415] {strides = array<i32>} : memref<256x16xf32, #tpu.memory_space<vmem>>, vector<1x16xf32>,
    %get3A_1417 = vector.shape_cast %get3A_1416 : vector<1x16xf32> to vector<16xf32>
    %get3A_1418 = arith.constant 109 : i32
    %get3A_1419 = arith.index_cast %get3A_1418 : i32 to index
    %get3A_1420 = arith.constant 0 : index
    %get3A_1421 = tpu.vector_load %arg8[%get3A_1419, %get3A_1420] {strides = array<i32>} : memref<256x16xf32, #tpu.memory_space<vmem>>, vector<1x16xf32>,
    %get3A_1422 = vector.shape_cast %get3A_1421 : vector<1x16xf32> to vector<16xf32>
    %mul3A_1423 = arith.mulf %get3A_1417, %get3A_1422 : vector<16xf32>
    %add3A_1424 = arith.addf %add3A_1412, %mul3A_1423 : vector<16xf32>
    %get3A_1425 = arith.constant 110 : i32
    %get3A_1426 = arith.index_cast %get3A_1425 : i32 to index
    %get3A_1427 = arith.constant 0 : index
    %get3A_1428 = tpu.vector_load %arg7[%get3A_1426, %get3A_1427] {strides = array<i32>} : memref<256x16xf32, #tpu.memory_space<vmem>>, vector<1x16xf32>,
    %get3A_1429 = vector.shape_cast %get3A_1428 : vector<1x16xf32> to vector<16xf32>
    %get3A_1430 = arith.constant 110 : i32
    %get3A_1431 = arith.index_cast %get3A_1430 : i32 to index
    %get3A_1432 = arith.constant 0 : index
    %get3A_1433 = tpu.vector_load %arg8[%get3A_1431, %get3A_1432] {strides = array<i32>} : memref<256x16xf32, #tpu.memory_space<vmem>>, vector<1x16xf32>,
    %get3A_1434 = vector.shape_cast %get3A_1433 : vector<1x16xf32> to vector<16xf32>
    %mul3A_1435 = arith.mulf %get3A_1429, %get3A_1434 : vector<16xf32>
    %add3A_1436 = arith.addf %add3A_1424, %mul3A_1435 : vector<16xf32>
    %get3A_1437 = arith.constant 111 : i32
    %get3A_1438 = arith.index_cast %get3A_1437 : i32 to index
    %get3A_1439 = arith.constant 0 : index
    %get3A_1440 = tpu.vector_load %arg7[%get3A_1438, %get3A_1439] {strides = array<i32>} : memref<256x16xf32, #tpu.memory_space<vmem>>, vector<1x16xf32>,
    %get3A_1441 = vector.shape_cast %get3A_1440 : vector<1x16xf32> to vector<16xf32>
    %get3A_1442 = arith.constant 111 : i32
    %get3A_1443 = arith.index_cast %get3A_1442 : i32 to index
    %get3A_1444 = arith.constant 0 : index
    %get3A_1445 = tpu.vector_load %arg8[%get3A_1443, %get3A_1444] {strides = array<i32>} : memref<256x16xf32, #tpu.memory_space<vmem>>, vector<1x16xf32>,
    %get3A_1446 = vector.shape_cast %get3A_1445 : vector<1x16xf32> to vector<16xf32>
    %mul3A_1447 = arith.mulf %get3A_1441, %get3A_1446 : vector<16xf32>
    %add3A_1448 = arith.addf %add3A_1436, %mul3A_1447 : vector<16xf32>
    %swap3A_1449 = arith.constant 13 : i32
    %swap3A_1450 = arith.index_cast %swap3A_1449 : i32 to index
    %swap3A_1451 = arith.constant 0 : index
    %swap3A_1452 = tpu.vector_load %arg9[%swap3A_1450, %swap3A_1451] {strides = array<i32>} : memref<32x16xf32, #tpu.memory_space<vmem>>, vector<1x16xf32>,
    %swap3A_1453 = vector.shape_cast %swap3A_1452 : vector<1x16xf32> to vector<16xf32>
    %swap3A_1454 = vector.shape_cast %add3A_1448 : vector<16xf32> to vector<1x16xf32>
    tpu.vector_store %arg9[%swap3A_1450, %swap3A_1451], %swap3A_1454 {strides = array<i32>} : memref<32x16xf32, #tpu.memory_space<vmem>>, vector<1x16xf32>,
    %get3A_1455 = arith.constant 112 : i32
    %get3A_1456 = arith.index_cast %get3A_1455 : i32 to index
    %get3A_1457 = arith.constant 0 : index
    %get3A_1458 = tpu.vector_load %arg7[%get3A_1456, %get3A_1457] {strides = array<i32>} : memref<256x16xf32, #tpu.memory_space<vmem>>, vector<1x16xf32>,
    %get3A_1459 = vector.shape_cast %get3A_1458 : vector<1x16xf32> to vector<16xf32>
    %get3A_1460 = arith.constant 112 : i32
    %get3A_1461 = arith.index_cast %get3A_1460 : i32 to index
    %get3A_1462 = arith.constant 0 : index
    %get3A_1463 = tpu.vector_load %arg8[%get3A_1461, %get3A_1462] {strides = array<i32>} : memref<256x16xf32, #tpu.memory_space<vmem>>, vector<1x16xf32>,
    %get3A_1464 = vector.shape_cast %get3A_1463 : vector<1x16xf32> to vector<16xf32>
    %mul3A_1465 = arith.mulf %get3A_1459, %get3A_1464 : vector<16xf32>
    %get3A_1466 = arith.constant 113 : i32
    %get3A_1467 = arith.index_cast %get3A_1466 : i32 to index
    %get3A_1468 = arith.constant 0 : index
    %get3A_1469 = tpu.vector_load %arg7[%get3A_1467, %get3A_1468] {strides = array<i32>} : memref<256x16xf32, #tpu.memory_space<vmem>>, vector<1x16xf32>,
    %get3A_1470 = vector.shape_cast %get3A_1469 : vector<1x16xf32> to vector<16xf32>
    %get3A_1471 = arith.constant 113 : i32
    %get3A_1472 = arith.index_cast %get3A_1471 : i32 to index
    %get3A_1473 = arith.constant 0 : index
    %get3A_1474 = tpu.vector_load %arg8[%get3A_1472, %get3A_1473] {strides = array<i32>} : memref<256x16xf32, #tpu.memory_space<vmem>>, vector<1x16xf32>,
    %get3A_1475 = vector.shape_cast %get3A_1474 : vector<1x16xf32> to vector<16xf32>
    %mul3A_1476 = arith.mulf %get3A_1470, %get3A_1475 : vector<16xf32>
    %add3A_1477 = arith.addf %mul3A_1465, %mul3A_1476 : vector<16xf32>
    %get3A_1478 = arith.constant 114 : i32
    %get3A_1479 = arith.index_cast %get3A_1478 : i32 to index
    %get3A_1480 = arith.constant 0 : index
    %get3A_1481 = tpu.vector_load %arg7[%get3A_1479, %get3A_1480] {strides = array<i32>} : memref<256x16xf32, #tpu.memory_space<vmem>>, vector<1x16xf32>,
    %get3A_1482 = vector.shape_cast %get3A_1481 : vector<1x16xf32> to vector<16xf32>
    %get3A_1483 = arith.constant 114 : i32
    %get3A_1484 = arith.index_cast %get3A_1483 : i32 to index
    %get3A_1485 = arith.constant 0 : index
    %get3A_1486 = tpu.vector_load %arg8[%get3A_1484, %get3A_1485] {strides = array<i32>} : memref<256x16xf32, #tpu.memory_space<vmem>>, vector<1x16xf32>,
    %get3A_1487 = vector.shape_cast %get3A_1486 : vector<1x16xf32> to vector<16xf32>
    %mul3A_1488 = arith.mulf %get3A_1482, %get3A_1487 : vector<16xf32>
    %add3A_1489 = arith.addf %add3A_1477, %mul3A_1488 : vector<16xf32>
    %get3A_1490 = arith.constant 115 : i32
    %get3A_1491 = arith.index_cast %get3A_1490 : i32 to index
    %get3A_1492 = arith.constant 0 : index
    %get3A_1493 = tpu.vector_load %arg7[%get3A_1491, %get3A_1492] {strides = array<i32>} : memref<256x16xf32, #tpu.memory_space<vmem>>, vector<1x16xf32>,
    %get3A_1494 = vector.shape_cast %get3A_1493 : vector<1x16xf32> to vector<16xf32>
    %get3A_1495 = arith.constant 115 : i32
    %get3A_1496 = arith.index_cast %get3A_1495 : i32 to index
    %get3A_1497 = arith.constant 0 : index
    %get3A_1498 = tpu.vector_load %arg8[%get3A_1496, %get3A_1497] {strides = array<i32>} : memref<256x16xf32, #tpu.memory_space<vmem>>, vector<1x16xf32>,
    %get3A_1499 = vector.shape_cast %get3A_1498 : vector<1x16xf32> to vector<16xf32>
    %mul3A_1500 = arith.mulf %get3A_1494, %get3A_1499 : vector<16xf32>
    %add3A_1501 = arith.addf %add3A_1489, %mul3A_1500 : vector<16xf32>
    %get3A_1502 = arith.constant 116 : i32
    %get3A_1503 = arith.index_cast %get3A_1502 : i32 to index
    %get3A_1504 = arith.constant 0 : index
    %get3A_1505 = tpu.vector_load %arg7[%get3A_1503, %get3A_1504] {strides = array<i32>} : memref<256x16xf32, #tpu.memory_space<vmem>>, vector<1x16xf32>,
    %get3A_1506 = vector.shape_cast %get3A_1505 : vector<1x16xf32> to vector<16xf32>
    %get3A_1507 = arith.constant 116 : i32
    %get3A_1508 = arith.index_cast %get3A_1507 : i32 to index
    %get3A_1509 = arith.constant 0 : index
    %get3A_1510 = tpu.vector_load %arg8[%get3A_1508, %get3A_1509] {strides = array<i32>} : memref<256x16xf32, #tpu.memory_space<vmem>>, vector<1x16xf32>,
    %get3A_1511 = vector.shape_cast %get3A_1510 : vector<1x16xf32> to vector<16xf32>
    %mul3A_1512 = arith.mulf %get3A_1506, %get3A_1511 : vector<16xf32>
    %add3A_1513 = arith.addf %add3A_1501, %mul3A_1512 : vector<16xf32>
    %get3A_1514 = arith.constant 117 : i32
    %get3A_1515 = arith.index_cast %get3A_1514 : i32 to index
    %get3A_1516 = arith.constant 0 : index
    %get3A_1517 = tpu.vector_load %arg7[%get3A_1515, %get3A_1516] {strides = array<i32>} : memref<256x16xf32, #tpu.memory_space<vmem>>, vector<1x16xf32>,
    %get3A_1518 = vector.shape_cast %get3A_1517 : vector<1x16xf32> to vector<16xf32>
    %get3A_1519 = arith.constant 117 : i32
    %get3A_1520 = arith.index_cast %get3A_1519 : i32 to index
    %get3A_1521 = arith.constant 0 : index
    %get3A_1522 = tpu.vector_load %arg8[%get3A_1520, %get3A_1521] {strides = array<i32>} : memref<256x16xf32, #tpu.memory_space<vmem>>, vector<1x16xf32>,
    %get3A_1523 = vector.shape_cast %get3A_1522 : vector<1x16xf32> to vector<16xf32>
    %mul3A_1524 = arith.mulf %get3A_1518, %get3A_1523 : vector<16xf32>
    %add3A_1525 = arith.addf %add3A_1513, %mul3A_1524 : vector<16xf32>
    %get3A_1526 = arith.constant 118 : i32
    %get3A_1527 = arith.index_cast %get3A_1526 : i32 to index
    %get3A_1528 = arith.constant 0 : index
    %get3A_1529 = tpu.vector_load %arg7[%get3A_1527, %get3A_1528] {strides = array<i32>} : memref<256x16xf32, #tpu.memory_space<vmem>>, vector<1x16xf32>,
    %get3A_1530 = vector.shape_cast %get3A_1529 : vector<1x16xf32> to vector<16xf32>
    %get3A_1531 = arith.constant 118 : i32
    %get3A_1532 = arith.index_cast %get3A_1531 : i32 to index
    %get3A_1533 = arith.constant 0 : index
    %get3A_1534 = tpu.vector_load %arg8[%get3A_1532, %get3A_1533] {strides = array<i32>} : memref<256x16xf32, #tpu.memory_space<vmem>>, vector<1x16xf32>,
    %get3A_1535 = vector.shape_cast %get3A_1534 : vector<1x16xf32> to vector<16xf32>
    %mul3A_1536 = arith.mulf %get3A_1530, %get3A_1535 : vector<16xf32>
    %add3A_1537 = arith.addf %add3A_1525, %mul3A_1536 : vector<16xf32>
    %get3A_1538 = arith.constant 119 : i32
    %get3A_1539 = arith.index_cast %get3A_1538 : i32 to index
    %get3A_1540 = arith.constant 0 : index
    %get3A_1541 = tpu.vector_load %arg7[%get3A_1539, %get3A_1540] {strides = array<i32>} : memref<256x16xf32, #tpu.memory_space<vmem>>, vector<1x16xf32>,
    %get3A_1542 = vector.shape_cast %get3A_1541 : vector<1x16xf32> to vector<16xf32>
    %get3A_1543 = arith.constant 119 : i32
    %get3A_1544 = arith.index_cast %get3A_1543 : i32 to index
    %get3A_1545 = arith.constant 0 : index
    %get3A_1546 = tpu.vector_load %arg8[%get3A_1544, %get3A_1545] {strides = array<i32>} : memref<256x16xf32, #tpu.memory_space<vmem>>, vector<1x16xf32>,
    %get3A_1547 = vector.shape_cast %get3A_1546 : vector<1x16xf32> to vector<16xf32>
    %mul3A_1548 = arith.mulf %get3A_1542, %get3A_1547 : vector<16xf32>
    %add3A_1549 = arith.addf %add3A_1537, %mul3A_1548 : vector<16xf32>
    %swap3A_1550 = arith.constant 14 : i32
    %swap3A_1551 = arith.index_cast %swap3A_1550 : i32 to index
    %swap3A_1552 = arith.constant 0 : index
    %swap3A_1553 = tpu.vector_load %arg9[%swap3A_1551, %swap3A_1552] {strides = array<i32>} : memref<32x16xf32, #tpu.memory_space<vmem>>, vector<1x16xf32>,
    %swap3A_1554 = vector.shape_cast %swap3A_1553 : vector<1x16xf32> to vector<16xf32>
    %swap3A_1555 = vector.shape_cast %add3A_1549 : vector<16xf32> to vector<1x16xf32>
    tpu.vector_store %arg9[%swap3A_1551, %swap3A_1552], %swap3A_1555 {strides = array<i32>} : memref<32x16xf32, #tpu.memory_space<vmem>>, vector<1x16xf32>,
    %get3A_1556 = arith.constant 120 : i32
    %get3A_1557 = arith.index_cast %get3A_1556 : i32 to index
    %get3A_1558 = arith.constant 0 : index
    %get3A_1559 = tpu.vector_load %arg7[%get3A_1557, %get3A_1558] {strides = array<i32>} : memref<256x16xf32, #tpu.memory_space<vmem>>, vector<1x16xf32>,
    %get3A_1560 = vector.shape_cast %get3A_1559 : vector<1x16xf32> to vector<16xf32>
    %get3A_1561 = arith.constant 120 : i32
    %get3A_1562 = arith.index_cast %get3A_1561 : i32 to index
    %get3A_1563 = arith.constant 0 : index
    %get3A_1564 = tpu.vector_load %arg8[%get3A_1562, %get3A_1563] {strides = array<i32>} : memref<256x16xf32, #tpu.memory_space<vmem>>, vector<1x16xf32>,
    %get3A_1565 = vector.shape_cast %get3A_1564 : vector<1x16xf32> to vector<16xf32>
    %mul3A_1566 = arith.mulf %get3A_1560, %get3A_1565 : vector<16xf32>
    %get3A_1567 = arith.constant 121 : i32
    %get3A_1568 = arith.index_cast %get3A_1567 : i32 to index
    %get3A_1569 = arith.constant 0 : index
    %get3A_1570 = tpu.vector_load %arg7[%get3A_1568, %get3A_1569] {strides = array<i32>} : memref<256x16xf32, #tpu.memory_space<vmem>>, vector<1x16xf32>,
    %get3A_1571 = vector.shape_cast %get3A_1570 : vector<1x16xf32> to vector<16xf32>
    %get3A_1572 = arith.constant 121 : i32
    %get3A_1573 = arith.index_cast %get3A_1572 : i32 to index
    %get3A_1574 = arith.constant 0 : index
    %get3A_1575 = tpu.vector_load %arg8[%get3A_1573, %get3A_1574] {strides = array<i32>} : memref<256x16xf32, #tpu.memory_space<vmem>>, vector<1x16xf32>,
    %get3A_1576 = vector.shape_cast %get3A_1575 : vector<1x16xf32> to vector<16xf32>
    %mul3A_1577 = arith.mulf %get3A_1571, %get3A_1576 : vector<16xf32>
    %add3A_1578 = arith.addf %mul3A_1566, %mul3A_1577 : vector<16xf32>
    %get3A_1579 = arith.constant 122 : i32
    %get3A_1580 = arith.index_cast %get3A_1579 : i32 to index
    %get3A_1581 = arith.constant 0 : index
    %get3A_1582 = tpu.vector_load %arg7[%get3A_1580, %get3A_1581] {strides = array<i32>} : memref<256x16xf32, #tpu.memory_space<vmem>>, vector<1x16xf32>,
    %get3A_1583 = vector.shape_cast %get3A_1582 : vector<1x16xf32> to vector<16xf32>
    %get3A_1584 = arith.constant 122 : i32
    %get3A_1585 = arith.index_cast %get3A_1584 : i32 to index
    %get3A_1586 = arith.constant 0 : index
    %get3A_1587 = tpu.vector_load %arg8[%get3A_1585, %get3A_1586] {strides = array<i32>} : memref<256x16xf32, #tpu.memory_space<vmem>>, vector<1x16xf32>,
    %get3A_1588 = vector.shape_cast %get3A_1587 : vector<1x16xf32> to vector<16xf32>
    %mul3A_1589 = arith.mulf %get3A_1583, %get3A_1588 : vector<16xf32>
    %add3A_1590 = arith.addf %add3A_1578, %mul3A_1589 : vector<16xf32>
    %get3A_1591 = arith.constant 123 : i32
    %get3A_1592 = arith.index_cast %get3A_1591 : i32 to index
    %get3A_1593 = arith.constant 0 : index
    %get3A_1594 = tpu.vector_load %arg7[%get3A_1592, %get3A_1593] {strides = array<i32>} : memref<256x16xf32, #tpu.memory_space<vmem>>, vector<1x16xf32>,
    %get3A_1595 = vector.shape_cast %get3A_1594 : vector<1x16xf32> to vector<16xf32>
    %get3A_1596 = arith.constant 123 : i32
    %get3A_1597 = arith.index_cast %get3A_1596 : i32 to index
    %get3A_1598 = arith.constant 0 : index
    %get3A_1599 = tpu.vector_load %arg8[%get3A_1597, %get3A_1598] {strides = array<i32>} : memref<256x16xf32, #tpu.memory_space<vmem>>, vector<1x16xf32>,
    %get3A_1600 = vector.shape_cast %get3A_1599 : vector<1x16xf32> to vector<16xf32>
    %mul3A_1601 = arith.mulf %get3A_1595, %get3A_1600 : vector<16xf32>
    %add3A_1602 = arith.addf %add3A_1590, %mul3A_1601 : vector<16xf32>
    %get3A_1603 = arith.constant 124 : i32
    %get3A_1604 = arith.index_cast %get3A_1603 : i32 to index
    %get3A_1605 = arith.constant 0 : index
    %get3A_1606 = tpu.vector_load %arg7[%get3A_1604, %get3A_1605] {strides = array<i32>} : memref<256x16xf32, #tpu.memory_space<vmem>>, vector<1x16xf32>,
    %get3A_1607 = vector.shape_cast %get3A_1606 : vector<1x16xf32> to vector<16xf32>
    %get3A_1608 = arith.constant 124 : i32
    %get3A_1609 = arith.index_cast %get3A_1608 : i32 to index
    %get3A_1610 = arith.constant 0 : index
    %get3A_1611 = tpu.vector_load %arg8[%get3A_1609, %get3A_1610] {strides = array<i32>} : memref<256x16xf32, #tpu.memory_space<vmem>>, vector<1x16xf32>,
    %get3A_1612 = vector.shape_cast %get3A_1611 : vector<1x16xf32> to vector<16xf32>
    %mul3A_1613 = arith.mulf %get3A_1607, %get3A_1612 : vector<16xf32>
    %add3A_1614 = arith.addf %add3A_1602, %mul3A_1613 : vector<16xf32>
    %get3A_1615 = arith.constant 125 : i32
    %get3A_1616 = arith.index_cast %get3A_1615 : i32 to index
    %get3A_1617 = arith.constant 0 : index
    %get3A_1618 = tpu.vector_load %arg7[%get3A_1616, %get3A_1617] {strides = array<i32>} : memref<256x16xf32, #tpu.memory_space<vmem>>, vector<1x16xf32>,
    %get3A_1619 = vector.shape_cast %get3A_1618 : vector<1x16xf32> to vector<16xf32>
    %get3A_1620 = arith.constant 125 : i32
    %get3A_1621 = arith.index_cast %get3A_1620 : i32 to index
    %get3A_1622 = arith.constant 0 : index
    %get3A_1623 = tpu.vector_load %arg8[%get3A_1621, %get3A_1622] {strides = array<i32>} : memref<256x16xf32, #tpu.memory_space<vmem>>, vector<1x16xf32>,
    %get3A_1624 = vector.shape_cast %get3A_1623 : vector<1x16xf32> to vector<16xf32>
    %mul3A_1625 = arith.mulf %get3A_1619, %get3A_1624 : vector<16xf32>
    %add3A_1626 = arith.addf %add3A_1614, %mul3A_1625 : vector<16xf32>
    %get3A_1627 = arith.constant 126 : i32
    %get3A_1628 = arith.index_cast %get3A_1627 : i32 to index
    %get3A_1629 = arith.constant 0 : index
    %get3A_1630 = tpu.vector_load %arg7[%get3A_1628, %get3A_1629] {strides = array<i32>} : memref<256x16xf32, #tpu.memory_space<vmem>>, vector<1x16xf32>,
    %get3A_1631 = vector.shape_cast %get3A_1630 : vector<1x16xf32> to vector<16xf32>
    %get3A_1632 = arith.constant 126 : i32
    %get3A_1633 = arith.index_cast %get3A_1632 : i32 to index
    %get3A_1634 = arith.constant 0 : index
    %get3A_1635 = tpu.vector_load %arg8[%get3A_1633, %get3A_1634] {strides = array<i32>} : memref<256x16xf32, #tpu.memory_space<vmem>>, vector<1x16xf32>,
    %get3A_1636 = vector.shape_cast %get3A_1635 : vector<1x16xf32> to vector<16xf32>
    %mul3A_1637 = arith.mulf %get3A_1631, %get3A_1636 : vector<16xf32>
    %add3A_1638 = arith.addf %add3A_1626, %mul3A_1637 : vector<16xf32>
    %get3A_1639 = arith.constant 127 : i32
    %get3A_1640 = arith.index_cast %get3A_1639 : i32 to index
    %get3A_1641 = arith.constant 0 : index
    %get3A_1642 = tpu.vector_load %arg7[%get3A_1640, %get3A_1641] {strides = array<i32>} : memref<256x16xf32, #tpu.memory_space<vmem>>, vector<1x16xf32>,
    %get3A_1643 = vector.shape_cast %get3A_1642 : vector<1x16xf32> to vector<16xf32>
    %get3A_1644 = arith.constant 127 : i32
    %get3A_1645 = arith.index_cast %get3A_1644 : i32 to index
    %get3A_1646 = arith.constant 0 : index
    %get3A_1647 = tpu.vector_load %arg8[%get3A_1645, %get3A_1646] {strides = array<i32>} : memref<256x16xf32, #tpu.memory_space<vmem>>, vector<1x16xf32>,
    %get3A_1648 = vector.shape_cast %get3A_1647 : vector<1x16xf32> to vector<16xf32>
    %mul3A_1649 = arith.mulf %get3A_1643, %get3A_1648 : vector<16xf32>
    %add3A_1650 = arith.addf %add3A_1638, %mul3A_1649 : vector<16xf32>
    %swap3A_1651 = arith.constant 15 : i32
    %swap3A_1652 = arith.index_cast %swap3A_1651 : i32 to index
    %swap3A_1653 = arith.constant 0 : index
    %swap3A_1654 = tpu.vector_load %arg9[%swap3A_1652, %swap3A_1653] {strides = array<i32>} : memref<32x16xf32, #tpu.memory_space<vmem>>, vector<1x16xf32>,
    %swap3A_1655 = vector.shape_cast %swap3A_1654 : vector<1x16xf32> to vector<16xf32>
    %swap3A_1656 = vector.shape_cast %add3A_1650 : vector<16xf32> to vector<1x16xf32>
    tpu.vector_store %arg9[%swap3A_1652, %swap3A_1653], %swap3A_1656 {strides = array<i32>} : memref<32x16xf32, #tpu.memory_space<vmem>>, vector<1x16xf32>,
    %get3A_1657 = arith.constant 128 : i32
    %get3A_1658 = arith.index_cast %get3A_1657 : i32 to index
    %get3A_1659 = arith.constant 0 : index
    %get3A_1660 = tpu.vector_load %arg7[%get3A_1658, %get3A_1659] {strides = array<i32>} : memref<256x16xf32, #tpu.memory_space<vmem>>, vector<1x16xf32>,
    %get3A_1661 = vector.shape_cast %get3A_1660 : vector<1x16xf32> to vector<16xf32>
    %get3A_1662 = arith.constant 128 : i32
    %get3A_1663 = arith.index_cast %get3A_1662 : i32 to index
    %get3A_1664 = arith.constant 0 : index
    %get3A_1665 = tpu.vector_load %arg8[%get3A_1663, %get3A_1664] {strides = array<i32>} : memref<256x16xf32, #tpu.memory_space<vmem>>, vector<1x16xf32>,
    %get3A_1666 = vector.shape_cast %get3A_1665 : vector<1x16xf32> to vector<16xf32>
    %mul3A_1667 = arith.mulf %get3A_1661, %get3A_1666 : vector<16xf32>
    %get3A_1668 = arith.constant 129 : i32
    %get3A_1669 = arith.index_cast %get3A_1668 : i32 to index
    %get3A_1670 = arith.constant 0 : index
    %get3A_1671 = tpu.vector_load %arg7[%get3A_1669, %get3A_1670] {strides = array<i32>} : memref<256x16xf32, #tpu.memory_space<vmem>>, vector<1x16xf32>,
    %get3A_1672 = vector.shape_cast %get3A_1671 : vector<1x16xf32> to vector<16xf32>
    %get3A_1673 = arith.constant 129 : i32
    %get3A_1674 = arith.index_cast %get3A_1673 : i32 to index
    %get3A_1675 = arith.constant 0 : index
    %get3A_1676 = tpu.vector_load %arg8[%get3A_1674, %get3A_1675] {strides = array<i32>} : memref<256x16xf32, #tpu.memory_space<vmem>>, vector<1x16xf32>,
    %get3A_1677 = vector.shape_cast %get3A_1676 : vector<1x16xf32> to vector<16xf32>
    %mul3A_1678 = arith.mulf %get3A_1672, %get3A_1677 : vector<16xf32>
    %add3A_1679 = arith.addf %mul3A_1667, %mul3A_1678 : vector<16xf32>
    %get3A_1680 = arith.constant 130 : i32
    %get3A_1681 = arith.index_cast %get3A_1680 : i32 to index
    %get3A_1682 = arith.constant 0 : index
    %get3A_1683 = tpu.vector_load %arg7[%get3A_1681, %get3A_1682] {strides = array<i32>} : memref<256x16xf32, #tpu.memory_space<vmem>>, vector<1x16xf32>,
    %get3A_1684 = vector.shape_cast %get3A_1683 : vector<1x16xf32> to vector<16xf32>
    %get3A_1685 = arith.constant 130 : i32
    %get3A_1686 = arith.index_cast %get3A_1685 : i32 to index
    %get3A_1687 = arith.constant 0 : index
    %get3A_1688 = tpu.vector_load %arg8[%get3A_1686, %get3A_1687] {strides = array<i32>} : memref<256x16xf32, #tpu.memory_space<vmem>>, vector<1x16xf32>,
    %get3A_1689 = vector.shape_cast %get3A_1688 : vector<1x16xf32> to vector<16xf32>
    %mul3A_1690 = arith.mulf %get3A_1684, %get3A_1689 : vector<16xf32>
    %add3A_1691 = arith.addf %add3A_1679, %mul3A_1690 : vector<16xf32>
    %get3A_1692 = arith.constant 131 : i32
    %get3A_1693 = arith.index_cast %get3A_1692 : i32 to index
    %get3A_1694 = arith.constant 0 : index
    %get3A_1695 = tpu.vector_load %arg7[%get3A_1693, %get3A_1694] {strides = array<i32>} : memref<256x16xf32, #tpu.memory_space<vmem>>, vector<1x16xf32>,
    %get3A_1696 = vector.shape_cast %get3A_1695 : vector<1x16xf32> to vector<16xf32>
    %get3A_1697 = arith.constant 131 : i32
    %get3A_1698 = arith.index_cast %get3A_1697 : i32 to index
    %get3A_1699 = arith.constant 0 : index
    %get3A_1700 = tpu.vector_load %arg8[%get3A_1698, %get3A_1699] {strides = array<i32>} : memref<256x16xf32, #tpu.memory_space<vmem>>, vector<1x16xf32>,
    %get3A_1701 = vector.shape_cast %get3A_1700 : vector<1x16xf32> to vector<16xf32>
    %mul3A_1702 = arith.mulf %get3A_1696, %get3A_1701 : vector<16xf32>
    %add3A_1703 = arith.addf %add3A_1691, %mul3A_1702 : vector<16xf32>
    %get3A_1704 = arith.constant 132 : i32
    %get3A_1705 = arith.index_cast %get3A_1704 : i32 to index
    %get3A_1706 = arith.constant 0 : index
    %get3A_1707 = tpu.vector_load %arg7[%get3A_1705, %get3A_1706] {strides = array<i32>} : memref<256x16xf32, #tpu.memory_space<vmem>>, vector<1x16xf32>,
    %get3A_1708 = vector.shape_cast %get3A_1707 : vector<1x16xf32> to vector<16xf32>
    %get3A_1709 = arith.constant 132 : i32
    %get3A_1710 = arith.index_cast %get3A_1709 : i32 to index
    %get3A_1711 = arith.constant 0 : index
    %get3A_1712 = tpu.vector_load %arg8[%get3A_1710, %get3A_1711] {strides = array<i32>} : memref<256x16xf32, #tpu.memory_space<vmem>>, vector<1x16xf32>,
    %get3A_1713 = vector.shape_cast %get3A_1712 : vector<1x16xf32> to vector<16xf32>
    %mul3A_1714 = arith.mulf %get3A_1708, %get3A_1713 : vector<16xf32>
    %add3A_1715 = arith.addf %add3A_1703, %mul3A_1714 : vector<16xf32>
    %get3A_1716 = arith.constant 133 : i32
    %get3A_1717 = arith.index_cast %get3A_1716 : i32 to index
    %get3A_1718 = arith.constant 0 : index
    %get3A_1719 = tpu.vector_load %arg7[%get3A_1717, %get3A_1718] {strides = array<i32>} : memref<256x16xf32, #tpu.memory_space<vmem>>, vector<1x16xf32>,
    %get3A_1720 = vector.shape_cast %get3A_1719 : vector<1x16xf32> to vector<16xf32>
    %get3A_1721 = arith.constant 133 : i32
    %get3A_1722 = arith.index_cast %get3A_1721 : i32 to index
    %get3A_1723 = arith.constant 0 : index
    %get3A_1724 = tpu.vector_load %arg8[%get3A_1722, %get3A_1723] {strides = array<i32>} : memref<256x16xf32, #tpu.memory_space<vmem>>, vector<1x16xf32>,
    %get3A_1725 = vector.shape_cast %get3A_1724 : vector<1x16xf32> to vector<16xf32>
    %mul3A_1726 = arith.mulf %get3A_1720, %get3A_1725 : vector<16xf32>
    %add3A_1727 = arith.addf %add3A_1715, %mul3A_1726 : vector<16xf32>
    %get3A_1728 = arith.constant 134 : i32
    %get3A_1729 = arith.index_cast %get3A_1728 : i32 to index
    %get3A_1730 = arith.constant 0 : index
    %get3A_1731 = tpu.vector_load %arg7[%get3A_1729, %get3A_1730] {strides = array<i32>} : memref<256x16xf32, #tpu.memory_space<vmem>>, vector<1x16xf32>,
    %get3A_1732 = vector.shape_cast %get3A_1731 : vector<1x16xf32> to vector<16xf32>
    %get3A_1733 = arith.constant 134 : i32
    %get3A_1734 = arith.index_cast %get3A_1733 : i32 to index
    %get3A_1735 = arith.constant 0 : index
    %get3A_1736 = tpu.vector_load %arg8[%get3A_1734, %get3A_1735] {strides = array<i32>} : memref<256x16xf32, #tpu.memory_space<vmem>>, vector<1x16xf32>,
    %get3A_1737 = vector.shape_cast %get3A_1736 : vector<1x16xf32> to vector<16xf32>
    %mul3A_1738 = arith.mulf %get3A_1732, %get3A_1737 : vector<16xf32>
    %add3A_1739 = arith.addf %add3A_1727, %mul3A_1738 : vector<16xf32>
    %get3A_1740 = arith.constant 135 : i32
    %get3A_1741 = arith.index_cast %get3A_1740 : i32 to index
    %get3A_1742 = arith.constant 0 : index
    %get3A_1743 = tpu.vector_load %arg7[%get3A_1741, %get3A_1742] {strides = array<i32>} : memref<256x16xf32, #tpu.memory_space<vmem>>, vector<1x16xf32>,
    %get3A_1744 = vector.shape_cast %get3A_1743 : vector<1x16xf32> to vector<16xf32>
    %get3A_1745 = arith.constant 135 : i32
    %get3A_1746 = arith.index_cast %get3A_1745 : i32 to index
    %get3A_1747 = arith.constant 0 : index
    %get3A_1748 = tpu.vector_load %arg8[%get3A_1746, %get3A_1747] {strides = array<i32>} : memref<256x16xf32, #tpu.memory_space<vmem>>, vector<1x16xf32>,
    %get3A_1749 = vector.shape_cast %get3A_1748 : vector<1x16xf32> to vector<16xf32>
    %mul3A_1750 = arith.mulf %get3A_1744, %get3A_1749 : vector<16xf32>
    %add3A_1751 = arith.addf %add3A_1739, %mul3A_1750 : vector<16xf32>
    %swap3A_1752 = arith.constant 16 : i32
    %swap3A_1753 = arith.index_cast %swap3A_1752 : i32 to index
    %swap3A_1754 = arith.constant 0 : index
    %swap3A_1755 = tpu.vector_load %arg9[%swap3A_1753, %swap3A_1754] {strides = array<i32>} : memref<32x16xf32, #tpu.memory_space<vmem>>, vector<1x16xf32>,
    %swap3A_1756 = vector.shape_cast %swap3A_1755 : vector<1x16xf32> to vector<16xf32>
    %swap3A_1757 = vector.shape_cast %add3A_1751 : vector<16xf32> to vector<1x16xf32>
    tpu.vector_store %arg9[%swap3A_1753, %swap3A_1754], %swap3A_1757 {strides = array<i32>} : memref<32x16xf32, #tpu.memory_space<vmem>>, vector<1x16xf32>,
    %get3A_1758 = arith.constant 136 : i32
    %get3A_1759 = arith.index_cast %get3A_1758 : i32 to index
    %get3A_1760 = arith.constant 0 : index
    %get3A_1761 = tpu.vector_load %arg7[%get3A_1759, %get3A_1760] {strides = array<i32>} : memref<256x16xf32, #tpu.memory_space<vmem>>, vector<1x16xf32>,
    %get3A_1762 = vector.shape_cast %get3A_1761 : vector<1x16xf32> to vector<16xf32>
    %get3A_1763 = arith.constant 136 : i32
    %get3A_1764 = arith.index_cast %get3A_1763 : i32 to index
    %get3A_1765 = arith.constant 0 : index
    %get3A_1766 = tpu.vector_load %arg8[%get3A_1764, %get3A_1765] {strides = array<i32>} : memref<256x16xf32, #tpu.memory_space<vmem>>, vector<1x16xf32>,
    %get3A_1767 = vector.shape_cast %get3A_1766 : vector<1x16xf32> to vector<16xf32>
    %mul3A_1768 = arith.mulf %get3A_1762, %get3A_1767 : vector<16xf32>
    %get3A_1769 = arith.constant 137 : i32
    %get3A_1770 = arith.index_cast %get3A_1769 : i32 to index
    %get3A_1771 = arith.constant 0 : index
    %get3A_1772 = tpu.vector_load %arg7[%get3A_1770, %get3A_1771] {strides = array<i32>} : memref<256x16xf32, #tpu.memory_space<vmem>>, vector<1x16xf32>,
    %get3A_1773 = vector.shape_cast %get3A_1772 : vector<1x16xf32> to vector<16xf32>
    %get3A_1774 = arith.constant 137 : i32
    %get3A_1775 = arith.index_cast %get3A_1774 : i32 to index
    %get3A_1776 = arith.constant 0 : index
    %get3A_1777 = tpu.vector_load %arg8[%get3A_1775, %get3A_1776] {strides = array<i32>} : memref<256x16xf32, #tpu.memory_space<vmem>>, vector<1x16xf32>,
    %get3A_1778 = vector.shape_cast %get3A_1777 : vector<1x16xf32> to vector<16xf32>
    %mul3A_1779 = arith.mulf %get3A_1773, %get3A_1778 : vector<16xf32>
    %add3A_1780 = arith.addf %mul3A_1768, %mul3A_1779 : vector<16xf32>
    %get3A_1781 = arith.constant 138 : i32
    %get3A_1782 = arith.index_cast %get3A_1781 : i32 to index
    %get3A_1783 = arith.constant 0 : index
    %get3A_1784 = tpu.vector_load %arg7[%get3A_1782, %get3A_1783] {strides = array<i32>} : memref<256x16xf32, #tpu.memory_space<vmem>>, vector<1x16xf32>,
    %get3A_1785 = vector.shape_cast %get3A_1784 : vector<1x16xf32> to vector<16xf32>
    %get3A_1786 = arith.constant 138 : i32
    %get3A_1787 = arith.index_cast %get3A_1786 : i32 to index
    %get3A_1788 = arith.constant 0 : index
    %get3A_1789 = tpu.vector_load %arg8[%get3A_1787, %get3A_1788] {strides = array<i32>} : memref<256x16xf32, #tpu.memory_space<vmem>>, vector<1x16xf32>,
    %get3A_1790 = vector.shape_cast %get3A_1789 : vector<1x16xf32> to vector<16xf32>
    %mul3A_1791 = arith.mulf %get3A_1785, %get3A_1790 : vector<16xf32>
    %add3A_1792 = arith.addf %add3A_1780, %mul3A_1791 : vector<16xf32>
    %get3A_1793 = arith.constant 139 : i32
    %get3A_1794 = arith.index_cast %get3A_1793 : i32 to index
    %get3A_1795 = arith.constant 0 : index
    %get3A_1796 = tpu.vector_load %arg7[%get3A_1794, %get3A_1795] {strides = array<i32>} : memref<256x16xf32, #tpu.memory_space<vmem>>, vector<1x16xf32>,
    %get3A_1797 = vector.shape_cast %get3A_1796 : vector<1x16xf32> to vector<16xf32>
    %get3A_1798 = arith.constant 139 : i32
    %get3A_1799 = arith.index_cast %get3A_1798 : i32 to index
    %get3A_1800 = arith.constant 0 : index
    %get3A_1801 = tpu.vector_load %arg8[%get3A_1799, %get3A_1800] {strides = array<i32>} : memref<256x16xf32, #tpu.memory_space<vmem>>, vector<1x16xf32>,
    %get3A_1802 = vector.shape_cast %get3A_1801 : vector<1x16xf32> to vector<16xf32>
    %mul3A_1803 = arith.mulf %get3A_1797, %get3A_1802 : vector<16xf32>
    %add3A_1804 = arith.addf %add3A_1792, %mul3A_1803 : vector<16xf32>
    %get3A_1805 = arith.constant 140 : i32
    %get3A_1806 = arith.index_cast %get3A_1805 : i32 to index
    %get3A_1807 = arith.constant 0 : index
    %get3A_1808 = tpu.vector_load %arg7[%get3A_1806, %get3A_1807] {strides = array<i32>} : memref<256x16xf32, #tpu.memory_space<vmem>>, vector<1x16xf32>,
    %get3A_1809 = vector.shape_cast %get3A_1808 : vector<1x16xf32> to vector<16xf32>
    %get3A_1810 = arith.constant 140 : i32
    %get3A_1811 = arith.index_cast %get3A_1810 : i32 to index
    %get3A_1812 = arith.constant 0 : index
    %get3A_1813 = tpu.vector_load %arg8[%get3A_1811, %get3A_1812] {strides = array<i32>} : memref<256x16xf32, #tpu.memory_space<vmem>>, vector<1x16xf32>,
    %get3A_1814 = vector.shape_cast %get3A_1813 : vector<1x16xf32> to vector<16xf32>
    %mul3A_1815 = arith.mulf %get3A_1809, %get3A_1814 : vector<16xf32>
    %add3A_1816 = arith.addf %add3A_1804, %mul3A_1815 : vector<16xf32>
    %get3A_1817 = arith.constant 141 : i32
    %get3A_1818 = arith.index_cast %get3A_1817 : i32 to index
    %get3A_1819 = arith.constant 0 : index
    %get3A_1820 = tpu.vector_load %arg7[%get3A_1818, %get3A_1819] {strides = array<i32>} : memref<256x16xf32, #tpu.memory_space<vmem>>, vector<1x16xf32>,
    %get3A_1821 = vector.shape_cast %get3A_1820 : vector<1x16xf32> to vector<16xf32>
    %get3A_1822 = arith.constant 141 : i32
    %get3A_1823 = arith.index_cast %get3A_1822 : i32 to index
    %get3A_1824 = arith.constant 0 : index
    %get3A_1825 = tpu.vector_load %arg8[%get3A_1823, %get3A_1824] {strides = array<i32>} : memref<256x16xf32, #tpu.memory_space<vmem>>, vector<1x16xf32>,
    %get3A_1826 = vector.shape_cast %get3A_1825 : vector<1x16xf32> to vector<16xf32>
    %mul3A_1827 = arith.mulf %get3A_1821, %get3A_1826 : vector<16xf32>
    %add3A_1828 = arith.addf %add3A_1816, %mul3A_1827 : vector<16xf32>
    %get3A_1829 = arith.constant 142 : i32
    %get3A_1830 = arith.index_cast %get3A_1829 : i32 to index
    %get3A_1831 = arith.constant 0 : index
    %get3A_1832 = tpu.vector_load %arg7[%get3A_1830, %get3A_1831] {strides = array<i32>} : memref<256x16xf32, #tpu.memory_space<vmem>>, vector<1x16xf32>,
    %get3A_1833 = vector.shape_cast %get3A_1832 : vector<1x16xf32> to vector<16xf32>
    %get3A_1834 = arith.constant 142 : i32
    %get3A_1835 = arith.index_cast %get3A_1834 : i32 to index
    %get3A_1836 = arith.constant 0 : index
    %get3A_1837 = tpu.vector_load %arg8[%get3A_1835, %get3A_1836] {strides = array<i32>} : memref<256x16xf32, #tpu.memory_space<vmem>>, vector<1x16xf32>,
    %get3A_1838 = vector.shape_cast %get3A_1837 : vector<1x16xf32> to vector<16xf32>
    %mul3A_1839 = arith.mulf %get3A_1833, %get3A_1838 : vector<16xf32>
    %add3A_1840 = arith.addf %add3A_1828, %mul3A_1839 : vector<16xf32>
    %get3A_1841 = arith.constant 143 : i32
    %get3A_1842 = arith.index_cast %get3A_1841 : i32 to index
    %get3A_1843 = arith.constant 0 : index
    %get3A_1844 = tpu.vector_load %arg7[%get3A_1842, %get3A_1843] {strides = array<i32>} : memref<256x16xf32, #tpu.memory_space<vmem>>, vector<1x16xf32>,
    %get3A_1845 = vector.shape_cast %get3A_1844 : vector<1x16xf32> to vector<16xf32>
    %get3A_1846 = arith.constant 143 : i32
    %get3A_1847 = arith.index_cast %get3A_1846 : i32 to index
    %get3A_1848 = arith.constant 0 : index
    %get3A_1849 = tpu.vector_load %arg8[%get3A_1847, %get3A_1848] {strides = array<i32>} : memref<256x16xf32, #tpu.memory_space<vmem>>, vector<1x16xf32>,
    %get3A_1850 = vector.shape_cast %get3A_1849 : vector<1x16xf32> to vector<16xf32>
    %mul3A_1851 = arith.mulf %get3A_1845, %get3A_1850 : vector<16xf32>
    %add3A_1852 = arith.addf %add3A_1840, %mul3A_1851 : vector<16xf32>
    %swap3A_1853 = arith.constant 17 : i32
    %swap3A_1854 = arith.index_cast %swap3A_1853 : i32 to index
    %swap3A_1855 = arith.constant 0 : index
    %swap3A_1856 = tpu.vector_load %arg9[%swap3A_1854, %swap3A_1855] {strides = array<i32>} : memref<32x16xf32, #tpu.memory_space<vmem>>, vector<1x16xf32>,
    %swap3A_1857 = vector.shape_cast %swap3A_1856 : vector<1x16xf32> to vector<16xf32>
    %swap3A_1858 = vector.shape_cast %add3A_1852 : vector<16xf32> to vector<1x16xf32>
    tpu.vector_store %arg9[%swap3A_1854, %swap3A_1855], %swap3A_1858 {strides = array<i32>} : memref<32x16xf32, #tpu.memory_space<vmem>>, vector<1x16xf32>,
    %get3A_1859 = arith.constant 144 : i32
    %get3A_1860 = arith.index_cast %get3A_1859 : i32 to index
    %get3A_1861 = arith.constant 0 : index
    %get3A_1862 = tpu.vector_load %arg7[%get3A_1860, %get3A_1861] {strides = array<i32>} : memref<256x16xf32, #tpu.memory_space<vmem>>, vector<1x16xf32>,
    %get3A_1863 = vector.shape_cast %get3A_1862 : vector<1x16xf32> to vector<16xf32>
    %get3A_1864 = arith.constant 144 : i32
    %get3A_1865 = arith.index_cast %get3A_1864 : i32 to index
    %get3A_1866 = arith.constant 0 : index
    %get3A_1867 = tpu.vector_load %arg8[%get3A_1865, %get3A_1866] {strides = array<i32>} : memref<256x16xf32, #tpu.memory_space<vmem>>, vector<1x16xf32>,
    %get3A_1868 = vector.shape_cast %get3A_1867 : vector<1x16xf32> to vector<16xf32>
    %mul3A_1869 = arith.mulf %get3A_1863, %get3A_1868 : vector<16xf32>
    %get3A_1870 = arith.constant 145 : i32
    %get3A_1871 = arith.index_cast %get3A_1870 : i32 to index
    %get3A_1872 = arith.constant 0 : index
    %get3A_1873 = tpu.vector_load %arg7[%get3A_1871, %get3A_1872] {strides = array<i32>} : memref<256x16xf32, #tpu.memory_space<vmem>>, vector<1x16xf32>,
    %get3A_1874 = vector.shape_cast %get3A_1873 : vector<1x16xf32> to vector<16xf32>
    %get3A_1875 = arith.constant 145 : i32
    %get3A_1876 = arith.index_cast %get3A_1875 : i32 to index
    %get3A_1877 = arith.constant 0 : index
    %get3A_1878 = tpu.vector_load %arg8[%get3A_1876, %get3A_1877] {strides = array<i32>} : memref<256x16xf32, #tpu.memory_space<vmem>>, vector<1x16xf32>,
    %get3A_1879 = vector.shape_cast %get3A_1878 : vector<1x16xf32> to vector<16xf32>
    %mul3A_1880 = arith.mulf %get3A_1874, %get3A_1879 : vector<16xf32>
    %add3A_1881 = arith.addf %mul3A_1869, %mul3A_1880 : vector<16xf32>
    %get3A_1882 = arith.constant 146 : i32
    %get3A_1883 = arith.index_cast %get3A_1882 : i32 to index
    %get3A_1884 = arith.constant 0 : index
    %get3A_1885 = tpu.vector_load %arg7[%get3A_1883, %get3A_1884] {strides = array<i32>} : memref<256x16xf32, #tpu.memory_space<vmem>>, vector<1x16xf32>,
    %get3A_1886 = vector.shape_cast %get3A_1885 : vector<1x16xf32> to vector<16xf32>
    %get3A_1887 = arith.constant 146 : i32
    %get3A_1888 = arith.index_cast %get3A_1887 : i32 to index
    %get3A_1889 = arith.constant 0 : index
    %get3A_1890 = tpu.vector_load %arg8[%get3A_1888, %get3A_1889] {strides = array<i32>} : memref<256x16xf32, #tpu.memory_space<vmem>>, vector<1x16xf32>,
    %get3A_1891 = vector.shape_cast %get3A_1890 : vector<1x16xf32> to vector<16xf32>
    %mul3A_1892 = arith.mulf %get3A_1886, %get3A_1891 : vector<16xf32>
    %add3A_1893 = arith.addf %add3A_1881, %mul3A_1892 : vector<16xf32>
    %get3A_1894 = arith.constant 147 : i32
    %get3A_1895 = arith.index_cast %get3A_1894 : i32 to index
    %get3A_1896 = arith.constant 0 : index
    %get3A_1897 = tpu.vector_load %arg7[%get3A_1895, %get3A_1896] {strides = array<i32>} : memref<256x16xf32, #tpu.memory_space<vmem>>, vector<1x16xf32>,
    %get3A_1898 = vector.shape_cast %get3A_1897 : vector<1x16xf32> to vector<16xf32>
    %get3A_1899 = arith.constant 147 : i32
    %get3A_1900 = arith.index_cast %get3A_1899 : i32 to index
    %get3A_1901 = arith.constant 0 : index
    %get3A_1902 = tpu.vector_load %arg8[%get3A_1900, %get3A_1901] {strides = array<i32>} : memref<256x16xf32, #tpu.memory_space<vmem>>, vector<1x16xf32>,
    %get3A_1903 = vector.shape_cast %get3A_1902 : vector<1x16xf32> to vector<16xf32>
    %mul3A_1904 = arith.mulf %get3A_1898, %get3A_1903 : vector<16xf32>
    %add3A_1905 = arith.addf %add3A_1893, %mul3A_1904 : vector<16xf32>
    %get3A_1906 = arith.constant 148 : i32
    %get3A_1907 = arith.index_cast %get3A_1906 : i32 to index
    %get3A_1908 = arith.constant 0 : index
    %get3A_1909 = tpu.vector_load %arg7[%get3A_1907, %get3A_1908] {strides = array<i32>} : memref<256x16xf32, #tpu.memory_space<vmem>>, vector<1x16xf32>,
    %get3A_1910 = vector.shape_cast %get3A_1909 : vector<1x16xf32> to vector<16xf32>
    %get3A_1911 = arith.constant 148 : i32
    %get3A_1912 = arith.index_cast %get3A_1911 : i32 to index
    %get3A_1913 = arith.constant 0 : index
    %get3A_1914 = tpu.vector_load %arg8[%get3A_1912, %get3A_1913] {strides = array<i32>} : memref<256x16xf32, #tpu.memory_space<vmem>>, vector<1x16xf32>,
    %get3A_1915 = vector.shape_cast %get3A_1914 : vector<1x16xf32> to vector<16xf32>
    %mul3A_1916 = arith.mulf %get3A_1910, %get3A_1915 : vector<16xf32>
    %add3A_1917 = arith.addf %add3A_1905, %mul3A_1916 : vector<16xf32>
    %get3A_1918 = arith.constant 149 : i32
    %get3A_1919 = arith.index_cast %get3A_1918 : i32 to index
    %get3A_1920 = arith.constant 0 : index
    %get3A_1921 = tpu.vector_load %arg7[%get3A_1919, %get3A_1920] {strides = array<i32>} : memref<256x16xf32, #tpu.memory_space<vmem>>, vector<1x16xf32>,
    %get3A_1922 = vector.shape_cast %get3A_1921 : vector<1x16xf32> to vector<16xf32>
    %get3A_1923 = arith.constant 149 : i32
    %get3A_1924 = arith.index_cast %get3A_1923 : i32 to index
    %get3A_1925 = arith.constant 0 : index
    %get3A_1926 = tpu.vector_load %arg8[%get3A_1924, %get3A_1925] {strides = array<i32>} : memref<256x16xf32, #tpu.memory_space<vmem>>, vector<1x16xf32>,
    %get3A_1927 = vector.shape_cast %get3A_1926 : vector<1x16xf32> to vector<16xf32>
    %mul3A_1928 = arith.mulf %get3A_1922, %get3A_1927 : vector<16xf32>
    %add3A_1929 = arith.addf %add3A_1917, %mul3A_1928 : vector<16xf32>
    %get3A_1930 = arith.constant 150 : i32
    %get3A_1931 = arith.index_cast %get3A_1930 : i32 to index
    %get3A_1932 = arith.constant 0 : index
    %get3A_1933 = tpu.vector_load %arg7[%get3A_1931, %get3A_1932] {strides = array<i32>} : memref<256x16xf32, #tpu.memory_space<vmem>>, vector<1x16xf32>,
    %get3A_1934 = vector.shape_cast %get3A_1933 : vector<1x16xf32> to vector<16xf32>
    %get3A_1935 = arith.constant 150 : i32
    %get3A_1936 = arith.index_cast %get3A_1935 : i32 to index
    %get3A_1937 = arith.constant 0 : index
    %get3A_1938 = tpu.vector_load %arg8[%get3A_1936, %get3A_1937] {strides = array<i32>} : memref<256x16xf32, #tpu.memory_space<vmem>>, vector<1x16xf32>,
    %get3A_1939 = vector.shape_cast %get3A_1938 : vector<1x16xf32> to vector<16xf32>
    %mul3A_1940 = arith.mulf %get3A_1934, %get3A_1939 : vector<16xf32>
    %add3A_1941 = arith.addf %add3A_1929, %mul3A_1940 : vector<16xf32>
    %get3A_1942 = arith.constant 151 : i32
    %get3A_1943 = arith.index_cast %get3A_1942 : i32 to index
    %get3A_1944 = arith.constant 0 : index
    %get3A_1945 = tpu.vector_load %arg7[%get3A_1943, %get3A_1944] {strides = array<i32>} : memref<256x16xf32, #tpu.memory_space<vmem>>, vector<1x16xf32>,
    %get3A_1946 = vector.shape_cast %get3A_1945 : vector<1x16xf32> to vector<16xf32>
    %get3A_1947 = arith.constant 151 : i32
    %get3A_1948 = arith.index_cast %get3A_1947 : i32 to index
    %get3A_1949 = arith.constant 0 : index
    %get3A_1950 = tpu.vector_load %arg8[%get3A_1948, %get3A_1949] {strides = array<i32>} : memref<256x16xf32, #tpu.memory_space<vmem>>, vector<1x16xf32>,
    %get3A_1951 = vector.shape_cast %get3A_1950 : vector<1x16xf32> to vector<16xf32>
    %mul3A_1952 = arith.mulf %get3A_1946, %get3A_1951 : vector<16xf32>
    %add3A_1953 = arith.addf %add3A_1941, %mul3A_1952 : vector<16xf32>
    %swap3A_1954 = arith.constant 18 : i32
    %swap3A_1955 = arith.index_cast %swap3A_1954 : i32 to index
    %swap3A_1956 = arith.constant 0 : index
    %swap3A_1957 = tpu.vector_load %arg9[%swap3A_1955, %swap3A_1956] {strides = array<i32>} : memref<32x16xf32, #tpu.memory_space<vmem>>, vector<1x16xf32>,
    %swap3A_1958 = vector.shape_cast %swap3A_1957 : vector<1x16xf32> to vector<16xf32>
    %swap3A_1959 = vector.shape_cast %add3A_1953 : vector<16xf32> to vector<1x16xf32>
    tpu.vector_store %arg9[%swap3A_1955, %swap3A_1956], %swap3A_1959 {strides = array<i32>} : memref<32x16xf32, #tpu.memory_space<vmem>>, vector<1x16xf32>,
    %get3A_1960 = arith.constant 152 : i32
    %get3A_1961 = arith.index_cast %get3A_1960 : i32 to index
    %get3A_1962 = arith.constant 0 : index
    %get3A_1963 = tpu.vector_load %arg7[%get3A_1961, %get3A_1962] {strides = array<i32>} : memref<256x16xf32, #tpu.memory_space<vmem>>, vector<1x16xf32>,
    %get3A_1964 = vector.shape_cast %get3A_1963 : vector<1x16xf32> to vector<16xf32>
    %get3A_1965 = arith.constant 152 : i32
    %get3A_1966 = arith.index_cast %get3A_1965 : i32 to index
    %get3A_1967 = arith.constant 0 : index
    %get3A_1968 = tpu.vector_load %arg8[%get3A_1966, %get3A_1967] {strides = array<i32>} : memref<256x16xf32, #tpu.memory_space<vmem>>, vector<1x16xf32>,
    %get3A_1969 = vector.shape_cast %get3A_1968 : vector<1x16xf32> to vector<16xf32>
    %mul3A_1970 = arith.mulf %get3A_1964, %get3A_1969 : vector<16xf32>
    %get3A_1971 = arith.constant 153 : i32
    %get3A_1972 = arith.index_cast %get3A_1971 : i32 to index
    %get3A_1973 = arith.constant 0 : index
    %get3A_1974 = tpu.vector_load %arg7[%get3A_1972, %get3A_1973] {strides = array<i32>} : memref<256x16xf32, #tpu.memory_space<vmem>>, vector<1x16xf32>,
    %get3A_1975 = vector.shape_cast %get3A_1974 : vector<1x16xf32> to vector<16xf32>
    %get3A_1976 = arith.constant 153 : i32
    %get3A_1977 = arith.index_cast %get3A_1976 : i32 to index
    %get3A_1978 = arith.constant 0 : index
    %get3A_1979 = tpu.vector_load %arg8[%get3A_1977, %get3A_1978] {strides = array<i32>} : memref<256x16xf32, #tpu.memory_space<vmem>>, vector<1x16xf32>,
    %get3A_1980 = vector.shape_cast %get3A_1979 : vector<1x16xf32> to vector<16xf32>
    %mul3A_1981 = arith.mulf %get3A_1975, %get3A_1980 : vector<16xf32>
    %add3A_1982 = arith.addf %mul3A_1970, %mul3A_1981 : vector<16xf32>
    %get3A_1983 = arith.constant 154 : i32
    %get3A_1984 = arith.index_cast %get3A_1983 : i32 to index
    %get3A_1985 = arith.constant 0 : index
    %get3A_1986 = tpu.vector_load %arg7[%get3A_1984, %get3A_1985] {strides = array<i32>} : memref<256x16xf32, #tpu.memory_space<vmem>>, vector<1x16xf32>,
    %get3A_1987 = vector.shape_cast %get3A_1986 : vector<1x16xf32> to vector<16xf32>
    %get3A_1988 = arith.constant 154 : i32
    %get3A_1989 = arith.index_cast %get3A_1988 : i32 to index
    %get3A_1990 = arith.constant 0 : index
    %get3A_1991 = tpu.vector_load %arg8[%get3A_1989, %get3A_1990] {strides = array<i32>} : memref<256x16xf32, #tpu.memory_space<vmem>>, vector<1x16xf32>,
    %get3A_1992 = vector.shape_cast %get3A_1991 : vector<1x16xf32> to vector<16xf32>
    %mul3A_1993 = arith.mulf %get3A_1987, %get3A_1992 : vector<16xf32>
    %add3A_1994 = arith.addf %add3A_1982, %mul3A_1993 : vector<16xf32>
    %get3A_1995 = arith.constant 155 : i32
    %get3A_1996 = arith.index_cast %get3A_1995 : i32 to index
    %get3A_1997 = arith.constant 0 : index
    %get3A_1998 = tpu.vector_load %arg7[%get3A_1996, %get3A_1997] {strides = array<i32>} : memref<256x16xf32, #tpu.memory_space<vmem>>, vector<1x16xf32>,
    %get3A_1999 = vector.shape_cast %get3A_1998 : vector<1x16xf32> to vector<16xf32>
    %get3A_2000 = arith.constant 155 : i32
    %get3A_2001 = arith.index_cast %get3A_2000 : i32 to index
    %get3A_2002 = arith.constant 0 : index
    %get3A_2003 = tpu.vector_load %arg8[%get3A_2001, %get3A_2002] {strides = array<i32>} : memref<256x16xf32, #tpu.memory_space<vmem>>, vector<1x16xf32>,
    %get3A_2004 = vector.shape_cast %get3A_2003 : vector<1x16xf32> to vector<16xf32>
    %mul3A_2005 = arith.mulf %get3A_1999, %get3A_2004 : vector<16xf32>
    %add3A_2006 = arith.addf %add3A_1994, %mul3A_2005 : vector<16xf32>
    %get3A_2007 = arith.constant 156 : i32
    %get3A_2008 = arith.index_cast %get3A_2007 : i32 to index
    %get3A_2009 = arith.constant 0 : index
    %get3A_2010 = tpu.vector_load %arg7[%get3A_2008, %get3A_2009] {strides = array<i32>} : memref<256x16xf32, #tpu.memory_space<vmem>>, vector<1x16xf32>,
    %get3A_2011 = vector.shape_cast %get3A_2010 : vector<1x16xf32> to vector<16xf32>
    %get3A_2012 = arith.constant 156 : i32
    %get3A_2013 = arith.index_cast %get3A_2012 : i32 to index
    %get3A_2014 = arith.constant 0 : index
    %get3A_2015 = tpu.vector_load %arg8[%get3A_2013, %get3A_2014] {strides = array<i32>} : memref<256x16xf32, #tpu.memory_space<vmem>>, vector<1x16xf32>,
    %get3A_2016 = vector.shape_cast %get3A_2015 : vector<1x16xf32> to vector<16xf32>
    %mul3A_2017 = arith.mulf %get3A_2011, %get3A_2016 : vector<16xf32>
    %add3A_2018 = arith.addf %add3A_2006, %mul3A_2017 : vector<16xf32>
    %get3A_2019 = arith.constant 157 : i32
    %get3A_2020 = arith.index_cast %get3A_2019 : i32 to index
    %get3A_2021 = arith.constant 0 : index
    %get3A_2022 = tpu.vector_load %arg7[%get3A_2020, %get3A_2021] {strides = array<i32>} : memref<256x16xf32, #tpu.memory_space<vmem>>, vector<1x16xf32>,
    %get3A_2023 = vector.shape_cast %get3A_2022 : vector<1x16xf32> to vector<16xf32>
    %get3A_2024 = arith.constant 157 : i32
    %get3A_2025 = arith.index_cast %get3A_2024 : i32 to index
    %get3A_2026 = arith.constant 0 : index
    %get3A_2027 = tpu.vector_load %arg8[%get3A_2025, %get3A_2026] {strides = array<i32>} : memref<256x16xf32, #tpu.memory_space<vmem>>, vector<1x16xf32>,
    %get3A_2028 = vector.shape_cast %get3A_2027 : vector<1x16xf32> to vector<16xf32>
    %mul3A_2029 = arith.mulf %get3A_2023, %get3A_2028 : vector<16xf32>
    %add3A_2030 = arith.addf %add3A_2018, %mul3A_2029 : vector<16xf32>
    %get3A_2031 = arith.constant 158 : i32
    %get3A_2032 = arith.index_cast %get3A_2031 : i32 to index
    %get3A_2033 = arith.constant 0 : index
    %get3A_2034 = tpu.vector_load %arg7[%get3A_2032, %get3A_2033] {strides = array<i32>} : memref<256x16xf32, #tpu.memory_space<vmem>>, vector<1x16xf32>,
    %get3A_2035 = vector.shape_cast %get3A_2034 : vector<1x16xf32> to vector<16xf32>
    %get3A_2036 = arith.constant 158 : i32
    %get3A_2037 = arith.index_cast %get3A_2036 : i32 to index
    %get3A_2038 = arith.constant 0 : index
    %get3A_2039 = tpu.vector_load %arg8[%get3A_2037, %get3A_2038] {strides = array<i32>} : memref<256x16xf32, #tpu.memory_space<vmem>>, vector<1x16xf32>,
    %get3A_2040 = vector.shape_cast %get3A_2039 : vector<1x16xf32> to vector<16xf32>
    %mul3A_2041 = arith.mulf %get3A_2035, %get3A_2040 : vector<16xf32>
    %add3A_2042 = arith.addf %add3A_2030, %mul3A_2041 : vector<16xf32>
    %get3A_2043 = arith.constant 159 : i32
    %get3A_2044 = arith.index_cast %get3A_2043 : i32 to index
    %get3A_2045 = arith.constant 0 : index
    %get3A_2046 = tpu.vector_load %arg7[%get3A_2044, %get3A_2045] {strides = array<i32>} : memref<256x16xf32, #tpu.memory_space<vmem>>, vector<1x16xf32>,
    %get3A_2047 = vector.shape_cast %get3A_2046 : vector<1x16xf32> to vector<16xf32>
    %get3A_2048 = arith.constant 159 : i32
    %get3A_2049 = arith.index_cast %get3A_2048 : i32 to index
    %get3A_2050 = arith.constant 0 : index
    %get3A_2051 = tpu.vector_load %arg8[%get3A_2049, %get3A_2050] {strides = array<i32>} : memref<256x16xf32, #tpu.memory_space<vmem>>, vector<1x16xf32>,
    %get3A_2052 = vector.shape_cast %get3A_2051 : vector<1x16xf32> to vector<16xf32>
    %mul3A_2053 = arith.mulf %get3A_2047, %get3A_2052 : vector<16xf32>
    %add3A_2054 = arith.addf %add3A_2042, %mul3A_2053 : vector<16xf32>
    %swap3A_2055 = arith.constant 19 : i32
    %swap3A_2056 = arith.index_cast %swap3A_2055 : i32 to index
    %swap3A_2057 = arith.constant 0 : index
    %swap3A_2058 = tpu.vector_load %arg9[%swap3A_2056, %swap3A_2057] {strides = array<i32>} : memref<32x16xf32, #tpu.memory_space<vmem>>, vector<1x16xf32>,
    %swap3A_2059 = vector.shape_cast %swap3A_2058 : vector<1x16xf32> to vector<16xf32>
    %swap3A_2060 = vector.shape_cast %add3A_2054 : vector<16xf32> to vector<1x16xf32>
    tpu.vector_store %arg9[%swap3A_2056, %swap3A_2057], %swap3A_2060 {strides = array<i32>} : memref<32x16xf32, #tpu.memory_space<vmem>>, vector<1x16xf32>,
    %get3A_2061 = arith.constant 160 : i32
    %get3A_2062 = arith.index_cast %get3A_2061 : i32 to index
    %get3A_2063 = arith.constant 0 : index
    %get3A_2064 = tpu.vector_load %arg7[%get3A_2062, %get3A_2063] {strides = array<i32>} : memref<256x16xf32, #tpu.memory_space<vmem>>, vector<1x16xf32>,
    %get3A_2065 = vector.shape_cast %get3A_2064 : vector<1x16xf32> to vector<16xf32>
    %get3A_2066 = arith.constant 160 : i32
    %get3A_2067 = arith.index_cast %get3A_2066 : i32 to index
    %get3A_2068 = arith.constant 0 : index
    %get3A_2069 = tpu.vector_load %arg8[%get3A_2067, %get3A_2068] {strides = array<i32>} : memref<256x16xf32, #tpu.memory_space<vmem>>, vector<1x16xf32>,
    %get3A_2070 = vector.shape_cast %get3A_2069 : vector<1x16xf32> to vector<16xf32>
    %mul3A_2071 = arith.mulf %get3A_2065, %get3A_2070 : vector<16xf32>
    %get3A_2072 = arith.constant 161 : i32
    %get3A_2073 = arith.index_cast %get3A_2072 : i32 to index
    %get3A_2074 = arith.constant 0 : index
    %get3A_2075 = tpu.vector_load %arg7[%get3A_2073, %get3A_2074] {strides = array<i32>} : memref<256x16xf32, #tpu.memory_space<vmem>>, vector<1x16xf32>,
    %get3A_2076 = vector.shape_cast %get3A_2075 : vector<1x16xf32> to vector<16xf32>
    %get3A_2077 = arith.constant 161 : i32
    %get3A_2078 = arith.index_cast %get3A_2077 : i32 to index
    %get3A_2079 = arith.constant 0 : index
    %get3A_2080 = tpu.vector_load %arg8[%get3A_2078, %get3A_2079] {strides = array<i32>} : memref<256x16xf32, #tpu.memory_space<vmem>>, vector<1x16xf32>,
    %get3A_2081 = vector.shape_cast %get3A_2080 : vector<1x16xf32> to vector<16xf32>
    %mul3A_2082 = arith.mulf %get3A_2076, %get3A_2081 : vector<16xf32>
    %add3A_2083 = arith.addf %mul3A_2071, %mul3A_2082 : vector<16xf32>
    %get3A_2084 = arith.constant 162 : i32
    %get3A_2085 = arith.index_cast %get3A_2084 : i32 to index
    %get3A_2086 = arith.constant 0 : index
    %get3A_2087 = tpu.vector_load %arg7[%get3A_2085, %get3A_2086] {strides = array<i32>} : memref<256x16xf32, #tpu.memory_space<vmem>>, vector<1x16xf32>,
    %get3A_2088 = vector.shape_cast %get3A_2087 : vector<1x16xf32> to vector<16xf32>
    %get3A_2089 = arith.constant 162 : i32
    %get3A_2090 = arith.index_cast %get3A_2089 : i32 to index
    %get3A_2091 = arith.constant 0 : index
    %get3A_2092 = tpu.vector_load %arg8[%get3A_2090, %get3A_2091] {strides = array<i32>} : memref<256x16xf32, #tpu.memory_space<vmem>>, vector<1x16xf32>,
    %get3A_2093 = vector.shape_cast %get3A_2092 : vector<1x16xf32> to vector<16xf32>
    %mul3A_2094 = arith.mulf %get3A_2088, %get3A_2093 : vector<16xf32>
    %add3A_2095 = arith.addf %add3A_2083, %mul3A_2094 : vector<16xf32>
    %get3A_2096 = arith.constant 163 : i32
    %get3A_2097 = arith.index_cast %get3A_2096 : i32 to index
    %get3A_2098 = arith.constant 0 : index
    %get3A_2099 = tpu.vector_load %arg7[%get3A_2097, %get3A_2098] {strides = array<i32>} : memref<256x16xf32, #tpu.memory_space<vmem>>, vector<1x16xf32>,
    %get3A_2100 = vector.shape_cast %get3A_2099 : vector<1x16xf32> to vector<16xf32>
    %get3A_2101 = arith.constant 163 : i32
    %get3A_2102 = arith.index_cast %get3A_2101 : i32 to index
    %get3A_2103 = arith.constant 0 : index
    %get3A_2104 = tpu.vector_load %arg8[%get3A_2102, %get3A_2103] {strides = array<i32>} : memref<256x16xf32, #tpu.memory_space<vmem>>, vector<1x16xf32>,
    %get3A_2105 = vector.shape_cast %get3A_2104 : vector<1x16xf32> to vector<16xf32>
    %mul3A_2106 = arith.mulf %get3A_2100, %get3A_2105 : vector<16xf32>
    %add3A_2107 = arith.addf %add3A_2095, %mul3A_2106 : vector<16xf32>
    %get3A_2108 = arith.constant 164 : i32
    %get3A_2109 = arith.index_cast %get3A_2108 : i32 to index
    %get3A_2110 = arith.constant 0 : index
    %get3A_2111 = tpu.vector_load %arg7[%get3A_2109, %get3A_2110] {strides = array<i32>} : memref<256x16xf32, #tpu.memory_space<vmem>>, vector<1x16xf32>,
    %get3A_2112 = vector.shape_cast %get3A_2111 : vector<1x16xf32> to vector<16xf32>
    %get3A_2113 = arith.constant 164 : i32
    %get3A_2114 = arith.index_cast %get3A_2113 : i32 to index
    %get3A_2115 = arith.constant 0 : index
    %get3A_2116 = tpu.vector_load %arg8[%get3A_2114, %get3A_2115] {strides = array<i32>} : memref<256x16xf32, #tpu.memory_space<vmem>>, vector<1x16xf32>,
    %get3A_2117 = vector.shape_cast %get3A_2116 : vector<1x16xf32> to vector<16xf32>
    %mul3A_2118 = arith.mulf %get3A_2112, %get3A_2117 : vector<16xf32>
    %add3A_2119 = arith.addf %add3A_2107, %mul3A_2118 : vector<16xf32>
    %get3A_2120 = arith.constant 165 : i32
    %get3A_2121 = arith.index_cast %get3A_2120 : i32 to index
    %get3A_2122 = arith.constant 0 : index
    %get3A_2123 = tpu.vector_load %arg7[%get3A_2121, %get3A_2122] {strides = array<i32>} : memref<256x16xf32, #tpu.memory_space<vmem>>, vector<1x16xf32>,
    %get3A_2124 = vector.shape_cast %get3A_2123 : vector<1x16xf32> to vector<16xf32>
    %get3A_2125 = arith.constant 165 : i32
    %get3A_2126 = arith.index_cast %get3A_2125 : i32 to index
    %get3A_2127 = arith.constant 0 : index
    %get3A_2128 = tpu.vector_load %arg8[%get3A_2126, %get3A_2127] {strides = array<i32>} : memref<256x16xf32, #tpu.memory_space<vmem>>, vector<1x16xf32>,
    %get3A_2129 = vector.shape_cast %get3A_2128 : vector<1x16xf32> to vector<16xf32>
    %mul3A_2130 = arith.mulf %get3A_2124, %get3A_2129 : vector<16xf32>
    %add3A_2131 = arith.addf %add3A_2119, %mul3A_2130 : vector<16xf32>
    %get3A_2132 = arith.constant 166 : i32
    %get3A_2133 = arith.index_cast %get3A_2132 : i32 to index
    %get3A_2134 = arith.constant 0 : index
    %get3A_2135 = tpu.vector_load %arg7[%get3A_2133, %get3A_2134] {strides = array<i32>} : memref<256x16xf32, #tpu.memory_space<vmem>>, vector<1x16xf32>,
    %get3A_2136 = vector.shape_cast %get3A_2135 : vector<1x16xf32> to vector<16xf32>
    %get3A_2137 = arith.constant 166 : i32
    %get3A_2138 = arith.index_cast %get3A_2137 : i32 to index
    %get3A_2139 = arith.constant 0 : index
    %get3A_2140 = tpu.vector_load %arg8[%get3A_2138, %get3A_2139] {strides = array<i32>} : memref<256x16xf32, #tpu.memory_space<vmem>>, vector<1x16xf32>,
    %get3A_2141 = vector.shape_cast %get3A_2140 : vector<1x16xf32> to vector<16xf32>
    %mul3A_2142 = arith.mulf %get3A_2136, %get3A_2141 : vector<16xf32>
    %add3A_2143 = arith.addf %add3A_2131, %mul3A_2142 : vector<16xf32>
    %get3A_2144 = arith.constant 167 : i32
    %get3A_2145 = arith.index_cast %get3A_2144 : i32 to index
    %get3A_2146 = arith.constant 0 : index
    %get3A_2147 = tpu.vector_load %arg7[%get3A_2145, %get3A_2146] {strides = array<i32>} : memref<256x16xf32, #tpu.memory_space<vmem>>, vector<1x16xf32>,
    %get3A_2148 = vector.shape_cast %get3A_2147 : vector<1x16xf32> to vector<16xf32>
    %get3A_2149 = arith.constant 167 : i32
    %get3A_2150 = arith.index_cast %get3A_2149 : i32 to index
    %get3A_2151 = arith.constant 0 : index
    %get3A_2152 = tpu.vector_load %arg8[%get3A_2150, %get3A_2151] {strides = array<i32>} : memref<256x16xf32, #tpu.memory_space<vmem>>, vector<1x16xf32>,
    %get3A_2153 = vector.shape_cast %get3A_2152 : vector<1x16xf32> to vector<16xf32>
    %mul3A_2154 = arith.mulf %get3A_2148, %get3A_2153 : vector<16xf32>
    %add3A_2155 = arith.addf %add3A_2143, %mul3A_2154 : vector<16xf32>
    %swap3A_2156 = arith.constant 20 : i32
    %swap3A_2157 = arith.index_cast %swap3A_2156 : i32 to index
    %swap3A_2158 = arith.constant 0 : index
    %swap3A_2159 = tpu.vector_load %arg9[%swap3A_2157, %swap3A_2158] {strides = array<i32>} : memref<32x16xf32, #tpu.memory_space<vmem>>, vector<1x16xf32>,
    %swap3A_2160 = vector.shape_cast %swap3A_2159 : vector<1x16xf32> to vector<16xf32>
    %swap3A_2161 = vector.shape_cast %add3A_2155 : vector<16xf32> to vector<1x16xf32>
    tpu.vector_store %arg9[%swap3A_2157, %swap3A_2158], %swap3A_2161 {strides = array<i32>} : memref<32x16xf32, #tpu.memory_space<vmem>>, vector<1x16xf32>,
    %get3A_2162 = arith.constant 168 : i32
    %get3A_2163 = arith.index_cast %get3A_2162 : i32 to index
    %get3A_2164 = arith.constant 0 : index
    %get3A_2165 = tpu.vector_load %arg7[%get3A_2163, %get3A_2164] {strides = array<i32>} : memref<256x16xf32, #tpu.memory_space<vmem>>, vector<1x16xf32>,
    %get3A_2166 = vector.shape_cast %get3A_2165 : vector<1x16xf32> to vector<16xf32>
    %get3A_2167 = arith.constant 168 : i32
    %get3A_2168 = arith.index_cast %get3A_2167 : i32 to index
    %get3A_2169 = arith.constant 0 : index
    %get3A_2170 = tpu.vector_load %arg8[%get3A_2168, %get3A_2169] {strides = array<i32>} : memref<256x16xf32, #tpu.memory_space<vmem>>, vector<1x16xf32>,
    %get3A_2171 = vector.shape_cast %get3A_2170 : vector<1x16xf32> to vector<16xf32>
    %mul3A_2172 = arith.mulf %get3A_2166, %get3A_2171 : vector<16xf32>
    %get3A_2173 = arith.constant 169 : i32
    %get3A_2174 = arith.index_cast %get3A_2173 : i32 to index
    %get3A_2175 = arith.constant 0 : index
    %get3A_2176 = tpu.vector_load %arg7[%get3A_2174, %get3A_2175] {strides = array<i32>} : memref<256x16xf32, #tpu.memory_space<vmem>>, vector<1x16xf32>,
    %get3A_2177 = vector.shape_cast %get3A_2176 : vector<1x16xf32> to vector<16xf32>
    %get3A_2178 = arith.constant 169 : i32
    %get3A_2179 = arith.index_cast %get3A_2178 : i32 to index
    %get3A_2180 = arith.constant 0 : index
    %get3A_2181 = tpu.vector_load %arg8[%get3A_2179, %get3A_2180] {strides = array<i32>} : memref<256x16xf32, #tpu.memory_space<vmem>>, vector<1x16xf32>,
    %get3A_2182 = vector.shape_cast %get3A_2181 : vector<1x16xf32> to vector<16xf32>
    %mul3A_2183 = arith.mulf %get3A_2177, %get3A_2182 : vector<16xf32>
    %add3A_2184 = arith.addf %mul3A_2172, %mul3A_2183 : vector<16xf32>
    %get3A_2185 = arith.constant 170 : i32
    %get3A_2186 = arith.index_cast %get3A_2185 : i32 to index
    %get3A_2187 = arith.constant 0 : index
    %get3A_2188 = tpu.vector_load %arg7[%get3A_2186, %get3A_2187] {strides = array<i32>} : memref<256x16xf32, #tpu.memory_space<vmem>>, vector<1x16xf32>,
    %get3A_2189 = vector.shape_cast %get3A_2188 : vector<1x16xf32> to vector<16xf32>
    %get3A_2190 = arith.constant 170 : i32
    %get3A_2191 = arith.index_cast %get3A_2190 : i32 to index
    %get3A_2192 = arith.constant 0 : index
    %get3A_2193 = tpu.vector_load %arg8[%get3A_2191, %get3A_2192] {strides = array<i32>} : memref<256x16xf32, #tpu.memory_space<vmem>>, vector<1x16xf32>,
    %get3A_2194 = vector.shape_cast %get3A_2193 : vector<1x16xf32> to vector<16xf32>
    %mul3A_2195 = arith.mulf %get3A_2189, %get3A_2194 : vector<16xf32>
    %add3A_2196 = arith.addf %add3A_2184, %mul3A_2195 : vector<16xf32>
    %get3A_2197 = arith.constant 171 : i32
    %get3A_2198 = arith.index_cast %get3A_2197 : i32 to index
    %get3A_2199 = arith.constant 0 : index
    %get3A_2200 = tpu.vector_load %arg7[%get3A_2198, %get3A_2199] {strides = array<i32>} : memref<256x16xf32, #tpu.memory_space<vmem>>, vector<1x16xf32>,
    %get3A_2201 = vector.shape_cast %get3A_2200 : vector<1x16xf32> to vector<16xf32>
    %get3A_2202 = arith.constant 171 : i32
    %get3A_2203 = arith.index_cast %get3A_2202 : i32 to index
    %get3A_2204 = arith.constant 0 : index
    %get3A_2205 = tpu.vector_load %arg8[%get3A_2203, %get3A_2204] {strides = array<i32>} : memref<256x16xf32, #tpu.memory_space<vmem>>, vector<1x16xf32>,
    %get3A_2206 = vector.shape_cast %get3A_2205 : vector<1x16xf32> to vector<16xf32>
    %mul3A_2207 = arith.mulf %get3A_2201, %get3A_2206 : vector<16xf32>
    %add3A_2208 = arith.addf %add3A_2196, %mul3A_2207 : vector<16xf32>
    %get3A_2209 = arith.constant 172 : i32
    %get3A_2210 = arith.index_cast %get3A_2209 : i32 to index
    %get3A_2211 = arith.constant 0 : index
    %get3A_2212 = tpu.vector_load %arg7[%get3A_2210, %get3A_2211] {strides = array<i32>} : memref<256x16xf32, #tpu.memory_space<vmem>>, vector<1x16xf32>,
    %get3A_2213 = vector.shape_cast %get3A_2212 : vector<1x16xf32> to vector<16xf32>
    %get3A_2214 = arith.constant 172 : i32
    %get3A_2215 = arith.index_cast %get3A_2214 : i32 to index
    %get3A_2216 = arith.constant 0 : index
    %get3A_2217 = tpu.vector_load %arg8[%get3A_2215, %get3A_2216] {strides = array<i32>} : memref<256x16xf32, #tpu.memory_space<vmem>>, vector<1x16xf32>,
    %get3A_2218 = vector.shape_cast %get3A_2217 : vector<1x16xf32> to vector<16xf32>
    %mul3A_2219 = arith.mulf %get3A_2213, %get3A_2218 : vector<16xf32>
    %add3A_2220 = arith.addf %add3A_2208, %mul3A_2219 : vector<16xf32>
    %get3A_2221 = arith.constant 173 : i32
    %get3A_2222 = arith.index_cast %get3A_2221 : i32 to index
    %get3A_2223 = arith.constant 0 : index
    %get3A_2224 = tpu.vector_load %arg7[%get3A_2222, %get3A_2223] {strides = array<i32>} : memref<256x16xf32, #tpu.memory_space<vmem>>, vector<1x16xf32>,
    %get3A_2225 = vector.shape_cast %get3A_2224 : vector<1x16xf32> to vector<16xf32>
    %get3A_2226 = arith.constant 173 : i32
    %get3A_2227 = arith.index_cast %get3A_2226 : i32 to index
    %get3A_2228 = arith.constant 0 : index
    %get3A_2229 = tpu.vector_load %arg8[%get3A_2227, %get3A_2228] {strides = array<i32>} : memref<256x16xf32, #tpu.memory_space<vmem>>, vector<1x16xf32>,
    %get3A_2230 = vector.shape_cast %get3A_2229 : vector<1x16xf32> to vector<16xf32>
    %mul3A_2231 = arith.mulf %get3A_2225, %get3A_2230 : vector<16xf32>
    %add3A_2232 = arith.addf %add3A_2220, %mul3A_2231 : vector<16xf32>
    %get3A_2233 = arith.constant 174 : i32
    %get3A_2234 = arith.index_cast %get3A_2233 : i32 to index
    %get3A_2235 = arith.constant 0 : index
    %get3A_2236 = tpu.vector_load %arg7[%get3A_2234, %get3A_2235] {strides = array<i32>} : memref<256x16xf32, #tpu.memory_space<vmem>>, vector<1x16xf32>,
    %get3A_2237 = vector.shape_cast %get3A_2236 : vector<1x16xf32> to vector<16xf32>
    %get3A_2238 = arith.constant 174 : i32
    %get3A_2239 = arith.index_cast %get3A_2238 : i32 to index
    %get3A_2240 = arith.constant 0 : index
    %get3A_2241 = tpu.vector_load %arg8[%get3A_2239, %get3A_2240] {strides = array<i32>} : memref<256x16xf32, #tpu.memory_space<vmem>>, vector<1x16xf32>,
    %get3A_2242 = vector.shape_cast %get3A_2241 : vector<1x16xf32> to vector<16xf32>
    %mul3A_2243 = arith.mulf %get3A_2237, %get3A_2242 : vector<16xf32>
    %add3A_2244 = arith.addf %add3A_2232, %mul3A_2243 : vector<16xf32>
    %get3A_2245 = arith.constant 175 : i32
    %get3A_2246 = arith.index_cast %get3A_2245 : i32 to index
    %get3A_2247 = arith.constant 0 : index
    %get3A_2248 = tpu.vector_load %arg7[%get3A_2246, %get3A_2247] {strides = array<i32>} : memref<256x16xf32, #tpu.memory_space<vmem>>, vector<1x16xf32>,
    %get3A_2249 = vector.shape_cast %get3A_2248 : vector<1x16xf32> to vector<16xf32>
    %get3A_2250 = arith.constant 175 : i32
    %get3A_2251 = arith.index_cast %get3A_2250 : i32 to index
    %get3A_2252 = arith.constant 0 : index
    %get3A_2253 = tpu.vector_load %arg8[%get3A_2251, %get3A_2252] {strides = array<i32>} : memref<256x16xf32, #tpu.memory_space<vmem>>, vector<1x16xf32>,
    %get3A_2254 = vector.shape_cast %get3A_2253 : vector<1x16xf32> to vector<16xf32>
    %mul3A_2255 = arith.mulf %get3A_2249, %get3A_2254 : vector<16xf32>
    %add3A_2256 = arith.addf %add3A_2244, %mul3A_2255 : vector<16xf32>
    %swap3A_2257 = arith.constant 21 : i32
    %swap3A_2258 = arith.index_cast %swap3A_2257 : i32 to index
    %swap3A_2259 = arith.constant 0 : index
    %swap3A_2260 = tpu.vector_load %arg9[%swap3A_2258, %swap3A_2259] {strides = array<i32>} : memref<32x16xf32, #tpu.memory_space<vmem>>, vector<1x16xf32>,
    %swap3A_2261 = vector.shape_cast %swap3A_2260 : vector<1x16xf32> to vector<16xf32>
    %swap3A_2262 = vector.shape_cast %add3A_2256 : vector<16xf32> to vector<1x16xf32>
    tpu.vector_store %arg9[%swap3A_2258, %swap3A_2259], %swap3A_2262 {strides = array<i32>} : memref<32x16xf32, #tpu.memory_space<vmem>>, vector<1x16xf32>,
    %get3A_2263 = arith.constant 176 : i32
    %get3A_2264 = arith.index_cast %get3A_2263 : i32 to index
    %get3A_2265 = arith.constant 0 : index
    %get3A_2266 = tpu.vector_load %arg7[%get3A_2264, %get3A_2265] {strides = array<i32>} : memref<256x16xf32, #tpu.memory_space<vmem>>, vector<1x16xf32>,
    %get3A_2267 = vector.shape_cast %get3A_2266 : vector<1x16xf32> to vector<16xf32>
    %get3A_2268 = arith.constant 176 : i32
    %get3A_2269 = arith.index_cast %get3A_2268 : i32 to index
    %get3A_2270 = arith.constant 0 : index
    %get3A_2271 = tpu.vector_load %arg8[%get3A_2269, %get3A_2270] {strides = array<i32>} : memref<256x16xf32, #tpu.memory_space<vmem>>, vector<1x16xf32>,
    %get3A_2272 = vector.shape_cast %get3A_2271 : vector<1x16xf32> to vector<16xf32>
    %mul3A_2273 = arith.mulf %get3A_2267, %get3A_2272 : vector<16xf32>
    %get3A_2274 = arith.constant 177 : i32
    %get3A_2275 = arith.index_cast %get3A_2274 : i32 to index
    %get3A_2276 = arith.constant 0 : index
    %get3A_2277 = tpu.vector_load %arg7[%get3A_2275, %get3A_2276] {strides = array<i32>} : memref<256x16xf32, #tpu.memory_space<vmem>>, vector<1x16xf32>,
    %get3A_2278 = vector.shape_cast %get3A_2277 : vector<1x16xf32> to vector<16xf32>
    %get3A_2279 = arith.constant 177 : i32
    %get3A_2280 = arith.index_cast %get3A_2279 : i32 to index
    %get3A_2281 = arith.constant 0 : index
    %get3A_2282 = tpu.vector_load %arg8[%get3A_2280, %get3A_2281] {strides = array<i32>} : memref<256x16xf32, #tpu.memory_space<vmem>>, vector<1x16xf32>,
    %get3A_2283 = vector.shape_cast %get3A_2282 : vector<1x16xf32> to vector<16xf32>
    %mul3A_2284 = arith.mulf %get3A_2278, %get3A_2283 : vector<16xf32>
    %add3A_2285 = arith.addf %mul3A_2273, %mul3A_2284 : vector<16xf32>
    %get3A_2286 = arith.constant 178 : i32
    %get3A_2287 = arith.index_cast %get3A_2286 : i32 to index
    %get3A_2288 = arith.constant 0 : index
    %get3A_2289 = tpu.vector_load %arg7[%get3A_2287, %get3A_2288] {strides = array<i32>} : memref<256x16xf32, #tpu.memory_space<vmem>>, vector<1x16xf32>,
    %get3A_2290 = vector.shape_cast %get3A_2289 : vector<1x16xf32> to vector<16xf32>
    %get3A_2291 = arith.constant 178 : i32
    %get3A_2292 = arith.index_cast %get3A_2291 : i32 to index
    %get3A_2293 = arith.constant 0 : index
    %get3A_2294 = tpu.vector_load %arg8[%get3A_2292, %get3A_2293] {strides = array<i32>} : memref<256x16xf32, #tpu.memory_space<vmem>>, vector<1x16xf32>,
    %get3A_2295 = vector.shape_cast %get3A_2294 : vector<1x16xf32> to vector<16xf32>
    %mul3A_2296 = arith.mulf %get3A_2290, %get3A_2295 : vector<16xf32>
    %add3A_2297 = arith.addf %add3A_2285, %mul3A_2296 : vector<16xf32>
    %get3A_2298 = arith.constant 179 : i32
    %get3A_2299 = arith.index_cast %get3A_2298 : i32 to index
    %get3A_2300 = arith.constant 0 : index
    %get3A_2301 = tpu.vector_load %arg7[%get3A_2299, %get3A_2300] {strides = array<i32>} : memref<256x16xf32, #tpu.memory_space<vmem>>, vector<1x16xf32>,
    %get3A_2302 = vector.shape_cast %get3A_2301 : vector<1x16xf32> to vector<16xf32>
    %get3A_2303 = arith.constant 179 : i32
    %get3A_2304 = arith.index_cast %get3A_2303 : i32 to index
    %get3A_2305 = arith.constant 0 : index
    %get3A_2306 = tpu.vector_load %arg8[%get3A_2304, %get3A_2305] {strides = array<i32>} : memref<256x16xf32, #tpu.memory_space<vmem>>, vector<1x16xf32>,
    %get3A_2307 = vector.shape_cast %get3A_2306 : vector<1x16xf32> to vector<16xf32>
    %mul3A_2308 = arith.mulf %get3A_2302, %get3A_2307 : vector<16xf32>
    %add3A_2309 = arith.addf %add3A_2297, %mul3A_2308 : vector<16xf32>
    %get3A_2310 = arith.constant 180 : i32
    %get3A_2311 = arith.index_cast %get3A_2310 : i32 to index
    %get3A_2312 = arith.constant 0 : index
    %get3A_2313 = tpu.vector_load %arg7[%get3A_2311, %get3A_2312] {strides = array<i32>} : memref<256x16xf32, #tpu.memory_space<vmem>>, vector<1x16xf32>,
    %get3A_2314 = vector.shape_cast %get3A_2313 : vector<1x16xf32> to vector<16xf32>
    %get3A_2315 = arith.constant 180 : i32
    %get3A_2316 = arith.index_cast %get3A_2315 : i32 to index
    %get3A_2317 = arith.constant 0 : index
    %get3A_2318 = tpu.vector_load %arg8[%get3A_2316, %get3A_2317] {strides = array<i32>} : memref<256x16xf32, #tpu.memory_space<vmem>>, vector<1x16xf32>,
    %get3A_2319 = vector.shape_cast %get3A_2318 : vector<1x16xf32> to vector<16xf32>
    %mul3A_2320 = arith.mulf %get3A_2314, %get3A_2319 : vector<16xf32>
    %add3A_2321 = arith.addf %add3A_2309, %mul3A_2320 : vector<16xf32>
    %get3A_2322 = arith.constant 181 : i32
    %get3A_2323 = arith.index_cast %get3A_2322 : i32 to index
    %get3A_2324 = arith.constant 0 : index
    %get3A_2325 = tpu.vector_load %arg7[%get3A_2323, %get3A_2324] {strides = array<i32>} : memref<256x16xf32, #tpu.memory_space<vmem>>, vector<1x16xf32>,
    %get3A_2326 = vector.shape_cast %get3A_2325 : vector<1x16xf32> to vector<16xf32>
    %get3A_2327 = arith.constant 181 : i32
    %get3A_2328 = arith.index_cast %get3A_2327 : i32 to index
    %get3A_2329 = arith.constant 0 : index
    %get3A_2330 = tpu.vector_load %arg8[%get3A_2328, %get3A_2329] {strides = array<i32>} : memref<256x16xf32, #tpu.memory_space<vmem>>, vector<1x16xf32>,
    %get3A_2331 = vector.shape_cast %get3A_2330 : vector<1x16xf32> to vector<16xf32>
    %mul3A_2332 = arith.mulf %get3A_2326, %get3A_2331 : vector<16xf32>
    %add3A_2333 = arith.addf %add3A_2321, %mul3A_2332 : vector<16xf32>
    %get3A_2334 = arith.constant 182 : i32
    %get3A_2335 = arith.index_cast %get3A_2334 : i32 to index
    %get3A_2336 = arith.constant 0 : index
    %get3A_2337 = tpu.vector_load %arg7[%get3A_2335, %get3A_2336] {strides = array<i32>} : memref<256x16xf32, #tpu.memory_space<vmem>>, vector<1x16xf32>,
    %get3A_2338 = vector.shape_cast %get3A_2337 : vector<1x16xf32> to vector<16xf32>
    %get3A_2339 = arith.constant 182 : i32
    %get3A_2340 = arith.index_cast %get3A_2339 : i32 to index
    %get3A_2341 = arith.constant 0 : index
    %get3A_2342 = tpu.vector_load %arg8[%get3A_2340, %get3A_2341] {strides = array<i32>} : memref<256x16xf32, #tpu.memory_space<vmem>>, vector<1x16xf32>,
    %get3A_2343 = vector.shape_cast %get3A_2342 : vector<1x16xf32> to vector<16xf32>
    %mul3A_2344 = arith.mulf %get3A_2338, %get3A_2343 : vector<16xf32>
    %add3A_2345 = arith.addf %add3A_2333, %mul3A_2344 : vector<16xf32>
    %get3A_2346 = arith.constant 183 : i32
    %get3A_2347 = arith.index_cast %get3A_2346 : i32 to index
    %get3A_2348 = arith.constant 0 : index
    %get3A_2349 = tpu.vector_load %arg7[%get3A_2347, %get3A_2348] {strides = array<i32>} : memref<256x16xf32, #tpu.memory_space<vmem>>, vector<1x16xf32>,
    %get3A_2350 = vector.shape_cast %get3A_2349 : vector<1x16xf32> to vector<16xf32>
    %get3A_2351 = arith.constant 183 : i32
    %get3A_2352 = arith.index_cast %get3A_2351 : i32 to index
    %get3A_2353 = arith.constant 0 : index
    %get3A_2354 = tpu.vector_load %arg8[%get3A_2352, %get3A_2353] {strides = array<i32>} : memref<256x16xf32, #tpu.memory_space<vmem>>, vector<1x16xf32>,
    %get3A_2355 = vector.shape_cast %get3A_2354 : vector<1x16xf32> to vector<16xf32>
    %mul3A_2356 = arith.mulf %get3A_2350, %get3A_2355 : vector<16xf32>
    %add3A_2357 = arith.addf %add3A_2345, %mul3A_2356 : vector<16xf32>
    %swap3A_2358 = arith.constant 22 : i32
    %swap3A_2359 = arith.index_cast %swap3A_2358 : i32 to index
    %swap3A_2360 = arith.constant 0 : index
    %swap3A_2361 = tpu.vector_load %arg9[%swap3A_2359, %swap3A_2360] {strides = array<i32>} : memref<32x16xf32, #tpu.memory_space<vmem>>, vector<1x16xf32>,
    %swap3A_2362 = vector.shape_cast %swap3A_2361 : vector<1x16xf32> to vector<16xf32>
    %swap3A_2363 = vector.shape_cast %add3A_2357 : vector<16xf32> to vector<1x16xf32>
    tpu.vector_store %arg9[%swap3A_2359, %swap3A_2360], %swap3A_2363 {strides = array<i32>} : memref<32x16xf32, #tpu.memory_space<vmem>>, vector<1x16xf32>,
    %get3A_2364 = arith.constant 184 : i32
    %get3A_2365 = arith.index_cast %get3A_2364 : i32 to index
    %get3A_2366 = arith.constant 0 : index
    %get3A_2367 = tpu.vector_load %arg7[%get3A_2365, %get3A_2366] {strides = array<i32>} : memref<256x16xf32, #tpu.memory_space<vmem>>, vector<1x16xf32>,
    %get3A_2368 = vector.shape_cast %get3A_2367 : vector<1x16xf32> to vector<16xf32>
    %get3A_2369 = arith.constant 184 : i32
    %get3A_2370 = arith.index_cast %get3A_2369 : i32 to index
    %get3A_2371 = arith.constant 0 : index
    %get3A_2372 = tpu.vector_load %arg8[%get3A_2370, %get3A_2371] {strides = array<i32>} : memref<256x16xf32, #tpu.memory_space<vmem>>, vector<1x16xf32>,
    %get3A_2373 = vector.shape_cast %get3A_2372 : vector<1x16xf32> to vector<16xf32>
    %mul3A_2374 = arith.mulf %get3A_2368, %get3A_2373 : vector<16xf32>
    %get3A_2375 = arith.constant 185 : i32
    %get3A_2376 = arith.index_cast %get3A_2375 : i32 to index
    %get3A_2377 = arith.constant 0 : index
    %get3A_2378 = tpu.vector_load %arg7[%get3A_2376, %get3A_2377] {strides = array<i32>} : memref<256x16xf32, #tpu.memory_space<vmem>>, vector<1x16xf32>,
    %get3A_2379 = vector.shape_cast %get3A_2378 : vector<1x16xf32> to vector<16xf32>
    %get3A_2380 = arith.constant 185 : i32
    %get3A_2381 = arith.index_cast %get3A_2380 : i32 to index
    %get3A_2382 = arith.constant 0 : index
    %get3A_2383 = tpu.vector_load %arg8[%get3A_2381, %get3A_2382] {strides = array<i32>} : memref<256x16xf32, #tpu.memory_space<vmem>>, vector<1x16xf32>,
    %get3A_2384 = vector.shape_cast %get3A_2383 : vector<1x16xf32> to vector<16xf32>
    %mul3A_2385 = arith.mulf %get3A_2379, %get3A_2384 : vector<16xf32>
    %add3A_2386 = arith.addf %mul3A_2374, %mul3A_2385 : vector<16xf32>
    %get3A_2387 = arith.constant 186 : i32
    %get3A_2388 = arith.index_cast %get3A_2387 : i32 to index
    %get3A_2389 = arith.constant 0 : index
    %get3A_2390 = tpu.vector_load %arg7[%get3A_2388, %get3A_2389] {strides = array<i32>} : memref<256x16xf32, #tpu.memory_space<vmem>>, vector<1x16xf32>,
    %get3A_2391 = vector.shape_cast %get3A_2390 : vector<1x16xf32> to vector<16xf32>
    %get3A_2392 = arith.constant 186 : i32
    %get3A_2393 = arith.index_cast %get3A_2392 : i32 to index
    %get3A_2394 = arith.constant 0 : index
    %get3A_2395 = tpu.vector_load %arg8[%get3A_2393, %get3A_2394] {strides = array<i32>} : memref<256x16xf32, #tpu.memory_space<vmem>>, vector<1x16xf32>,
    %get3A_2396 = vector.shape_cast %get3A_2395 : vector<1x16xf32> to vector<16xf32>
    %mul3A_2397 = arith.mulf %get3A_2391, %get3A_2396 : vector<16xf32>
    %add3A_2398 = arith.addf %add3A_2386, %mul3A_2397 : vector<16xf32>
    %get3A_2399 = arith.constant 187 : i32
    %get3A_2400 = arith.index_cast %get3A_2399 : i32 to index
    %get3A_2401 = arith.constant 0 : index
    %get3A_2402 = tpu.vector_load %arg7[%get3A_2400, %get3A_2401] {strides = array<i32>} : memref<256x16xf32, #tpu.memory_space<vmem>>, vector<1x16xf32>,
    %get3A_2403 = vector.shape_cast %get3A_2402 : vector<1x16xf32> to vector<16xf32>
    %get3A_2404 = arith.constant 187 : i32
    %get3A_2405 = arith.index_cast %get3A_2404 : i32 to index
    %get3A_2406 = arith.constant 0 : index
    %get3A_2407 = tpu.vector_load %arg8[%get3A_2405, %get3A_2406] {strides = array<i32>} : memref<256x16xf32, #tpu.memory_space<vmem>>, vector<1x16xf32>,
    %get3A_2408 = vector.shape_cast %get3A_2407 : vector<1x16xf32> to vector<16xf32>
    %mul3A_2409 = arith.mulf %get3A_2403, %get3A_2408 : vector<16xf32>
    %add3A_2410 = arith.addf %add3A_2398, %mul3A_2409 : vector<16xf32>
    %get3A_2411 = arith.constant 188 : i32
    %get3A_2412 = arith.index_cast %get3A_2411 : i32 to index
    %get3A_2413 = arith.constant 0 : index
    %get3A_2414 = tpu.vector_load %arg7[%get3A_2412, %get3A_2413] {strides = array<i32>} : memref<256x16xf32, #tpu.memory_space<vmem>>, vector<1x16xf32>,
    %get3A_2415 = vector.shape_cast %get3A_2414 : vector<1x16xf32> to vector<16xf32>
    %get3A_2416 = arith.constant 188 : i32
    %get3A_2417 = arith.index_cast %get3A_2416 : i32 to index
    %get3A_2418 = arith.constant 0 : index
    %get3A_2419 = tpu.vector_load %arg8[%get3A_2417, %get3A_2418] {strides = array<i32>} : memref<256x16xf32, #tpu.memory_space<vmem>>, vector<1x16xf32>,
    %get3A_2420 = vector.shape_cast %get3A_2419 : vector<1x16xf32> to vector<16xf32>
    %mul3A_2421 = arith.mulf %get3A_2415, %get3A_2420 : vector<16xf32>
    %add3A_2422 = arith.addf %add3A_2410, %mul3A_2421 : vector<16xf32>
    %get3A_2423 = arith.constant 189 : i32
    %get3A_2424 = arith.index_cast %get3A_2423 : i32 to index
    %get3A_2425 = arith.constant 0 : index
    %get3A_2426 = tpu.vector_load %arg7[%get3A_2424, %get3A_2425] {strides = array<i32>} : memref<256x16xf32, #tpu.memory_space<vmem>>, vector<1x16xf32>,
    %get3A_2427 = vector.shape_cast %get3A_2426 : vector<1x16xf32> to vector<16xf32>
    %get3A_2428 = arith.constant 189 : i32
    %get3A_2429 = arith.index_cast %get3A_2428 : i32 to index
    %get3A_2430 = arith.constant 0 : index
    %get3A_2431 = tpu.vector_load %arg8[%get3A_2429, %get3A_2430] {strides = array<i32>} : memref<256x16xf32, #tpu.memory_space<vmem>>, vector<1x16xf32>,
    %get3A_2432 = vector.shape_cast %get3A_2431 : vector<1x16xf32> to vector<16xf32>
    %mul3A_2433 = arith.mulf %get3A_2427, %get3A_2432 : vector<16xf32>
    %add3A_2434 = arith.addf %add3A_2422, %mul3A_2433 : vector<16xf32>
    %get3A_2435 = arith.constant 190 : i32
    %get3A_2436 = arith.index_cast %get3A_2435 : i32 to index
    %get3A_2437 = arith.constant 0 : index
    %get3A_2438 = tpu.vector_load %arg7[%get3A_2436, %get3A_2437] {strides = array<i32>} : memref<256x16xf32, #tpu.memory_space<vmem>>, vector<1x16xf32>,
    %get3A_2439 = vector.shape_cast %get3A_2438 : vector<1x16xf32> to vector<16xf32>
    %get3A_2440 = arith.constant 190 : i32
    %get3A_2441 = arith.index_cast %get3A_2440 : i32 to index
    %get3A_2442 = arith.constant 0 : index
    %get3A_2443 = tpu.vector_load %arg8[%get3A_2441, %get3A_2442] {strides = array<i32>} : memref<256x16xf32, #tpu.memory_space<vmem>>, vector<1x16xf32>,
    %get3A_2444 = vector.shape_cast %get3A_2443 : vector<1x16xf32> to vector<16xf32>
    %mul3A_2445 = arith.mulf %get3A_2439, %get3A_2444 : vector<16xf32>
    %add3A_2446 = arith.addf %add3A_2434, %mul3A_2445 : vector<16xf32>
    %get3A_2447 = arith.constant 191 : i32
    %get3A_2448 = arith.index_cast %get3A_2447 : i32 to index
    %get3A_2449 = arith.constant 0 : index
    %get3A_2450 = tpu.vector_load %arg7[%get3A_2448, %get3A_2449] {strides = array<i32>} : memref<256x16xf32, #tpu.memory_space<vmem>>, vector<1x16xf32>,
    %get3A_2451 = vector.shape_cast %get3A_2450 : vector<1x16xf32> to vector<16xf32>
    %get3A_2452 = arith.constant 191 : i32
    %get3A_2453 = arith.index_cast %get3A_2452 : i32 to index
    %get3A_2454 = arith.constant 0 : index
    %get3A_2455 = tpu.vector_load %arg8[%get3A_2453, %get3A_2454] {strides = array<i32>} : memref<256x16xf32, #tpu.memory_space<vmem>>, vector<1x16xf32>,
    %get3A_2456 = vector.shape_cast %get3A_2455 : vector<1x16xf32> to vector<16xf32>
    %mul3A_2457 = arith.mulf %get3A_2451, %get3A_2456 : vector<16xf32>
    %add3A_2458 = arith.addf %add3A_2446, %mul3A_2457 : vector<16xf32>
    %swap3A_2459 = arith.constant 23 : i32
    %swap3A_2460 = arith.index_cast %swap3A_2459 : i32 to index
    %swap3A_2461 = arith.constant 0 : index
    %swap3A_2462 = tpu.vector_load %arg9[%swap3A_2460, %swap3A_2461] {strides = array<i32>} : memref<32x16xf32, #tpu.memory_space<vmem>>, vector<1x16xf32>,
    %swap3A_2463 = vector.shape_cast %swap3A_2462 : vector<1x16xf32> to vector<16xf32>
    %swap3A_2464 = vector.shape_cast %add3A_2458 : vector<16xf32> to vector<1x16xf32>
    tpu.vector_store %arg9[%swap3A_2460, %swap3A_2461], %swap3A_2464 {strides = array<i32>} : memref<32x16xf32, #tpu.memory_space<vmem>>, vector<1x16xf32>,
    %get3A_2465 = arith.constant 192 : i32
    %get3A_2466 = arith.index_cast %get3A_2465 : i32 to index
    %get3A_2467 = arith.constant 0 : index
    %get3A_2468 = tpu.vector_load %arg7[%get3A_2466, %get3A_2467] {strides = array<i32>} : memref<256x16xf32, #tpu.memory_space<vmem>>, vector<1x16xf32>,
    %get3A_2469 = vector.shape_cast %get3A_2468 : vector<1x16xf32> to vector<16xf32>
    %get3A_2470 = arith.constant 192 : i32
    %get3A_2471 = arith.index_cast %get3A_2470 : i32 to index
    %get3A_2472 = arith.constant 0 : index
    %get3A_2473 = tpu.vector_load %arg8[%get3A_2471, %get3A_2472] {strides = array<i32>} : memref<256x16xf32, #tpu.memory_space<vmem>>, vector<1x16xf32>,
    %get3A_2474 = vector.shape_cast %get3A_2473 : vector<1x16xf32> to vector<16xf32>
    %mul3A_2475 = arith.mulf %get3A_2469, %get3A_2474 : vector<16xf32>
    %get3A_2476 = arith.constant 193 : i32
    %get3A_2477 = arith.index_cast %get3A_2476 : i32 to index
    %get3A_2478 = arith.constant 0 : index
    %get3A_2479 = tpu.vector_load %arg7[%get3A_2477, %get3A_2478] {strides = array<i32>} : memref<256x16xf32, #tpu.memory_space<vmem>>, vector<1x16xf32>,
    %get3A_2480 = vector.shape_cast %get3A_2479 : vector<1x16xf32> to vector<16xf32>
    %get3A_2481 = arith.constant 193 : i32
    %get3A_2482 = arith.index_cast %get3A_2481 : i32 to index
    %get3A_2483 = arith.constant 0 : index
    %get3A_2484 = tpu.vector_load %arg8[%get3A_2482, %get3A_2483] {strides = array<i32>} : memref<256x16xf32, #tpu.memory_space<vmem>>, vector<1x16xf32>,
    %get3A_2485 = vector.shape_cast %get3A_2484 : vector<1x16xf32> to vector<16xf32>
    %mul3A_2486 = arith.mulf %get3A_2480, %get3A_2485 : vector<16xf32>
    %add3A_2487 = arith.addf %mul3A_2475, %mul3A_2486 : vector<16xf32>
    %get3A_2488 = arith.constant 194 : i32
    %get3A_2489 = arith.index_cast %get3A_2488 : i32 to index
    %get3A_2490 = arith.constant 0 : index
    %get3A_2491 = tpu.vector_load %arg7[%get3A_2489, %get3A_2490] {strides = array<i32>} : memref<256x16xf32, #tpu.memory_space<vmem>>, vector<1x16xf32>,
    %get3A_2492 = vector.shape_cast %get3A_2491 : vector<1x16xf32> to vector<16xf32>
    %get3A_2493 = arith.constant 194 : i32
    %get3A_2494 = arith.index_cast %get3A_2493 : i32 to index
    %get3A_2495 = arith.constant 0 : index
    %get3A_2496 = tpu.vector_load %arg8[%get3A_2494, %get3A_2495] {strides = array<i32>} : memref<256x16xf32, #tpu.memory_space<vmem>>, vector<1x16xf32>,
    %get3A_2497 = vector.shape_cast %get3A_2496 : vector<1x16xf32> to vector<16xf32>
    %mul3A_2498 = arith.mulf %get3A_2492, %get3A_2497 : vector<16xf32>
    %add3A_2499 = arith.addf %add3A_2487, %mul3A_2498 : vector<16xf32>
    %get3A_2500 = arith.constant 195 : i32
    %get3A_2501 = arith.index_cast %get3A_2500 : i32 to index
    %get3A_2502 = arith.constant 0 : index
    %get3A_2503 = tpu.vector_load %arg7[%get3A_2501, %get3A_2502] {strides = array<i32>} : memref<256x16xf32, #tpu.memory_space<vmem>>, vector<1x16xf32>,
    %get3A_2504 = vector.shape_cast %get3A_2503 : vector<1x16xf32> to vector<16xf32>
    %get3A_2505 = arith.constant 195 : i32
    %get3A_2506 = arith.index_cast %get3A_2505 : i32 to index
    %get3A_2507 = arith.constant 0 : index
    %get3A_2508 = tpu.vector_load %arg8[%get3A_2506, %get3A_2507] {strides = array<i32>} : memref<256x16xf32, #tpu.memory_space<vmem>>, vector<1x16xf32>,
    %get3A_2509 = vector.shape_cast %get3A_2508 : vector<1x16xf32> to vector<16xf32>
    %mul3A_2510 = arith.mulf %get3A_2504, %get3A_2509 : vector<16xf32>
    %add3A_2511 = arith.addf %add3A_2499, %mul3A_2510 : vector<16xf32>
    %get3A_2512 = arith.constant 196 : i32
    %get3A_2513 = arith.index_cast %get3A_2512 : i32 to index
    %get3A_2514 = arith.constant 0 : index
    %get3A_2515 = tpu.vector_load %arg7[%get3A_2513, %get3A_2514] {strides = array<i32>} : memref<256x16xf32, #tpu.memory_space<vmem>>, vector<1x16xf32>,
    %get3A_2516 = vector.shape_cast %get3A_2515 : vector<1x16xf32> to vector<16xf32>
    %get3A_2517 = arith.constant 196 : i32
    %get3A_2518 = arith.index_cast %get3A_2517 : i32 to index
    %get3A_2519 = arith.constant 0 : index
    %get3A_2520 = tpu.vector_load %arg8[%get3A_2518, %get3A_2519] {strides = array<i32>} : memref<256x16xf32, #tpu.memory_space<vmem>>, vector<1x16xf32>,
    %get3A_2521 = vector.shape_cast %get3A_2520 : vector<1x16xf32> to vector<16xf32>
    %mul3A_2522 = arith.mulf %get3A_2516, %get3A_2521 : vector<16xf32>
    %add3A_2523 = arith.addf %add3A_2511, %mul3A_2522 : vector<16xf32>
    %get3A_2524 = arith.constant 197 : i32
    %get3A_2525 = arith.index_cast %get3A_2524 : i32 to index
    %get3A_2526 = arith.constant 0 : index
    %get3A_2527 = tpu.vector_load %arg7[%get3A_2525, %get3A_2526] {strides = array<i32>} : memref<256x16xf32, #tpu.memory_space<vmem>>, vector<1x16xf32>,
    %get3A_2528 = vector.shape_cast %get3A_2527 : vector<1x16xf32> to vector<16xf32>
    %get3A_2529 = arith.constant 197 : i32
    %get3A_2530 = arith.index_cast %get3A_2529 : i32 to index
    %get3A_2531 = arith.constant 0 : index
    %get3A_2532 = tpu.vector_load %arg8[%get3A_2530, %get3A_2531] {strides = array<i32>} : memref<256x16xf32, #tpu.memory_space<vmem>>, vector<1x16xf32>,
    %get3A_2533 = vector.shape_cast %get3A_2532 : vector<1x16xf32> to vector<16xf32>
    %mul3A_2534 = arith.mulf %get3A_2528, %get3A_2533 : vector<16xf32>
    %add3A_2535 = arith.addf %add3A_2523, %mul3A_2534 : vector<16xf32>
    %get3A_2536 = arith.constant 198 : i32
    %get3A_2537 = arith.index_cast %get3A_2536 : i32 to index
    %get3A_2538 = arith.constant 0 : index
    %get3A_2539 = tpu.vector_load %arg7[%get3A_2537, %get3A_2538] {strides = array<i32>} : memref<256x16xf32, #tpu.memory_space<vmem>>, vector<1x16xf32>,
    %get3A_2540 = vector.shape_cast %get3A_2539 : vector<1x16xf32> to vector<16xf32>
    %get3A_2541 = arith.constant 198 : i32
    %get3A_2542 = arith.index_cast %get3A_2541 : i32 to index
    %get3A_2543 = arith.constant 0 : index
    %get3A_2544 = tpu.vector_load %arg8[%get3A_2542, %get3A_2543] {strides = array<i32>} : memref<256x16xf32, #tpu.memory_space<vmem>>, vector<1x16xf32>,
    %get3A_2545 = vector.shape_cast %get3A_2544 : vector<1x16xf32> to vector<16xf32>
    %mul3A_2546 = arith.mulf %get3A_2540, %get3A_2545 : vector<16xf32>
    %add3A_2547 = arith.addf %add3A_2535, %mul3A_2546 : vector<16xf32>
    %get3A_2548 = arith.constant 199 : i32
    %get3A_2549 = arith.index_cast %get3A_2548 : i32 to index
    %get3A_2550 = arith.constant 0 : index
    %get3A_2551 = tpu.vector_load %arg7[%get3A_2549, %get3A_2550] {strides = array<i32>} : memref<256x16xf32, #tpu.memory_space<vmem>>, vector<1x16xf32>,
    %get3A_2552 = vector.shape_cast %get3A_2551 : vector<1x16xf32> to vector<16xf32>
    %get3A_2553 = arith.constant 199 : i32
    %get3A_2554 = arith.index_cast %get3A_2553 : i32 to index
    %get3A_2555 = arith.constant 0 : index
    %get3A_2556 = tpu.vector_load %arg8[%get3A_2554, %get3A_2555] {strides = array<i32>} : memref<256x16xf32, #tpu.memory_space<vmem>>, vector<1x16xf32>,
    %get3A_2557 = vector.shape_cast %get3A_2556 : vector<1x16xf32> to vector<16xf32>
    %mul3A_2558 = arith.mulf %get3A_2552, %get3A_2557 : vector<16xf32>
    %add3A_2559 = arith.addf %add3A_2547, %mul3A_2558 : vector<16xf32>
    %swap3A_2560 = arith.constant 24 : i32
    %swap3A_2561 = arith.index_cast %swap3A_2560 : i32 to index
    %swap3A_2562 = arith.constant 0 : index
    %swap3A_2563 = tpu.vector_load %arg9[%swap3A_2561, %swap3A_2562] {strides = array<i32>} : memref<32x16xf32, #tpu.memory_space<vmem>>, vector<1x16xf32>,
    %swap3A_2564 = vector.shape_cast %swap3A_2563 : vector<1x16xf32> to vector<16xf32>
    %swap3A_2565 = vector.shape_cast %add3A_2559 : vector<16xf32> to vector<1x16xf32>
    tpu.vector_store %arg9[%swap3A_2561, %swap3A_2562], %swap3A_2565 {strides = array<i32>} : memref<32x16xf32, #tpu.memory_space<vmem>>, vector<1x16xf32>,
    %get3A_2566 = arith.constant 200 : i32
    %get3A_2567 = arith.index_cast %get3A_2566 : i32 to index
    %get3A_2568 = arith.constant 0 : index
    %get3A_2569 = tpu.vector_load %arg7[%get3A_2567, %get3A_2568] {strides = array<i32>} : memref<256x16xf32, #tpu.memory_space<vmem>>, vector<1x16xf32>,
    %get3A_2570 = vector.shape_cast %get3A_2569 : vector<1x16xf32> to vector<16xf32>
    %get3A_2571 = arith.constant 200 : i32
    %get3A_2572 = arith.index_cast %get3A_2571 : i32 to index
    %get3A_2573 = arith.constant 0 : index
    %get3A_2574 = tpu.vector_load %arg8[%get3A_2572, %get3A_2573] {strides = array<i32>} : memref<256x16xf32, #tpu.memory_space<vmem>>, vector<1x16xf32>,
    %get3A_2575 = vector.shape_cast %get3A_2574 : vector<1x16xf32> to vector<16xf32>
    %mul3A_2576 = arith.mulf %get3A_2570, %get3A_2575 : vector<16xf32>
    %get3A_2577 = arith.constant 201 : i32
    %get3A_2578 = arith.index_cast %get3A_2577 : i32 to index
    %get3A_2579 = arith.constant 0 : index
    %get3A_2580 = tpu.vector_load %arg7[%get3A_2578, %get3A_2579] {strides = array<i32>} : memref<256x16xf32, #tpu.memory_space<vmem>>, vector<1x16xf32>,
    %get3A_2581 = vector.shape_cast %get3A_2580 : vector<1x16xf32> to vector<16xf32>
    %get3A_2582 = arith.constant 201 : i32
    %get3A_2583 = arith.index_cast %get3A_2582 : i32 to index
    %get3A_2584 = arith.constant 0 : index
    %get3A_2585 = tpu.vector_load %arg8[%get3A_2583, %get3A_2584] {strides = array<i32>} : memref<256x16xf32, #tpu.memory_space<vmem>>, vector<1x16xf32>,
    %get3A_2586 = vector.shape_cast %get3A_2585 : vector<1x16xf32> to vector<16xf32>
    %mul3A_2587 = arith.mulf %get3A_2581, %get3A_2586 : vector<16xf32>
    %add3A_2588 = arith.addf %mul3A_2576, %mul3A_2587 : vector<16xf32>
    %get3A_2589 = arith.constant 202 : i32
    %get3A_2590 = arith.index_cast %get3A_2589 : i32 to index
    %get3A_2591 = arith.constant 0 : index
    %get3A_2592 = tpu.vector_load %arg7[%get3A_2590, %get3A_2591] {strides = array<i32>} : memref<256x16xf32, #tpu.memory_space<vmem>>, vector<1x16xf32>,
    %get3A_2593 = vector.shape_cast %get3A_2592 : vector<1x16xf32> to vector<16xf32>
    %get3A_2594 = arith.constant 202 : i32
    %get3A_2595 = arith.index_cast %get3A_2594 : i32 to index
    %get3A_2596 = arith.constant 0 : index
    %get3A_2597 = tpu.vector_load %arg8[%get3A_2595, %get3A_2596] {strides = array<i32>} : memref<256x16xf32, #tpu.memory_space<vmem>>, vector<1x16xf32>,
    %get3A_2598 = vector.shape_cast %get3A_2597 : vector<1x16xf32> to vector<16xf32>
    %mul3A_2599 = arith.mulf %get3A_2593, %get3A_2598 : vector<16xf32>
    %add3A_2600 = arith.addf %add3A_2588, %mul3A_2599 : vector<16xf32>
    %get3A_2601 = arith.constant 203 : i32
    %get3A_2602 = arith.index_cast %get3A_2601 : i32 to index
    %get3A_2603 = arith.constant 0 : index
    %get3A_2604 = tpu.vector_load %arg7[%get3A_2602, %get3A_2603] {strides = array<i32>} : memref<256x16xf32, #tpu.memory_space<vmem>>, vector<1x16xf32>,
    %get3A_2605 = vector.shape_cast %get3A_2604 : vector<1x16xf32> to vector<16xf32>
    %get3A_2606 = arith.constant 203 : i32
    %get3A_2607 = arith.index_cast %get3A_2606 : i32 to index
    %get3A_2608 = arith.constant 0 : index
    %get3A_2609 = tpu.vector_load %arg8[%get3A_2607, %get3A_2608] {strides = array<i32>} : memref<256x16xf32, #tpu.memory_space<vmem>>, vector<1x16xf32>,
    %get3A_2610 = vector.shape_cast %get3A_2609 : vector<1x16xf32> to vector<16xf32>
    %mul3A_2611 = arith.mulf %get3A_2605, %get3A_2610 : vector<16xf32>
    %add3A_2612 = arith.addf %add3A_2600, %mul3A_2611 : vector<16xf32>
    %get3A_2613 = arith.constant 204 : i32
    %get3A_2614 = arith.index_cast %get3A_2613 : i32 to index
    %get3A_2615 = arith.constant 0 : index
    %get3A_2616 = tpu.vector_load %arg7[%get3A_2614, %get3A_2615] {strides = array<i32>} : memref<256x16xf32, #tpu.memory_space<vmem>>, vector<1x16xf32>,
    %get3A_2617 = vector.shape_cast %get3A_2616 : vector<1x16xf32> to vector<16xf32>
    %get3A_2618 = arith.constant 204 : i32
    %get3A_2619 = arith.index_cast %get3A_2618 : i32 to index
    %get3A_2620 = arith.constant 0 : index
    %get3A_2621 = tpu.vector_load %arg8[%get3A_2619, %get3A_2620] {strides = array<i32>} : memref<256x16xf32, #tpu.memory_space<vmem>>, vector<1x16xf32>,
    %get3A_2622 = vector.shape_cast %get3A_2621 : vector<1x16xf32> to vector<16xf32>
    %mul3A_2623 = arith.mulf %get3A_2617, %get3A_2622 : vector<16xf32>
    %add3A_2624 = arith.addf %add3A_2612, %mul3A_2623 : vector<16xf32>
    %get3A_2625 = arith.constant 205 : i32
    %get3A_2626 = arith.index_cast %get3A_2625 : i32 to index
    %get3A_2627 = arith.constant 0 : index
    %get3A_2628 = tpu.vector_load %arg7[%get3A_2626, %get3A_2627] {strides = array<i32>} : memref<256x16xf32, #tpu.memory_space<vmem>>, vector<1x16xf32>,
    %get3A_2629 = vector.shape_cast %get3A_2628 : vector<1x16xf32> to vector<16xf32>
    %get3A_2630 = arith.constant 205 : i32
    %get3A_2631 = arith.index_cast %get3A_2630 : i32 to index
    %get3A_2632 = arith.constant 0 : index
    %get3A_2633 = tpu.vector_load %arg8[%get3A_2631, %get3A_2632] {strides = array<i32>} : memref<256x16xf32, #tpu.memory_space<vmem>>, vector<1x16xf32>,
    %get3A_2634 = vector.shape_cast %get3A_2633 : vector<1x16xf32> to vector<16xf32>
    %mul3A_2635 = arith.mulf %get3A_2629, %get3A_2634 : vector<16xf32>
    %add3A_2636 = arith.addf %add3A_2624, %mul3A_2635 : vector<16xf32>
    %get3A_2637 = arith.constant 206 : i32
    %get3A_2638 = arith.index_cast %get3A_2637 : i32 to index
    %get3A_2639 = arith.constant 0 : index
    %get3A_2640 = tpu.vector_load %arg7[%get3A_2638, %get3A_2639] {strides = array<i32>} : memref<256x16xf32, #tpu.memory_space<vmem>>, vector<1x16xf32>,
    %get3A_2641 = vector.shape_cast %get3A_2640 : vector<1x16xf32> to vector<16xf32>
    %get3A_2642 = arith.constant 206 : i32
    %get3A_2643 = arith.index_cast %get3A_2642 : i32 to index
    %get3A_2644 = arith.constant 0 : index
    %get3A_2645 = tpu.vector_load %arg8[%get3A_2643, %get3A_2644] {strides = array<i32>} : memref<256x16xf32, #tpu.memory_space<vmem>>, vector<1x16xf32>,
    %get3A_2646 = vector.shape_cast %get3A_2645 : vector<1x16xf32> to vector<16xf32>
    %mul3A_2647 = arith.mulf %get3A_2641, %get3A_2646 : vector<16xf32>
    %add3A_2648 = arith.addf %add3A_2636, %mul3A_2647 : vector<16xf32>
    %get3A_2649 = arith.constant 207 : i32
    %get3A_2650 = arith.index_cast %get3A_2649 : i32 to index
    %get3A_2651 = arith.constant 0 : index
    %get3A_2652 = tpu.vector_load %arg7[%get3A_2650, %get3A_2651] {strides = array<i32>} : memref<256x16xf32, #tpu.memory_space<vmem>>, vector<1x16xf32>,
    %get3A_2653 = vector.shape_cast %get3A_2652 : vector<1x16xf32> to vector<16xf32>
    %get3A_2654 = arith.constant 207 : i32
    %get3A_2655 = arith.index_cast %get3A_2654 : i32 to index
    %get3A_2656 = arith.constant 0 : index
    %get3A_2657 = tpu.vector_load %arg8[%get3A_2655, %get3A_2656] {strides = array<i32>} : memref<256x16xf32, #tpu.memory_space<vmem>>, vector<1x16xf32>,
    %get3A_2658 = vector.shape_cast %get3A_2657 : vector<1x16xf32> to vector<16xf32>
    %mul3A_2659 = arith.mulf %get3A_2653, %get3A_2658 : vector<16xf32>
    %add3A_2660 = arith.addf %add3A_2648, %mul3A_2659 : vector<16xf32>
    %swap3A_2661 = arith.constant 25 : i32
    %swap3A_2662 = arith.index_cast %swap3A_2661 : i32 to index
    %swap3A_2663 = arith.constant 0 : index
    %swap3A_2664 = tpu.vector_load %arg9[%swap3A_2662, %swap3A_2663] {strides = array<i32>} : memref<32x16xf32, #tpu.memory_space<vmem>>, vector<1x16xf32>,
    %swap3A_2665 = vector.shape_cast %swap3A_2664 : vector<1x16xf32> to vector<16xf32>
    %swap3A_2666 = vector.shape_cast %add3A_2660 : vector<16xf32> to vector<1x16xf32>
    tpu.vector_store %arg9[%swap3A_2662, %swap3A_2663], %swap3A_2666 {strides = array<i32>} : memref<32x16xf32, #tpu.memory_space<vmem>>, vector<1x16xf32>,
    %get3A_2667 = arith.constant 208 : i32
    %get3A_2668 = arith.index_cast %get3A_2667 : i32 to index
    %get3A_2669 = arith.constant 0 : index
    %get3A_2670 = tpu.vector_load %arg7[%get3A_2668, %get3A_2669] {strides = array<i32>} : memref<256x16xf32, #tpu.memory_space<vmem>>, vector<1x16xf32>,
    %get3A_2671 = vector.shape_cast %get3A_2670 : vector<1x16xf32> to vector<16xf32>
    %get3A_2672 = arith.constant 208 : i32
    %get3A_2673 = arith.index_cast %get3A_2672 : i32 to index
    %get3A_2674 = arith.constant 0 : index
    %get3A_2675 = tpu.vector_load %arg8[%get3A_2673, %get3A_2674] {strides = array<i32>} : memref<256x16xf32, #tpu.memory_space<vmem>>, vector<1x16xf32>,
    %get3A_2676 = vector.shape_cast %get3A_2675 : vector<1x16xf32> to vector<16xf32>
    %mul3A_2677 = arith.mulf %get3A_2671, %get3A_2676 : vector<16xf32>
    %get3A_2678 = arith.constant 209 : i32
    %get3A_2679 = arith.index_cast %get3A_2678 : i32 to index
    %get3A_2680 = arith.constant 0 : index
    %get3A_2681 = tpu.vector_load %arg7[%get3A_2679, %get3A_2680] {strides = array<i32>} : memref<256x16xf32, #tpu.memory_space<vmem>>, vector<1x16xf32>,
    %get3A_2682 = vector.shape_cast %get3A_2681 : vector<1x16xf32> to vector<16xf32>
    %get3A_2683 = arith.constant 209 : i32
    %get3A_2684 = arith.index_cast %get3A_2683 : i32 to index
    %get3A_2685 = arith.constant 0 : index
    %get3A_2686 = tpu.vector_load %arg8[%get3A_2684, %get3A_2685] {strides = array<i32>} : memref<256x16xf32, #tpu.memory_space<vmem>>, vector<1x16xf32>,
    %get3A_2687 = vector.shape_cast %get3A_2686 : vector<1x16xf32> to vector<16xf32>
    %mul3A_2688 = arith.mulf %get3A_2682, %get3A_2687 : vector<16xf32>
    %add3A_2689 = arith.addf %mul3A_2677, %mul3A_2688 : vector<16xf32>
    %get3A_2690 = arith.constant 210 : i32
    %get3A_2691 = arith.index_cast %get3A_2690 : i32 to index
    %get3A_2692 = arith.constant 0 : index
    %get3A_2693 = tpu.vector_load %arg7[%get3A_2691, %get3A_2692] {strides = array<i32>} : memref<256x16xf32, #tpu.memory_space<vmem>>, vector<1x16xf32>,
    %get3A_2694 = vector.shape_cast %get3A_2693 : vector<1x16xf32> to vector<16xf32>
    %get3A_2695 = arith.constant 210 : i32
    %get3A_2696 = arith.index_cast %get3A_2695 : i32 to index
    %get3A_2697 = arith.constant 0 : index
    %get3A_2698 = tpu.vector_load %arg8[%get3A_2696, %get3A_2697] {strides = array<i32>} : memref<256x16xf32, #tpu.memory_space<vmem>>, vector<1x16xf32>,
    %get3A_2699 = vector.shape_cast %get3A_2698 : vector<1x16xf32> to vector<16xf32>
    %mul3A_2700 = arith.mulf %get3A_2694, %get3A_2699 : vector<16xf32>
    %add3A_2701 = arith.addf %add3A_2689, %mul3A_2700 : vector<16xf32>
    %get3A_2702 = arith.constant 211 : i32
    %get3A_2703 = arith.index_cast %get3A_2702 : i32 to index
    %get3A_2704 = arith.constant 0 : index
    %get3A_2705 = tpu.vector_load %arg7[%get3A_2703, %get3A_2704] {strides = array<i32>} : memref<256x16xf32, #tpu.memory_space<vmem>>, vector<1x16xf32>,
    %get3A_2706 = vector.shape_cast %get3A_2705 : vector<1x16xf32> to vector<16xf32>
    %get3A_2707 = arith.constant 211 : i32
    %get3A_2708 = arith.index_cast %get3A_2707 : i32 to index
    %get3A_2709 = arith.constant 0 : index
    %get3A_2710 = tpu.vector_load %arg8[%get3A_2708, %get3A_2709] {strides = array<i32>} : memref<256x16xf32, #tpu.memory_space<vmem>>, vector<1x16xf32>,
    %get3A_2711 = vector.shape_cast %get3A_2710 : vector<1x16xf32> to vector<16xf32>
    %mul3A_2712 = arith.mulf %get3A_2706, %get3A_2711 : vector<16xf32>
    %add3A_2713 = arith.addf %add3A_2701, %mul3A_2712 : vector<16xf32>
    %get3A_2714 = arith.constant 212 : i32
    %get3A_2715 = arith.index_cast %get3A_2714 : i32 to index
    %get3A_2716 = arith.constant 0 : index
    %get3A_2717 = tpu.vector_load %arg7[%get3A_2715, %get3A_2716] {strides = array<i32>} : memref<256x16xf32, #tpu.memory_space<vmem>>, vector<1x16xf32>,
    %get3A_2718 = vector.shape_cast %get3A_2717 : vector<1x16xf32> to vector<16xf32>
    %get3A_2719 = arith.constant 212 : i32
    %get3A_2720 = arith.index_cast %get3A_2719 : i32 to index
    %get3A_2721 = arith.constant 0 : index
    %get3A_2722 = tpu.vector_load %arg8[%get3A_2720, %get3A_2721] {strides = array<i32>} : memref<256x16xf32, #tpu.memory_space<vmem>>, vector<1x16xf32>,
    %get3A_2723 = vector.shape_cast %get3A_2722 : vector<1x16xf32> to vector<16xf32>
    %mul3A_2724 = arith.mulf %get3A_2718, %get3A_2723 : vector<16xf32>
    %add3A_2725 = arith.addf %add3A_2713, %mul3A_2724 : vector<16xf32>
    %get3A_2726 = arith.constant 213 : i32
    %get3A_2727 = arith.index_cast %get3A_2726 : i32 to index
    %get3A_2728 = arith.constant 0 : index
    %get3A_2729 = tpu.vector_load %arg7[%get3A_2727, %get3A_2728] {strides = array<i32>} : memref<256x16xf32, #tpu.memory_space<vmem>>, vector<1x16xf32>,
    %get3A_2730 = vector.shape_cast %get3A_2729 : vector<1x16xf32> to vector<16xf32>
    %get3A_2731 = arith.constant 213 : i32
    %get3A_2732 = arith.index_cast %get3A_2731 : i32 to index
    %get3A_2733 = arith.constant 0 : index
    %get3A_2734 = tpu.vector_load %arg8[%get3A_2732, %get3A_2733] {strides = array<i32>} : memref<256x16xf32, #tpu.memory_space<vmem>>, vector<1x16xf32>,
    %get3A_2735 = vector.shape_cast %get3A_2734 : vector<1x16xf32> to vector<16xf32>
    %mul3A_2736 = arith.mulf %get3A_2730, %get3A_2735 : vector<16xf32>
    %add3A_2737 = arith.addf %add3A_2725, %mul3A_2736 : vector<16xf32>
    %get3A_2738 = arith.constant 214 : i32
    %get3A_2739 = arith.index_cast %get3A_2738 : i32 to index
    %get3A_2740 = arith.constant 0 : index
    %get3A_2741 = tpu.vector_load %arg7[%get3A_2739, %get3A_2740] {strides = array<i32>} : memref<256x16xf32, #tpu.memory_space<vmem>>, vector<1x16xf32>,
    %get3A_2742 = vector.shape_cast %get3A_2741 : vector<1x16xf32> to vector<16xf32>
    %get3A_2743 = arith.constant 214 : i32
    %get3A_2744 = arith.index_cast %get3A_2743 : i32 to index
    %get3A_2745 = arith.constant 0 : index
    %get3A_2746 = tpu.vector_load %arg8[%get3A_2744, %get3A_2745] {strides = array<i32>} : memref<256x16xf32, #tpu.memory_space<vmem>>, vector<1x16xf32>,
    %get3A_2747 = vector.shape_cast %get3A_2746 : vector<1x16xf32> to vector<16xf32>
    %mul3A_2748 = arith.mulf %get3A_2742, %get3A_2747 : vector<16xf32>
    %add3A_2749 = arith.addf %add3A_2737, %mul3A_2748 : vector<16xf32>
    %get3A_2750 = arith.constant 215 : i32
    %get3A_2751 = arith.index_cast %get3A_2750 : i32 to index
    %get3A_2752 = arith.constant 0 : index
    %get3A_2753 = tpu.vector_load %arg7[%get3A_2751, %get3A_2752] {strides = array<i32>} : memref<256x16xf32, #tpu.memory_space<vmem>>, vector<1x16xf32>,
    %get3A_2754 = vector.shape_cast %get3A_2753 : vector<1x16xf32> to vector<16xf32>
    %get3A_2755 = arith.constant 215 : i32
    %get3A_2756 = arith.index_cast %get3A_2755 : i32 to index
    %get3A_2757 = arith.constant 0 : index
    %get3A_2758 = tpu.vector_load %arg8[%get3A_2756, %get3A_2757] {strides = array<i32>} : memref<256x16xf32, #tpu.memory_space<vmem>>, vector<1x16xf32>,
    %get3A_2759 = vector.shape_cast %get3A_2758 : vector<1x16xf32> to vector<16xf32>
    %mul3A_2760 = arith.mulf %get3A_2754, %get3A_2759 : vector<16xf32>
    %add3A_2761 = arith.addf %add3A_2749, %mul3A_2760 : vector<16xf32>
    %swap3A_2762 = arith.constant 26 : i32
    %swap3A_2763 = arith.index_cast %swap3A_2762 : i32 to index
    %swap3A_2764 = arith.constant 0 : index
    %swap3A_2765 = tpu.vector_load %arg9[%swap3A_2763, %swap3A_2764] {strides = array<i32>} : memref<32x16xf32, #tpu.memory_space<vmem>>, vector<1x16xf32>,
    %swap3A_2766 = vector.shape_cast %swap3A_2765 : vector<1x16xf32> to vector<16xf32>
    %swap3A_2767 = vector.shape_cast %add3A_2761 : vector<16xf32> to vector<1x16xf32>
    tpu.vector_store %arg9[%swap3A_2763, %swap3A_2764], %swap3A_2767 {strides = array<i32>} : memref<32x16xf32, #tpu.memory_space<vmem>>, vector<1x16xf32>,
    %get3A_2768 = arith.constant 216 : i32
    %get3A_2769 = arith.index_cast %get3A_2768 : i32 to index
    %get3A_2770 = arith.constant 0 : index
    %get3A_2771 = tpu.vector_load %arg7[%get3A_2769, %get3A_2770] {strides = array<i32>} : memref<256x16xf32, #tpu.memory_space<vmem>>, vector<1x16xf32>,
    %get3A_2772 = vector.shape_cast %get3A_2771 : vector<1x16xf32> to vector<16xf32>
    %get3A_2773 = arith.constant 216 : i32
    %get3A_2774 = arith.index_cast %get3A_2773 : i32 to index
    %get3A_2775 = arith.constant 0 : index
    %get3A_2776 = tpu.vector_load %arg8[%get3A_2774, %get3A_2775] {strides = array<i32>} : memref<256x16xf32, #tpu.memory_space<vmem>>, vector<1x16xf32>,
    %get3A_2777 = vector.shape_cast %get3A_2776 : vector<1x16xf32> to vector<16xf32>
    %mul3A_2778 = arith.mulf %get3A_2772, %get3A_2777 : vector<16xf32>
    %get3A_2779 = arith.constant 217 : i32
    %get3A_2780 = arith.index_cast %get3A_2779 : i32 to index
    %get3A_2781 = arith.constant 0 : index
    %get3A_2782 = tpu.vector_load %arg7[%get3A_2780, %get3A_2781] {strides = array<i32>} : memref<256x16xf32, #tpu.memory_space<vmem>>, vector<1x16xf32>,
    %get3A_2783 = vector.shape_cast %get3A_2782 : vector<1x16xf32> to vector<16xf32>
    %get3A_2784 = arith.constant 217 : i32
    %get3A_2785 = arith.index_cast %get3A_2784 : i32 to index
    %get3A_2786 = arith.constant 0 : index
    %get3A_2787 = tpu.vector_load %arg8[%get3A_2785, %get3A_2786] {strides = array<i32>} : memref<256x16xf32, #tpu.memory_space<vmem>>, vector<1x16xf32>,
    %get3A_2788 = vector.shape_cast %get3A_2787 : vector<1x16xf32> to vector<16xf32>
    %mul3A_2789 = arith.mulf %get3A_2783, %get3A_2788 : vector<16xf32>
    %add3A_2790 = arith.addf %mul3A_2778, %mul3A_2789 : vector<16xf32>
    %get3A_2791 = arith.constant 218 : i32
    %get3A_2792 = arith.index_cast %get3A_2791 : i32 to index
    %get3A_2793 = arith.constant 0 : index
    %get3A_2794 = tpu.vector_load %arg7[%get3A_2792, %get3A_2793] {strides = array<i32>} : memref<256x16xf32, #tpu.memory_space<vmem>>, vector<1x16xf32>,
    %get3A_2795 = vector.shape_cast %get3A_2794 : vector<1x16xf32> to vector<16xf32>
    %get3A_2796 = arith.constant 218 : i32
    %get3A_2797 = arith.index_cast %get3A_2796 : i32 to index
    %get3A_2798 = arith.constant 0 : index
    %get3A_2799 = tpu.vector_load %arg8[%get3A_2797, %get3A_2798] {strides = array<i32>} : memref<256x16xf32, #tpu.memory_space<vmem>>, vector<1x16xf32>,
    %get3A_2800 = vector.shape_cast %get3A_2799 : vector<1x16xf32> to vector<16xf32>
    %mul3A_2801 = arith.mulf %get3A_2795, %get3A_2800 : vector<16xf32>
    %add3A_2802 = arith.addf %add3A_2790, %mul3A_2801 : vector<16xf32>
    %get3A_2803 = arith.constant 219 : i32
    %get3A_2804 = arith.index_cast %get3A_2803 : i32 to index
    %get3A_2805 = arith.constant 0 : index
    %get3A_2806 = tpu.vector_load %arg7[%get3A_2804, %get3A_2805] {strides = array<i32>} : memref<256x16xf32, #tpu.memory_space<vmem>>, vector<1x16xf32>,
    %get3A_2807 = vector.shape_cast %get3A_2806 : vector<1x16xf32> to vector<16xf32>
    %get3A_2808 = arith.constant 219 : i32
    %get3A_2809 = arith.index_cast %get3A_2808 : i32 to index
    %get3A_2810 = arith.constant 0 : index
    %get3A_2811 = tpu.vector_load %arg8[%get3A_2809, %get3A_2810] {strides = array<i32>} : memref<256x16xf32, #tpu.memory_space<vmem>>, vector<1x16xf32>,
    %get3A_2812 = vector.shape_cast %get3A_2811 : vector<1x16xf32> to vector<16xf32>
    %mul3A_2813 = arith.mulf %get3A_2807, %get3A_2812 : vector<16xf32>
    %add3A_2814 = arith.addf %add3A_2802, %mul3A_2813 : vector<16xf32>
    %get3A_2815 = arith.constant 220 : i32
    %get3A_2816 = arith.index_cast %get3A_2815 : i32 to index
    %get3A_2817 = arith.constant 0 : index
    %get3A_2818 = tpu.vector_load %arg7[%get3A_2816, %get3A_2817] {strides = array<i32>} : memref<256x16xf32, #tpu.memory_space<vmem>>, vector<1x16xf32>,
    %get3A_2819 = vector.shape_cast %get3A_2818 : vector<1x16xf32> to vector<16xf32>
    %get3A_2820 = arith.constant 220 : i32
    %get3A_2821 = arith.index_cast %get3A_2820 : i32 to index
    %get3A_2822 = arith.constant 0 : index
    %get3A_2823 = tpu.vector_load %arg8[%get3A_2821, %get3A_2822] {strides = array<i32>} : memref<256x16xf32, #tpu.memory_space<vmem>>, vector<1x16xf32>,
    %get3A_2824 = vector.shape_cast %get3A_2823 : vector<1x16xf32> to vector<16xf32>
    %mul3A_2825 = arith.mulf %get3A_2819, %get3A_2824 : vector<16xf32>
    %add3A_2826 = arith.addf %add3A_2814, %mul3A_2825 : vector<16xf32>
    %get3A_2827 = arith.constant 221 : i32
    %get3A_2828 = arith.index_cast %get3A_2827 : i32 to index
    %get3A_2829 = arith.constant 0 : index
    %get3A_2830 = tpu.vector_load %arg7[%get3A_2828, %get3A_2829] {strides = array<i32>} : memref<256x16xf32, #tpu.memory_space<vmem>>, vector<1x16xf32>,
    %get3A_2831 = vector.shape_cast %get3A_2830 : vector<1x16xf32> to vector<16xf32>
    %get3A_2832 = arith.constant 221 : i32
    %get3A_2833 = arith.index_cast %get3A_2832 : i32 to index
    %get3A_2834 = arith.constant 0 : index
    %get3A_2835 = tpu.vector_load %arg8[%get3A_2833, %get3A_2834] {strides = array<i32>} : memref<256x16xf32, #tpu.memory_space<vmem>>, vector<1x16xf32>,
    %get3A_2836 = vector.shape_cast %get3A_2835 : vector<1x16xf32> to vector<16xf32>
    %mul3A_2837 = arith.mulf %get3A_2831, %get3A_2836 : vector<16xf32>
    %add3A_2838 = arith.addf %add3A_2826, %mul3A_2837 : vector<16xf32>
    %get3A_2839 = arith.constant 222 : i32
    %get3A_2840 = arith.index_cast %get3A_2839 : i32 to index
    %get3A_2841 = arith.constant 0 : index
    %get3A_2842 = tpu.vector_load %arg7[%get3A_2840, %get3A_2841] {strides = array<i32>} : memref<256x16xf32, #tpu.memory_space<vmem>>, vector<1x16xf32>,
    %get3A_2843 = vector.shape_cast %get3A_2842 : vector<1x16xf32> to vector<16xf32>
    %get3A_2844 = arith.constant 222 : i32
    %get3A_2845 = arith.index_cast %get3A_2844 : i32 to index
    %get3A_2846 = arith.constant 0 : index
    %get3A_2847 = tpu.vector_load %arg8[%get3A_2845, %get3A_2846] {strides = array<i32>} : memref<256x16xf32, #tpu.memory_space<vmem>>, vector<1x16xf32>,
    %get3A_2848 = vector.shape_cast %get3A_2847 : vector<1x16xf32> to vector<16xf32>
    %mul3A_2849 = arith.mulf %get3A_2843, %get3A_2848 : vector<16xf32>
    %add3A_2850 = arith.addf %add3A_2838, %mul3A_2849 : vector<16xf32>
    %get3A_2851 = arith.constant 223 : i32
    %get3A_2852 = arith.index_cast %get3A_2851 : i32 to index
    %get3A_2853 = arith.constant 0 : index
    %get3A_2854 = tpu.vector_load %arg7[%get3A_2852, %get3A_2853] {strides = array<i32>} : memref<256x16xf32, #tpu.memory_space<vmem>>, vector<1x16xf32>,
    %get3A_2855 = vector.shape_cast %get3A_2854 : vector<1x16xf32> to vector<16xf32>
    %get3A_2856 = arith.constant 223 : i32
    %get3A_2857 = arith.index_cast %get3A_2856 : i32 to index
    %get3A_2858 = arith.constant 0 : index
    %get3A_2859 = tpu.vector_load %arg8[%get3A_2857, %get3A_2858] {strides = array<i32>} : memref<256x16xf32, #tpu.memory_space<vmem>>, vector<1x16xf32>,
    %get3A_2860 = vector.shape_cast %get3A_2859 : vector<1x16xf32> to vector<16xf32>
    %mul3A_2861 = arith.mulf %get3A_2855, %get3A_2860 : vector<16xf32>
    %add3A_2862 = arith.addf %add3A_2850, %mul3A_2861 : vector<16xf32>
    %swap3A_2863 = arith.constant 27 : i32
    %swap3A_2864 = arith.index_cast %swap3A_2863 : i32 to index
    %swap3A_2865 = arith.constant 0 : index
    %swap3A_2866 = tpu.vector_load %arg9[%swap3A_2864, %swap3A_2865] {strides = array<i32>} : memref<32x16xf32, #tpu.memory_space<vmem>>, vector<1x16xf32>,
    %swap3A_2867 = vector.shape_cast %swap3A_2866 : vector<1x16xf32> to vector<16xf32>
    %swap3A_2868 = vector.shape_cast %add3A_2862 : vector<16xf32> to vector<1x16xf32>
    tpu.vector_store %arg9[%swap3A_2864, %swap3A_2865], %swap3A_2868 {strides = array<i32>} : memref<32x16xf32, #tpu.memory_space<vmem>>, vector<1x16xf32>,
    %get3A_2869 = arith.constant 224 : i32
    %get3A_2870 = arith.index_cast %get3A_2869 : i32 to index
    %get3A_2871 = arith.constant 0 : index
    %get3A_2872 = tpu.vector_load %arg7[%get3A_2870, %get3A_2871] {strides = array<i32>} : memref<256x16xf32, #tpu.memory_space<vmem>>, vector<1x16xf32>,
    %get3A_2873 = vector.shape_cast %get3A_2872 : vector<1x16xf32> to vector<16xf32>
    %get3A_2874 = arith.constant 224 : i32
    %get3A_2875 = arith.index_cast %get3A_2874 : i32 to index
    %get3A_2876 = arith.constant 0 : index
    %get3A_2877 = tpu.vector_load %arg8[%get3A_2875, %get3A_2876] {strides = array<i32>} : memref<256x16xf32, #tpu.memory_space<vmem>>, vector<1x16xf32>,
    %get3A_2878 = vector.shape_cast %get3A_2877 : vector<1x16xf32> to vector<16xf32>
    %mul3A_2879 = arith.mulf %get3A_2873, %get3A_2878 : vector<16xf32>
    %get3A_2880 = arith.constant 225 : i32
    %get3A_2881 = arith.index_cast %get3A_2880 : i32 to index
    %get3A_2882 = arith.constant 0 : index
    %get3A_2883 = tpu.vector_load %arg7[%get3A_2881, %get3A_2882] {strides = array<i32>} : memref<256x16xf32, #tpu.memory_space<vmem>>, vector<1x16xf32>,
    %get3A_2884 = vector.shape_cast %get3A_2883 : vector<1x16xf32> to vector<16xf32>
    %get3A_2885 = arith.constant 225 : i32
    %get3A_2886 = arith.index_cast %get3A_2885 : i32 to index
    %get3A_2887 = arith.constant 0 : index
    %get3A_2888 = tpu.vector_load %arg8[%get3A_2886, %get3A_2887] {strides = array<i32>} : memref<256x16xf32, #tpu.memory_space<vmem>>, vector<1x16xf32>,
    %get3A_2889 = vector.shape_cast %get3A_2888 : vector<1x16xf32> to vector<16xf32>
    %mul3A_2890 = arith.mulf %get3A_2884, %get3A_2889 : vector<16xf32>
    %add3A_2891 = arith.addf %mul3A_2879, %mul3A_2890 : vector<16xf32>
    %get3A_2892 = arith.constant 226 : i32
    %get3A_2893 = arith.index_cast %get3A_2892 : i32 to index
    %get3A_2894 = arith.constant 0 : index
    %get3A_2895 = tpu.vector_load %arg7[%get3A_2893, %get3A_2894] {strides = array<i32>} : memref<256x16xf32, #tpu.memory_space<vmem>>, vector<1x16xf32>,
    %get3A_2896 = vector.shape_cast %get3A_2895 : vector<1x16xf32> to vector<16xf32>
    %get3A_2897 = arith.constant 226 : i32
    %get3A_2898 = arith.index_cast %get3A_2897 : i32 to index
    %get3A_2899 = arith.constant 0 : index
    %get3A_2900 = tpu.vector_load %arg8[%get3A_2898, %get3A_2899] {strides = array<i32>} : memref<256x16xf32, #tpu.memory_space<vmem>>, vector<1x16xf32>,
    %get3A_2901 = vector.shape_cast %get3A_2900 : vector<1x16xf32> to vector<16xf32>
    %mul3A_2902 = arith.mulf %get3A_2896, %get3A_2901 : vector<16xf32>
    %add3A_2903 = arith.addf %add3A_2891, %mul3A_2902 : vector<16xf32>
    %get3A_2904 = arith.constant 227 : i32
    %get3A_2905 = arith.index_cast %get3A_2904 : i32 to index
    %get3A_2906 = arith.constant 0 : index
    %get3A_2907 = tpu.vector_load %arg7[%get3A_2905, %get3A_2906] {strides = array<i32>} : memref<256x16xf32, #tpu.memory_space<vmem>>, vector<1x16xf32>,
    %get3A_2908 = vector.shape_cast %get3A_2907 : vector<1x16xf32> to vector<16xf32>
    %get3A_2909 = arith.constant 227 : i32
    %get3A_2910 = arith.index_cast %get3A_2909 : i32 to index
    %get3A_2911 = arith.constant 0 : index
    %get3A_2912 = tpu.vector_load %arg8[%get3A_2910, %get3A_2911] {strides = array<i32>} : memref<256x16xf32, #tpu.memory_space<vmem>>, vector<1x16xf32>,
    %get3A_2913 = vector.shape_cast %get3A_2912 : vector<1x16xf32> to vector<16xf32>
    %mul3A_2914 = arith.mulf %get3A_2908, %get3A_2913 : vector<16xf32>
    %add3A_2915 = arith.addf %add3A_2903, %mul3A_2914 : vector<16xf32>
    %get3A_2916 = arith.constant 228 : i32
    %get3A_2917 = arith.index_cast %get3A_2916 : i32 to index
    %get3A_2918 = arith.constant 0 : index
    %get3A_2919 = tpu.vector_load %arg7[%get3A_2917, %get3A_2918] {strides = array<i32>} : memref<256x16xf32, #tpu.memory_space<vmem>>, vector<1x16xf32>,
    %get3A_2920 = vector.shape_cast %get3A_2919 : vector<1x16xf32> to vector<16xf32>
    %get3A_2921 = arith.constant 228 : i32
    %get3A_2922 = arith.index_cast %get3A_2921 : i32 to index
    %get3A_2923 = arith.constant 0 : index
    %get3A_2924 = tpu.vector_load %arg8[%get3A_2922, %get3A_2923] {strides = array<i32>} : memref<256x16xf32, #tpu.memory_space<vmem>>, vector<1x16xf32>,
    %get3A_2925 = vector.shape_cast %get3A_2924 : vector<1x16xf32> to vector<16xf32>
    %mul3A_2926 = arith.mulf %get3A_2920, %get3A_2925 : vector<16xf32>
    %add3A_2927 = arith.addf %add3A_2915, %mul3A_2926 : vector<16xf32>
    %get3A_2928 = arith.constant 229 : i32
    %get3A_2929 = arith.index_cast %get3A_2928 : i32 to index
    %get3A_2930 = arith.constant 0 : index
    %get3A_2931 = tpu.vector_load %arg7[%get3A_2929, %get3A_2930] {strides = array<i32>} : memref<256x16xf32, #tpu.memory_space<vmem>>, vector<1x16xf32>,
    %get3A_2932 = vector.shape_cast %get3A_2931 : vector<1x16xf32> to vector<16xf32>
    %get3A_2933 = arith.constant 229 : i32
    %get3A_2934 = arith.index_cast %get3A_2933 : i32 to index
    %get3A_2935 = arith.constant 0 : index
    %get3A_2936 = tpu.vector_load %arg8[%get3A_2934, %get3A_2935] {strides = array<i32>} : memref<256x16xf32, #tpu.memory_space<vmem>>, vector<1x16xf32>,
    %get3A_2937 = vector.shape_cast %get3A_2936 : vector<1x16xf32> to vector<16xf32>
    %mul3A_2938 = arith.mulf %get3A_2932, %get3A_2937 : vector<16xf32>
    %add3A_2939 = arith.addf %add3A_2927, %mul3A_2938 : vector<16xf32>
    %get3A_2940 = arith.constant 230 : i32
    %get3A_2941 = arith.index_cast %get3A_2940 : i32 to index
    %get3A_2942 = arith.constant 0 : index
    %get3A_2943 = tpu.vector_load %arg7[%get3A_2941, %get3A_2942] {strides = array<i32>} : memref<256x16xf32, #tpu.memory_space<vmem>>, vector<1x16xf32>,
    %get3A_2944 = vector.shape_cast %get3A_2943 : vector<1x16xf32> to vector<16xf32>
    %get3A_2945 = arith.constant 230 : i32
    %get3A_2946 = arith.index_cast %get3A_2945 : i32 to index
    %get3A_2947 = arith.constant 0 : index
    %get3A_2948 = tpu.vector_load %arg8[%get3A_2946, %get3A_2947] {strides = array<i32>} : memref<256x16xf32, #tpu.memory_space<vmem>>, vector<1x16xf32>,
    %get3A_2949 = vector.shape_cast %get3A_2948 : vector<1x16xf32> to vector<16xf32>
    %mul3A_2950 = arith.mulf %get3A_2944, %get3A_2949 : vector<16xf32>
    %add3A_2951 = arith.addf %add3A_2939, %mul3A_2950 : vector<16xf32>
    %get3A_2952 = arith.constant 231 : i32
    %get3A_2953 = arith.index_cast %get3A_2952 : i32 to index
    %get3A_2954 = arith.constant 0 : index
    %get3A_2955 = tpu.vector_load %arg7[%get3A_2953, %get3A_2954] {strides = array<i32>} : memref<256x16xf32, #tpu.memory_space<vmem>>, vector<1x16xf32>,
    %get3A_2956 = vector.shape_cast %get3A_2955 : vector<1x16xf32> to vector<16xf32>
    %get3A_2957 = arith.constant 231 : i32
    %get3A_2958 = arith.index_cast %get3A_2957 : i32 to index
    %get3A_2959 = arith.constant 0 : index
    %get3A_2960 = tpu.vector_load %arg8[%get3A_2958, %get3A_2959] {strides = array<i32>} : memref<256x16xf32, #tpu.memory_space<vmem>>, vector<1x16xf32>,
    %get3A_2961 = vector.shape_cast %get3A_2960 : vector<1x16xf32> to vector<16xf32>
    %mul3A_2962 = arith.mulf %get3A_2956, %get3A_2961 : vector<16xf32>
    %add3A_2963 = arith.addf %add3A_2951, %mul3A_2962 : vector<16xf32>
    %swap3A_2964 = arith.constant 28 : i32
    %swap3A_2965 = arith.index_cast %swap3A_2964 : i32 to index
    %swap3A_2966 = arith.constant 0 : index
    %swap3A_2967 = tpu.vector_load %arg9[%swap3A_2965, %swap3A_2966] {strides = array<i32>} : memref<32x16xf32, #tpu.memory_space<vmem>>, vector<1x16xf32>,
    %swap3A_2968 = vector.shape_cast %swap3A_2967 : vector<1x16xf32> to vector<16xf32>
    %swap3A_2969 = vector.shape_cast %add3A_2963 : vector<16xf32> to vector<1x16xf32>
    tpu.vector_store %arg9[%swap3A_2965, %swap3A_2966], %swap3A_2969 {strides = array<i32>} : memref<32x16xf32, #tpu.memory_space<vmem>>, vector<1x16xf32>,
    %get3A_2970 = arith.constant 232 : i32
    %get3A_2971 = arith.index_cast %get3A_2970 : i32 to index
    %get3A_2972 = arith.constant 0 : index
    %get3A_2973 = tpu.vector_load %arg7[%get3A_2971, %get3A_2972] {strides = array<i32>} : memref<256x16xf32, #tpu.memory_space<vmem>>, vector<1x16xf32>,
    %get3A_2974 = vector.shape_cast %get3A_2973 : vector<1x16xf32> to vector<16xf32>
    %get3A_2975 = arith.constant 232 : i32
    %get3A_2976 = arith.index_cast %get3A_2975 : i32 to index
    %get3A_2977 = arith.constant 0 : index
    %get3A_2978 = tpu.vector_load %arg8[%get3A_2976, %get3A_2977] {strides = array<i32>} : memref<256x16xf32, #tpu.memory_space<vmem>>, vector<1x16xf32>,
    %get3A_2979 = vector.shape_cast %get3A_2978 : vector<1x16xf32> to vector<16xf32>
    %mul3A_2980 = arith.mulf %get3A_2974, %get3A_2979 : vector<16xf32>
    %get3A_2981 = arith.constant 233 : i32
    %get3A_2982 = arith.index_cast %get3A_2981 : i32 to index
    %get3A_2983 = arith.constant 0 : index
    %get3A_2984 = tpu.vector_load %arg7[%get3A_2982, %get3A_2983] {strides = array<i32>} : memref<256x16xf32, #tpu.memory_space<vmem>>, vector<1x16xf32>,
    %get3A_2985 = vector.shape_cast %get3A_2984 : vector<1x16xf32> to vector<16xf32>
    %get3A_2986 = arith.constant 233 : i32
    %get3A_2987 = arith.index_cast %get3A_2986 : i32 to index
    %get3A_2988 = arith.constant 0 : index
    %get3A_2989 = tpu.vector_load %arg8[%get3A_2987, %get3A_2988] {strides = array<i32>} : memref<256x16xf32, #tpu.memory_space<vmem>>, vector<1x16xf32>,
    %get3A_2990 = vector.shape_cast %get3A_2989 : vector<1x16xf32> to vector<16xf32>
    %mul3A_2991 = arith.mulf %get3A_2985, %get3A_2990 : vector<16xf32>
    %add3A_2992 = arith.addf %mul3A_2980, %mul3A_2991 : vector<16xf32>
    %get3A_2993 = arith.constant 234 : i32
    %get3A_2994 = arith.index_cast %get3A_2993 : i32 to index
    %get3A_2995 = arith.constant 0 : index
    %get3A_2996 = tpu.vector_load %arg7[%get3A_2994, %get3A_2995] {strides = array<i32>} : memref<256x16xf32, #tpu.memory_space<vmem>>, vector<1x16xf32>,
    %get3A_2997 = vector.shape_cast %get3A_2996 : vector<1x16xf32> to vector<16xf32>
    %get3A_2998 = arith.constant 234 : i32
    %get3A_2999 = arith.index_cast %get3A_2998 : i32 to index
    %get3A_3000 = arith.constant 0 : index
    %get3A_3001 = tpu.vector_load %arg8[%get3A_2999, %get3A_3000] {strides = array<i32>} : memref<256x16xf32, #tpu.memory_space<vmem>>, vector<1x16xf32>,
    %get3A_3002 = vector.shape_cast %get3A_3001 : vector<1x16xf32> to vector<16xf32>
    %mul3A_3003 = arith.mulf %get3A_2997, %get3A_3002 : vector<16xf32>
    %add3A_3004 = arith.addf %add3A_2992, %mul3A_3003 : vector<16xf32>
    %get3A_3005 = arith.constant 235 : i32
    %get3A_3006 = arith.index_cast %get3A_3005 : i32 to index
    %get3A_3007 = arith.constant 0 : index
    %get3A_3008 = tpu.vector_load %arg7[%get3A_3006, %get3A_3007] {strides = array<i32>} : memref<256x16xf32, #tpu.memory_space<vmem>>, vector<1x16xf32>,
    %get3A_3009 = vector.shape_cast %get3A_3008 : vector<1x16xf32> to vector<16xf32>
    %get3A_3010 = arith.constant 235 : i32
    %get3A_3011 = arith.index_cast %get3A_3010 : i32 to index
    %get3A_3012 = arith.constant 0 : index
    %get3A_3013 = tpu.vector_load %arg8[%get3A_3011, %get3A_3012] {strides = array<i32>} : memref<256x16xf32, #tpu.memory_space<vmem>>, vector<1x16xf32>,
    %get3A_3014 = vector.shape_cast %get3A_3013 : vector<1x16xf32> to vector<16xf32>
    %mul3A_3015 = arith.mulf %get3A_3009, %get3A_3014 : vector<16xf32>
    %add3A_3016 = arith.addf %add3A_3004, %mul3A_3015 : vector<16xf32>
    %get3A_3017 = arith.constant 236 : i32
    %get3A_3018 = arith.index_cast %get3A_3017 : i32 to index
    %get3A_3019 = arith.constant 0 : index
    %get3A_3020 = tpu.vector_load %arg7[%get3A_3018, %get3A_3019] {strides = array<i32>} : memref<256x16xf32, #tpu.memory_space<vmem>>, vector<1x16xf32>,
    %get3A_3021 = vector.shape_cast %get3A_3020 : vector<1x16xf32> to vector<16xf32>
    %get3A_3022 = arith.constant 236 : i32
    %get3A_3023 = arith.index_cast %get3A_3022 : i32 to index
    %get3A_3024 = arith.constant 0 : index
    %get3A_3025 = tpu.vector_load %arg8[%get3A_3023, %get3A_3024] {strides = array<i32>} : memref<256x16xf32, #tpu.memory_space<vmem>>, vector<1x16xf32>,
    %get3A_3026 = vector.shape_cast %get3A_3025 : vector<1x16xf32> to vector<16xf32>
    %mul3A_3027 = arith.mulf %get3A_3021, %get3A_3026 : vector<16xf32>
    %add3A_3028 = arith.addf %add3A_3016, %mul3A_3027 : vector<16xf32>
    %get3A_3029 = arith.constant 237 : i32
    %get3A_3030 = arith.index_cast %get3A_3029 : i32 to index
    %get3A_3031 = arith.constant 0 : index
    %get3A_3032 = tpu.vector_load %arg7[%get3A_3030, %get3A_3031] {strides = array<i32>} : memref<256x16xf32, #tpu.memory_space<vmem>>, vector<1x16xf32>,
    %get3A_3033 = vector.shape_cast %get3A_3032 : vector<1x16xf32> to vector<16xf32>
    %get3A_3034 = arith.constant 237 : i32
    %get3A_3035 = arith.index_cast %get3A_3034 : i32 to index
    %get3A_3036 = arith.constant 0 : index
    %get3A_3037 = tpu.vector_load %arg8[%get3A_3035, %get3A_3036] {strides = array<i32>} : memref<256x16xf32, #tpu.memory_space<vmem>>, vector<1x16xf32>,
    %get3A_3038 = vector.shape_cast %get3A_3037 : vector<1x16xf32> to vector<16xf32>
    %mul3A_3039 = arith.mulf %get3A_3033, %get3A_3038 : vector<16xf32>
    %add3A_3040 = arith.addf %add3A_3028, %mul3A_3039 : vector<16xf32>
    %get3A_3041 = arith.constant 238 : i32
    %get3A_3042 = arith.index_cast %get3A_3041 : i32 to index
    %get3A_3043 = arith.constant 0 : index
    %get3A_3044 = tpu.vector_load %arg7[%get3A_3042, %get3A_3043] {strides = array<i32>} : memref<256x16xf32, #tpu.memory_space<vmem>>, vector<1x16xf32>,
    %get3A_3045 = vector.shape_cast %get3A_3044 : vector<1x16xf32> to vector<16xf32>
    %get3A_3046 = arith.constant 238 : i32
    %get3A_3047 = arith.index_cast %get3A_3046 : i32 to index
    %get3A_3048 = arith.constant 0 : index
    %get3A_3049 = tpu.vector_load %arg8[%get3A_3047, %get3A_3048] {strides = array<i32>} : memref<256x16xf32, #tpu.memory_space<vmem>>, vector<1x16xf32>,
    %get3A_3050 = vector.shape_cast %get3A_3049 : vector<1x16xf32> to vector<16xf32>
    %mul3A_3051 = arith.mulf %get3A_3045, %get3A_3050 : vector<16xf32>
    %add3A_3052 = arith.addf %add3A_3040, %mul3A_3051 : vector<16xf32>
    %get3A_3053 = arith.constant 239 : i32
    %get3A_3054 = arith.index_cast %get3A_3053 : i32 to index
    %get3A_3055 = arith.constant 0 : index
    %get3A_3056 = tpu.vector_load %arg7[%get3A_3054, %get3A_3055] {strides = array<i32>} : memref<256x16xf32, #tpu.memory_space<vmem>>, vector<1x16xf32>,
    %get3A_3057 = vector.shape_cast %get3A_3056 : vector<1x16xf32> to vector<16xf32>
    %get3A_3058 = arith.constant 239 : i32
    %get3A_3059 = arith.index_cast %get3A_3058 : i32 to index
    %get3A_3060 = arith.constant 0 : index
    %get3A_3061 = tpu.vector_load %arg8[%get3A_3059, %get3A_3060] {strides = array<i32>} : memref<256x16xf32, #tpu.memory_space<vmem>>, vector<1x16xf32>,
    %get3A_3062 = vector.shape_cast %get3A_3061 : vector<1x16xf32> to vector<16xf32>
    %mul3A_3063 = arith.mulf %get3A_3057, %get3A_3062 : vector<16xf32>
    %add3A_3064 = arith.addf %add3A_3052, %mul3A_3063 : vector<16xf32>
    %swap3A_3065 = arith.constant 29 : i32
    %swap3A_3066 = arith.index_cast %swap3A_3065 : i32 to index
    %swap3A_3067 = arith.constant 0 : index
    %swap3A_3068 = tpu.vector_load %arg9[%swap3A_3066, %swap3A_3067] {strides = array<i32>} : memref<32x16xf32, #tpu.memory_space<vmem>>, vector<1x16xf32>,
    %swap3A_3069 = vector.shape_cast %swap3A_3068 : vector<1x16xf32> to vector<16xf32>
    %swap3A_3070 = vector.shape_cast %add3A_3064 : vector<16xf32> to vector<1x16xf32>
    tpu.vector_store %arg9[%swap3A_3066, %swap3A_3067], %swap3A_3070 {strides = array<i32>} : memref<32x16xf32, #tpu.memory_space<vmem>>, vector<1x16xf32>,
    %get3A_3071 = arith.constant 240 : i32
    %get3A_3072 = arith.index_cast %get3A_3071 : i32 to index
    %get3A_3073 = arith.constant 0 : index
    %get3A_3074 = tpu.vector_load %arg7[%get3A_3072, %get3A_3073] {strides = array<i32>} : memref<256x16xf32, #tpu.memory_space<vmem>>, vector<1x16xf32>,
    %get3A_3075 = vector.shape_cast %get3A_3074 : vector<1x16xf32> to vector<16xf32>
    %get3A_3076 = arith.constant 240 : i32
    %get3A_3077 = arith.index_cast %get3A_3076 : i32 to index
    %get3A_3078 = arith.constant 0 : index
    %get3A_3079 = tpu.vector_load %arg8[%get3A_3077, %get3A_3078] {strides = array<i32>} : memref<256x16xf32, #tpu.memory_space<vmem>>, vector<1x16xf32>,
    %get3A_3080 = vector.shape_cast %get3A_3079 : vector<1x16xf32> to vector<16xf32>
    %mul3A_3081 = arith.mulf %get3A_3075, %get3A_3080 : vector<16xf32>
    %get3A_3082 = arith.constant 241 : i32
    %get3A_3083 = arith.index_cast %get3A_3082 : i32 to index
    %get3A_3084 = arith.constant 0 : index
    %get3A_3085 = tpu.vector_load %arg7[%get3A_3083, %get3A_3084] {strides = array<i32>} : memref<256x16xf32, #tpu.memory_space<vmem>>, vector<1x16xf32>,
    %get3A_3086 = vector.shape_cast %get3A_3085 : vector<1x16xf32> to vector<16xf32>
    %get3A_3087 = arith.constant 241 : i32
    %get3A_3088 = arith.index_cast %get3A_3087 : i32 to index
    %get3A_3089 = arith.constant 0 : index
    %get3A_3090 = tpu.vector_load %arg8[%get3A_3088, %get3A_3089] {strides = array<i32>} : memref<256x16xf32, #tpu.memory_space<vmem>>, vector<1x16xf32>,
    %get3A_3091 = vector.shape_cast %get3A_3090 : vector<1x16xf32> to vector<16xf32>
    %mul3A_3092 = arith.mulf %get3A_3086, %get3A_3091 : vector<16xf32>
    %add3A_3093 = arith.addf %mul3A_3081, %mul3A_3092 : vector<16xf32>
    %get3A_3094 = arith.constant 242 : i32
    %get3A_3095 = arith.index_cast %get3A_3094 : i32 to index
    %get3A_3096 = arith.constant 0 : index
    %get3A_3097 = tpu.vector_load %arg7[%get3A_3095, %get3A_3096] {strides = array<i32>} : memref<256x16xf32, #tpu.memory_space<vmem>>, vector<1x16xf32>,
    %get3A_3098 = vector.shape_cast %get3A_3097 : vector<1x16xf32> to vector<16xf32>
    %get3A_3099 = arith.constant 242 : i32
    %get3A_3100 = arith.index_cast %get3A_3099 : i32 to index
    %get3A_3101 = arith.constant 0 : index
    %get3A_3102 = tpu.vector_load %arg8[%get3A_3100, %get3A_3101] {strides = array<i32>} : memref<256x16xf32, #tpu.memory_space<vmem>>, vector<1x16xf32>,
    %get3A_3103 = vector.shape_cast %get3A_3102 : vector<1x16xf32> to vector<16xf32>
    %mul3A_3104 = arith.mulf %get3A_3098, %get3A_3103 : vector<16xf32>
    %add3A_3105 = arith.addf %add3A_3093, %mul3A_3104 : vector<16xf32>
    %get3A_3106 = arith.constant 243 : i32
    %get3A_3107 = arith.index_cast %get3A_3106 : i32 to index
    %get3A_3108 = arith.constant 0 : index
    %get3A_3109 = tpu.vector_load %arg7[%get3A_3107, %get3A_3108] {strides = array<i32>} : memref<256x16xf32, #tpu.memory_space<vmem>>, vector<1x16xf32>,
    %get3A_3110 = vector.shape_cast %get3A_3109 : vector<1x16xf32> to vector<16xf32>
    %get3A_3111 = arith.constant 243 : i32
    %get3A_3112 = arith.index_cast %get3A_3111 : i32 to index
    %get3A_3113 = arith.constant 0 : index
    %get3A_3114 = tpu.vector_load %arg8[%get3A_3112, %get3A_3113] {strides = array<i32>} : memref<256x16xf32, #tpu.memory_space<vmem>>, vector<1x16xf32>,
    %get3A_3115 = vector.shape_cast %get3A_3114 : vector<1x16xf32> to vector<16xf32>
    %mul3A_3116 = arith.mulf %get3A_3110, %get3A_3115 : vector<16xf32>
    %add3A_3117 = arith.addf %add3A_3105, %mul3A_3116 : vector<16xf32>
    %get3A_3118 = arith.constant 244 : i32
    %get3A_3119 = arith.index_cast %get3A_3118 : i32 to index
    %get3A_3120 = arith.constant 0 : index
    %get3A_3121 = tpu.vector_load %arg7[%get3A_3119, %get3A_3120] {strides = array<i32>} : memref<256x16xf32, #tpu.memory_space<vmem>>, vector<1x16xf32>,
    %get3A_3122 = vector.shape_cast %get3A_3121 : vector<1x16xf32> to vector<16xf32>
    %get3A_3123 = arith.constant 244 : i32
    %get3A_3124 = arith.index_cast %get3A_3123 : i32 to index
    %get3A_3125 = arith.constant 0 : index
    %get3A_3126 = tpu.vector_load %arg8[%get3A_3124, %get3A_3125] {strides = array<i32>} : memref<256x16xf32, #tpu.memory_space<vmem>>, vector<1x16xf32>,
    %get3A_3127 = vector.shape_cast %get3A_3126 : vector<1x16xf32> to vector<16xf32>
    %mul3A_3128 = arith.mulf %get3A_3122, %get3A_3127 : vector<16xf32>
    %add3A_3129 = arith.addf %add3A_3117, %mul3A_3128 : vector<16xf32>
    %get3A_3130 = arith.constant 245 : i32
    %get3A_3131 = arith.index_cast %get3A_3130 : i32 to index
    %get3A_3132 = arith.constant 0 : index
    %get3A_3133 = tpu.vector_load %arg7[%get3A_3131, %get3A_3132] {strides = array<i32>} : memref<256x16xf32, #tpu.memory_space<vmem>>, vector<1x16xf32>,
    %get3A_3134 = vector.shape_cast %get3A_3133 : vector<1x16xf32> to vector<16xf32>
    %get3A_3135 = arith.constant 245 : i32
    %get3A_3136 = arith.index_cast %get3A_3135 : i32 to index
    %get3A_3137 = arith.constant 0 : index
    %get3A_3138 = tpu.vector_load %arg8[%get3A_3136, %get3A_3137] {strides = array<i32>} : memref<256x16xf32, #tpu.memory_space<vmem>>, vector<1x16xf32>,
    %get3A_3139 = vector.shape_cast %get3A_3138 : vector<1x16xf32> to vector<16xf32>
    %mul3A_3140 = arith.mulf %get3A_3134, %get3A_3139 : vector<16xf32>
    %add3A_3141 = arith.addf %add3A_3129, %mul3A_3140 : vector<16xf32>
    %get3A_3142 = arith.constant 246 : i32
    %get3A_3143 = arith.index_cast %get3A_3142 : i32 to index
    %get3A_3144 = arith.constant 0 : index
    %get3A_3145 = tpu.vector_load %arg7[%get3A_3143, %get3A_3144] {strides = array<i32>} : memref<256x16xf32, #tpu.memory_space<vmem>>, vector<1x16xf32>,
    %get3A_3146 = vector.shape_cast %get3A_3145 : vector<1x16xf32> to vector<16xf32>
    %get3A_3147 = arith.constant 246 : i32
    %get3A_3148 = arith.index_cast %get3A_3147 : i32 to index
    %get3A_3149 = arith.constant 0 : index
    %get3A_3150 = tpu.vector_load %arg8[%get3A_3148, %get3A_3149] {strides = array<i32>} : memref<256x16xf32, #tpu.memory_space<vmem>>, vector<1x16xf32>,
    %get3A_3151 = vector.shape_cast %get3A_3150 : vector<1x16xf32> to vector<16xf32>
    %mul3A_3152 = arith.mulf %get3A_3146, %get3A_3151 : vector<16xf32>
    %add3A_3153 = arith.addf %add3A_3141, %mul3A_3152 : vector<16xf32>
    %get3A_3154 = arith.constant 247 : i32
    %get3A_3155 = arith.index_cast %get3A_3154 : i32 to index
    %get3A_3156 = arith.constant 0 : index
    %get3A_3157 = tpu.vector_load %arg7[%get3A_3155, %get3A_3156] {strides = array<i32>} : memref<256x16xf32, #tpu.memory_space<vmem>>, vector<1x16xf32>,
    %get3A_3158 = vector.shape_cast %get3A_3157 : vector<1x16xf32> to vector<16xf32>
    %get3A_3159 = arith.constant 247 : i32
    %get3A_3160 = arith.index_cast %get3A_3159 : i32 to index
    %get3A_3161 = arith.constant 0 : index
    %get3A_3162 = tpu.vector_load %arg8[%get3A_3160, %get3A_3161] {strides = array<i32>} : memref<256x16xf32, #tpu.memory_space<vmem>>, vector<1x16xf32>,
    %get3A_3163 = vector.shape_cast %get3A_3162 : vector<1x16xf32> to vector<16xf32>
    %mul3A_3164 = arith.mulf %get3A_3158, %get3A_3163 : vector<16xf32>
    %add3A_3165 = arith.addf %add3A_3153, %mul3A_3164 : vector<16xf32>
    %swap3A_3166 = arith.constant 30 : i32
    %swap3A_3167 = arith.index_cast %swap3A_3166 : i32 to index
    %swap3A_3168 = arith.constant 0 : index
    %swap3A_3169 = tpu.vector_load %arg9[%swap3A_3167, %swap3A_3168] {strides = array<i32>} : memref<32x16xf32, #tpu.memory_space<vmem>>, vector<1x16xf32>,
    %swap3A_3170 = vector.shape_cast %swap3A_3169 : vector<1x16xf32> to vector<16xf32>
    %swap3A_3171 = vector.shape_cast %add3A_3165 : vector<16xf32> to vector<1x16xf32>
    tpu.vector_store %arg9[%swap3A_3167, %swap3A_3168], %swap3A_3171 {strides = array<i32>} : memref<32x16xf32, #tpu.memory_space<vmem>>, vector<1x16xf32>,
    %get3A_3172 = arith.constant 248 : i32
    %get3A_3173 = arith.index_cast %get3A_3172 : i32 to index
    %get3A_3174 = arith.constant 0 : index
    %get3A_3175 = tpu.vector_load %arg7[%get3A_3173, %get3A_3174] {strides = array<i32>} : memref<256x16xf32, #tpu.memory_space<vmem>>, vector<1x16xf32>,
    %get3A_3176 = vector.shape_cast %get3A_3175 : vector<1x16xf32> to vector<16xf32>
    %get3A_3177 = arith.constant 248 : i32
    %get3A_3178 = arith.index_cast %get3A_3177 : i32 to index
    %get3A_3179 = arith.constant 0 : index
    %get3A_3180 = tpu.vector_load %arg8[%get3A_3178, %get3A_3179] {strides = array<i32>} : memref<256x16xf32, #tpu.memory_space<vmem>>, vector<1x16xf32>,
    %get3A_3181 = vector.shape_cast %get3A_3180 : vector<1x16xf32> to vector<16xf32>
    %mul3A_3182 = arith.mulf %get3A_3176, %get3A_3181 : vector<16xf32>
    %get3A_3183 = arith.constant 249 : i32
    %get3A_3184 = arith.index_cast %get3A_3183 : i32 to index
    %get3A_3185 = arith.constant 0 : index
    %get3A_3186 = tpu.vector_load %arg7[%get3A_3184, %get3A_3185] {strides = array<i32>} : memref<256x16xf32, #tpu.memory_space<vmem>>, vector<1x16xf32>,
    %get3A_3187 = vector.shape_cast %get3A_3186 : vector<1x16xf32> to vector<16xf32>
    %get3A_3188 = arith.constant 249 : i32
    %get3A_3189 = arith.index_cast %get3A_3188 : i32 to index
    %get3A_3190 = arith.constant 0 : index
    %get3A_3191 = tpu.vector_load %arg8[%get3A_3189, %get3A_3190] {strides = array<i32>} : memref<256x16xf32, #tpu.memory_space<vmem>>, vector<1x16xf32>,
    %get3A_3192 = vector.shape_cast %get3A_3191 : vector<1x16xf32> to vector<16xf32>
    %mul3A_3193 = arith.mulf %get3A_3187, %get3A_3192 : vector<16xf32>
    %add3A_3194 = arith.addf %mul3A_3182, %mul3A_3193 : vector<16xf32>
    %get3A_3195 = arith.constant 250 : i32
    %get3A_3196 = arith.index_cast %get3A_3195 : i32 to index
    %get3A_3197 = arith.constant 0 : index
    %get3A_3198 = tpu.vector_load %arg7[%get3A_3196, %get3A_3197] {strides = array<i32>} : memref<256x16xf32, #tpu.memory_space<vmem>>, vector<1x16xf32>,
    %get3A_3199 = vector.shape_cast %get3A_3198 : vector<1x16xf32> to vector<16xf32>
    %get3A_3200 = arith.constant 250 : i32
    %get3A_3201 = arith.index_cast %get3A_3200 : i32 to index
    %get3A_3202 = arith.constant 0 : index
    %get3A_3203 = tpu.vector_load %arg8[%get3A_3201, %get3A_3202] {strides = array<i32>} : memref<256x16xf32, #tpu.memory_space<vmem>>, vector<1x16xf32>,
    %get3A_3204 = vector.shape_cast %get3A_3203 : vector<1x16xf32> to vector<16xf32>
    %mul3A_3205 = arith.mulf %get3A_3199, %get3A_3204 : vector<16xf32>
    %add3A_3206 = arith.addf %add3A_3194, %mul3A_3205 : vector<16xf32>
    %get3A_3207 = arith.constant 251 : i32
    %get3A_3208 = arith.index_cast %get3A_3207 : i32 to index
    %get3A_3209 = arith.constant 0 : index
    %get3A_3210 = tpu.vector_load %arg7[%get3A_3208, %get3A_3209] {strides = array<i32>} : memref<256x16xf32, #tpu.memory_space<vmem>>, vector<1x16xf32>,
    %get3A_3211 = vector.shape_cast %get3A_3210 : vector<1x16xf32> to vector<16xf32>
    %get3A_3212 = arith.constant 251 : i32
    %get3A_3213 = arith.index_cast %get3A_3212 : i32 to index
    %get3A_3214 = arith.constant 0 : index
    %get3A_3215 = tpu.vector_load %arg8[%get3A_3213, %get3A_3214] {strides = array<i32>} : memref<256x16xf32, #tpu.memory_space<vmem>>, vector<1x16xf32>,
    %get3A_3216 = vector.shape_cast %get3A_3215 : vector<1x16xf32> to vector<16xf32>
    %mul3A_3217 = arith.mulf %get3A_3211, %get3A_3216 : vector<16xf32>
    %add3A_3218 = arith.addf %add3A_3206, %mul3A_3217 : vector<16xf32>
    %get3A_3219 = arith.constant 252 : i32
    %get3A_3220 = arith.index_cast %get3A_3219 : i32 to index
    %get3A_3221 = arith.constant 0 : index
    %get3A_3222 = tpu.vector_load %arg7[%get3A_3220, %get3A_3221] {strides = array<i32>} : memref<256x16xf32, #tpu.memory_space<vmem>>, vector<1x16xf32>,
    %get3A_3223 = vector.shape_cast %get3A_3222 : vector<1x16xf32> to vector<16xf32>
    %get3A_3224 = arith.constant 252 : i32
    %get3A_3225 = arith.index_cast %get3A_3224 : i32 to index
    %get3A_3226 = arith.constant 0 : index
    %get3A_3227 = tpu.vector_load %arg8[%get3A_3225, %get3A_3226] {strides = array<i32>} : memref<256x16xf32, #tpu.memory_space<vmem>>, vector<1x16xf32>,
    %get3A_3228 = vector.shape_cast %get3A_3227 : vector<1x16xf32> to vector<16xf32>
    %mul3A_3229 = arith.mulf %get3A_3223, %get3A_3228 : vector<16xf32>
    %add3A_3230 = arith.addf %add3A_3218, %mul3A_3229 : vector<16xf32>
    %get3A_3231 = arith.constant 253 : i32
    %get3A_3232 = arith.index_cast %get3A_3231 : i32 to index
    %get3A_3233 = arith.constant 0 : index
    %get3A_3234 = tpu.vector_load %arg7[%get3A_3232, %get3A_3233] {strides = array<i32>} : memref<256x16xf32, #tpu.memory_space<vmem>>, vector<1x16xf32>,
    %get3A_3235 = vector.shape_cast %get3A_3234 : vector<1x16xf32> to vector<16xf32>
    %get3A_3236 = arith.constant 253 : i32
    %get3A_3237 = arith.index_cast %get3A_3236 : i32 to index
    %get3A_3238 = arith.constant 0 : index
    %get3A_3239 = tpu.vector_load %arg8[%get3A_3237, %get3A_3238] {strides = array<i32>} : memref<256x16xf32, #tpu.memory_space<vmem>>, vector<1x16xf32>,
    %get3A_3240 = vector.shape_cast %get3A_3239 : vector<1x16xf32> to vector<16xf32>
    %mul3A_3241 = arith.mulf %get3A_3235, %get3A_3240 : vector<16xf32>
    %add3A_3242 = arith.addf %add3A_3230, %mul3A_3241 : vector<16xf32>
    %get3A_3243 = arith.constant 254 : i32
    %get3A_3244 = arith.index_cast %get3A_3243 : i32 to index
    %get3A_3245 = arith.constant 0 : index
    %get3A_3246 = tpu.vector_load %arg7[%get3A_3244, %get3A_3245] {strides = array<i32>} : memref<256x16xf32, #tpu.memory_space<vmem>>, vector<1x16xf32>,
    %get3A_3247 = vector.shape_cast %get3A_3246 : vector<1x16xf32> to vector<16xf32>
    %get3A_3248 = arith.constant 254 : i32
    %get3A_3249 = arith.index_cast %get3A_3248 : i32 to index
    %get3A_3250 = arith.constant 0 : index
    %get3A_3251 = tpu.vector_load %arg8[%get3A_3249, %get3A_3250] {strides = array<i32>} : memref<256x16xf32, #tpu.memory_space<vmem>>, vector<1x16xf32>,
    %get3A_3252 = vector.shape_cast %get3A_3251 : vector<1x16xf32> to vector<16xf32>
    %mul3A_3253 = arith.mulf %get3A_3247, %get3A_3252 : vector<16xf32>
    %add3A_3254 = arith.addf %add3A_3242, %mul3A_3253 : vector<16xf32>
    %get3A_3255 = arith.constant 255 : i32
    %get3A_3256 = arith.index_cast %get3A_3255 : i32 to index
    %get3A_3257 = arith.constant 0 : index
    %get3A_3258 = tpu.vector_load %arg7[%get3A_3256, %get3A_3257] {strides = array<i32>} : memref<256x16xf32, #tpu.memory_space<vmem>>, vector<1x16xf32>,
    %get3A_3259 = vector.shape_cast %get3A_3258 : vector<1x16xf32> to vector<16xf32>
    %get3A_3260 = arith.constant 255 : i32
    %get3A_3261 = arith.index_cast %get3A_3260 : i32 to index
    %get3A_3262 = arith.constant 0 : index
    %get3A_3263 = tpu.vector_load %arg8[%get3A_3261, %get3A_3262] {strides = array<i32>} : memref<256x16xf32, #tpu.memory_space<vmem>>, vector<1x16xf32>,
    %get3A_3264 = vector.shape_cast %get3A_3263 : vector<1x16xf32> to vector<16xf32>
    %mul3A_3265 = arith.mulf %get3A_3259, %get3A_3264 : vector<16xf32>
    %add3A_3266 = arith.addf %add3A_3254, %mul3A_3265 : vector<16xf32>
    %swap3A_3267 = arith.constant 31 : i32
    %swap3A_3268 = arith.index_cast %swap3A_3267 : i32 to index
    %swap3A_3269 = arith.constant 0 : index
    %swap3A_3270 = tpu.vector_load %arg9[%swap3A_3268, %swap3A_3269] {strides = array<i32>} : memref<32x16xf32, #tpu.memory_space<vmem>>, vector<1x16xf32>,
    %swap3A_3271 = vector.shape_cast %swap3A_3270 : vector<1x16xf32> to vector<16xf32>
    %swap3A_3272 = vector.shape_cast %add3A_3266 : vector<16xf32> to vector<1x16xf32>
    tpu.vector_store %arg9[%swap3A_3268, %swap3A_3269], %swap3A_3272 {strides = array<i32>} : memref<32x16xf32, #tpu.memory_space<vmem>>, vector<1x16xf32>,
    %mul3A_3273 = arith.constant 32 : i32
    %mul3A_3274 = arith.muli %add3A, %mul3A_3273 : i32
    "tpu.region"() ({
      %run_scoped3A = tpu.sem_alloc : memref<!tpu.dma_semaphore, #tpu.memory_space<semaphore_mem>>
      %dma_start3A_3275 = arith.constant 0 : i32
      %dma_start3A_3276 = tpu.memref_slice %arg5[%mul3A_3274, %dma_start3A_3275] : memref<1024x16xf32, #tpu.memory_space<hbm>> -> memref<32x16xf32, #tpu.memory_space<hbm>>
      %dma_start3A_3277 = arith.constant 0 : i32
      %dma_start3A_3278 = tpu.memref_slice %arg5[%mul3A_3274, %dma_start3A_3277] : memref<1024x16xf32, #tpu.memory_space<hbm>> -> memref<32x16xf32, #tpu.memory_space<hbm>>
      tpu.enqueue_dma source(%arg9 : memref<32x16xf32, #tpu.memory_space<vmem>>) target(%dma_start3A_3278 : memref<32x16xf32, #tpu.memory_space<hbm>>) target_semaphore(%run_scoped3A : memref<!tpu.dma_semaphore, #tpu.memory_space<semaphore_mem>>)
      %dma_wait3A_3279 = arith.constant 0 : i32
      %dma_wait3A_3280 = tpu.memref_slice %arg5[%mul3A_3274, %dma_wait3A_3279] : memref<1024x16xf32, #tpu.memory_space<hbm>> -> memref<32x16xf32, #tpu.memory_space<hbm>>
      %dma_wait3A_3281 = arith.constant 0 : i32
      %dma_wait3A_3282 = tpu.memref_slice %arg5[%mul3A_3274, %dma_wait3A_3281] : memref<1024x16xf32, #tpu.memory_space<hbm>> -> memref<32x16xf32, #tpu.memory_space<hbm>>
      tpu.wait_dma2 semaphore(%run_scoped3A : memref<!tpu.dma_semaphore, #tpu.memory_space<semaphore_mem>>) src(%arg9 : memref<32x16xf32, #tpu.memory_space<vmem>>) dst(%dma_wait3A_3282 : memref<32x16xf32, #tpu.memory_space<hbm>>)
      tpu.yield
    }) : () -> ()
    return
  }
}

module attributes {stable_mosaic.version = 14 : i64} {
  func.func @_topk_body(%arg0: i32, %arg1: i32, %arg2: memref<1024x16xf32, #tpu.memory_space<vmem>>, %arg3: memref<4096x16xf32, #tpu.memory_space<vmem>>, %arg4: memref<1024x8xi32, #tpu.memory_space<vmem>>, %arg5: memref<1024x8xf32, #tpu.memory_space<vmem>>, %arg6: memref<1024x8xf32, #tpu.memory_space<vmem>>, %arg7: memref<1024x8xf32, #tpu.memory_space<vmem>>) attributes {dimension_semantics = [#tpu.dimension_semantics<parallel>, #tpu.dimension_semantics<arbitrary>], iteration_bounds = array<i64: 1, 25>, scalar_prefetch = 0 : i64, scratch_operands = 2 : i64, tpu.core_type = #tpu.core_type<tc>, window_params = [{transform_indices = @transform_0, window_bounds = array<i64: 1024, 16>}, {transform_indices = @transform_1, window_bounds = array<i64: 4096, 16>}, {transform_indices = @transform_2, window_bounds = array<i64: 1024, 8>}, {transform_indices = @transform_3, window_bounds = array<i64: 1024, 8>}]} {
    %get3A = arith.constant 0 : index
    %get3A_0 = arith.constant 0 : index
    %get3A_1 = vector.load %arg2[%get3A, %get3A_0] : memref<1024x16xf32, #tpu.memory_space<vmem>>, vector<1024x16xf32>
    %mul3A = arith.mulf %get3A_1, %get3A_1 : vector<1024x16xf32>
    %reduce_sum3A = arith.constant dense<0.000000e+00> : vector<1024xf32>
    %reduce_sum3A_2 = vector.multi_reduction <add>, %mul3A, %reduce_sum3A [1] : vector<1024x16xf32> to vector<1024xf32>
    %broadcast_in_dim3A = vector.shape_cast %reduce_sum3A_2 : vector<1024xf32> to vector<1024x1xf32>
    %sqrt3A = math.sqrt %broadcast_in_dim3A : vector<1024x1xf32>
    %max3A = arith.constant 9.99999996E-13 : f32
    %max3A_3 = vector.broadcast %max3A : f32 to vector<1024x1xf32>
    %max3A_4 = arith.maximumf %sqrt3A, %max3A_3 : vector<1024x1xf32>
    %div3A = vector.broadcast %max3A_4 : vector<1024x1xf32> to vector<1024x16xf32>
    %div3A_5 = arith.divf %get3A_1, %div3A : vector<1024x16xf32>
    %mul3A_6 = arith.mulf %div3A_5, %div3A_5 : vector<1024x16xf32>
    %reduce_sum3A_7 = arith.constant dense<0.000000e+00> : vector<1024xf32>
    %reduce_sum3A_8 = vector.multi_reduction <add>, %mul3A_6, %reduce_sum3A_7 [1] : vector<1024x16xf32> to vector<1024xf32>
    %broadcast_in_dim3A_9 = vector.shape_cast %reduce_sum3A_8 : vector<1024xf32> to vector<1024x1xf32>
    %get3A_10 = arith.constant 0 : index
    %get3A_11 = arith.constant 0 : index
    %get3A_12 = vector.load %arg3[%get3A_10, %get3A_11] : memref<4096x16xf32, #tpu.memory_space<vmem>>, vector<4096x16xf32>
    %mul3A_13 = arith.mulf %get3A_12, %get3A_12 : vector<4096x16xf32>
    %reduce_sum3A_14 = arith.constant dense<0.000000e+00> : vector<4096xf32>
    %reduce_sum3A_15 = vector.multi_reduction <add>, %mul3A_13, %reduce_sum3A_14 [1] : vector<4096x16xf32> to vector<4096xf32>
    %broadcast_in_dim3A_16 = vector.shape_cast %reduce_sum3A_15 : vector<4096xf32> to vector<4096x1xf32>
    %sqrt3A_17 = math.sqrt %broadcast_in_dim3A_16 : vector<4096x1xf32>
    %max3A_18 = arith.constant 9.99999996E-13 : f32
    %max3A_19 = vector.broadcast %max3A_18 : f32 to vector<4096x1xf32>
    %max3A_20 = arith.maximumf %sqrt3A_17, %max3A_19 : vector<4096x1xf32>
    %div3A_21 = vector.broadcast %max3A_20 : vector<4096x1xf32> to vector<4096x16xf32>
    %div3A_22 = arith.divf %get3A_12, %div3A_21 : vector<4096x16xf32>
    %mul3A_23 = arith.mulf %div3A_22, %div3A_22 : vector<4096x16xf32>
    %reduce_sum3A_24 = arith.constant dense<0.000000e+00> : vector<4096xf32>
    %reduce_sum3A_25 = vector.multi_reduction <add>, %mul3A_23, %reduce_sum3A_24 [1] : vector<4096x16xf32> to vector<4096xf32>
    %broadcast_in_dim3A_26 = vector.shape_cast %reduce_sum3A_25 : vector<4096xf32> to vector<4096x1xf32>
    %mul3A_27 = arith.constant -2.000000e+00 : f32
    %mul3A_28 = vector.broadcast %mul3A_27 : f32 to vector<1024x16xf32>
    %mul3A_29 = arith.mulf %div3A_5, %mul3A_28 : vector<1024x16xf32>
    %broadcast_in_dim3A_30 = arith.constant 1.000000e+00 : f32
    %broadcast_in_dim3A_31 = vector.broadcast %broadcast_in_dim3A_30 : f32 to vector<1024x1xf32>
    %concatenate3A = tpu.concatenate %mul3A_29, %broadcast_in_dim3A_31 in 1 : vector<1024x16xf32>, vector<1024x1xf32> -> vector<1024x17xf32>
    %concatenate3A_32 = tpu.concatenate %div3A_22, %broadcast_in_dim3A_26 in 1 : vector<4096x16xf32>, vector<4096x1xf32> -> vector<4096x17xf32>
    %dot_general3A = arith.constant dense<0.000000e+00> : vector<1024x4096xf32>
    %dot_general3A_33 = tpu.matmul %concatenate3A, %concatenate3A_32, %dot_general3A {dimension_numbers = #tpu.dot_dimension_numbers<[1], [1], [0], [0], [0, 0, 1, 0], [], []>, transpose_lhs_hint = false} : vector<1024x17xf32>, vector<4096x17xf32>, vector<1024x4096xf32> -> vector<1024x4096xf32>
    %iota3A = tpu.iota {dimensions = array<i32: 1>} : vector<1024x4096xi32>
    %convert_element_type3A = arith.sitofp %iota3A : vector<1024x4096xi32> to vector<1024x4096xf32>
    %mul3A_34 = arith.constant 4096 : i32
    %mul3A_35 = arith.muli %arg1, %mul3A_34 : i32
    %convert_element_type3A_36 = arith.sitofp %mul3A_35 : i32 to f32
    %add3A = vector.broadcast %convert_element_type3A_36 : f32 to vector<1024x4096xf32>
    %add3A_37 = arith.addf %convert_element_type3A, %add3A : vector<1024x4096xf32>
    %ge3A = arith.constant 1.000000e+05 : f32
    %ge3A_38 = vector.broadcast %ge3A : f32 to vector<1024x4096xf32>
    %ge3A_39 = arith.cmpf oge, %add3A_37, %ge3A_38 : vector<1024x4096xf32>
    %jit3A = arith.constant 3.000000e+38 : f32
    %broadcast_in_dim3A_40 = vector.broadcast %jit3A : f32 to vector<1024x4096xf32>
    %select_n3A = arith.select %ge3A_39, %broadcast_in_dim3A_40, %dot_general3A_33 : vector<1024x4096xi1>, vector<1024x4096xf32>
    %reduce_min3A = arith.constant dense<0x7F800000> : vector<1024xf32>
    %reduce_min3A_41 = vector.multi_reduction <minimumf>, %select_n3A, %reduce_min3A [1] : vector<1024x4096xf32> to vector<1024xf32>
    %broadcast_in_dim3A_42 = vector.shape_cast %reduce_min3A_41 : vector<1024xf32> to vector<1024x1xf32>
    %eq3A = vector.broadcast %broadcast_in_dim3A_42 : vector<1024x1xf32> to vector<1024x4096xf32>
    %eq3A_43 = arith.cmpf oeq, %select_n3A, %eq3A : vector<1024x4096xf32>
    %jit3A_44 = arith.constant 3.000000e+38 : f32
    %broadcast_in_dim3A_45 = vector.broadcast %jit3A_44 : f32 to vector<1024x4096xf32>
    %select_n3A_46 = arith.select %eq3A_43, %convert_element_type3A, %broadcast_in_dim3A_45 : vector<1024x4096xi1>, vector<1024x4096xf32>
    %reduce_min3A_47 = arith.constant dense<0x7F800000> : vector<1024xf32>
    %reduce_min3A_48 = vector.multi_reduction <minimumf>, %select_n3A_46, %reduce_min3A_47 [1] : vector<1024x4096xf32> to vector<1024xf32>
    %broadcast_in_dim3A_49 = vector.shape_cast %reduce_min3A_48 : vector<1024xf32> to vector<1024x1xf32>
    %add3A_50 = vector.broadcast %convert_element_type3A_36 : f32 to vector<1024x1xf32>
    %add3A_51 = arith.addf %broadcast_in_dim3A_49, %add3A_50 : vector<1024x1xf32>
    %eq3A_52 = vector.broadcast %broadcast_in_dim3A_49 : vector<1024x1xf32> to vector<1024x4096xf32>
    %eq3A_53 = arith.cmpf oeq, %convert_element_type3A, %eq3A_52 : vector<1024x4096xf32>
    %jit3A_54 = arith.constant 3.000000e+38 : f32
    %broadcast_in_dim3A_55 = vector.broadcast %jit3A_54 : f32 to vector<1024x4096xf32>
    %select_n3A_56 = arith.select %eq3A_53, %broadcast_in_dim3A_55, %select_n3A : vector<1024x4096xi1>, vector<1024x4096xf32>
    %reduce_min3A_57 = arith.constant dense<0x7F800000> : vector<1024xf32>
    %reduce_min3A_58 = vector.multi_reduction <minimumf>, %select_n3A_56, %reduce_min3A_57 [1] : vector<1024x4096xf32> to vector<1024xf32>
    %broadcast_in_dim3A_59 = vector.shape_cast %reduce_min3A_58 : vector<1024xf32> to vector<1024x1xf32>
    %eq3A_60 = vector.broadcast %broadcast_in_dim3A_59 : vector<1024x1xf32> to vector<1024x4096xf32>
    %eq3A_61 = arith.cmpf oeq, %select_n3A_56, %eq3A_60 : vector<1024x4096xf32>
    %jit3A_62 = arith.constant 3.000000e+38 : f32
    %broadcast_in_dim3A_63 = vector.broadcast %jit3A_62 : f32 to vector<1024x4096xf32>
    %select_n3A_64 = arith.select %eq3A_61, %convert_element_type3A, %broadcast_in_dim3A_63 : vector<1024x4096xi1>, vector<1024x4096xf32>
    %reduce_min3A_65 = arith.constant dense<0x7F800000> : vector<1024xf32>
    %reduce_min3A_66 = vector.multi_reduction <minimumf>, %select_n3A_64, %reduce_min3A_65 [1] : vector<1024x4096xf32> to vector<1024xf32>
    %broadcast_in_dim3A_67 = vector.shape_cast %reduce_min3A_66 : vector<1024xf32> to vector<1024x1xf32>
    %add3A_68 = vector.broadcast %convert_element_type3A_36 : f32 to vector<1024x1xf32>
    %add3A_69 = arith.addf %broadcast_in_dim3A_67, %add3A_68 : vector<1024x1xf32>
    %eq3A_70 = vector.broadcast %broadcast_in_dim3A_67 : vector<1024x1xf32> to vector<1024x4096xf32>
    %eq3A_71 = arith.cmpf oeq, %convert_element_type3A, %eq3A_70 : vector<1024x4096xf32>
    %jit3A_72 = arith.constant 3.000000e+38 : f32
    %broadcast_in_dim3A_73 = vector.broadcast %jit3A_72 : f32 to vector<1024x4096xf32>
    %select_n3A_74 = arith.select %eq3A_71, %broadcast_in_dim3A_73, %select_n3A_56 : vector<1024x4096xi1>, vector<1024x4096xf32>
    %reduce_min3A_75 = arith.constant dense<0x7F800000> : vector<1024xf32>
    %reduce_min3A_76 = vector.multi_reduction <minimumf>, %select_n3A_74, %reduce_min3A_75 [1] : vector<1024x4096xf32> to vector<1024xf32>
    %broadcast_in_dim3A_77 = vector.shape_cast %reduce_min3A_76 : vector<1024xf32> to vector<1024x1xf32>
    %eq3A_78 = vector.broadcast %broadcast_in_dim3A_77 : vector<1024x1xf32> to vector<1024x4096xf32>
    %eq3A_79 = arith.cmpf oeq, %select_n3A_74, %eq3A_78 : vector<1024x4096xf32>
    %jit3A_80 = arith.constant 3.000000e+38 : f32
    %broadcast_in_dim3A_81 = vector.broadcast %jit3A_80 : f32 to vector<1024x4096xf32>
    %select_n3A_82 = arith.select %eq3A_79, %convert_element_type3A, %broadcast_in_dim3A_81 : vector<1024x4096xi1>, vector<1024x4096xf32>
    %reduce_min3A_83 = arith.constant dense<0x7F800000> : vector<1024xf32>
    %reduce_min3A_84 = vector.multi_reduction <minimumf>, %select_n3A_82, %reduce_min3A_83 [1] : vector<1024x4096xf32> to vector<1024xf32>
    %broadcast_in_dim3A_85 = vector.shape_cast %reduce_min3A_84 : vector<1024xf32> to vector<1024x1xf32>
    %add3A_86 = vector.broadcast %convert_element_type3A_36 : f32 to vector<1024x1xf32>
    %add3A_87 = arith.addf %broadcast_in_dim3A_85, %add3A_86 : vector<1024x1xf32>
    %eq3A_88 = vector.broadcast %broadcast_in_dim3A_85 : vector<1024x1xf32> to vector<1024x4096xf32>
    %eq3A_89 = arith.cmpf oeq, %convert_element_type3A, %eq3A_88 : vector<1024x4096xf32>
    %jit3A_90 = arith.constant 3.000000e+38 : f32
    %broadcast_in_dim3A_91 = vector.broadcast %jit3A_90 : f32 to vector<1024x4096xf32>
    %select_n3A_92 = arith.select %eq3A_89, %broadcast_in_dim3A_91, %select_n3A_74 : vector<1024x4096xi1>, vector<1024x4096xf32>
    %reduce_min3A_93 = arith.constant dense<0x7F800000> : vector<1024xf32>
    %reduce_min3A_94 = vector.multi_reduction <minimumf>, %select_n3A_92, %reduce_min3A_93 [1] : vector<1024x4096xf32> to vector<1024xf32>
    %broadcast_in_dim3A_95 = vector.shape_cast %reduce_min3A_94 : vector<1024xf32> to vector<1024x1xf32>
    %eq3A_96 = vector.broadcast %broadcast_in_dim3A_95 : vector<1024x1xf32> to vector<1024x4096xf32>
    %eq3A_97 = arith.cmpf oeq, %select_n3A_92, %eq3A_96 : vector<1024x4096xf32>
    %jit3A_98 = arith.constant 3.000000e+38 : f32
    %broadcast_in_dim3A_99 = vector.broadcast %jit3A_98 : f32 to vector<1024x4096xf32>
    %select_n3A_100 = arith.select %eq3A_97, %convert_element_type3A, %broadcast_in_dim3A_99 : vector<1024x4096xi1>, vector<1024x4096xf32>
    %reduce_min3A_101 = arith.constant dense<0x7F800000> : vector<1024xf32>
    %reduce_min3A_102 = vector.multi_reduction <minimumf>, %select_n3A_100, %reduce_min3A_101 [1] : vector<1024x4096xf32> to vector<1024xf32>
    %broadcast_in_dim3A_103 = vector.shape_cast %reduce_min3A_102 : vector<1024xf32> to vector<1024x1xf32>
    %add3A_104 = vector.broadcast %convert_element_type3A_36 : f32 to vector<1024x1xf32>
    %add3A_105 = arith.addf %broadcast_in_dim3A_103, %add3A_104 : vector<1024x1xf32>
    %eq3A_106 = vector.broadcast %broadcast_in_dim3A_103 : vector<1024x1xf32> to vector<1024x4096xf32>
    %eq3A_107 = arith.cmpf oeq, %convert_element_type3A, %eq3A_106 : vector<1024x4096xf32>
    %jit3A_108 = arith.constant 3.000000e+38 : f32
    %broadcast_in_dim3A_109 = vector.broadcast %jit3A_108 : f32 to vector<1024x4096xf32>
    %select_n3A_110 = arith.select %eq3A_107, %broadcast_in_dim3A_109, %select_n3A_92 : vector<1024x4096xi1>, vector<1024x4096xf32>
    %reduce_min3A_111 = arith.constant dense<0x7F800000> : vector<1024xf32>
    %reduce_min3A_112 = vector.multi_reduction <minimumf>, %select_n3A_110, %reduce_min3A_111 [1] : vector<1024x4096xf32> to vector<1024xf32>
    %broadcast_in_dim3A_113 = vector.shape_cast %reduce_min3A_112 : vector<1024xf32> to vector<1024x1xf32>
    %eq3A_114 = vector.broadcast %broadcast_in_dim3A_113 : vector<1024x1xf32> to vector<1024x4096xf32>
    %eq3A_115 = arith.cmpf oeq, %select_n3A_110, %eq3A_114 : vector<1024x4096xf32>
    %jit3A_116 = arith.constant 3.000000e+38 : f32
    %broadcast_in_dim3A_117 = vector.broadcast %jit3A_116 : f32 to vector<1024x4096xf32>
    %select_n3A_118 = arith.select %eq3A_115, %convert_element_type3A, %broadcast_in_dim3A_117 : vector<1024x4096xi1>, vector<1024x4096xf32>
    %reduce_min3A_119 = arith.constant dense<0x7F800000> : vector<1024xf32>
    %reduce_min3A_120 = vector.multi_reduction <minimumf>, %select_n3A_118, %reduce_min3A_119 [1] : vector<1024x4096xf32> to vector<1024xf32>
    %broadcast_in_dim3A_121 = vector.shape_cast %reduce_min3A_120 : vector<1024xf32> to vector<1024x1xf32>
    %add3A_122 = vector.broadcast %convert_element_type3A_36 : f32 to vector<1024x1xf32>
    %add3A_123 = arith.addf %broadcast_in_dim3A_121, %add3A_122 : vector<1024x1xf32>
    %broadcast_in_dim3A_124 = arith.constant 3.000000e+38 : f32
    %broadcast_in_dim3A_125 = vector.broadcast %broadcast_in_dim3A_124 : f32 to vector<1024x1xf32>
    %broadcast_in_dim3A_126 = arith.constant 0.000000e+00 : f32
    %broadcast_in_dim3A_127 = vector.broadcast %broadcast_in_dim3A_126 : f32 to vector<1024x1xf32>
    %concatenate3A_128 = tpu.concatenate %broadcast_in_dim3A_42, %broadcast_in_dim3A_59, %broadcast_in_dim3A_77, %broadcast_in_dim3A_95, %broadcast_in_dim3A_113, %broadcast_in_dim3A_125, %broadcast_in_dim3A_125, %broadcast_in_dim3A_125 in 1 : vector<1024x1xf32>, vector<1024x1xf32>, vector<1024x1xf32>, vector<1024x1xf32>, vector<1024x1xf32>, vector<1024x1xf32>, vector<1024x1xf32>, vector<1024x1xf32> -> vector<1024x8xf32>
    %concatenate3A_129 = tpu.concatenate %add3A_51, %add3A_69, %add3A_87, %add3A_105, %add3A_123, %broadcast_in_dim3A_127, %broadcast_in_dim3A_127, %broadcast_in_dim3A_127 in 1 : vector<1024x1xf32>, vector<1024x1xf32>, vector<1024x1xf32>, vector<1024x1xf32>, vector<1024x1xf32>, vector<1024x1xf32>, vector<1024x1xf32>, vector<1024x1xf32> -> vector<1024x8xf32>
    %eq3A_130 = arith.constant 0 : i32
    %eq3A_131 = arith.cmpi eq, %arg1, %eq3A_130 : i32
    %convert_element_type3A_132 = arith.extui %eq3A_131 : i1 to i32
    %cond3A = arith.constant 0 : i32
    %cond3A_133 = arith.cmpi ne, %convert_element_type3A_132, %cond3A : i32
    scf.if %cond3A_133 {
      %broadcast_in_dim3A_270 = arith.constant 3.000000e+38 : f32
      %broadcast_in_dim3A_271 = vector.broadcast %broadcast_in_dim3A_270 : f32 to vector<1024x8xf32>
      %swap3A_272 = arith.constant 0 : index
      %swap3A_273 = arith.constant 0 : index
      %swap3A_274 = vector.load %arg6[%swap3A_272, %swap3A_273] : memref<1024x8xf32, #tpu.memory_space<vmem>>, vector<1024x8xf32>
      tpu.vector_store %arg6[%swap3A_272, %swap3A_273], %broadcast_in_dim3A_271 {strides = array<i32>} : memref<1024x8xf32, #tpu.memory_space<vmem>>, vector<1024x8xf32>,
      %broadcast_in_dim3A_275 = arith.constant 0.000000e+00 : f32
      %broadcast_in_dim3A_276 = vector.broadcast %broadcast_in_dim3A_275 : f32 to vector<1024x8xf32>
      %swap3A_277 = arith.constant 0 : index
      %swap3A_278 = arith.constant 0 : index
      %swap3A_279 = vector.load %arg7[%swap3A_277, %swap3A_278] : memref<1024x8xf32, #tpu.memory_space<vmem>>, vector<1024x8xf32>
      tpu.vector_store %arg7[%swap3A_277, %swap3A_278], %broadcast_in_dim3A_276 {strides = array<i32>} : memref<1024x8xf32, #tpu.memory_space<vmem>>, vector<1024x8xf32>,
    } else {
    }
    %get3A_134 = arith.constant 0 : index
    %get3A_135 = arith.constant 0 : index
    %get3A_136 = vector.load %arg6[%get3A_134, %get3A_135] : memref<1024x8xf32, #tpu.memory_space<vmem>>, vector<1024x8xf32>
    %concatenate3A_137 = tpu.concatenate %get3A_136, %concatenate3A_128 in 1 : vector<1024x8xf32>, vector<1024x8xf32> -> vector<1024x16xf32>
    %get3A_138 = arith.constant 0 : index
    %get3A_139 = arith.constant 0 : index
    %get3A_140 = vector.load %arg7[%get3A_138, %get3A_139] : memref<1024x8xf32, #tpu.memory_space<vmem>>, vector<1024x8xf32>
    %concatenate3A_141 = tpu.concatenate %get3A_140, %concatenate3A_129 in 1 : vector<1024x8xf32>, vector<1024x8xf32> -> vector<1024x16xf32>
    %iota3A_142 = tpu.iota {dimensions = array<i32: 1>} : vector<1024x16xi32>
    %convert_element_type3A_143 = arith.sitofp %iota3A_142 : vector<1024x16xi32> to vector<1024x16xf32>
    %reduce_min3A_144 = arith.constant dense<0x7F800000> : vector<1024xf32>
    %reduce_min3A_145 = vector.multi_reduction <minimumf>, %concatenate3A_137, %reduce_min3A_144 [1] : vector<1024x16xf32> to vector<1024xf32>
    %broadcast_in_dim3A_146 = vector.shape_cast %reduce_min3A_145 : vector<1024xf32> to vector<1024x1xf32>
    %eq3A_147 = vector.broadcast %broadcast_in_dim3A_146 : vector<1024x1xf32> to vector<1024x16xf32>
    %eq3A_148 = arith.cmpf oeq, %concatenate3A_137, %eq3A_147 : vector<1024x16xf32>
    %jit3A_149 = arith.constant 3.000000e+38 : f32
    %broadcast_in_dim3A_150 = vector.broadcast %jit3A_149 : f32 to vector<1024x16xf32>
    %select_n3A_151 = arith.select %eq3A_148, %convert_element_type3A_143, %broadcast_in_dim3A_150 : vector<1024x16xi1>, vector<1024x16xf32>
    %reduce_min3A_152 = arith.constant dense<0x7F800000> : vector<1024xf32>
    %reduce_min3A_153 = vector.multi_reduction <minimumf>, %select_n3A_151, %reduce_min3A_152 [1] : vector<1024x16xf32> to vector<1024xf32>
    %broadcast_in_dim3A_154 = vector.shape_cast %reduce_min3A_153 : vector<1024xf32> to vector<1024x1xf32>
    %eq3A_155 = vector.broadcast %broadcast_in_dim3A_154 : vector<1024x1xf32> to vector<1024x16xf32>
    %eq3A_156 = arith.cmpf oeq, %convert_element_type3A_143, %eq3A_155 : vector<1024x16xf32>
    %jit3A_157 = arith.constant -1.000000e+00 : f32
    %broadcast_in_dim3A_158 = vector.broadcast %jit3A_157 : f32 to vector<1024x16xf32>
    %select_n3A_159 = arith.select %eq3A_156, %concatenate3A_141, %broadcast_in_dim3A_158 : vector<1024x16xi1>, vector<1024x16xf32>
    %reduce_max3A = arith.constant dense<0xFF800000> : vector<1024xf32>
    %reduce_max3A_160 = vector.multi_reduction <maximumf>, %select_n3A_159, %reduce_max3A [1] : vector<1024x16xf32> to vector<1024xf32>
    %broadcast_in_dim3A_161 = vector.shape_cast %reduce_max3A_160 : vector<1024xf32> to vector<1024x1xf32>
    %eq3A_162 = vector.broadcast %broadcast_in_dim3A_154 : vector<1024x1xf32> to vector<1024x16xf32>
    %eq3A_163 = arith.cmpf oeq, %convert_element_type3A_143, %eq3A_162 : vector<1024x16xf32>
    %jit3A_164 = arith.constant 3.000000e+38 : f32
    %broadcast_in_dim3A_165 = vector.broadcast %jit3A_164 : f32 to vector<1024x16xf32>
    %select_n3A_166 = arith.select %eq3A_163, %broadcast_in_dim3A_165, %concatenate3A_137 : vector<1024x16xi1>, vector<1024x16xf32>
    %reduce_min3A_167 = arith.constant dense<0x7F800000> : vector<1024xf32>
    %reduce_min3A_168 = vector.multi_reduction <minimumf>, %select_n3A_166, %reduce_min3A_167 [1] : vector<1024x16xf32> to vector<1024xf32>
    %broadcast_in_dim3A_169 = vector.shape_cast %reduce_min3A_168 : vector<1024xf32> to vector<1024x1xf32>
    %eq3A_170 = vector.broadcast %broadcast_in_dim3A_169 : vector<1024x1xf32> to vector<1024x16xf32>
    %eq3A_171 = arith.cmpf oeq, %select_n3A_166, %eq3A_170 : vector<1024x16xf32>
    %jit3A_172 = arith.constant 3.000000e+38 : f32
    %broadcast_in_dim3A_173 = vector.broadcast %jit3A_172 : f32 to vector<1024x16xf32>
    %select_n3A_174 = arith.select %eq3A_171, %convert_element_type3A_143, %broadcast_in_dim3A_173 : vector<1024x16xi1>, vector<1024x16xf32>
    %reduce_min3A_175 = arith.constant dense<0x7F800000> : vector<1024xf32>
    %reduce_min3A_176 = vector.multi_reduction <minimumf>, %select_n3A_174, %reduce_min3A_175 [1] : vector<1024x16xf32> to vector<1024xf32>
    %broadcast_in_dim3A_177 = vector.shape_cast %reduce_min3A_176 : vector<1024xf32> to vector<1024x1xf32>
    %eq3A_178 = vector.broadcast %broadcast_in_dim3A_177 : vector<1024x1xf32> to vector<1024x16xf32>
    %eq3A_179 = arith.cmpf oeq, %convert_element_type3A_143, %eq3A_178 : vector<1024x16xf32>
    %jit3A_180 = arith.constant -1.000000e+00 : f32
    %broadcast_in_dim3A_181 = vector.broadcast %jit3A_180 : f32 to vector<1024x16xf32>
    %select_n3A_182 = arith.select %eq3A_179, %concatenate3A_141, %broadcast_in_dim3A_181 : vector<1024x16xi1>, vector<1024x16xf32>
    %reduce_max3A_183 = arith.constant dense<0xFF800000> : vector<1024xf32>
    %reduce_max3A_184 = vector.multi_reduction <maximumf>, %select_n3A_182, %reduce_max3A_183 [1] : vector<1024x16xf32> to vector<1024xf32>
    %broadcast_in_dim3A_185 = vector.shape_cast %reduce_max3A_184 : vector<1024xf32> to vector<1024x1xf32>
    %eq3A_186 = vector.broadcast %broadcast_in_dim3A_177 : vector<1024x1xf32> to vector<1024x16xf32>
    %eq3A_187 = arith.cmpf oeq, %convert_element_type3A_143, %eq3A_186 : vector<1024x16xf32>
    %jit3A_188 = arith.constant 3.000000e+38 : f32
    %broadcast_in_dim3A_189 = vector.broadcast %jit3A_188 : f32 to vector<1024x16xf32>
    %select_n3A_190 = arith.select %eq3A_187, %broadcast_in_dim3A_189, %select_n3A_166 : vector<1024x16xi1>, vector<1024x16xf32>
    %reduce_min3A_191 = arith.constant dense<0x7F800000> : vector<1024xf32>
    %reduce_min3A_192 = vector.multi_reduction <minimumf>, %select_n3A_190, %reduce_min3A_191 [1] : vector<1024x16xf32> to vector<1024xf32>
    %broadcast_in_dim3A_193 = vector.shape_cast %reduce_min3A_192 : vector<1024xf32> to vector<1024x1xf32>
    %eq3A_194 = vector.broadcast %broadcast_in_dim3A_193 : vector<1024x1xf32> to vector<1024x16xf32>
    %eq3A_195 = arith.cmpf oeq, %select_n3A_190, %eq3A_194 : vector<1024x16xf32>
    %jit3A_196 = arith.constant 3.000000e+38 : f32
    %broadcast_in_dim3A_197 = vector.broadcast %jit3A_196 : f32 to vector<1024x16xf32>
    %select_n3A_198 = arith.select %eq3A_195, %convert_element_type3A_143, %broadcast_in_dim3A_197 : vector<1024x16xi1>, vector<1024x16xf32>
    %reduce_min3A_199 = arith.constant dense<0x7F800000> : vector<1024xf32>
    %reduce_min3A_200 = vector.multi_reduction <minimumf>, %select_n3A_198, %reduce_min3A_199 [1] : vector<1024x16xf32> to vector<1024xf32>
    %broadcast_in_dim3A_201 = vector.shape_cast %reduce_min3A_200 : vector<1024xf32> to vector<1024x1xf32>
    %eq3A_202 = vector.broadcast %broadcast_in_dim3A_201 : vector<1024x1xf32> to vector<1024x16xf32>
    %eq3A_203 = arith.cmpf oeq, %convert_element_type3A_143, %eq3A_202 : vector<1024x16xf32>
    %jit3A_204 = arith.constant -1.000000e+00 : f32
    %broadcast_in_dim3A_205 = vector.broadcast %jit3A_204 : f32 to vector<1024x16xf32>
    %select_n3A_206 = arith.select %eq3A_203, %concatenate3A_141, %broadcast_in_dim3A_205 : vector<1024x16xi1>, vector<1024x16xf32>
    %reduce_max3A_207 = arith.constant dense<0xFF800000> : vector<1024xf32>
    %reduce_max3A_208 = vector.multi_reduction <maximumf>, %select_n3A_206, %reduce_max3A_207 [1] : vector<1024x16xf32> to vector<1024xf32>
    %broadcast_in_dim3A_209 = vector.shape_cast %reduce_max3A_208 : vector<1024xf32> to vector<1024x1xf32>
    %eq3A_210 = vector.broadcast %broadcast_in_dim3A_201 : vector<1024x1xf32> to vector<1024x16xf32>
    %eq3A_211 = arith.cmpf oeq, %convert_element_type3A_143, %eq3A_210 : vector<1024x16xf32>
    %jit3A_212 = arith.constant 3.000000e+38 : f32
    %broadcast_in_dim3A_213 = vector.broadcast %jit3A_212 : f32 to vector<1024x16xf32>
    %select_n3A_214 = arith.select %eq3A_211, %broadcast_in_dim3A_213, %select_n3A_190 : vector<1024x16xi1>, vector<1024x16xf32>
    %reduce_min3A_215 = arith.constant dense<0x7F800000> : vector<1024xf32>
    %reduce_min3A_216 = vector.multi_reduction <minimumf>, %select_n3A_214, %reduce_min3A_215 [1] : vector<1024x16xf32> to vector<1024xf32>
    %broadcast_in_dim3A_217 = vector.shape_cast %reduce_min3A_216 : vector<1024xf32> to vector<1024x1xf32>
    %eq3A_218 = vector.broadcast %broadcast_in_dim3A_217 : vector<1024x1xf32> to vector<1024x16xf32>
    %eq3A_219 = arith.cmpf oeq, %select_n3A_214, %eq3A_218 : vector<1024x16xf32>
    %jit3A_220 = arith.constant 3.000000e+38 : f32
    %broadcast_in_dim3A_221 = vector.broadcast %jit3A_220 : f32 to vector<1024x16xf32>
    %select_n3A_222 = arith.select %eq3A_219, %convert_element_type3A_143, %broadcast_in_dim3A_221 : vector<1024x16xi1>, vector<1024x16xf32>
    %reduce_min3A_223 = arith.constant dense<0x7F800000> : vector<1024xf32>
    %reduce_min3A_224 = vector.multi_reduction <minimumf>, %select_n3A_222, %reduce_min3A_223 [1] : vector<1024x16xf32> to vector<1024xf32>
    %broadcast_in_dim3A_225 = vector.shape_cast %reduce_min3A_224 : vector<1024xf32> to vector<1024x1xf32>
    %eq3A_226 = vector.broadcast %broadcast_in_dim3A_225 : vector<1024x1xf32> to vector<1024x16xf32>
    %eq3A_227 = arith.cmpf oeq, %convert_element_type3A_143, %eq3A_226 : vector<1024x16xf32>
    %jit3A_228 = arith.constant -1.000000e+00 : f32
    %broadcast_in_dim3A_229 = vector.broadcast %jit3A_228 : f32 to vector<1024x16xf32>
    %select_n3A_230 = arith.select %eq3A_227, %concatenate3A_141, %broadcast_in_dim3A_229 : vector<1024x16xi1>, vector<1024x16xf32>
    %reduce_max3A_231 = arith.constant dense<0xFF800000> : vector<1024xf32>
    %reduce_max3A_232 = vector.multi_reduction <maximumf>, %select_n3A_230, %reduce_max3A_231 [1] : vector<1024x16xf32> to vector<1024xf32>
    %broadcast_in_dim3A_233 = vector.shape_cast %reduce_max3A_232 : vector<1024xf32> to vector<1024x1xf32>
    %eq3A_234 = vector.broadcast %broadcast_in_dim3A_225 : vector<1024x1xf32> to vector<1024x16xf32>
    %eq3A_235 = arith.cmpf oeq, %convert_element_type3A_143, %eq3A_234 : vector<1024x16xf32>
    %jit3A_236 = arith.constant 3.000000e+38 : f32
    %broadcast_in_dim3A_237 = vector.broadcast %jit3A_236 : f32 to vector<1024x16xf32>
    %select_n3A_238 = arith.select %eq3A_235, %broadcast_in_dim3A_237, %select_n3A_214 : vector<1024x16xi1>, vector<1024x16xf32>
    %reduce_min3A_239 = arith.constant dense<0x7F800000> : vector<1024xf32>
    %reduce_min3A_240 = vector.multi_reduction <minimumf>, %select_n3A_238, %reduce_min3A_239 [1] : vector<1024x16xf32> to vector<1024xf32>
    %broadcast_in_dim3A_241 = vector.shape_cast %reduce_min3A_240 : vector<1024xf32> to vector<1024x1xf32>
    %eq3A_242 = vector.broadcast %broadcast_in_dim3A_241 : vector<1024x1xf32> to vector<1024x16xf32>
    %eq3A_243 = arith.cmpf oeq, %select_n3A_238, %eq3A_242 : vector<1024x16xf32>
    %jit3A_244 = arith.constant 3.000000e+38 : f32
    %broadcast_in_dim3A_245 = vector.broadcast %jit3A_244 : f32 to vector<1024x16xf32>
    %select_n3A_246 = arith.select %eq3A_243, %convert_element_type3A_143, %broadcast_in_dim3A_245 : vector<1024x16xi1>, vector<1024x16xf32>
    %reduce_min3A_247 = arith.constant dense<0x7F800000> : vector<1024xf32>
    %reduce_min3A_248 = vector.multi_reduction <minimumf>, %select_n3A_246, %reduce_min3A_247 [1] : vector<1024x16xf32> to vector<1024xf32>
    %broadcast_in_dim3A_249 = vector.shape_cast %reduce_min3A_248 : vector<1024xf32> to vector<1024x1xf32>
    %eq3A_250 = vector.broadcast %broadcast_in_dim3A_249 : vector<1024x1xf32> to vector<1024x16xf32>
    %eq3A_251 = arith.cmpf oeq, %convert_element_type3A_143, %eq3A_250 : vector<1024x16xf32>
    %jit3A_252 = arith.constant -1.000000e+00 : f32
    %broadcast_in_dim3A_253 = vector.broadcast %jit3A_252 : f32 to vector<1024x16xf32>
    %select_n3A_254 = arith.select %eq3A_251, %concatenate3A_141, %broadcast_in_dim3A_253 : vector<1024x16xi1>, vector<1024x16xf32>
    %reduce_max3A_255 = arith.constant dense<0xFF800000> : vector<1024xf32>
    %reduce_max3A_256 = vector.multi_reduction <maximumf>, %select_n3A_254, %reduce_max3A_255 [1] : vector<1024x16xf32> to vector<1024xf32>
    %broadcast_in_dim3A_257 = vector.shape_cast %reduce_max3A_256 : vector<1024xf32> to vector<1024x1xf32>
    %concatenate3A_258 = tpu.concatenate %broadcast_in_dim3A_146, %broadcast_in_dim3A_169, %broadcast_in_dim3A_193, %broadcast_in_dim3A_217, %broadcast_in_dim3A_241, %broadcast_in_dim3A_125, %broadcast_in_dim3A_125, %broadcast_in_dim3A_125 in 1 : vector<1024x1xf32>, vector<1024x1xf32>, vector<1024x1xf32>, vector<1024x1xf32>, vector<1024x1xf32>, vector<1024x1xf32>, vector<1024x1xf32>, vector<1024x1xf32> -> vector<1024x8xf32>
    %swap3A = arith.constant 0 : index
    %swap3A_259 = arith.constant 0 : index
    %swap3A_260 = vector.load %arg6[%swap3A, %swap3A_259] : memref<1024x8xf32, #tpu.memory_space<vmem>>, vector<1024x8xf32>
    tpu.vector_store %arg6[%swap3A, %swap3A_259], %concatenate3A_258 {strides = array<i32>} : memref<1024x8xf32, #tpu.memory_space<vmem>>, vector<1024x8xf32>,
    %concatenate3A_261 = tpu.concatenate %broadcast_in_dim3A_161, %broadcast_in_dim3A_185, %broadcast_in_dim3A_209, %broadcast_in_dim3A_233, %broadcast_in_dim3A_257, %broadcast_in_dim3A_127, %broadcast_in_dim3A_127, %broadcast_in_dim3A_127 in 1 : vector<1024x1xf32>, vector<1024x1xf32>, vector<1024x1xf32>, vector<1024x1xf32>, vector<1024x1xf32>, vector<1024x1xf32>, vector<1024x1xf32>, vector<1024x1xf32> -> vector<1024x8xf32>
    %swap3A_262 = arith.constant 0 : index
    %swap3A_263 = arith.constant 0 : index
    %swap3A_264 = vector.load %arg7[%swap3A_262, %swap3A_263] : memref<1024x8xf32, #tpu.memory_space<vmem>>, vector<1024x8xf32>
    tpu.vector_store %arg7[%swap3A_262, %swap3A_263], %concatenate3A_261 {strides = array<i32>} : memref<1024x8xf32, #tpu.memory_space<vmem>>, vector<1024x8xf32>,
    %eq3A_265 = arith.constant 24 : i32
    %eq3A_266 = arith.cmpi eq, %arg1, %eq3A_265 : i32
    %convert_element_type3A_267 = arith.extui %eq3A_266 : i1 to i32
    %cond3A_268 = arith.constant 0 : i32
    %cond3A_269 = arith.cmpi ne, %convert_element_type3A_267, %cond3A_268 : i32
    scf.if %cond3A_269 {
      %get3A_270 = arith.constant 0 : index
      %get3A_271 = arith.constant 0 : index
      %get3A_272 = vector.load %arg6[%get3A_270, %get3A_271] : memref<1024x8xf32, #tpu.memory_space<vmem>>, vector<1024x8xf32>
      %add3A_273 = vector.broadcast %broadcast_in_dim3A_9 : vector<1024x1xf32> to vector<1024x8xf32>
      %add3A_274 = arith.addf %get3A_272, %add3A_273 : vector<1024x8xf32>
      %max3A_275 = arith.constant 9.99999996E-13 : f32
      %max3A_276 = vector.broadcast %max3A_275 : f32 to vector<1024x8xf32>
      %max3A_277 = arith.maximumf %add3A_274, %max3A_276 : vector<1024x8xf32>
      %sqrt3A_278 = math.sqrt %max3A_277 : vector<1024x8xf32>
      %add3A_279 = arith.constant 9.99999993E-9 : f32
      %add3A_280 = vector.broadcast %add3A_279 : f32 to vector<1024x8xf32>
      %add3A_281 = arith.addf %sqrt3A_278, %add3A_280 : vector<1024x8xf32>
      %div3A_282 = arith.constant 1.000000e+00 : f32
      %div3A_283 = vector.broadcast %div3A_282 : f32 to vector<1024x8xf32>
      %div3A_284 = arith.divf %div3A_283, %add3A_281 : vector<1024x8xf32>
      %iota3A_285 = tpu.iota {dimensions = array<i32: 1>} : vector<1024x8xi32>
      %lt3A = arith.constant 5 : i32
      %lt3A_286 = vector.broadcast %lt3A : i32 to vector<1024x8xi32>
      %lt3A_287 = arith.cmpi slt, %iota3A_285, %lt3A_286 : vector<1024x8xi32>
      %jit3A_288 = arith.constant 0.000000e+00 : f32
      %broadcast_in_dim3A_289 = vector.broadcast %jit3A_288 : f32 to vector<1024x8xf32>
      %select_n3A_290 = arith.select %lt3A_287, %div3A_284, %broadcast_in_dim3A_289 : vector<1024x8xi1>, vector<1024x8xf32>
      %reduce_sum3A_291 = arith.constant dense<0.000000e+00> : vector<1024xf32>
      %reduce_sum3A_292 = vector.multi_reduction <add>, %select_n3A_290, %reduce_sum3A_291 [1] : vector<1024x8xf32> to vector<1024xf32>
      %broadcast_in_dim3A_293 = vector.shape_cast %reduce_sum3A_292 : vector<1024xf32> to vector<1024x1xf32>
      %div3A_294 = vector.broadcast %broadcast_in_dim3A_293 : vector<1024x1xf32> to vector<1024x8xf32>
      %div3A_295 = arith.divf %select_n3A_290, %div3A_294 : vector<1024x8xf32>
      %swap3A_296 = arith.constant 0 : index
      %swap3A_297 = arith.constant 0 : index
      %swap3A_298 = vector.load %arg5[%swap3A_296, %swap3A_297] : memref<1024x8xf32, #tpu.memory_space<vmem>>, vector<1024x8xf32>
      tpu.vector_store %arg5[%swap3A_296, %swap3A_297], %div3A_295 {strides = array<i32>} : memref<1024x8xf32, #tpu.memory_space<vmem>>, vector<1024x8xf32>,
      %get3A_299 = arith.constant 0 : index
      %get3A_300 = arith.constant 0 : index
      %get3A_301 = vector.load %arg7[%get3A_299, %get3A_300] : memref<1024x8xf32, #tpu.memory_space<vmem>>, vector<1024x8xf32>
      %convert_element_type3A_302 = arith.fptosi %get3A_301 : vector<1024x8xf32> to vector<1024x8xi32>
      %jit3A_303 = arith.constant 0 : i32
      %broadcast_in_dim3A_304 = vector.broadcast %jit3A_303 : i32 to vector<1024x8xi32>
      %select_n3A_305 = arith.select %lt3A_287, %convert_element_type3A_302, %broadcast_in_dim3A_304 : vector<1024x8xi1>, vector<1024x8xi32>
      %swap3A_306 = arith.constant 0 : index
      %swap3A_307 = arith.constant 0 : index
      %swap3A_308 = vector.load %arg4[%swap3A_306, %swap3A_307] : memref<1024x8xi32, #tpu.memory_space<vmem>>, vector<1024x8xi32>
      tpu.vector_store %arg4[%swap3A_306, %swap3A_307], %select_n3A_305 {strides = array<i32>} : memref<1024x8xi32, #tpu.memory_space<vmem>>, vector<1024x8xi32>,
    } else {
    }
    return
  }
  func.func @transform_0(%arg0: i32, %arg1: i32) -> (i32, i32) {
    %c0_i32 = arith.constant 0 : i32
    %c0_i32_0 = arith.constant 0 : i32
    return %arg0, %c0_i32 : i32, i32
  }
  func.func @transform_1(%arg0: i32, %arg1: i32) -> (i32, i32) {
    %c0_i32 = arith.constant 0 : i32
    %c0_i32_0 = arith.constant 0 : i32
    return %arg1, %c0_i32 : i32, i32
  }
  func.func @transform_2(%arg0: i32, %arg1: i32) -> (i32, i32) {
    %c0_i32 = arith.constant 0 : i32
    %c0_i32_0 = arith.constant 0 : i32
    return %arg0, %c0_i32 : i32, i32
  }
  func.func @transform_3(%arg0: i32, %arg1: i32) -> (i32, i32) {
    %c0_i32 = arith.constant 0 : i32
    %c0_i32_0 = arith.constant 0 : i32
    return %arg0, %c0_i32 : i32, i32
  }
}

</mosaic_0001>

<sc_bundles>
// kernel: kernel.4.cloned.1.call-start
scs
__scs_entry_jumppad:
0x0: {  	(pc) =	sbr.rel $0x88, $3  }
0x1: {  	(tag) =	ssettag $0x0;
	lr =	simm.s32 $0x1  }
0x2: {  	[smem:$0x3F9E] =	sst lr;
	_ =	strace $0xD0000000  }
0x3: {  	_ = 	snop  }
0x4: {  	_ = 	snop  }
0x5: {  	_ = 	snop  }
0x6: {  	_ = 	snop  }
0x7: {  	_ = 	snop  }
__scs_overlays_trampoline_lowered:
0x8: {  	[smem:$0x3FAD] =	sst s0  }
0x9: {  	[smem:$0x3FAE] =	sst s1  }
0xa: {  	[smem:$0x3FAF] =	sst s2  }
0xb: {  	[smem:$0x3FB0] =	sst s3  }
0xc: {  	[smem:$0x3FB1] =	sst s4  }
0xd: {  	[smem:$0x3FB2] =	sst s5  }
0xe: {  	[smem:$0x3FB3] =	sst s6  }
0xf: {  	[smem:$0x3FB4] =	sst s7  }
0x10: {  	[smem:$0x3FB5] =	sst s8  }
0x11: {  	[smem:$0x3FB6] =	sst s9;
	s0 =	simm.s32 @!p0 $0x0  }
0x12: {  	s1 =	sld [smem:$0x3F9C];
	s0 =	simm.s32 @p0 $0x1  }
0x13: {  	[smem:$0x3FB7] =	sst s0;
	s0 =	simm.s32 @!p1 $0x0  }
0x14: {  	s2 =	sld [smem:$0x3F9B];
	s0 =	simm.s32 @p1 $0x1  }
0x15: {  	[smem:$0x3FB8] =	sst s0;
	s0 =	simm.s32 @!p2 $0x0  }
0x16: {  	s3 =	sld [smem:$0x3FDB];
	s0 =	simm.s32 @p2 $0x1  }
0x17: {  	s4 =	simm.s32 $0x1BF5;
	[smem:$0x3FBA] =	sst s0  }
0x18: {  	s0 =	sld [smem:$0x3F9D];
	_ =	swait.ge [sflag:s4], $0x0  }
0x19: {  	s7 =	sld [smem:$0x3F9E]  }
0x1a: {  	s8 =	sadd.s32 $0xFFFFE003, lr  }
0x1b: {  	s9 =	sadd.s32 $0xFFFFFEF7, lr;
	s5 =	simm.s32 $0xFFFFFFFF;
	p2 =	slt.u32 s8, $0xFFFFF086  }
0x1c: {  	p1 =	slt.u32 s9, $0xF7A;
	s5 =	simm.s32 @!p2 $0x0  }
0x1d: {  	s5 =	simm.s32 @p1 $0x1;
	p0 =	seq.s32 s7, s2  }
0x1e: {  	s7 =	smul.u32 @!p0 $0xF7A, s2;
	p2 =	seq.s32 @!p0 s5, $0x0  }
0x1f: {  	s9 =	smul.u32 $0xF7A, s1;
	s8 =	simm.s32 @!p0 $0x1BF5;
	p2 =	por !p2, p0  }
0x20: {  	[sflag:s8] =	ssyncset.s32 @!p0 $0xFFFFF086;
	s6 =	sadd.s32 @!p0 s3, s7;
	s7 =	simm.s32 @!p0 $0x108  }
0x21: {  	s3 =	sadd.s32 s3, s9;
	s6 =	sadd.s32 @!p0 $0x88, s6;
	s7 =	simm.s32 @p2 $0x1082  }
0x22: {  	[simem:s7], [sflag:s8] =	dma.local @!p0 [hbm:s6], $0xF7A  }
0x23: {  	s9 =	sor.u32 $0xD0000000, s2;
	s6 =	simm.s32 $0x108;
	_ =	swait.ge @!p0 [sflag:s8], $0x0  }
0x24: {  	s3 =	sadd.s32 $0x88, s3;
	s6 =	simm.s32 @!p1 $0x1082;
	[sflag:s4] =	ssyncset.s32 $0xFFFFF086  }
0x25: {  	[simem:s6], [sflag:s4] =	dma.local [hbm:s3], $0xF7A  }
0x26: {  	[smem:$0x3F9E] =	sst s1;
	(tag) =	ssettag s2;
	_ =	strace s9  }
0x27: {  	s1 =	sld [smem:$0x3FAE]  }
0x28: {  	s2 =	sld [smem:$0x3FAF]  }
0x29: {  	s4 =	sld [smem:$0x3FB1]  }
0x2a: {  	p0 =	seq.s32 s5, $0x0;
	s5 =	sld [smem:$0x3FB2]  }
0x2b: {  	s6 =	sld [smem:$0x3FB3]  }
0x2c: {  	s7 =	sld [smem:$0x3FB4]  }
0x2d: {  	s3 =	simm.s32 $0x108;
	s8 =	sld [smem:$0x3FB5]  }
0x2e: {  	s3 =	simm.s32 @!p0 $0x1082;
	s9 =	sld [smem:$0x3FB6]  }
0x2f: {  	lr =	sadd.s32 s0, s3;
	s0 =	sld [smem:$0x3FAD]  }
0x30: {  	s3 =	sld [smem:$0x3FB0]  }
0x31: {  	[smem:$0x3FB9] =	sst s10  }
0x32: {  	s10 =	sld [smem:$0x3FB7];
	_ =	sdelay $0x3  }
0x33: {  	p0 =	seq.s32 s10, $0x1;
	s10 =	sld [smem:$0x3FB9];
	_ =	sdelay $0x3  }
0x34: {  	[smem:$0x3FB9] =	sst s10  }
0x35: {  	s10 =	sld [smem:$0x3FB8];
	_ =	sdelay $0x3  }
0x36: {  	p1 =	seq.s32 s10, $0x1;
	s10 =	sld [smem:$0x3FB9];
	_ =	sdelay $0x3  }
0x37: {  	[smem:$0x3FB9] =	sst s10  }
0x38: {  	s10 =	sld [smem:$0x3FBA]  }
0x39: {  	_ = 	snop;
	(pc) =	sbr.ind lr, $3  }
0x3a: {  	_ = 	snop  }
0x3b: {  	_ = 	snop  }
0x3c: {  	p2 =	seq.s32 s10, $0x1;
	s10 =	sld [smem:$0x3FB9]  }
0x3d: {  	_ =	shalt  }
0x3e: {  	_ =	shalt  }
0x3f: {  	_ =	shalt  }
0x40: {  	_ =	shalt  }
0x41: {  	_ =	shalt  }
0x42: {  	_ =	shalt  }
0x43: {  	_ =	shalt  }
0x44: {  	_ =	shalt  }
0x45: {  	_ =	shalt  }
0x46: {  	_ =	shalt  }
0x47: {  	_ =	shalt  }
0x48: {  	_ =	shalt  }
0x49: {  	_ =	shalt  }
0x4a: {  	_ =	shalt  }
0x4b: {  	_ =	shalt  }
0x4c: {  	_ =	shalt  }
0x4d: {  	_ =	shalt  }
0x4e: {  	_ =	shalt  }
0x4f: {  	_ =	shalt  }
0x50: {  	_ =	shalt  }
0x51: {  	_ =	shalt  }
0x52: {  	_ =	shalt  }
0x53: {  	_ =	shalt  }
0x54: {  	_ =	shalt  }
0x55: {  	_ =	shalt  }
0x56: {  	_ =	shalt  }
0x57: {  	_ =	shalt  }
0x58: {  	_ =	shalt  }
0x59: {  	_ =	shalt  }
0x5a: {  	_ =	shalt  }
0x5b: {  	_ =	shalt  }
0x5c: {  	_ =	shalt  }
0x5d: {  	_ =	shalt  }
0x5e: {  	_ =	shalt  }
0x5f: {  	_ =	shalt  }
0x60: {  	_ =	shalt  }
0x61: {  	_ =	shalt  }
0x62: {  	_ =	shalt  }
0x63: {  	_ =	shalt  }
0x64: {  	_ =	shalt  }
0x65: {  	_ =	shalt  }
0x66: {  	_ =	shalt  }
0x67: {  	_ =	shalt  }
0x68: {  	_ =	shalt  }
0x69: {  	_ =	shalt  }
0x6a: {  	_ =	shalt  }
0x6b: {  	_ =	shalt  }
0x6c: {  	_ =	shalt  }
0x6d: {  	_ =	shalt  }
0x6e: {  	_ =	shalt  }
0x6f: {  	_ =	shalt  }
0x70: {  	_ =	shalt  }
0x71: {  	_ =	shalt  }
0x72: {  	_ =	shalt  }
0x73: {  	_ =	shalt  }
0x74: {  	_ =	shalt  }
0x75: {  	_ =	shalt  }
0x76: {  	_ =	shalt  }
0x77: {  	_ =	shalt  }
0x78: {  	_ =	shalt  }
0x79: {  	_ =	shalt  }
0x7a: {  	_ =	shalt  }
0x7b: {  	_ =	shalt  }
0x7c: {  	_ =	shalt  }
0x7d: {  	_ =	shalt  }
0x7e: {  	_ =	shalt  }
0x7f: {  	_ =	shalt  }
0x80: {  	_ =	shalt  }
0x81: {  	_ =	shalt  }
0x82: {  	_ =	shalt  }
0x83: {  	_ =	shalt  }
0x84: {  	_ =	shalt  }
0x85: {  	_ =	shalt  }
0x86: {  	_ =	shalt  }
0x87: {  	_ =	shalt  }
.Lfunc_end0:
.L_simem_size_0:
called_computation_lowered:
.L_overlay_start_0:
0x88: {  	s2 =	sld [smem:$0x3FD9]  }
0x89: {  	s3 =	sld [smem:$0x3FFE];
	_ =	sdelay $0x1  }
0x8a: {  	s1 =	srdreg.scid  }
0x8b: {  	s0 =	sand.u32 $0x1, s1  }
0x8c: {  	s17 =	sshll.u32 s0, $0xA;
	s2 =	sadd.s32 s3, s2  }
0x8d: {  	s2 =	sadd.s32 s2, s17  }
0x8e: {  	[smem:$0x3FC5] =	sst s2  }
0x8f: {  	_ = 	snop  }
0x90: {  	s2 =	sld [smem:$0x3FD0];
	(tm) =	ssettm $0x1  }
0x91: {  	s18 =	sld [smem:$0x3FFB];
	_ =	sdelay $0x3  }
0x92: {  	_ =	strace s18  }
0x93: {  	s3 =	sld [smem:$0x3FFC];
	_ =	sdelay $0x3  }
0x94: {  	_ =	strace s3  }
0x95: {  	s3 =	sld [smem:$0x3FFD];
	_ =	sdelay $0x3  }
0x96: {  	_ =	strace s3  }
0x97: {  	_ =	strace $0x8FFFFFFF  }
0x98: {  	s19 =	sld [smem:$0x3FDB];
	_ =	sdelay $0x1  }
0x99: {  	s4 =	simm.s32 $_scs_section_size  }
0x9a: {  	s5 =	simm.s32 $_size__tile_overlayer_lowered;
	s6 =	simm.s32 $_tile_overlayer_lowered  }
0x9b: {  	s22 =	simm.s32 $0x1BFF;
	s21 =	sshll.u32 s6, $0x1;
	s3 =	sadd.s32 s4, s19  }
0x9c: {  	s7 =	simm.s32 $0x0;
	s20 =	sshll.u32 s5, $0x1;
	s5 =	sadd.s32 s21, s3  }
0x9d: {  	[timem:s7], [sflag:s22] =	dma.local [hbm:s5], s20  }
0x9e: {  	_ =	swait.ge [sflag:s22], s20  }
0x9f: {  	s4 =	ssub.s32 $0x0, s20;
	[sflag:s22] =	ssyncset.done $0x0  }
0xa0: {  	[sflag:s22] =	ssyncadd.s32 s4;
	_ =	sdelay $0x1  }
0xa1: {  	s23 =	simm.s32 $0x1B8B  }
0xa2: {  	_ =	swait.ge [sflag:s23], $0x1  }
0xa3: {  	[sflag:s23] =	ssyncset.done $0x0  }
0xa4: {  	s25 =	simm.s32 $0x1B8E;
	s24 =	sld [smem:$0x3FFE];
	[sflag:s23] =	ssyncadd.s32 $0xFFFFFFFF  }
0xa5: {  	s26 =	simm.s32 $execute0_lowered;
	[smem:$0x3FD2] =	sst s25  }
0xa6: {  	s5 =	sshll.u32 s26, $0x1;
	_ =	strace $0x80000046;
	[dreg:$0x1] =	wrdreg $0xFFFFFFFF  }
0xa7: {  	s28 =	simm.s32 $_size_execute0_lowered;
	s3 =	sadd.s32 s3, s5;
	[dreg:$0x0] =	wrdreg $0x0  }
0xa8: {  	s5 =	sshll.u32 s28, $0x1;
	[dreg:$0x2] =	wrdreg s3  }
0xa9: {  	[dreg:$0x3] =	wrdreg s5  }
0xaa: {  	[dreg:$0x4] =	wrdreg $0xC0  }
0xab: {  	_ =	task [dreg:s7], $0x5FFFF  }
0xac: {  	[dreg:$0x1] =	wrdreg $0xFFFFFFFF  }
0xad: {  	[dreg:$0x0] =	wrdreg $0x60  }
0xae: {  	[dreg:$0x2] =	wrdreg s24  }
0xaf: {  	[dreg:$0x3] =	wrdreg s2  }
0xb0: {  	[dreg:$0x4] =	wrdreg $0x9  }
0xb1: {  	_ =	task.clear_ibuf [dreg:s7], $0x5FFFF;
	_ =	strace $0x90000046  }
0xb2: {  	s29 =	simm.s32 $0x9;
	_ =	strace $0x80000048  }
0xb3: {  	_ =	swait.ge [sflag:s29], $0x1  }
0xb4: {  	[sflag:s29] =	ssyncadd.s32 $0xFFFFFFFF  }
0xb5: {  	_ =	strace $0x90000048  }
0xb6: {  	_ =	sfence  }
0xb7: {  	s30 =	sld [smem:$0x0];
	_ =	sdelay $0x2  }
0xb8: {  	s31 =	sshll.u32 s1, $0xD;
	s1 =	sshrl.u32 s1, $0x2  }
0xb9: {  	s3 =	sand.u32 $0x4000, s31;
	s1 =	sadd.s32 s1, s30  }
0xba: {  	s0 =	sor.u32 s3, s0;
	s1 =	sshll.u32 s1, $0x11  }
0xbb: {  	s0 =	sor.u32 s1, s0  }
0xbc: {  	s0 =	sadd.s32 $0x8F2B, s0  }
0xbd: {  	[sflag:s0] =	ssyncadd.remote.s32 $0x1  }
0xbe: {  	_ =	sfence.sel $0xFFFF  }
0xbf: {  	[dreg:$0x0] =	wrdreg $0xFFFFFFFF;
	(pc) =	sbr.abs _section_cstart, $3  }
0xc0: {  	[dreg:$0x1] =	wrdreg $0xFFFFFFFF  }
0xc1: {  	_ =	task.clear_ibuf [dreg:s7], $0x2FFFF;
	_ =	strace $0x9FFFFFFF  }
0xc2: {  	(tm) =	ssettm $0x7FFFFFFF  }
0xc3: {  	_ =	shalt  }
tec
execute0_lowered:
.L_overlay_start_1:
0x0: {  	(tag) =	ssettag $0x1  }
0x1: {  	s4 =	rddreg [dreg:$0x0]  }
0x2: {  	s6 =	rddreg [dreg:$0x1]  }
0x3: {  	s0 =	rddreg [dreg:$0x2];
	s2 =	simm.s32 $0x0  }
0x4: {  	s3 =	srdreg.scid;
	s1 =	stileid.u32;
	s11 =	simm.s32 $0x1  }
0x5: {  	s12 =	simm.s32 $0x900;
	s13 =	simm.s32 $0x1100;
	s14 =	simm.s32 $0x2100  }
0x6: {  	[smem:$0x7FF] =	sst s2;
	s5 =	sand.u32 $0x1, s3;
	s7 =	sshll.u32 s1, $0x1  }
0x7: {  	s3 =	sadd.s32 $0x18BE00, s4;
	_ =	strace $0x80000047;
	s7 =	sor.u32 s5, s7  }
0x8: {  	s5 =	ssub.s32 $0x2, s5;
	s8 =	sshll.u32 s7, $0x5;
	s9 =	sshll.u32 s7, $0x9  }
0x9: {  	s10 =	sshrl.u32 s5, $0x1;
	s7 =	sshll.u32 s7, $0x6;
	s8 =	sadd.s32 s8, s4  }
0xa: {  	s9 =	sadd.s32 s9, s4;
	s10 =	ssub.s32 s5, s10;
	s6 =	sadd.s32 s6, s7  }
0xb: {  	s4 =	sadd.s32 $0x5000, s8;
	s5 =	sadd.s32 $0x1000, s9;
	s7 =	smax.u32 s10, $0x1  }
0xc: {  	s8 =	simm.s32 $0x2;
	s9 =	simm.s32 $0x80;
	s10 =	simm.s32 $0x100  }
.LBB2_1:
0xd: {  	[tilespmem:s2], [sflag:$0x2] =	stream.linear.gather [hbm4b:s4+s2], $0x100, $0x38;
	[tilespmem:$0x2300] =	vst v63  }
0xe: {  	_ =	swait.ge [sflag:s8], $0x100  }
0xf: {  	[sflag:s8] =	ssyncset.done $0x0  }
0x10: {  	[sflag:s8] =	ssyncadd.s32 $0xFFFFFF00  }
0x11: {  	[tilespmem:s10], [sflag:$0x1] =	stream.indirect.gather [hbm4b:s3+s9], $0x10, s2, s9, $0xb8;
	[tilespmem:$0x2300] =	vst v63  }
0x12: {  	_ =	swait.ge [sflag:s11], $0x800  }
0x13: {  	[sflag:s11] =	ssyncset.done $0x0  }
0x14: {  	[sflag:s11] =	ssyncadd.s32 $0xFFFFF800  }
0x15: {  	[tilespmem:s12], [sflag:$0x1] =	stream.indirect.gather [hbm4b:s3+s9], $0x10, s9, s9, $0xb8;
	[tilespmem:$0x2300] =	vst v63  }
0x16: {  	_ =	swait.ge [sflag:s11], $0x800  }
0x17: {  	[sflag:s11] =	ssyncset.done $0x0  }
0x18: {  	[sflag:s11] =	ssyncadd.s32 $0xFFFFF800  }
0x19: {  	[tilespmem:s13], [sflag:$0x2] =	stream.linear.gather [hbm4b:s5+s2], $0x1000, $0x38;
	[tilespmem:$0x2300] =	vst v63  }
0x1a: {  	_ =	swait.ge [sflag:s8], $0x1000  }
0x1b: {  	[sflag:s8] =	ssyncset.done $0x0  }
0x1c: {  	[sflag:s8] =	ssyncadd.s32 $0xFFFFF000  }
0x1d: {  	v0 =	vld [tilespmem:$0x100]  }
0x1e: {  	v1 =	vld [tilespmem:$0x1100]  }
0x1f: {  	v2 =	vld [tilespmem:$0x110]  }
0x20: {  	v3 =	vld [tilespmem:$0x1110]  }
0x21: {  	v4 =	vld [tilespmem:$0x120]  }
0x22: {  	v5 =	vld [tilespmem:$0x1120]  }
0x23: {  	v6 =	vld [tilespmem:$0x130]  }
0x24: {  	v7 =	vld [tilespmem:$0x1130]  }
0x25: {  	v8 =	vld [tilespmem:$0x140]  }
0x26: {  	v9 =	vld [tilespmem:$0x1140]  }
0x27: {  	v10 =	vld [tilespmem:$0x150]  }
0x28: {  	v11 =	vld [tilespmem:$0x1150]  }
0x29: {  	v12 =	vld [tilespmem:$0x160]  }
0x2a: {  	v13 =	vld [tilespmem:$0x1160]  }
0x2b: {  	v14 =	vld [tilespmem:$0x170]  }
0x2c: {  	v15 =	vld [tilespmem:$0x1170]  }
0x2d: {  	v16 =	vld [tilespmem:$0x180]  }
0x2e: {  	v17 =	vld [tilespmem:$0x1180]  }
0x2f: {  	v18 =	vld [tilespmem:$0x190]  }
0x30: {  	v60 =	vld [tilespmem:$0x3F0]  }
0x31: {  	v19 =	vld [tilespmem:$0x1190]  }
0x32: {  	v20 =	vld [tilespmem:$0x1A0]  }
0x33: {  	v21 =	vld [tilespmem:$0x11A0]  }
0x34: {  	v22 =	vld [tilespmem:$0x1B0]  }
0x35: {  	[tilespmem:$0x1EC60] =	vst v60;
	v60 =	vld [tilespmem:$0x14C0]  }
0x36: {  	v23 =	vld [tilespmem:$0x11B0]  }
0x37: {  	v24 =	vld [tilespmem:$0x1C0]  }
0x38: {  	v25 =	vld [tilespmem:$0x11C0]  }
0x39: {  	v26 =	vld [tilespmem:$0x1D0]  }
0x3a: {  	[tilespmem:$0x1EC90] =	vst v60;
	v60 =	vld [tilespmem:$0x530]  }
0x3b: {  	v36 =	vld [tilespmem:$0x11D0]  }
0x3c: {  	v39 =	vld [tilespmem:$0x1E0]  }
0x3d: {  	v41 =	vld [tilespmem:$0x11E0]  }
0x3e: {  	v43 =	vld [tilespmem:$0x1F0]  }
0x3f: {  	[tilespmem:$0x1ECE0] =	vst v60;
	v60 =	vld [tilespmem:$0x1530]  }
0x40: {  	v58 =	vld [tilespmem:$0x11F0]  }
0x41: {  	v63 =	vld [tilespmem:$0x200]  }
0x42: {  	v48 =	vld [tilespmem:$0x1210]  }
0x43: {  	v54 =	vld [tilespmem:$0x220]  }
0x44: {  	[tilespmem:$0x1ECF0] =	vst v60;
	v60 =	vld [tilespmem:$0x540]  }
0x45: {  	v45 =	vld [tilespmem:$0x1220]  }
0x46: {  	v46 =	vld [tilespmem:$0x230]  }
0x47: {  	v44 =	vld [tilespmem:$0x240]  }
0x48: {  	v33 =	vld [tilespmem:$0x1240]  }
0x49: {  	[tilespmem:$0x1ED40] =	vst v60;
	v60 =	vld [tilespmem:$0x1540]  }
0x4a: {  	v47 =	vld [tilespmem:$0x250]  }
0x4b: {  	v27 =	vld [tilespmem:$0x1260]  }
0x4c: {  	v28 =	vld [tilespmem:$0x270]  }
0x4d: {  	v29 =	vld [tilespmem:$0x1270]  }
0x4e: {  	[tilespmem:$0x1ED50] =	vst v60;
	v60 =	vld [tilespmem:$0x550]  }
0x4f: {  	v55 =	vld [tilespmem:$0x2C0]  }
0x50: {  	v49 =	vld [tilespmem:$0x12C0]  }
0x51: {  	v56 =	vld [tilespmem:$0x2D0]  }
0x52: {  	v50 =	vld [tilespmem:$0x12D0]  }
0x53: {  	[tilespmem:$0x1EDA0] =	vst v60;
	v60 =	vld [tilespmem:$0x1550]  }
0x54: {  	v30 =	vld [tilespmem:$0x2E0]  }
0x55: {  	v31 =	vld [tilespmem:$0x12E0]  }
0x56: {  	v32 =	vld [tilespmem:$0x2F0]  }
0x57: {  	v34 =	vld [tilespmem:$0x12F0]  }
0x58: {  	[tilespmem:$0x1EDB0] =	vst v60;
	v60 =	vld [tilespmem:$0x560]  }
0x59: {  	v51 =	vld [tilespmem:$0x1370]  }
0x5a: {  	v52 =	vld [tilespmem:$0x3D0]  }
0x5b: {  	v53 =	vld [tilespmem:$0x13D0]  }
0x5c: {  	v61 =	vld [tilespmem:$0x13F0]  }
0x5d: {  	[tilespmem:$0x1EE30] =	vst v60;
	v60 =	vld [tilespmem:$0x1560]  }
0x5e: {  	v62 =	vmul.f32 v9, v8;
	v9 =	vld [tilespmem:$0x1200]  }
0x5f: {  	v38 =	vmul.f32 v19, v18;
	v19 =	vld [tilespmem:$0x210]  }
0x60: {  	v35 =	vmul.f32 v3, v2;
	v2 =	vmul.f32 v36, v26;
	v36 =	vld [tilespmem:$0x1230]  }
0x61: {  	v59 =	vmul.f32 v23, v22;
	v22 =	vmul.f32 v41, v39;
	v41 =	vld [tilespmem:$0x1250]  }
0x62: {  	[tilespmem:$0x1EE40] =	vst v60;
	v60 =	vld [tilespmem:$0x570]  }
0x63: {  	v26 =	vld [tilespmem:$0x260]  }
0x64: {  	v23 =	vmul.f32 v15, v14;
	v14 =	vld [tilespmem:$0x280]  }
0x65: {  	v42 =	vmul.f32 v21, v20;
	v21 =	vmul.f32 v13, v12;
	v12 =	vld [tilespmem:$0x1280]  }
0x66: {  	v13 =	vld [tilespmem:$0x290]  }
0x67: {  	[tilespmem:$0x1EF30] =	vst v60;
	v60 =	vld [tilespmem:$0x1570]  }
0x68: {  	v20 =	vmul.f32 v11, v10;
	v10 =	vld [tilespmem:$0x1290]  }
0x69: {  	v37 =	vmul.f32 v17, v16;
	v16 =	vld [tilespmem:$0x12A0]  }
0x6a: {  	v39 =	vld [tilespmem:$0x2B0]  }
0x6b: {  	[tilespmem:$0x1EB10] =	vst v29;
	v29 =	vld [tilespmem:$0x12B0]  }
0x6c: {  	[tilespmem:$0x1EF40] =	vst v60;
	v60 =	vld [tilespmem:$0x580]  }
0x6d: {  	v40 =	vmul.f32 v5, v4;
	v4 =	vld [tilespmem:$0x300]  }
0x6e: {  	v0 =	vmul.f32 v1, v0;
	v1 =	vld [tilespmem:$0x1310]  }
0x6f: {  	v11 =	vld [tilespmem:$0x320]  }
0x70: {  	v8 =	vld [tilespmem:$0x1320]  }
0x71: {  	[tilespmem:$0x1ED60] =	vst v60;
	v60 =	vld [tilespmem:$0x1580]  }
0x72: {  	v18 =	vmul.f32 v25, v24;
	v24 =	vmul.f32 v58, v43;
	v43 =	vld [tilespmem:$0x370]  }
0x73: {  	v57 =	vmul.f32 v7, v6;
	v6 =	vld [tilespmem:$0x1380]  }
0x74: {  	v7 =	vld [tilespmem:$0x390]  }
0x75: {  	v5 =	vld [tilespmem:$0x1390]  }
0x76: {  	[tilespmem:$0x1ED70] =	vst v60;
	v60 =	vld [tilespmem:$0x590]  }
0x77: {  	v17 =	vld [tilespmem:$0x3A0]  }
0x78: {  	v15 =	vld [tilespmem:$0x13A0]  }
0x79: {  	[tilespmem:$0x1EB20] =	vst v30;
	v30 =	vld [tilespmem:$0x3B0]  }
0x7a: {  	[tilespmem:$0x1EAF0] =	vst v27;
	v27 =	vld [tilespmem:$0x13B0]  }
0x7b: {  	[tilespmem:$0x1ED80] =	vst v60;
	v60 =	vld [tilespmem:$0x1590]  }
0x7c: {  	[tilespmem:$0x1EBC0] =	vst v51;
	v51 =	vld [tilespmem:$0x13C0]  }
0x7d: {  	v58 =	vld [tilespmem:$0x3E0]  }
0x7e: {  	[tilespmem:$0x1EB30] =	vst v31;
	v31 =	vld [tilespmem:$0x1400]  }
0x7f: {  	[tilespmem:$0x1EB50] =	vst v32;
	v32 =	vld [tilespmem:$0x410]  }
0x80: {  	[tilespmem:$0x1ED90] =	vst v60;
	v60 =	vld [tilespmem:$0x5A0]  }
0x81: {  	[tilespmem:$0x1EB90] =	vst v52;
	v52 =	vld [tilespmem:$0x1420]  }
0x82: {  	[tilespmem:$0x1EB00] =	vst v28;
	v28 =	vld [tilespmem:$0x1450]  }
0x83: {  	[tilespmem:$0x1EB60] =	vst v34;
	v34 =	vld [tilespmem:$0x460]  }
0x84: {  	[tilespmem:$0x1EBA0] =	vst v53;
	v53 =	vld [tilespmem:$0x4B0]  }
0x85: {  	[tilespmem:$0x1EDE0] =	vst v60;
	v60 =	vld [tilespmem:$0x15A0]  }
0x86: {  	[tilespmem:$0x1EC70] =	vst v61;
	v61 =	vld [tilespmem:$0x14B0]  }
0x87: {  	v3 =	vadd.f32 v38, v37;
	v37 =	vld [tilespmem:$0x1340]  }
0x88: {  	v0 =	vadd.f32 v35, v0;
	v35 =	vld [tilespmem:$0x350]  }
0x89: {  	v38 =	vld [tilespmem:$0x360]  }
0x8a: {  	[tilespmem:$0x1EDF0] =	vst v60;
	v60 =	vld [tilespmem:$0x5B0]  }
0x8b: {  	v3 =	vadd.f32 v42, v3;
	v42 =	vld [tilespmem:$0x340]  }
0x8c: {  	v0 =	vadd.f32 v40, v0;
	v40 =	vld [tilespmem:$0x1360]  }
0x8d: {  	[tilespmem:$0x1EAD0] =	vst v19;
	v19 =	vld [tilespmem:$0x1330]  }
0x8e: {  	[tilespmem:$0x1EAC0] =	vst v9;
	v9 =	vld [tilespmem:$0x380]  }
0x8f: {  	[tilespmem:$0x1EE50] =	vst v60;
	v60 =	vld [tilespmem:$0x15B0]  }
0x90: {  	[tilespmem:$0x1EBD0] =	vst v58;
	v58 =	vld [tilespmem:$0x420]  }
0x91: {  	[tilespmem:$0x1EAE0] =	vst v26;
	v26 =	vld [tilespmem:$0x450]  }
0x92: {  	[tilespmem:$0x1EBB0] =	vst v43;
	v43 =	vld [tilespmem:$0x1470]  }
0x93: {  	[tilespmem:$0x1EC40] =	vst v28;
	v28 =	vld [tilespmem:$0x14D0]  }
0x94: {  	[tilespmem:$0x1EE60] =	vst v60;
	v60 =	vld [tilespmem:$0x5C0]  }
0x95: {  	[tilespmem:$0x1ECA0] =	vst v34;
	v34 =	vld [tilespmem:$0x4E0]  }
0x96: {  	[tilespmem:$0x1EC50] =	vst v53;
	v53 =	vld [tilespmem:$0x4F0]  }
0x97: {  	v0 =	vadd.f32 v57, v0;
	v57 =	vld [tilespmem:$0x3C0]  }
0x98: {  	v3 =	vadd.f32 v59, v3;
	v59 =	vld [tilespmem:$0x13E0]  }
0x99: {  	[tilespmem:$0x1EE90] =	vst v60;
	v60 =	vld [tilespmem:$0x15C0]  }
0x9a: {  	[tilespmem:$0x1EB70] =	vst v38;
	v38 =	vld [tilespmem:$0x400]  }
0x9b: {  	[tilespmem:$0x1EB40] =	vst v35;
	v35 =	vld [tilespmem:$0x1460]  }
0x9c: {  	v3 =	vadd.f32 v18, v3;
	v18 =	vld [tilespmem:$0x2A0]  }
0x9d: {  	v0 =	vadd.f32 v62, v0;
	v62 =	vld [tilespmem:$0x1350]  }
0x9e: {  	[tilespmem:$0x1EEA0] =	vst v60;
	v60 =	vld [tilespmem:$0x5D0]  }
0x9f: {  	[tilespmem:$0x1EB80] =	vst v40;
	v40 =	vld [tilespmem:$0x470]  }
0xa0: {  	v2 =	vadd.f32 v2, v3;
	v3 =	vld [tilespmem:$0x310]  }
0xa1: {  	v0 =	vadd.f32 v20, v0;
	v20 =	vld [tilespmem:$0x430]  }
0xa2: {  	[tilespmem:$0x1ED10] =	vst v43;
	v43 =	vld [tilespmem:$0x4A0]  }
0xa3: {  	[tilespmem:$0x1EEB0] =	vst v60;
	v60 =	vld [tilespmem:$0x15D0]  }
0xa4: {  	[tilespmem:$0x1EC30] =	vst v26;
	v26 =	vld [tilespmem:$0x4D0]  }
0xa5: {  	[tilespmem:$0x1ED20] =	vst v34;
	v34 =	vld [tilespmem:$0x1500]  }
0xa6: {  	[tilespmem:$0x1ECD0] =	vst v28;
	v28 =	vld [tilespmem:$0x510]  }
0xa7: {  	[tilespmem:$0x1EDC0] =	vst v53;
	v53 =	vld [tilespmem:$0x1520]  }
0xa8: {  	[tilespmem:$0x1EEC0] =	vst v60;
	v60 =	vld [tilespmem:$0x5E0]  }
0xa9: {  	[tilespmem:$0x1EBE0] =	vst v59;
	v59 =	vld [tilespmem:$0x4C0]  }
0xaa: {  	v0 =	vadd.f32 v21, v0;
	v21 =	vld [tilespmem:$0x330]  }
0xab: {  	v2 =	vadd.f32 v22, v2;
	v22 =	vld [tilespmem:$0x1430]  }
0xac: {  	[tilespmem:$0x1ECB0] =	vst v35;
	v35 =	vld [tilespmem:$0x14E0]  }
0xad: {  	[tilespmem:$0x1EF90] =	vst v60;
	v60 =	vld [tilespmem:$0x15E0]  }
0xae: {  	v25 =	vadd.f32 v24, v2;
	v2 =	vld [tilespmem:$0x1300]  }
0xaf: {  	v0 =	vadd.f32 v23, v0;
	v23 =	vld [tilespmem:$0x440];
	[tilespmem:$0x1ED00] =	vst v40  }
0xb0: {  	v24 =	vld [tilespmem:$0x1440];
	[tilespmem:$0x1EBF0] =	vst v20  }
0xb1: {  	v40 =	vld [tilespmem:$0x14A0];
	[tilespmem:$0x1ECC0] =	vst v26  }
0xb2: {  	[tilespmem:$0x1EFA0] =	vst v60;
	v60 =	vld [tilespmem:$0x5F0]  }
0xb3: {  	v20 =	vld [tilespmem:$0x1490];
	[tilespmem:$0x2100] =	vst v0  }
0xb4: {  	v26 =	vld [tilespmem:$0x1510];
	[tilespmem:$0x2110] =	vst v25  }
0xb5: {  	v25 =	vld [tilespmem:$0x1410];
	[tilespmem:$0x1EC80] =	vst v59  }
0xb6: {  	v59 =	vld [tilespmem:$0x14F0];
	[tilespmem:$0x1EC00] =	vst v22  }
0xb7: {  	[tilespmem:$0x1EFF0] =	vst v60;
	v60 =	vld [tilespmem:$0x15F0]  }
0xb8: {  	v22 =	vld [tilespmem:$0x1480];
	[tilespmem:$0x1ED30] =	vst v35  }
0xb9: {  	v35 =	vld [tilespmem:$0x500];
	[tilespmem:$0x1EC10] =	vst v23  }
0xba: {  	[tilespmem:$0x1EC20] =	vst v24;
	v24 =	vld [tilespmem:$0x480]  }
0xbb: {  	v23 =	vld [tilespmem:$0x490];
	[tilespmem:$0x1EDD0] =	vst v59  }
0xbc: {  	v59 =	vld [tilespmem:$0x520];
	[tilespmem:$0x1F000] =	vst v60  }
0xbd: {  	v0 =	vld [tilespmem:$0x600];
	_ =	sdelay $0x4  }
0xbe: {  	[tilespmem:$0x1EE00] =	vst v0;
	v0 =	vld [tilespmem:$0x620];
	_ =	sdelay $0x4  }
0xbf: {  	[tilespmem:$0x1EE70] =	vst v0;
	v0 =	vld [tilespmem:$0x1620];
	_ =	sdelay $0x4  }
0xc0: {  	[tilespmem:$0x1EE80] =	vst v0;
	v0 =	vld [tilespmem:$0x630];
	_ =	sdelay $0x4  }
0xc1: {  	[tilespmem:$0x1EED0] =	vst v0;
	v0 =	vld [tilespmem:$0x1630];
	_ =	sdelay $0x4  }
0xc2: {  	[tilespmem:$0x1EEE0] =	vst v0;
	v0 =	vld [tilespmem:$0x640];
	_ =	sdelay $0x4  }
0xc3: {  	[tilespmem:$0x1EF50] =	vst v0;
	v0 =	vld [tilespmem:$0x1640];
	_ =	sdelay $0x4  }
0xc4: {  	[tilespmem:$0x1EF60] =	vst v0;
	v0 =	vld [tilespmem:$0x650];
	_ =	sdelay $0x4  }
0xc5: {  	[tilespmem:$0x1EFB0] =	vst v0;
	v0 =	vld [tilespmem:$0x1650];
	_ =	sdelay $0x4  }
0xc6: {  	[tilespmem:$0x1EFC0] =	vst v0;
	v0 =	vld [tilespmem:$0x660];
	_ =	sdelay $0x4  }
0xc7: {  	[tilespmem:$0x1F010] =	vst v0;
	v0 =	vld [tilespmem:$0x1660];
	_ =	sdelay $0x4  }
0xc8: {  	[tilespmem:$0x1F020] =	vst v0;
	v0 =	vld [tilespmem:$0x670];
	_ =	sdelay $0x4  }
0xc9: {  	[tilespmem:$0x1F0B0] =	vst v0;
	v0 =	vld [tilespmem:$0x1670];
	_ =	sdelay $0x4  }
0xca: {  	[tilespmem:$0x1F0C0] =	vst v0;
	v0 =	vld [tilespmem:$0x680];
	_ =	sdelay $0x4  }
0xcb: {  	[tilespmem:$0x1EEF0] =	vst v0;
	v0 =	vld [tilespmem:$0x1680];
	_ =	sdelay $0x4  }
0xcc: {  	[tilespmem:$0x1EF00] =	vst v0;
	v0 =	vld [tilespmem:$0x690];
	_ =	sdelay $0x4  }
0xcd: {  	[tilespmem:$0x1EF10] =	vst v0;
	v0 =	vld [tilespmem:$0x1690];
	_ =	sdelay $0x4  }
0xce: {  	[tilespmem:$0x1EF20] =	vst v0;
	v0 =	vld [tilespmem:$0x6A0];
	_ =	sdelay $0x4  }
0xcf: {  	[tilespmem:$0x1EF70] =	vst v0;
	v0 =	vld [tilespmem:$0x16A0];
	_ =	sdelay $0x4  }
0xd0: {  	[tilespmem:$0x1EF80] =	vst v0;
	v0 =	vld [tilespmem:$0x6B0];
	_ =	sdelay $0x4  }
0xd1: {  	[tilespmem:$0x1EFD0] =	vst v0;
	v0 =	vld [tilespmem:$0x16B0];
	_ =	sdelay $0x4  }
0xd2: {  	[tilespmem:$0x1EFE0] =	vst v0;
	v0 =	vld [tilespmem:$0x6C0];
	_ =	sdelay $0x4  }
0xd3: {  	[tilespmem:$0x1F030] =	vst v0;
	v0 =	vld [tilespmem:$0x16C0];
	_ =	sdelay $0x4  }
0xd4: {  	[tilespmem:$0x1F040] =	vst v0;
	v0 =	vld [tilespmem:$0x6D0];
	_ =	sdelay $0x4  }
0xd5: {  	[tilespmem:$0x1F090] =	vst v0;
	v0 =	vld [tilespmem:$0x16D0];
	_ =	sdelay $0x4  }
0xd6: {  	[tilespmem:$0x1F0A0] =	vst v0;
	v0 =	vld [tilespmem:$0x6E0];
	_ =	sdelay $0x4  }
0xd7: {  	[tilespmem:$0x1F130] =	vst v0;
	v0 =	vld [tilespmem:$0x16E0];
	_ =	sdelay $0x4  }
0xd8: {  	[tilespmem:$0x1F140] =	vst v0;
	v0 =	vld [tilespmem:$0x6F0];
	_ =	sdelay $0x4  }
0xd9: {  	[tilespmem:$0x1F230] =	vst v0;
	v0 =	vld [tilespmem:$0x16F0];
	_ =	sdelay $0x4  }
0xda: {  	[tilespmem:$0x1F240] =	vst v0;
	v0 =	vld [tilespmem:$0x700];
	_ =	sdelay $0x4  }
0xdb: {  	[tilespmem:$0x1F050] =	vst v0;
	v0 =	vld [tilespmem:$0x1700];
	_ =	sdelay $0x4  }
0xdc: {  	[tilespmem:$0x1F060] =	vst v0;
	v0 =	vld [tilespmem:$0x710];
	_ =	sdelay $0x4  }
0xdd: {  	[tilespmem:$0x1F070] =	vst v0;
	v0 =	vld [tilespmem:$0x1710];
	_ =	sdelay $0x4  }
0xde: {  	[tilespmem:$0x1F080] =	vst v0;
	v0 =	vld [tilespmem:$0x720];
	_ =	sdelay $0x4  }
0xdf: {  	[tilespmem:$0x1F0D0] =	vst v0;
	v0 =	vld [tilespmem:$0x1720];
	_ =	sdelay $0x4  }
0xe0: {  	[tilespmem:$0x1F0E0] =	vst v0;
	v0 =	vld [tilespmem:$0x730];
	_ =	sdelay $0x4  }
0xe1: {  	[tilespmem:$0x1F150] =	vst v0;
	v0 =	vld [tilespmem:$0x1730];
	_ =	sdelay $0x4  }
0xe2: {  	[tilespmem:$0x1F160] =	vst v0;
	v0 =	vld [tilespmem:$0x740];
	_ =	sdelay $0x4  }
0xe3: {  	[tilespmem:$0x1F190] =	vst v0;
	v0 =	vld [tilespmem:$0x1740];
	_ =	sdelay $0x4  }
0xe4: {  	[tilespmem:$0x1F1A0] =	vst v0;
	v0 =	vld [tilespmem:$0x750];
	_ =	sdelay $0x4  }
0xe5: {  	[tilespmem:$0x1F1B0] =	vst v0;
	v0 =	vld [tilespmem:$0x1750];
	_ =	sdelay $0x4  }
0xe6: {  	[tilespmem:$0x1F1C0] =	vst v0;
	v0 =	vld [tilespmem:$0x760];
	_ =	sdelay $0x4  }
0xe7: {  	[tilespmem:$0x1F290] =	vst v0;
	v0 =	vld [tilespmem:$0x1760];
	_ =	sdelay $0x4  }
0xe8: {  	[tilespmem:$0x1F2A0] =	vst v0;
	v0 =	vld [tilespmem:$0x770];
	_ =	sdelay $0x4  }
0xe9: {  	[tilespmem:$0x1F2F0] =	vst v0;
	v0 =	vld [tilespmem:$0x1770];
	_ =	sdelay $0x4  }
0xea: {  	[tilespmem:$0x1F300] =	vst v0;
	v0 =	vld [tilespmem:$0x780];
	_ =	sdelay $0x4  }
0xeb: {  	[tilespmem:$0x1F0F0] =	vst v0;
	v0 =	vld [tilespmem:$0x1780];
	_ =	sdelay $0x4  }
0xec: {  	[tilespmem:$0x1F100] =	vst v0;
	v0 =	vld [tilespmem:$0x790];
	_ =	sdelay $0x4  }
0xed: {  	[tilespmem:$0x1F110] =	vst v0;
	v0 =	vld [tilespmem:$0x1790];
	_ =	sdelay $0x4  }
0xee: {  	[tilespmem:$0x1F120] =	vst v0;
	v0 =	vld [tilespmem:$0x7A0];
	_ =	sdelay $0x4  }
0xef: {  	[tilespmem:$0x1F170] =	vst v0;
	v0 =	vld [tilespmem:$0x17A0];
	_ =	sdelay $0x4  }
0xf0: {  	[tilespmem:$0x1F180] =	vst v0;
	v0 =	vld [tilespmem:$0x7B0];
	_ =	sdelay $0x4  }
0xf1: {  	[tilespmem:$0x1F1D0] =	vst v0;
	v0 =	vld [tilespmem:$0x17B0];
	_ =	sdelay $0x4  }
0xf2: {  	[tilespmem:$0x1F1E0] =	vst v0;
	v0 =	vld [tilespmem:$0x7C0];
	_ =	sdelay $0x4  }
0xf3: {  	[tilespmem:$0x1F250] =	vst v0;
	v0 =	vld [tilespmem:$0x17C0];
	_ =	sdelay $0x4  }
0xf4: {  	[tilespmem:$0x1F260] =	vst v0;
	v0 =	vld [tilespmem:$0x7D0];
	_ =	sdelay $0x4  }
0xf5: {  	[tilespmem:$0x1F2B0] =	vst v0;
	v0 =	vld [tilespmem:$0x17D0];
	_ =	sdelay $0x4  }
0xf6: {  	[tilespmem:$0x1F2C0] =	vst v0;
	v0 =	vld [tilespmem:$0x7E0];
	_ =	sdelay $0x4  }
0xf7: {  	[tilespmem:$0x1F310] =	vst v0;
	v0 =	vld [tilespmem:$0x17E0];
	_ =	sdelay $0x4  }
0xf8: {  	[tilespmem:$0x1F320] =	vst v0;
	v0 =	vld [tilespmem:$0x7F0];
	_ =	sdelay $0x4  }
0xf9: {  	[tilespmem:$0x1F3B0] =	vst v0;
	v0 =	vld [tilespmem:$0x17F0];
	_ =	sdelay $0x4  }
0xfa: {  	[tilespmem:$0x1F3C0] =	vst v0;
	v0 =	vld [tilespmem:$0x800];
	_ =	sdelay $0x4  }
0xfb: {  	[tilespmem:$0x1F1F0] =	vst v0;
	v0 =	vld [tilespmem:$0x1800];
	_ =	sdelay $0x4  }
0xfc: {  	[tilespmem:$0x1F200] =	vst v0;
	v0 =	vld [tilespmem:$0x810];
	_ =	sdelay $0x4  }
0xfd: {  	[tilespmem:$0x1F210] =	vst v0;
	v0 =	vld [tilespmem:$0x1810];
	_ =	sdelay $0x4  }
0xfe: {  	[tilespmem:$0x1F220] =	vst v0;
	v0 =	vld [tilespmem:$0x820];
	_ =	sdelay $0x4  }
0xff: {  	[tilespmem:$0x1F270] =	vst v0;
	v0 =	vld [tilespmem:$0x1820];
	_ =	sdelay $0x4  }
0x100: {  	[tilespmem:$0x1F280] =	vst v0;
	v0 =	vld [tilespmem:$0x830];
	_ =	sdelay $0x4  }
0x101: {  	[tilespmem:$0x1F2D0] =	vst v0;
	v0 =	vld [tilespmem:$0x1830];
	_ =	sdelay $0x4  }
0x102: {  	[tilespmem:$0x1F2E0] =	vst v0;
	v0 =	vld [tilespmem:$0x840];
	_ =	sdelay $0x4  }
0x103: {  	[tilespmem:$0x1F330] =	vst v0;
	v0 =	vld [tilespmem:$0x1840];
	_ =	sdelay $0x4  }
0x104: {  	[tilespmem:$0x1F340] =	vst v0;
	v0 =	vld [tilespmem:$0x850];
	_ =	sdelay $0x4  }
0x105: {  	[tilespmem:$0x1F390] =	vst v0;
	v0 =	vld [tilespmem:$0x1850];
	_ =	sdelay $0x4  }
0x106: {  	[tilespmem:$0x1F3A0] =	vst v0;
	v0 =	vld [tilespmem:$0x860];
	_ =	sdelay $0x4  }
0x107: {  	[tilespmem:$0x1F430] =	vst v0;
	v0 =	vld [tilespmem:$0x1860];
	_ =	sdelay $0x4  }
0x108: {  	[tilespmem:$0x1F440] =	vst v0;
	v0 =	vld [tilespmem:$0x870];
	_ =	sdelay $0x4  }
0x109: {  	[tilespmem:$0x1F530] =	vst v0;
	v0 =	vld [tilespmem:$0x1870];
	_ =	sdelay $0x4  }
0x10a: {  	[tilespmem:$0x1F540] =	vst v0;
	v0 =	vld [tilespmem:$0x880];
	_ =	sdelay $0x4  }
0x10b: {  	[tilespmem:$0x1F350] =	vst v0;
	v0 =	vld [tilespmem:$0x1880];
	_ =	sdelay $0x4  }
0x10c: {  	[tilespmem:$0x1F360] =	vst v0;
	v0 =	vld [tilespmem:$0x890];
	_ =	sdelay $0x4  }
0x10d: {  	[tilespmem:$0x1F370] =	vst v0;
	v0 =	vld [tilespmem:$0x1890];
	_ =	sdelay $0x4  }
0x10e: {  	[tilespmem:$0x1F380] =	vst v0;
	v0 =	vld [tilespmem:$0x8A0];
	_ =	sdelay $0x4  }
0x10f: {  	[tilespmem:$0x1F3D0] =	vst v0;
	v0 =	vld [tilespmem:$0x18A0];
	_ =	sdelay $0x4  }
0x110: {  	[tilespmem:$0x1F3E0] =	vst v0;
	v0 =	vld [tilespmem:$0x8B0];
	_ =	sdelay $0x4  }
0x111: {  	[tilespmem:$0x1F450] =	vst v0;
	v0 =	vld [tilespmem:$0x18B0];
	_ =	sdelay $0x4  }
0x112: {  	[tilespmem:$0x1F460] =	vst v0;
	v0 =	vld [tilespmem:$0x8C0];
	_ =	sdelay $0x4  }
0x113: {  	[tilespmem:$0x1F490] =	vst v0;
	v0 =	vld [tilespmem:$0x18C0];
	_ =	sdelay $0x4  }
0x114: {  	[tilespmem:$0x1F4A0] =	vst v0;
	v0 =	vld [tilespmem:$0x8D0];
	_ =	sdelay $0x4  }
0x115: {  	[tilespmem:$0x1F4B0] =	vst v0;
	v0 =	vld [tilespmem:$0x18D0];
	_ =	sdelay $0x4  }
0x116: {  	[tilespmem:$0x1F4C0] =	vst v0;
	v0 =	vld [tilespmem:$0x8E0];
	_ =	sdelay $0x4  }
0x117: {  	[tilespmem:$0x1F590] =	vst v0;
	v0 =	vld [tilespmem:$0x18E0];
	_ =	sdelay $0x4  }
0x118: {  	[tilespmem:$0x1F5A0] =	vst v0;
	v0 =	vld [tilespmem:$0x8F0];
	_ =	sdelay $0x4  }
0x119: {  	[tilespmem:$0x1F5F0] =	vst v0;
	v0 =	vld [tilespmem:$0x18F0];
	_ =	sdelay $0x4  }
0x11a: {  	[tilespmem:$0x1F600] =	vst v0;
	v0 =	vld [tilespmem:$0x900];
	_ =	sdelay $0x4  }
0x11b: {  	[tilespmem:$0x1F3F0] =	vst v0;
	v0 =	vld [tilespmem:$0x1900];
	_ =	sdelay $0x4  }
0x11c: {  	[tilespmem:$0x1F400] =	vst v0;
	v0 =	vld [tilespmem:$0x910];
	_ =	sdelay $0x4  }
0x11d: {  	[tilespmem:$0x1F410] =	vst v0;
	v0 =	vld [tilespmem:$0x1910];
	_ =	sdelay $0x4  }
0x11e: {  	[tilespmem:$0x1F420] =	vst v0;
	v0 =	vld [tilespmem:$0x920];
	_ =	sdelay $0x4  }
0x11f: {  	[tilespmem:$0x1F470] =	vst v0;
	v0 =	vld [tilespmem:$0x1920];
	_ =	sdelay $0x4  }
0x120: {  	[tilespmem:$0x1F480] =	vst v0;
	v0 =	vld [tilespmem:$0x930];
	_ =	sdelay $0x4  }
0x121: {  	[tilespmem:$0x1F4D0] =	vst v0;
	v0 =	vld [tilespmem:$0x1930];
	_ =	sdelay $0x4  }
0x122: {  	[tilespmem:$0x1F4E0] =	vst v0;
	v0 =	vld [tilespmem:$0x940];
	_ =	sdelay $0x4  }
0x123: {  	[tilespmem:$0x1F550] =	vst v0;
	v0 =	vld [tilespmem:$0x1940];
	_ =	sdelay $0x4  }
0x124: {  	[tilespmem:$0x1F560] =	vst v0;
	v0 =	vld [tilespmem:$0x950];
	_ =	sdelay $0x4  }
0x125: {  	[tilespmem:$0x1F5B0] =	vst v0;
	v0 =	vld [tilespmem:$0x1950];
	_ =	sdelay $0x4  }
0x126: {  	[tilespmem:$0x1F5C0] =	vst v0;
	v0 =	vld [tilespmem:$0x960];
	_ =	sdelay $0x4  }
0x127: {  	[tilespmem:$0x1F610] =	vst v0;
	v0 =	vld [tilespmem:$0x1960];
	_ =	sdelay $0x4  }
0x128: {  	[tilespmem:$0x1F620] =	vst v0;
	v0 =	vld [tilespmem:$0x970];
	_ =	sdelay $0x4  }
0x129: {  	[tilespmem:$0x1F6B0] =	vst v0;
	v0 =	vld [tilespmem:$0x1970];
	_ =	sdelay $0x4  }
0x12a: {  	[tilespmem:$0x1F6C0] =	vst v0;
	v0 =	vld [tilespmem:$0x980];
	_ =	sdelay $0x4  }
0x12b: {  	[tilespmem:$0x1F4F0] =	vst v0;
	v0 =	vld [tilespmem:$0x1980];
	_ =	sdelay $0x4  }
0x12c: {  	[tilespmem:$0x1F500] =	vst v0;
	v0 =	vld [tilespmem:$0x990];
	_ =	sdelay $0x4  }
0x12d: {  	[tilespmem:$0x1F510] =	vst v0;
	v0 =	vld [tilespmem:$0x1990];
	_ =	sdelay $0x4  }
0x12e: {  	[tilespmem:$0x1F520] =	vst v0;
	v0 =	vld [tilespmem:$0x9A0];
	_ =	sdelay $0x4  }
0x12f: {  	[tilespmem:$0x1F570] =	vst v0;
	v0 =	vld [tilespmem:$0x19A0];
	_ =	sdelay $0x4  }
0x130: {  	[tilespmem:$0x1F580] =	vst v0;
	v0 =	vld [tilespmem:$0x9B0];
	_ =	sdelay $0x4  }
0x131: {  	[tilespmem:$0x1F5D0] =	vst v0;
	v0 =	vld [tilespmem:$0x19B0];
	_ =	sdelay $0x4  }
0x132: {  	[tilespmem:$0x1F5E0] =	vst v0;
	v0 =	vld [tilespmem:$0x9C0];
	_ =	sdelay $0x4  }
0x133: {  	[tilespmem:$0x1F630] =	vst v0;
	v0 =	vld [tilespmem:$0x19C0];
	_ =	sdelay $0x4  }
0x134: {  	[tilespmem:$0x1F640] =	vst v0;
	v0 =	vld [tilespmem:$0x9D0];
	_ =	sdelay $0x4  }
0x135: {  	[tilespmem:$0x1F690] =	vst v0;
	v0 =	vld [tilespmem:$0x19D0];
	_ =	sdelay $0x4  }
0x136: {  	[tilespmem:$0x1F6A0] =	vst v0;
	v0 =	vld [tilespmem:$0x9E0];
	_ =	sdelay $0x4  }
0x137: {  	[tilespmem:$0x1F730] =	vst v0;
	v0 =	vld [tilespmem:$0x19E0];
	_ =	sdelay $0x4  }
0x138: {  	[tilespmem:$0x1F740] =	vst v0;
	v0 =	vld [tilespmem:$0x9F0];
	_ =	sdelay $0x4  }
0x139: {  	[tilespmem:$0x1F830] =	vst v0;
	v0 =	vld [tilespmem:$0x19F0];
	_ =	sdelay $0x4  }
0x13a: {  	[tilespmem:$0x1F840] =	vst v0;
	v0 =	vld [tilespmem:$0xA00];
	_ =	sdelay $0x4  }
0x13b: {  	[tilespmem:$0x1F650] =	vst v0;
	v0 =	vld [tilespmem:$0x1A00];
	_ =	sdelay $0x4  }
0x13c: {  	[tilespmem:$0x1F660] =	vst v0;
	v0 =	vld [tilespmem:$0xA10];
	_ =	sdelay $0x4  }
0x13d: {  	[tilespmem:$0x1F670] =	vst v0;
	v0 =	vld [tilespmem:$0x1A10];
	_ =	sdelay $0x4  }
0x13e: {  	[tilespmem:$0x1F680] =	vst v0;
	v0 =	vld [tilespmem:$0xA20];
	_ =	sdelay $0x4  }
0x13f: {  	[tilespmem:$0x1F6D0] =	vst v0;
	v0 =	vld [tilespmem:$0x1A20];
	_ =	sdelay $0x4  }
0x140: {  	[tilespmem:$0x1F6E0] =	vst v0;
	v0 =	vld [tilespmem:$0xA30];
	_ =	sdelay $0x4  }
0x141: {  	[tilespmem:$0x1F750] =	vst v0;
	v0 =	vld [tilespmem:$0x1A30];
	_ =	sdelay $0x4  }
0x142: {  	[tilespmem:$0x1F760] =	vst v0;
	v0 =	vld [tilespmem:$0xA40];
	_ =	sdelay $0x4  }
0x143: {  	[tilespmem:$0x1F790] =	vst v0;
	v0 =	vld [tilespmem:$0x1A40];
	_ =	sdelay $0x4  }
0x144: {  	[tilespmem:$0x1F7A0] =	vst v0;
	v0 =	vld [tilespmem:$0xA50];
	_ =	sdelay $0x4  }
0x145: {  	[tilespmem:$0x1F7B0] =	vst v0;
	v0 =	vld [tilespmem:$0x1A50];
	_ =	sdelay $0x4  }
0x146: {  	[tilespmem:$0x1F7C0] =	vst v0;
	v0 =	vld [tilespmem:$0xA60];
	_ =	sdelay $0x4  }
0x147: {  	[tilespmem:$0x1F890] =	vst v0;
	v0 =	vld [tilespmem:$0xB80];
	_ =	sdelay $0x4  }
0x148: {  	[tilespmem:$0x1F950] =	vst v0;
	v0 =	vld [tilespmem:$0x1A60];
	_ =	sdelay $0x4  }
0x149: {  	[tilespmem:$0x1F8A0] =	vst v0;
	v0 =	vld [tilespmem:$0xA70];
	_ =	sdelay $0x4  }
0x14a: {  	[tilespmem:$0x1F8F0] =	vst v0;
	v0 =	vld [tilespmem:$0x1A70];
	_ =	sdelay $0x4  }
0x14b: {  	[tilespmem:$0x1F900] =	vst v0;
	v0 =	vld [tilespmem:$0xA80];
	_ =	sdelay $0x4  }
0x14c: {  	[tilespmem:$0x1F6F0] =	vst v0;
	v0 =	vld [tilespmem:$0x1A80];
	_ =	sdelay $0x4  }
0x14d: {  	[tilespmem:$0x1F700] =	vst v0;
	v0 =	vld [tilespmem:$0xA90];
	_ =	sdelay $0x4  }
0x14e: {  	[tilespmem:$0x1F710] =	vst v0;
	v0 =	vld [tilespmem:$0x1A90];
	_ =	sdelay $0x4  }
0x14f: {  	[tilespmem:$0x1F720] =	vst v0;
	v0 =	vld [tilespmem:$0xAA0];
	_ =	sdelay $0x4  }
0x150: {  	[tilespmem:$0x1F770] =	vst v0;
	v0 =	vld [tilespmem:$0x1AA0];
	_ =	sdelay $0x4  }
0x151: {  	[tilespmem:$0x1F780] =	vst v0;
	v0 =	vld [tilespmem:$0xAB0];
	_ =	sdelay $0x4  }
0x152: {  	[tilespmem:$0x1F7D0] =	vst v0;
	v0 =	vld [tilespmem:$0xAD0];
	_ =	sdelay $0x4  }
0x153: {  	[tilespmem:$0x1F8B0] =	vst v0;
	v0 =	vld [tilespmem:$0x1AB0];
	_ =	sdelay $0x4  }
0x154: {  	[tilespmem:$0x1F7E0] =	vst v0;
	v0 =	vld [tilespmem:$0xAC0];
	_ =	sdelay $0x4  }
0x155: {  	[tilespmem:$0x1F850] =	vst v0;
	v0 =	vld [tilespmem:$0x1AC0];
	_ =	sdelay $0x4  }
0x156: {  	[tilespmem:$0x1F860] =	vst v0;
	v0 =	vld [tilespmem:$0x1AD0];
	_ =	sdelay $0x4  }
0x157: {  	[tilespmem:$0x1F8C0] =	vst v0;
	v0 =	vld [tilespmem:$0xAE0];
	_ =	sdelay $0x4  }
0x158: {  	[tilespmem:$0x1F910] =	vst v0;
	v0 =	vld [tilespmem:$0x1AE0];
	_ =	sdelay $0x4  }
0x159: {  	[tilespmem:$0x1F920] =	vst v0;
	v0 =	vld [tilespmem:$0xAF0];
	_ =	sdelay $0x4  }
0x15a: {  	[tilespmem:$0x1F9B0] =	vst v0;
	v0 =	vld [tilespmem:$0x1D50];
	_ =	sdelay $0x4  }
0x15b: {  	[tilespmem:$0x1FCF0] =	vst v0;
	v0 =	vld [tilespmem:$0x1AF0];
	_ =	sdelay $0x4  }
0x15c: {  	[tilespmem:$0x1F9C0] =	vst v0;
	v0 =	vld [tilespmem:$0xC70];
	_ =	sdelay $0x4  }
0x15d: {  	[tilespmem:$0x1FC50] =	vst v0;
	v0 =	vld [tilespmem:$0xB00];
	_ =	sdelay $0x4  }
0x15e: {  	[tilespmem:$0x1F7F0] =	vst v0;
	v0 =	vld [tilespmem:$0x1B00];
	_ =	sdelay $0x4  }
0x15f: {  	[tilespmem:$0x1F800] =	vst v0;
	v0 =	vld [tilespmem:$0xB10];
	_ =	sdelay $0x4  }
0x160: {  	[tilespmem:$0x1F810] =	vst v0;
	v0 =	vld [tilespmem:$0xD20];
	_ =	sdelay $0x4  }
0x161: {  	[tilespmem:$0x1FC00] =	vst v0;
	v0 =	vld [tilespmem:$0x1B10];
	_ =	sdelay $0x4  }
0x162: {  	[tilespmem:$0x1F820] =	vst v0;
	v0 =	vld [tilespmem:$0xCD0];
	_ =	sdelay $0x4  }
0x163: {  	[tilespmem:$0x1FBC0] =	vst v0;
	v0 =	vld [tilespmem:$0xB20];
	_ =	sdelay $0x4  }
0x164: {  	[tilespmem:$0x1F870] =	vst v0;
	v0 =	vld [tilespmem:$0xD00];
	_ =	sdelay $0x4  }
0x165: {  	[tilespmem:$0x1FB90] =	vst v0;
	v0 =	vld [tilespmem:$0xD10];
	_ =	sdelay $0x4  }
0x166: {  	[tilespmem:$0x1FBA0] =	vst v0;
	v0 =	vld [tilespmem:$0x1C60];
	_ =	sdelay $0x4  }
0x167: {  	[tilespmem:$0x1FB70] =	vst v0;
	v0 =	vld [tilespmem:$0x1B20];
	_ =	sdelay $0x4  }
0x168: {  	[tilespmem:$0x1F880] =	vst v0;
	v0 =	vld [tilespmem:$0xB30];
	_ =	sdelay $0x4  }
0x169: {  	[tilespmem:$0x1F8D0] =	vst v0;
	v0 =	vld [tilespmem:$0x1B30];
	_ =	sdelay $0x4  }
0x16a: {  	[tilespmem:$0x1F8E0] =	vst v0;
	v0 =	vld [tilespmem:$0xB40];
	_ =	sdelay $0x4  }
0x16b: {  	[tilespmem:$0x1F930] =	vst v0;
	v0 =	vld [tilespmem:$0x1B40];
	_ =	sdelay $0x4  }
0x16c: {  	[tilespmem:$0x1F940] =	vst v0;
	v0 =	vld [tilespmem:$0xC50];
	_ =	sdelay $0x4  }
0x16d: {  	[tilespmem:$0x1FB20] =	vst v0;
	v0 =	vld [tilespmem:$0xCB0];
	_ =	sdelay $0x4  }
0x16e: {  	[tilespmem:$0x1FB40] =	vst v0;
	v0 =	vld [tilespmem:$0xB50];
	_ =	sdelay $0x4  }
0x16f: {  	[tilespmem:$0x1F990] =	vst v0;
	v0 =	vld [tilespmem:$0x1B50];
	_ =	sdelay $0x4  }
0x170: {  	[tilespmem:$0x1F9A0] =	vst v0;
	v0 =	vld [tilespmem:$0xC40];
	_ =	sdelay $0x4  }
0x171: {  	[tilespmem:$0x1FAE0] =	vst v0;
	v0 =	vld [tilespmem:$0xBE0];
	_ =	sdelay $0x4  }
0x172: {  	[tilespmem:$0x1FB00] =	vst v0;
	v0 =	vld [tilespmem:$0x1C80];
	_ =	sdelay $0x4  }
0x173: {  	[tilespmem:$0x1FAB0] =	vst v0;
	v0 =	vld [tilespmem:$0xB60];
	_ =	sdelay $0x4  }
0x174: {  	[tilespmem:$0x1FA10] =	vst v0;
	v0 =	vld [tilespmem:$0x1B60];
	_ =	sdelay $0x4  }
0x175: {  	[tilespmem:$0x1FA20] =	vst v0;
	v0 =	vld [tilespmem:$0xB70];
	_ =	sdelay $0x4  }
0x176: {  	[tilespmem:$0x1FAC0] =	vst v0;
	v0 =	vld [tilespmem:$0xCA0];
	_ =	sdelay $0x4  }
0x177: {  	[tilespmem:$0x1FAF0] =	vst v0;
	v0 =	vld [tilespmem:$0x1B70];
	_ =	sdelay $0x4  }
0x178: {  	[tilespmem:$0x1FAD0] =	vst v0;
	v0 =	vld [tilespmem:$0x1BB0];
	_ =	sdelay $0x4  }
0x179: {  	[tilespmem:$0x1FA30] =	vst v0;
	v0 =	vld [tilespmem:$0x1B80];
	_ =	sdelay $0x4  }
0x17a: {  	[tilespmem:$0x1F960] =	vst v0;
	v0 =	vld [tilespmem:$0x1C20];
	_ =	sdelay $0x4  }
0x17b: {  	[tilespmem:$0x1FA50] =	vst v0;
	v0 =	vld [tilespmem:$0xB90];
	_ =	sdelay $0x4  }
0x17c: {  	[tilespmem:$0x1F970] =	vst v0;
	v0 =	vld [tilespmem:$0x1B90];
	_ =	sdelay $0x4  }
0x17d: {  	[tilespmem:$0x1F980] =	vst v0;
	v0 =	vld [tilespmem:$0xBA0];
	_ =	sdelay $0x4  }
0x17e: {  	[tilespmem:$0x1F9D0] =	vst v0;
	v0 =	vld [tilespmem:$0x1C00];
	_ =	sdelay $0x4  }
0x17f: {  	[tilespmem:$0x1F9F0] =	vst v0;
	v0 =	vld [tilespmem:$0x1BA0];
	_ =	sdelay $0x4  }
0x180: {  	[tilespmem:$0x1F9E0] =	vst v0;
	v0 =	vld [tilespmem:$0xBB0];
	_ =	sdelay $0x4  }
0x181: {  	[tilespmem:$0x1FA40] =	vst v0;
	v0 =	vld [tilespmem:$0xBC0];
	_ =	sdelay $0x4  }
0x182: {  	[tilespmem:$0x1FA70] =	vst v0;
	v0 =	vld [tilespmem:$0x1BC0];
	_ =	sdelay $0x4  }
0x183: {  	[tilespmem:$0x1FA80] =	vst v0;
	v0 =	vld [tilespmem:$0xBD0]  }
0x184: {  	v60 =	vld [tilespmem:$0x1600]  }
0x185: {  	v45 =	vmul.f32 v45, v54;
	v54 =	vld [tilespmem:$0xBF0]  }
0x186: {  	v36 =	vmul.f32 v36, v46;
	v46 =	vld [tilespmem:$0xC00]  }
0x187: {  	v33 =	vmul.f32 v33, v44;
	v44 =	vld [tilespmem:$0x1C10]  }
0x188: {  	[tilespmem:$0x1FA90] =	vst v0;
	v0 =	vld [tilespmem:$0x1EAC0]  }
0x189: {  	v12 =	vmul.f32 v12, v14;
	v10 =	vmul.f32 v10, v13;
	v14 =	vld [tilespmem:$0xC30]  }
0x18a: {  	v47 =	vmul.f32 v41, v47;
	v41 =	vmul.f32 v8, v11;
	v13 =	vld [tilespmem:$0x1C40]  }
0x18b: {  	v1 =	vmul.f32 v1, v3;
	v2 =	vmul.f32 v2, v4;
	v11 =	vld [tilespmem:$0xC80]  }
0x18c: {  	v10 =	vadd.f32 v10, v12;
	v12 =	vld [tilespmem:$0x1C90]  }
0x18d: {  	v1 =	vadd.f32 v1, v2;
	v0 =	vmul.f32 v0, v63;
	v63 =	vld [tilespmem:$0x1EAD0]  }
0x18e: {  	[tilespmem:$0x1EE10] =	vst v60;
	v60 =	vld [tilespmem:$0x610]  }
0x18f: {  	v1 =	vadd.f32 v41, v1;
	v41 =	vld [tilespmem:$0x1EB60]  }
0x190: {  	v8 =	vld [tilespmem:$0x1ECE0]  }
0x191: {  	[tilespmem:$0x1FB50] =	vst v54;
	v54 =	vld [tilespmem:$0x1EAE0]  }
0x192: {  	v48 =	vmul.f32 v48, v63;
	v63 =	vld [tilespmem:$0x1BD0]  }
0x193: {  	[tilespmem:$0x1EE20] =	vst v60;
	v60 =	vld [tilespmem:$0x1610]  }
0x194: {  	v0 =	vadd.f32 v48, v0;
	v48 =	vmul.f32 v16, v18;
	v16 =	vld [tilespmem:$0x1C30]  }
0x195: {  	v18 =	vld [tilespmem:$0x1EAF0]  }
0x196: {  	v0 =	vadd.f32 v45, v0;
	v45 =	vld [tilespmem:$0xC20]  }
0x197: {  	[tilespmem:$0x1FAA0] =	vst v63;
	v63 =	vld [tilespmem:$0x1BE0]  }
0x198: {  	v0 =	vadd.f32 v36, v0;
	v36 =	vmul.f32 v29, v39;
	v39 =	vld [tilespmem:$0x1C50]  }
0x199: {  	v29 =	vld [tilespmem:$0xC60]  }
0x19a: {  	v3 =	vmul.f32 v18, v54;
	v54 =	vld [tilespmem:$0x1EB10]  }
0x19b: {  	v18 =	vmul.f32 v52, v58;
	v52 =	vld [tilespmem:$0xD40]  }
0x19c: {  	v58 =	vld [tilespmem:$0x1ECC0]  }
0x19d: {  	v0 =	vadd.f32 v33, v0;
	v33 =	vadd.f32 v48, v10;
	v10 =	vld [tilespmem:$0x1C70]  }
0x19e: {  	v48 =	vmul.f32 v19, v21;
	v19 =	vld [tilespmem:$0x1EB20]  }
0x19f: {  	v21 =	vld [tilespmem:$0x1EB30]  }
0x1a0: {  	[tilespmem:$0x1FA60] =	vst v45;
	v45 =	vmul.f32 v49, v55;
	v49 =	vmul.f32 v6, v9;
	v9 =	vld [tilespmem:$0xC90]  }
0x1a1: {  	v55 =	vmul.f32 v37, v42;
	v37 =	vmul.f32 v27, v30;
	v27 =	vld [tilespmem:$0xCC0]  }
0x1a2: {  	v42 =	vld [tilespmem:$0x1CC0]  }
0x1a3: {  	v30 =	vld [tilespmem:$0x1EBF0]  }
0x1a4: {  	[tilespmem:$0x1FB10] =	vst v63;
	v63 =	vld [tilespmem:$0x1BF0]  }
0x1a5: {  	v0 =	vadd.f32 v47, v0;
	v47 =	vmul.f32 v50, v56;
	v50 =	vld [tilespmem:$0x1EB00]  }
0x1a6: {  	v56 =	vmul.f32 v15, v17;
	v17 =	vld [tilespmem:$0x1CA0]  }
0x1a7: {  	[tilespmem:$0x1FA00] =	vst v44;
	v44 =	vadd.f32 v36, v33;
	v33 =	vld [tilespmem:$0x1EB40]  }
0x1a8: {  	v15 =	vld [tilespmem:$0x1CB0]  }
0x1a9: {  	v5 =	vmul.f32 v5, v7;
	v1 =	vadd.f32 v48, v1;
	v48 =	vld [tilespmem:$0x1CD0]  }
0x1aa: {  	[tilespmem:$0x1FB30] =	vst v39;
	v39 =	vld [tilespmem:$0x1EB50]  }
0x1ab: {  	v4 =	vadd.f32 v5, v49;
	v49 =	vmul.f32 v31, v38;
	v31 =	vld [tilespmem:$0x1EC00]  }
0x1ac: {  	v38 =	vld [tilespmem:$0x1EC20]  }
0x1ad: {  	v0 =	vadd.f32 v3, v0;
	v3 =	vadd.f32 v45, v44;
	v44 =	vld [tilespmem:$0x1EB70]  }
0x1ae: {  	v45 =	vld [tilespmem:$0x1EB80]  }
0x1af: {  	v1 =	vadd.f32 v55, v1;
	v55 =	vld [tilespmem:$0x1EBA0]  }
0x1b0: {  	v36 =	vadd.f32 v56, v4;
	v56 =	vld [tilespmem:$0x1CE0]  }
0x1b1: {  	v7 =	vmul.f32 v21, v19;
	v19 =	vld [tilespmem:$0xCF0]  }
0x1b2: {  	v21 =	vmul.f32 v22, v24;
	v22 =	vmul.f32 v20, v23;
	v23 =	vld [tilespmem:$0x1CF0]  }
0x1b3: {  	v24 =	vld [tilespmem:$0x1EBD0]  }
0x1b4: {  	v3 =	vadd.f32 v47, v3;
	v47 =	vmul.f32 v51, v57;
	v51 =	vld [tilespmem:$0xCE0]  }
0x1b5: {  	v57 =	vld [tilespmem:$0x1EBB0]  }
0x1b6: {  	[tilespmem:$0x1FB80] =	vst v42;
	v42 =	vld [tilespmem:$0x1EC50]  }
0x1b7: {  	[tilespmem:$0x1FB60] =	vst v63;
	v63 =	vld [tilespmem:$0xC10]  }
0x1b8: {  	v6 =	vmul.f32 v54, v50;
	v54 =	vld [tilespmem:$0x1EB90]  }
0x1b9: {  	v2 =	vmul.f32 v62, v33;
	v62 =	vld [tilespmem:$0x1EBC0]  }
0x1ba: {  	v50 =	vmul.f32 v25, v32;
	v25 =	vld [tilespmem:$0x1EBE0]  }
0x1bb: {  	v33 =	vmul.f32 v40, v43;
	v40 =	vld [tilespmem:$0x1EC30]  }
0x1bc: {  	v43 =	vld [tilespmem:$0x1D20]  }
0x1bd: {  	[tilespmem:$0x1FBD0] =	vst v48;
	v48 =	vld [tilespmem:$0x1EC60]  }
0x1be: {  	[tilespmem:$0x1FCB0] =	vst v52;
	v5 =	vmul.f32 v41, v39;
	v39 =	vld [tilespmem:$0x1D10]  }
0x1bf: {  	v41 =	vld [tilespmem:$0x1EC40];
	[tilespmem:$0x1FBF0] =	vst v56  }
0x1c0: {  	v3 =	vadd.f32 v7, v3;
	v0 =	vadd.f32 v6, v0;
	[tilespmem:$0x1FC90] =	vst v19;
	v56 =	vld [tilespmem:$0x1ECA0]  }
0x1c1: {  	v1 =	vadd.f32 v2, v1;
	[tilespmem:$0x1FCA0] =	vst v23;
	v19 =	vld [tilespmem:$0xD60]  }
0x1c2: {  	v2 =	vmul.f32 v45, v44;
	v3 =	vadd.f32 v5, v3;
	[tilespmem:$0x1FE30] =	vst v0;
	v0 =	vadd.f32 v37, v36;
	v36 =	vld [tilespmem:$0x1D30]  }
0x1c3: {  	[tilespmem:$0x1FBE0] =	vst v51;
	v37 =	vld [tilespmem:$0x1EC10]  }
0x1c4: {  	v1 =	vadd.f32 v2, v1;
	[tilespmem:$0x1FE80] =	vst v3;
	v4 =	vmul.f32 v62, v57;
	v3 =	vadd.f32 v50, v49;
	v49 =	vld [tilespmem:$0x1EC70]  }
0x1c5: {  	v2 =	vmul.f32 v55, v54;
	[tilespmem:$0x1FC10] =	vst v43;
	v55 =	vld [tilespmem:$0x1D40];
	v0 =	vadd.f32 v47, v0  }
0x1c6: {  	[tilespmem:$0x1FBB0] =	vst v39;
	v47 =	vld [tilespmem:$0xD30];
	v1 =	vadd.f32 v4, v1  }
0x1c7: {  	v7 =	vmul.f32 v25, v24;
	v0 =	vadd.f32 v2, v0;
	v2 =	vmul.f32 v61, v42;
	v61 =	vld [tilespmem:$0xD50];
	[tilespmem:$0x1FD10] =	vst v19  }
0x1c8: {  	v5 =	vmul.f32 v31, v30;
	v51 =	vld [tilespmem:$0x1EC90];
	v3 =	vadd.f32 v18, v3;
	[tilespmem:$0x1FEB0] =	vst v1  }
0x1c9: {  	v25 =	vld [tilespmem:$0x1D00];
	[tilespmem:$0x1FC60] =	vst v36;
	v0 =	vadd.f32 v7, v0;
	v7 =	vmul.f32 v49, v48  }
0x1ca: {  	v50 =	vld [tilespmem:$0x1EC80];
	v3 =	vadd.f32 v5, v3;
	v4 =	vmul.f32 v38, v37;
	[tilespmem:$0x1FCC0] =	vst v55  }
0x1cb: {  	v57 =	vld [tilespmem:$0x1ECB0];
	[tilespmem:$0x1FC70] =	vst v47;
	v0 =	vadd.f32 v7, v0  }
0x1cc: {  	v54 =	vmul.f32 v53, v59;
	v59 =	vld [tilespmem:$0x1ECD0];
	v5 =	vmul.f32 v41, v40;
	v3 =	vadd.f32 v4, v3;
	[tilespmem:$0x1FD00] =	vst v61  }
0x1cd: {  	v18 =	vld [tilespmem:$0x1ECF0];
	[tilespmem:$0x1FEC0] =	vst v0  }
0x1ce: {  	v3 =	vadd.f32 v5, v3;
	v5 =	vld [tilespmem:$0x1ED00]  }
0x1cf: {  	v20 =	vld [tilespmem:$0x1ED10]  }
0x1d0: {  	v32 =	vadd.f32 v22, v21;
	v21 =	vld [tilespmem:$0x1D60]  }
0x1d1: {  	v22 =	vld [tilespmem:$0x1ED20]  }
0x1d2: {  	v23 =	vld [tilespmem:$0x1ED30]  }
0x1d3: {  	v24 =	vld [tilespmem:$0x1ED40]  }
0x1d4: {  	v45 =	vmul.f32 v26, v28;
	v26 =	vld [tilespmem:$0x1ED50]  }
0x1d5: {  	v28 =	vld [tilespmem:$0xD70]  }
0x1d6: {  	v30 =	vld [tilespmem:$0x1ED60]  }
0x1d7: {  	v31 =	vld [tilespmem:$0x1ED70]  }
0x1d8: {  	v1 =	vadd.f32 v33, v32;
	v32 =	vld [tilespmem:$0x1ED80]  }
0x1d9: {  	v33 =	vld [tilespmem:$0x1ED90]  }
0x1da: {  	v44 =	vmul.f32 v34, v35;
	v34 =	vld [tilespmem:$0x1D70]  }
0x1db: {  	v35 =	vld [tilespmem:$0x1EDA0]  }
0x1dc: {  	v36 =	vld [tilespmem:$0x1EDB0]  }
0x1dd: {  	v37 =	vld [tilespmem:$0xD80]  }
0x1de: {  	v38 =	vld [tilespmem:$0x1EDC0]  }
0x1df: {  	v39 =	vld [tilespmem:$0x1EDD0]  }
0x1e0: {  	v40 =	vld [tilespmem:$0x1EDE0]  }
0x1e1: {  	v41 =	vld [tilespmem:$0x1EDF0]  }
0x1e2: {  	v42 =	vld [tilespmem:$0x1D80]  }
0x1e3: {  	v43 =	vld [tilespmem:$0x1EE00]  }
0x1e4: {  	v4 =	vadd.f32 v45, v44;
	v44 =	vld [tilespmem:$0x1EE10]  }
0x1e5: {  	v45 =	vld [tilespmem:$0x1EE20]  }
0x1e6: {  	v47 =	vld [tilespmem:$0xD90]  }
0x1e7: {  	v48 =	vld [tilespmem:$0x1EE30]  }
0x1e8: {  	v49 =	vld [tilespmem:$0x1EE40]  }
0x1e9: {  	v1 =	vadd.f32 v2, v1;
	v2 =	vmul.f32 v51, v50;
	v50 =	vld [tilespmem:$0x1EE50]  }
0x1ea: {  	v51 =	vld [tilespmem:$0x1EE60]  }
0x1eb: {  	v53 =	vld [tilespmem:$0x1EE70]  }
0x1ec: {  	v62 =	vadd.f32 v54, v4;
	v54 =	vld [tilespmem:$0x1EE80]  }
0x1ed: {  	v55 =	vld [tilespmem:$0xDA0]  }
0x1ee: {  	v6 =	vmul.f32 v57, v56;
	v56 =	vld [tilespmem:$0x1EE90]  }
0x1ef: {  	v57 =	vld [tilespmem:$0x1EEA0]  }
0x1f0: {  	v1 =	vadd.f32 v2, v1;
	v2 =	vmul.f32 v59, v58;
	v58 =	vld [tilespmem:$0x1EEB0]  }
0x1f1: {  	v4 =	vmul.f32 v18, v8;
	v59 =	vld [tilespmem:$0x1EEC0]  }
0x1f2: {  	v61 =	vld [tilespmem:$0x1EEE0]  }
0x1f3: {  	v0 =	vadd.f32 v4, v62;
	v62 =	vld [tilespmem:$0xDB0]  }
0x1f4: {  	v18 =	vld [tilespmem:$0x1EEF0]  }
0x1f5: {  	v19 =	vld [tilespmem:$0x1EF00]  }
0x1f6: {  	v8 =	vld [tilespmem:$0x1F770]  }
0x1f7: {  	[tilespmem:$0x1FC20] =	vst v37;
	v37 =	vld [tilespmem:$0x1DA0]  }
0x1f8: {  	v3 =	vadd.f32 v6, v3;
	v6 =	vmul.f32 v60, v45;
	v60 =	vld [tilespmem:$0x1EED0]  }
0x1f9: {  	v5 =	vmul.f32 v20, v5;
	v20 =	vld [tilespmem:$0x1EF10]  }
0x1fa: {  	[tilespmem:$0x1FD20] =	vst v21;
	v21 =	vld [tilespmem:$0x1EF20]  }
0x1fb: {  	v1 =	vadd.f32 v2, v1;
	v2 =	vmul.f32 v23, v22;
	v22 =	vld [tilespmem:$0x1DB0]  }
0x1fc: {  	v23 =	vld [tilespmem:$0x1EF30]  }
0x1fd: {  	v4 =	vmul.f32 v26, v24;
	v24 =	vld [tilespmem:$0x1EF40]  }
0x1fe: {  	v26 =	vld [tilespmem:$0x1EF50]  }
0x1ff: {  	[tilespmem:$0x1FD50] =	vst v28;
	v28 =	vld [tilespmem:$0x1EF60]  }
0x200: {  	[tilespmem:$0x1FD60] =	vst v34;
	v34 =	vld [tilespmem:$0x1EF90]  }
0x201: {  	[tilespmem:$0x1FC30] =	vst v42;
	v42 =	vld [tilespmem:$0x1EFD0]  }
0x202: {  	v45 =	vld [tilespmem:$0x1EFF0]  }
0x203: {  	[tilespmem:$0x1FC40] =	vst v47;
	v47 =	vld [tilespmem:$0x1F000]  }
0x204: {  	v7 =	vmul.f32 v49, v48;
	v48 =	vld [tilespmem:$0xDE0]  }
0x205: {  	v49 =	vld [tilespmem:$0x1F010]  }
0x206: {  	[tilespmem:$0x1FC80] =	vst v55;
	v55 =	vld [tilespmem:$0x1F060]  }
0x207: {  	[tilespmem:$0x1FCD0] =	vst v62;
	v62 =	vld [tilespmem:$0x1F0B0]  }
0x208: {  	v1 =	vadd.f32 v2, v1;
	v2 =	vmul.f32 v36, v35;
	v36 =	vld [tilespmem:$0x1D90]  }
0x209: {  	v3 =	vadd.f32 v5, v3;
	v5 =	vmul.f32 v33, v32;
	v32 =	vld [tilespmem:$0x1EF80]  }
0x20a: {  	v33 =	vld [tilespmem:$0x1DC0]  }
0x20b: {  	v35 =	vld [tilespmem:$0x1EFA0]  }
0x20c: {  	v0 =	vadd.f32 v4, v0;
	v4 =	vmul.f32 v39, v38;
	v38 =	vld [tilespmem:$0x1EFB0]  }
0x20d: {  	v39 =	vld [tilespmem:$0x1EFC0]  }
0x20e: {  	[tilespmem:$0x1FED0] =	vst v3;
	v3 =	vmul.f32 v31, v30;
	v30 =	vld [tilespmem:$0xDC0]  }
0x20f: {  	v31 =	vld [tilespmem:$0x1EF70]  }
0x210: {  	v0 =	vadd.f32 v2, v0;
	v2 =	vmul.f32 v44, v43;
	v43 =	vld [tilespmem:$0x1EFE0]  }
0x211: {  	v44 =	vld [tilespmem:$0x1DD0]  }
0x212: {  	v1 =	vadd.f32 v4, v1;
	v4 =	vmul.f32 v57, v56;
	v56 =	vld [tilespmem:$0x1F070]  }
0x213: {  	v57 =	vld [tilespmem:$0x1F080]  }
0x214: {  	[tilespmem:$0x1FCE0] =	vst v22;
	v22 =	vld [tilespmem:$0x1F0F0]  }
0x215: {  	[tilespmem:$0x1FDF0] =	vst v48;
	v48 =	vld [tilespmem:$0x1F1E0]  }
0x216: {  	v3 =	vadd.f32 v5, v3;
	v5 =	vmul.f32 v41, v40;
	v40 =	vld [tilespmem:$0xDD0]  }
0x217: {  	v52 =	vadd.f32 v6, v2;
	v2 =	vmul.f32 v54, v53;
	v53 =	vld [tilespmem:$0x1DE0]  }
0x218: {  	v54 =	vld [tilespmem:$0x1F050]  }
0x219: {  	v6 =	vmul.f32 v21, v20;
	v20 =	vld [tilespmem:$0x1F0E0]  }
0x21a: {  	v21 =	vld [tilespmem:$0xE00]  }
0x21b: {  	v0 =	vadd.f32 v7, v0;
	v7 =	vmul.f32 v24, v23;
	v23 =	vld [tilespmem:$0x1F100]  }
0x21c: {  	v24 =	vld [tilespmem:$0x1F110]  }
0x21d: {  	[tilespmem:$0x1FD40] =	vst v33;
	v33 =	vld [tilespmem:$0x1F160]  }
0x21e: {  	v3 =	vadd.f32 v5, v3;
	v5 =	vmul.f32 v51, v50;
	v50 =	vld [tilespmem:$0x1F020]  }
0x21f: {  	v51 =	vld [tilespmem:$0x1F030]  }
0x220: {  	[tilespmem:$0x1FEE0] =	vst v1;
	v1 =	vadd.f32 v2, v52;
	v52 =	vld [tilespmem:$0x1F040]  }
0x221: {  	v2 =	vmul.f32 v61, v60;
	v60 =	vld [tilespmem:$0x1F0A0]  }
0x222: {  	v61 =	vld [tilespmem:$0x1DF0]  }
0x223: {  	[tilespmem:$0x1FD30] =	vst v30;
	v30 =	vld [tilespmem:$0x1F130]  }
0x224: {  	[tilespmem:$0x1FD80] =	vst v44;
	v44 =	vld [tilespmem:$0x1F1B0]  }
0x225: {  	v3 =	vadd.f32 v5, v3;
	v5 =	vmul.f32 v59, v58;
	v58 =	vld [tilespmem:$0xDF0]  }
0x226: {  	v59 =	vld [tilespmem:$0x1F090]  }
0x227: {  	v1 =	vadd.f32 v2, v1;
	v2 =	vmul.f32 v28, v26;
	v26 =	vld [tilespmem:$0x1F120]  }
0x228: {  	v28 =	vld [tilespmem:$0x1E00]  }
0x229: {  	[tilespmem:$0x1FD70] =	vst v40;
	v40 =	vld [tilespmem:$0x1E10]  }
0x22a: {  	[tilespmem:$0x1FE00] =	vst v53;
	v53 =	vld [tilespmem:$0x1F220]  }
0x22b: {  	[tilespmem:$0x1FD90] =	vst v21;
	v21 =	vld [tilespmem:$0x1F2C0]  }
0x22c: {  	v3 =	vadd.f32 v4, v3;
	v4 =	vmul.f32 v19, v18;
	v18 =	vld [tilespmem:$0x1F0C0]  }
0x22d: {  	v19 =	vld [tilespmem:$0x1F0D0]  }
0x22e: {  	v1 =	vadd.f32 v2, v1;
	v2 =	vmul.f32 v39, v38;
	v38 =	vld [tilespmem:$0x1F170]  }
0x22f: {  	v39 =	vld [tilespmem:$0x1F180]  }
0x230: {  	[tilespmem:$0x1FE50] =	vst v61;
	v61 =	vld [tilespmem:$0x1F280]  }
0x231: {  	v3 =	vadd.f32 v5, v3;
	v5 =	vmul.f32 v32, v31;
	v31 =	vld [tilespmem:$0x1F140]  }
0x232: {  	v32 =	vld [tilespmem:$0x1F150]  }
0x233: {  	v4 =	vadd.f32 v6, v4;
	v6 =	vmul.f32 v35, v34;
	v34 =	vld [tilespmem:$0xE10]  }
0x234: {  	v1 =	vadd.f32 v2, v1;
	v2 =	vmul.f32 v50, v49;
	v49 =	vld [tilespmem:$0x1E20]  }
0x235: {  	v50 =	vld [tilespmem:$0x1F1F0]  }
0x236: {  	[tilespmem:$0x1FE40] =	vst v58;
	v58 =	vld [tilespmem:$0x1F260]  }
0x237: {  	[tilespmem:$0x1FDA0] =	vst v28;
	v28 =	vld [tilespmem:$0xE50]  }
0x238: {  	v41 =	vadd.f32 v5, v4;
	v4 =	vmul.f32 v43, v42;
	v42 =	vld [tilespmem:$0x1F1A0]  }
0x239: {  	v43 =	vld [tilespmem:$0xE20]  }
0x23a: {  	v5 =	vmul.f32 v47, v45;
	v45 =	vld [tilespmem:$0x1F1C0]  }
0x23b: {  	v47 =	vld [tilespmem:$0x1F1D0]  }
0x23c: {  	v1 =	vadd.f32 v2, v1;
	v2 =	vmul.f32 v60, v59;
	v59 =	vld [tilespmem:$0x1E30]  }
0x23d: {  	v60 =	vld [tilespmem:$0x1F270]  }
0x23e: {  	v3 =	vadd.f32 v6, v3;
	v6 =	vmul.f32 v26, v24;
	v24 =	vld [tilespmem:$0x1F2D0]  }
0x23f: {  	v0 =	vadd.f32 v7, v0;
	v26 =	vld [tilespmem:$0x1F2E0]  }
0x240: {  	[tilespmem:$0x1FDC0] =	vst v40;
	v40 =	vld [tilespmem:$0x1F350]  }
0x241: {  	[tilespmem:$0x1FF30] =	vst v0;
	v0 =	vadd.f32 v4, v41;
	v41 =	vld [tilespmem:$0x1F190]  }
0x242: {  	v4 =	vmul.f32 v52, v51;
	v51 =	vld [tilespmem:$0x1F200]  }
0x243: {  	v52 =	vld [tilespmem:$0x1F210]  }
0x244: {  	v3 =	vadd.f32 v5, v3;
	v5 =	vmul.f32 v57, v56;
	v56 =	vld [tilespmem:$0x1F240]  }
0x245: {  	v57 =	vld [tilespmem:$0x1F250]  }
0x246: {  	v7 =	vmul.f32 v31, v30;
	v30 =	vld [tilespmem:$0x1F2F0]  }
0x247: {  	v31 =	vld [tilespmem:$0x1F300]  }
0x248: {  	[tilespmem:$0x1FDB0] =	vst v34;
	v34 =	vld [tilespmem:$0x1F320]  }
0x249: {  	[tilespmem:$0x1FDE0] =	vst v49;
	v49 =	vld [tilespmem:$0x1F3B0]  }
0x24a: {  	[tilespmem:$0x1FF50] =	vst v3;
	v3 =	vmul.f32 v55, v54;
	v54 =	vld [tilespmem:$0xE30]  }
0x24b: {  	v55 =	vld [tilespmem:$0x1F230]  }
0x24c: {  	v0 =	vadd.f32 v4, v0;
	v4 =	vmul.f32 v18, v62;
	v62 =	vld [tilespmem:$0xE40]  }
0x24d: {  	v18 =	vld [tilespmem:$0x1F290]  }
0x24e: {  	[tilespmem:$0x1FE90] =	vst v28;
	v28 =	vld [tilespmem:$0x1F4E0]  }
0x24f: {  	[tilespmem:$0x1FDD0] =	vst v43;
	v43 =	vld [tilespmem:$0x1F380]  }
0x250: {  	[tilespmem:$0x1FE20] =	vst v59;
	v59 =	vld [tilespmem:$0x1F440]  }
0x251: {  	v3 =	vadd.f32 v5, v3;
	v5 =	vmul.f32 v20, v19;
	v19 =	vld [tilespmem:$0x1F2A0]  }
0x252: {  	v20 =	vld [tilespmem:$0x1F2B0]  }
0x253: {  	v0 =	vadd.f32 v2, v0;
	v2 =	vmul.f32 v23, v22;
	v22 =	vld [tilespmem:$0x1E40]  }
0x254: {  	v1 =	vadd.f32 v4, v1;
	v4 =	vmul.f32 v42, v41;
	v41 =	vld [tilespmem:$0x1F360]  }
0x255: {  	v42 =	vld [tilespmem:$0x1F370]  }
0x256: {  	v3 =	vadd.f32 v5, v3;
	v5 =	vmul.f32 v33, v32;
	v32 =	vld [tilespmem:$0x1E50]  }
0x257: {  	v33 =	vld [tilespmem:$0x1F310]  }
0x258: {  	v35 =	vadd.f32 v6, v2;
	v2 =	vmul.f32 v39, v38;
	v38 =	vld [tilespmem:$0x1F340]  }
0x259: {  	v39 =	vld [tilespmem:$0xE60]  }
0x25a: {  	v6 =	vmul.f32 v53, v52;
	v52 =	vld [tilespmem:$0x1F3E0]  }
0x25b: {  	v53 =	vld [tilespmem:$0x1E70]  }
0x25c: {  	[tilespmem:$0x1FE10] =	vst v54;
	v54 =	vld [tilespmem:$0x1F3F0]  }
0x25d: {  	v0 =	vadd.f32 v7, v0;
	v7 =	vmul.f32 v56, v55;
	v55 =	vld [tilespmem:$0x1F400]  }
0x25e: {  	v56 =	vld [tilespmem:$0x1F410]  }
0x25f: {  	[tilespmem:$0x1FE60] =	vst v62;
	v62 =	vld [tilespmem:$0x1F460]  }
0x260: {  	[tilespmem:$0x1FF60] =	vst v1;
	v1 =	vadd.f32 v2, v35;
	v35 =	vld [tilespmem:$0x1F330]  }
0x261: {  	v3 =	vadd.f32 v5, v3;
	v5 =	vmul.f32 v45, v44;
	v44 =	vld [tilespmem:$0x1E60]  }
0x262: {  	v45 =	vld [tilespmem:$0x1F390]  }
0x263: {  	v2 =	vmul.f32 v48, v47;
	v47 =	vld [tilespmem:$0x1F3A0]  }
0x264: {  	v48 =	vld [tilespmem:$0xE70]  }
0x265: {  	[tilespmem:$0x1FE70] =	vst v22;
	v22 =	vld [tilespmem:$0x1F4A0]  }
0x266: {  	v3 =	vadd.f32 v4, v3;
	v4 =	vmul.f32 v51, v50;
	v50 =	vld [tilespmem:$0x1F3C0]  }
0x267: {  	v51 =	vld [tilespmem:$0x1F3D0]  }
0x268: {  	v1 =	vadd.f32 v2, v1;
	v2 =	vmul.f32 v58, v57;
	v57 =	vld [tilespmem:$0x1F420]  }
0x269: {  	v58 =	vld [tilespmem:$0x1F430]  }
0x26a: {  	[tilespmem:$0x1FEA0] =	vst v32;
	v32 =	vld [tilespmem:$0x1F510]  }
0x26b: {  	[tilespmem:$0x1FEF0] =	vst v39;
	v39 =	vld [tilespmem:$0x1F560]  }
0x26c: {  	[tilespmem:$0x1FF20] =	vst v53;
	v53 =	vld [tilespmem:$0x1ED0]  }
0x26d: {  	v3 =	vadd.f32 v5, v3;
	v5 =	vmul.f32 v61, v60;
	v61 =	vld [tilespmem:$0xE80]  }
0x26e: {  	v60 =	vld [tilespmem:$0x1F450]  }
0x26f: {  	v4 =	vadd.f32 v6, v4;
	v6 =	vmul.f32 v19, v18;
	v19 =	vld [tilespmem:$0x1F470]  }
0x270: {  	v1 =	vadd.f32 v2, v1;
	v2 =	vmul.f32 v21, v20;
	v20 =	vld [tilespmem:$0x1F480]  }
0x271: {  	v21 =	vld [tilespmem:$0x1F490]  }
0x272: {  	[tilespmem:$0x1FF10] =	vst v48;
	v48 =	vld [tilespmem:$0x1EA0]  }
0x273: {  	[tilespmem:$0x1FF00] =	vst v44;
	v44 =	vld [tilespmem:$0x1F5B0]  }
0x274: {  	v23 =	vadd.f32 v5, v4;
	v4 =	vmul.f32 v26, v24;
	v24 =	vld [tilespmem:$0x1F4C0]  }
0x275: {  	v26 =	vld [tilespmem:$0x1F4D0]  }
0x276: {  	v5 =	vmul.f32 v31, v30;
	v30 =	vld [tilespmem:$0x1F4F0]  }
0x277: {  	v31 =	vld [tilespmem:$0x1F500]  }
0x278: {  	v1 =	vadd.f32 v2, v1;
	v2 =	vmul.f32 v34, v33;
	v33 =	vld [tilespmem:$0x1F520]  }
0x279: {  	v34 =	vld [tilespmem:$0x1F530]  }
0x27a: {  	v0 =	vadd.f32 v7, v0;
	v7 =	vmul.f32 v59, v58;
	v58 =	vld [tilespmem:$0x1E80]  }
0x27b: {  	v3 =	vadd.f32 v6, v3;
	v6 =	vmul.f32 v57, v56;
	v57 =	vld [tilespmem:$0xEC0]  }
0x27c: {  	v56 =	vld [tilespmem:$0x1F5D0]  }
0x27d: {  	v59 =	vld [tilespmem:$0x1F5E0]  }
0x27e: {  	[tilespmem:$0x1FF70] =	vst v0;
	v0 =	vadd.f32 v4, v23;
	v23 =	vld [tilespmem:$0x1F4B0]  }
0x27f: {  	v4 =	vmul.f32 v38, v35;
	v35 =	vld [tilespmem:$0x1F540]  }
0x280: {  	v38 =	vld [tilespmem:$0x1F550]  }
0x281: {  	v3 =	vadd.f32 v5, v3;
	v5 =	vmul.f32 v43, v42;
	v42 =	vld [tilespmem:$0x1F590]  }
0x282: {  	v43 =	vld [tilespmem:$0x1F5A0]  }
0x283: {  	v1 =	vadd.f32 v2, v1;
	v2 =	vmul.f32 v47, v45;
	v45 =	vld [tilespmem:$0x1F5C0]  }
0x284: {  	v0 =	vadd.f32 v4, v0;
	v4 =	vmul.f32 v50, v49;
	v50 =	vld [tilespmem:$0x1E90]  }
0x285: {  	[tilespmem:$0x1FFA0] =	vst v3;
	v3 =	vmul.f32 v41, v40;
	v40 =	vld [tilespmem:$0x1F570]  }
0x286: {  	v41 =	vld [tilespmem:$0x1F580]  }
0x287: {  	v49 =	vld [tilespmem:$0x1EB0]  }
0x288: {  	v0 =	vadd.f32 v2, v0;
	v2 =	vmul.f32 v55, v54;
	v54 =	vld [tilespmem:$0xE90]  }
0x289: {  	v55 =	vld [tilespmem:$0xEA0]  }
0x28a: {  	v3 =	vadd.f32 v5, v3;
	v5 =	vmul.f32 v52, v51;
	v52 =	vld [tilespmem:$0xEB0]  }
0x28b: {  	v51 =	vld [tilespmem:$0x1EC0]  }
0x28c: {  	v1 =	vadd.f32 v4, v1;
	v4 =	vmul.f32 v22, v21;
	v21 =	vld [tilespmem:$0x1F640]  }
0x28d: {  	v22 =	vld [tilespmem:$0x1F650]  }
0x28e: {  	v3 =	vadd.f32 v5, v3;
	v5 =	vmul.f32 v62, v60;
	v60 =	vld [tilespmem:$0x1F5F0]  }
0x28f: {  	v62 =	vld [tilespmem:$0x1F600]  }
0x290: {  	v18 =	vadd.f32 v6, v2;
	v2 =	vmul.f32 v20, v19;
	v19 =	vld [tilespmem:$0x1F620]  }
0x291: {  	v20 =	vld [tilespmem:$0x1F630]  }
0x292: {  	v6 =	vmul.f32 v33, v32;
	v32 =	vld [tilespmem:$0x1F6B0]  }
0x293: {  	v33 =	vld [tilespmem:$0x1F6C0]  }
0x294: {  	v0 =	vadd.f32 v7, v0;
	v7 =	vmul.f32 v35, v34;
	v34 =	vld [tilespmem:$0x1F6D0]  }
0x295: {  	v35 =	vld [tilespmem:$0x1F6E0]  }
0x296: {  	[tilespmem:$0x1FFB0] =	vst v1;
	v1 =	vadd.f32 v2, v18;
	v18 =	vld [tilespmem:$0x1F610]  }
0x297: {  	v3 =	vadd.f32 v5, v3;
	v5 =	vmul.f32 v24, v23;
	v23 =	vld [tilespmem:$0x1F660]  }
0x298: {  	v24 =	vld [tilespmem:$0x1F670]  }
0x299: {  	v2 =	vmul.f32 v28, v26;
	v26 =	vld [tilespmem:$0x1F680]  }
0x29a: {  	v28 =	vld [tilespmem:$0xEE0]  }
0x29b: {  	v50 =	vmul.f32 v50, v54;
	v54 =	vld [tilespmem:$0x1030]  }
0x29c: {  	v48 =	vmul.f32 v48, v55;
	v55 =	vld [tilespmem:$0x1FE20]  }
0x29d: {  	v3 =	vadd.f32 v4, v3;
	v4 =	vmul.f32 v31, v30;
	v30 =	vld [tilespmem:$0x1F690]  }
0x29e: {  	v31 =	vld [tilespmem:$0x1F6A0]  }
0x29f: {  	v1 =	vadd.f32 v2, v1;
	v2 =	vmul.f32 v39, v38;
	v38 =	vld [tilespmem:$0xEF0]  }
0x2a0: {  	v39 =	vld [tilespmem:$0x1F6F0]  }
0x2a1: {  	v3 =	vadd.f32 v5, v3;
	v5 =	vmul.f32 v41, v40;
	v40 =	vld [tilespmem:$0x1F700]  }
0x2a2: {  	v41 =	vld [tilespmem:$0x1F710]  }
0x2a3: {  	v4 =	vadd.f32 v6, v4;
	v6 =	vmul.f32 v43, v42;
	v42 =	vld [tilespmem:$0x1F720]  }
0x2a4: {  	v43 =	vld [tilespmem:$0x1EF0]  }
0x2a5: {  	v1 =	vadd.f32 v2, v1;
	v2 =	vmul.f32 v45, v44;
	v44 =	vld [tilespmem:$0x1F730]  }
0x2a6: {  	v45 =	vld [tilespmem:$0x1F740]  }
0x2a7: {  	[tilespmem:$0x1FF40] =	vst v28;
	v28 =	vld [tilespmem:$0x1F800]  }
0x2a8: {  	v47 =	vadd.f32 v5, v4;
	v4 =	vmul.f32 v59, v56;
	v59 =	vld [tilespmem:$0xED0]  }
0x2a9: {  	v5 =	vmul.f32 v62, v60;
	v60 =	vld [tilespmem:$0x1EE0]  }
0x2aa: {  	v56 =	vld [tilespmem:$0x1F760]  }
0x2ab: {  	v1 =	vadd.f32 v2, v1;
	v2 =	vmul.f32 v19, v18;
	v18 =	vld [tilespmem:$0x1F780]  }
0x2ac: {  	v0 =	vadd.f32 v7, v0;
	v19 =	vld [tilespmem:$0x1F790]  }
0x2ad: {  	[tilespmem:$0x1FF80] =	vst v38;
	v38 =	vld [tilespmem:$0xF20]  }
0x2ae: {  	[tilespmem:$0x1FFC0] =	vst v0;
	v0 =	vadd.f32 v4, v47;
	v47 =	vld [tilespmem:$0x1F750]  }
0x2af: {  	v3 =	vadd.f32 v6, v3;
	v4 =	vmul.f32 v21, v20;
	v20 =	vld [tilespmem:$0x1F7A0]  }
0x2b0: {  	v21 =	vld [tilespmem:$0x1F7B0]  }
0x2b1: {  	v3 =	vadd.f32 v5, v3;
	v5 =	vmul.f32 v26, v24;
	v24 =	vld [tilespmem:$0x1F7E0]  }
0x2b2: {  	v26 =	vld [tilespmem:$0x1F7F0]  }
0x2b3: {  	v1 =	vadd.f32 v2, v1;
	v2 =	vmul.f32 v31, v30;
	v30 =	vld [tilespmem:$0x1F810]  }
0x2b4: {  	v6 =	vmul.f32 v42, v41;
	v41 =	vld [tilespmem:$0x1F860]  }
0x2b5: {  	v42 =	vld [tilespmem:$0x1F870]  }
0x2b6: {  	v7 =	vmul.f32 v45, v44;
	v44 =	vld [tilespmem:$0x1F880]  }
0x2b7: {  	v45 =	vld [tilespmem:$0x1F890]  }
0x2b8: {  	[tilespmem:$0x1FFD0] =	vst v3;
	v3 =	vmul.f32 v23, v22;
	v22 =	vld [tilespmem:$0x1F7C0]  }
0x2b9: {  	v23 =	vld [tilespmem:$0x1F7D0]  }
0x2ba: {  	v0 =	vadd.f32 v4, v0;
	v4 =	vmul.f32 v33, v32;
	v32 =	vld [tilespmem:$0x1F820]  }
0x2bb: {  	v33 =	vld [tilespmem:$0x1F830]  }
0x2bc: {  	v3 =	vadd.f32 v5, v3;
	v5 =	vmul.f32 v35, v34;
	v35 =	vld [tilespmem:$0x1F840]  }
0x2bd: {  	v0 =	vadd.f32 v2, v0;
	v2 =	vmul.f32 v40, v39;
	v40 =	vld [tilespmem:$0x1F850]  }
0x2be: {  	v1 =	vadd.f32 v4, v1;
	v4 =	vmul.f32 v20, v19;
	v19 =	vld [tilespmem:$0x1F8D0]  }
0x2bf: {  	v20 =	vld [tilespmem:$0x1F8E0]  }
0x2c0: {  	v3 =	vadd.f32 v5, v3;
	v5 =	vmul.f32 v56, v47;
	v47 =	vld [tilespmem:$0x1F8A0]  }
0x2c1: {  	v62 =	vadd.f32 v6, v2;
	v2 =	vmul.f32 v18, v8;
	v56 =	vld [tilespmem:$0x1F8B0]  }
0x2c2: {  	v6 =	vmul.f32 v32, v30;
	v30 =	vld [tilespmem:$0x1F950]  }
0x2c3: {  	[tilespmem:$0x1FFE0] =	vst v1;
	v1 =	vadd.f32 v2, v62;
	v62 =	vld [tilespmem:$0x1F8C0]  }
0x2c4: {  	v3 =	vadd.f32 v5, v3;
	v5 =	vmul.f32 v22, v21;
	v21 =	vld [tilespmem:$0x1F8F0]  }
0x2c5: {  	v22 =	vld [tilespmem:$0x1F900]  }
0x2c6: {  	v2 =	vmul.f32 v24, v23;
	v23 =	vld [tilespmem:$0x1F910]  }
0x2c7: {  	v24 =	vld [tilespmem:$0x1F920]  }
0x2c8: {  	v3 =	vadd.f32 v4, v3;
	v4 =	vmul.f32 v28, v26;
	v26 =	vld [tilespmem:$0x1F930]  }
0x2c9: {  	v28 =	vld [tilespmem:$0x1F940]  }
0x2ca: {  	v1 =	vadd.f32 v2, v1;
	v2 =	vmul.f32 v41, v40;
	v41 =	vld [tilespmem:$0x1F960];
	v3 =	vadd.f32 v5, v3  }
0x2cb: {  	v4 =	vadd.f32 v6, v4;
	v5 =	vmul.f32 v44, v42;
	v6 =	vmul.f32 v47, v45;
	v45 =	vld [tilespmem:$0x1F970]  }
0x2cc: {  	v47 =	vld [tilespmem:$0x1F980]  }
0x2cd: {  	v18 =	vadd.f32 v5, v4;
	v4 =	vmul.f32 v20, v19;
	v19 =	vld [tilespmem:$0x1F9A0]  }
0x2ce: {  	v20 =	vld [tilespmem:$0x1F9B0]  }
0x2cf: {  	v1 =	vadd.f32 v2, v1;
	v2 =	vmul.f32 v62, v56;
	v5 =	vmul.f32 v22, v21;
	v21 =	vld [tilespmem:$0x1F9C0]  }
0x2d0: {  	v0 =	vadd.f32 v7, v0;
	v22 =	vld [tilespmem:$0x1F9D0]  }
0x2d1: {  	v7 =	vmul.f32 v35, v33;
	v1 =	vadd.f32 v2, v1;
	v2 =	vmul.f32 v24, v23;
	v23 =	vld [tilespmem:$0x1F9E0]  }
0x2d2: {  	v24 =	vld [tilespmem:$0x1F9F0]  }
0x2d3: {  	v62 =	vadd.f32 v7, v0;
	v0 =	vadd.f32 v4, v18;
	v18 =	vld [tilespmem:$0x1F990]  }
0x2d4: {  	v3 =	vadd.f32 v6, v3;
	v4 =	vmul.f32 v28, v26;
	v26 =	vld [tilespmem:$0x1FA00]  }
0x2d5: {  	v28 =	vld [tilespmem:$0xF70]  }
0x2d6: {  	v56 =	vadd.f32 v5, v3;
	v3 =	vmul.f32 v41, v30;
	v30 =	vld [tilespmem:$0x1FA10];
	v5 =	vmul.f32 v47, v45  }
0x2d7: {  	v0 =	vadd.f32 v4, v0;
	v4 =	vmul.f32 v21, v20;
	v21 =	vld [tilespmem:$0x1FA70]  }
0x2d8: {  	v3 =	vadd.f32 v5, v3;
	v5 =	vmul.f32 v23, v22;
	v22 =	vld [tilespmem:$0x1FA80]  }
0x2d9: {  	v6 =	vmul.f32 v26, v63;
	v63 =	vld [tilespmem:$0x1FA30]  }
0x2da: {  	v1 =	vadd.f32 v2, v1;
	v2 =	vmul.f32 v19, v18;
	v18 =	vld [tilespmem:$0x1FA40]  }
0x2db: {  	v26 =	vld [tilespmem:$0x1FA50]  }
0x2dc: {  	v0 =	vadd.f32 v2, v0;
	v2 =	vmul.f32 v24, v46;
	v46 =	vld [tilespmem:$0x1FA20]  }
0x2dd: {  	[tilespmem:$0x1FFF0] =	vst v28;
	v28 =	vld [tilespmem:$0x1FA60]  }
0x2de: {  	v31 =	vld [tilespmem:$0x1F10]  }
0x2df: {  	[tilespmem:$0x1FF90] =	vst v43;
	v43 =	vld [tilespmem:$0xF00];
	v3 =	vadd.f32 v5, v3;
	v5 =	vmul.f32 v63, v18  }
0x2e0: {  	v39 =	vld [tilespmem:$0x1F00]  }
0x2e1: {  	v24 =	vld [tilespmem:$0x1FA90];
	v7 =	vmul.f32 v46, v30;
	v30 =	vadd.f32 v5, v3;
	v3 =	vmul.f32 v22, v21  }
0x2e2: {  	v19 =	vadd.f32 v6, v2;
	v2 =	vmul.f32 v26, v28;
	v26 =	vld [tilespmem:$0x1FAA0]  }
0x2e3: {  	v3 =	vadd.f32 v3, v30;
	v30 =	vld [tilespmem:$0x1FAB0]  }
0x2e4: {  	v34 =	vld [tilespmem:$0xF10]  }
0x2e5: {  	v32 =	vld [tilespmem:$0x1F20]  }
0x2e6: {  	v33 =	vld [tilespmem:$0x1F30]  }
0x2e7: {  	v6 =	vmul.f32 v26, v24;
	v24 =	vld [tilespmem:$0x1FAC0]  }
0x2e8: {  	v5 =	vmul.f32 v30, v11;
	v30 =	vld [tilespmem:$0x1FAE0]  }
0x2e9: {  	v26 =	vld [tilespmem:$0x1FAD0]  }
0x2ea: {  	v35 =	vld [tilespmem:$0x1F40]  }
0x2eb: {  	v28 =	vmul.f32 v16, v14;
	v46 =	vadd.f32 v4, v1;
	v1 =	vadd.f32 v2, v19;
	v4 =	vld [tilespmem:$0x1FAF0]  }
0x2ec: {  	v22 =	vld [tilespmem:$0x1FB00]  }
0x2ed: {  	v28 =	vadd.f32 v28, v1;
	v14 =	vadd.f32 v6, v3;
	v6 =	vld [tilespmem:$0x1FB20];
	v13 =	vmul.f32 v13, v30  }
0x2ee: {  	v11 =	vmul.f32 v26, v24;
	v24 =	vld [tilespmem:$0x1FB10]  }
0x2ef: {  	v9 =	vmul.f32 v12, v9;
	v12 =	vadd.f32 v13, v28;
	v13 =	vld [tilespmem:$0x1FB30]  }
0x2f0: {  	v31 =	vmul.f32 v31, v34;
	v34 =	vld [tilespmem:$0x2060]  }
0x2f1: {  	v19 =	vld [tilespmem:$0x1FB40]  }
0x2f2: {  	v40 =	vld [tilespmem:$0xF30];
	v7 =	vadd.f32 v7, v0  }
0x2f3: {  	v3 =	vadd.f32 v9, v5;
	v5 =	vmul.f32 v17, v4;
	v4 =	vld [tilespmem:$0x1FB70];
	v26 =	vmul.f32 v24, v22  }
0x2f4: {  	v24 =	vld [tilespmem:$0x1FB50];
	v13 =	vmul.f32 v13, v6  }
0x2f5: {  	v30 =	vadd.f32 v11, v7;
	v9 =	vadd.f32 v26, v14;
	v26 =	vld [tilespmem:$0x1FB60]  }
0x2f6: {  	v8 =	vmul.f32 v15, v19;
	v7 =	vadd.f32 v5, v3;
	v12 =	vadd.f32 v13, v12;
	v13 =	vld [tilespmem:$0x1FB80]  }
0x2f7: {  	v11 =	vld [tilespmem:$0x1FBD0]  }
0x2f8: {  	v8 =	vadd.f32 v8, v7;
	v7 =	vld [tilespmem:$0x1FBC0]  }
0x2f9: {  	v14 =	vld [tilespmem:$0x1FB90]  }
0x2fa: {  	v28 =	vmul.f32 v26, v24;
	v26 =	vld [tilespmem:$0x1FBA0]  }
0x2fb: {  	v0 =	vmul.f32 v13, v27;
	v27 =	vld [tilespmem:$0x1FBB0]  }
0x2fc: {  	v42 =	vld [tilespmem:$0xF40];
	v5 =	vmul.f32 v4, v29  }
0x2fd: {  	v44 =	vld [tilespmem:$0xF50]  }
0x2fe: {  	v15 =	vadd.f32 v5, v12;
	v12 =	vld [tilespmem:$0x1FBE0]  }
0x2ff: {  	v28 =	vadd.f32 v28, v9;
	v9 =	vmul.f32 v25, v14;
	v5 =	vld [tilespmem:$0x1FC10]  }
0x300: {  	v8 =	vadd.f32 v0, v8;
	v0 =	vmul.f32 v11, v7;
	v11 =	vld [tilespmem:$0x1FC40];
	v29 =	vmul.f32 v27, v26  }
0x301: {  	v27 =	vld [tilespmem:$0x1FBF0]  }
0x302: {  	v9 =	vadd.f32 v29, v9;
	v29 =	vld [tilespmem:$0x1FC00]  }
0x303: {  	v41 =	vld [tilespmem:$0x1F50]  }
0x304: {  	v6 =	vld [tilespmem:$0x1FC20]  }
0x305: {  	v7 =	vld [tilespmem:$0x1FC30]  }
0x306: {  	v8 =	vadd.f32 v0, v8;
	v0 =	vmul.f32 v36, v11;
	v11 =	vld [tilespmem:$0x1FCA0]  }
0x307: {  	v4 =	vmul.f32 v27, v12;
	v12 =	vld [tilespmem:$0x1FC50];
	v14 =	vmul.f32 v5, v29  }
0x308: {  	v29 =	vld [tilespmem:$0x1FC70]  }
0x309: {  	v9 =	vadd.f32 v14, v9;
	v14 =	vld [tilespmem:$0x1FC60]  }
0x30a: {  	v2 =	vmul.f32 v7, v6;
	v6 =	vld [tilespmem:$0x1FCD0]  }
0x30b: {  	v4 =	vadd.f32 v4, v8;
	v8 =	vld [tilespmem:$0x1FC80]  }
0x30c: {  	v3 =	vmul.f32 v10, v12;
	v10 =	vld [tilespmem:$0x1FC90]  }
0x30d: {  	v12 =	vld [tilespmem:$0x1FCB0]  }
0x30e: {  	v1 =	vmul.f32 v14, v29;
	v14 =	vld [tilespmem:$0x1FCC0]  }
0x30f: {  	v7 =	vld [tilespmem:$0x1FCE0]  }
0x310: {  	v47 =	vld [tilespmem:$0xF60]  }
0x311: {  	v45 =	vld [tilespmem:$0x1F60];
	v0 =	vadd.f32 v0, v2;
	v2 =	vmul.f32 v37, v8;
	v8 =	vmul.f32 v11, v10  }
0x312: {  	v20 =	vld [tilespmem:$0xFA0]  }
0x313: {  	v9 =	vadd.f32 v1, v9;
	v1 =	vmul.f32 v14, v12;
	v14 =	vadd.f32 v8, v4;
	v8 =	vld [tilespmem:$0x1FCF0]  }
0x314: {  	v12 =	vadd.f32 v3, v15;
	v15 =	vmul.f32 v7, v6;
	v6 =	vld [tilespmem:$0x1FD10]  }
0x315: {  	v7 =	vld [tilespmem:$0x1FD20]  }
0x316: {  	v1 =	vadd.f32 v1, v9;
	v9 =	vld [tilespmem:$0x1FD00]  }
0x317: {  	v23 =	vld [tilespmem:$0xF80]  }
0x318: {  	v18 =	vld [tilespmem:$0xF90];
	v2 =	vadd.f32 v2, v0  }
0x319: {  	v16 =	vld [tilespmem:$0x1F90]  }
0x31a: {  	v2 =	vadd.f32 v15, v2;
	v15 =	vld [tilespmem:$0x1FD30]  }
0x31b: {  	v4 =	vmul.f32 v7, v6;
	v6 =	vld [tilespmem:$0x1FD40];
	v8 =	vmul.f32 v8, v9  }
0x31c: {  	v7 =	vld [tilespmem:$0x1FD50]  }
0x31d: {  	v1 =	vadd.f32 v8, v1;
	v8 =	vld [tilespmem:$0x1FD60]  }
0x31e: {  	v63 =	vld [tilespmem:$0x1F70]  }
0x31f: {  	v21 =	vld [tilespmem:$0x1F80]  }
0x320: {  	v16 =	vmul.f32 v16, v18;
	v18 =	vld [tilespmem:$0x1090]  }
0x321: {  	v15 =	vmul.f32 v6, v15;
	v6 =	vld [tilespmem:$0x1FD70]  }
0x322: {  	v8 =	vmul.f32 v8, v7;
	v7 =	vld [tilespmem:$0x1FD80]  }
0x323: {  	v1 =	vadd.f32 v4, v1;
	v4 =	vmul.f32 v58, v61;
	v61 =	vld [tilespmem:$0x1FDD0]  }
0x324: {  	v58 =	vld [tilespmem:$0x1FDE0]  }
0x325: {  	v0 =	vld [tilespmem:$0x1FD90]  }
0x326: {  	v2 =	vadd.f32 v15, v2;
	v15 =	vld [tilespmem:$0x1FDA0]  }
0x327: {  	v19 =	vld [tilespmem:$0x1FB0];
	v3 =	vmul.f32 v7, v6  }
0x328: {  	v17 =	vld [tilespmem:$0x1FA0]  }
0x329: {  	v2 =	vadd.f32 v3, v2;
	v3 =	vmul.f32 v58, v61;
	v58 =	vld [tilespmem:$0x1FDF0]  }
0x32a: {  	v61 =	vld [tilespmem:$0x1FE00]  }
0x32b: {  	v15 =	vmul.f32 v15, v0;
	v0 =	vld [tilespmem:$0x1FDB0]  }
0x32c: {  	v6 =	vld [tilespmem:$0x1FDC0]  }
0x32d: {  	v22 =	vld [tilespmem:$0xFB0]  }
0x32e: {  	v17 =	vmul.f32 v17, v20;
	v20 =	vld [tilespmem:$0x10A0]  }
0x32f: {  	v24 =	vld [tilespmem:$0xFC0];
	v58 =	vmul.f32 v61, v58  }
0x330: {  	v61 =	vld [tilespmem:$0x1FE10]  }
0x331: {  	v0 =	vmul.f32 v6, v0;
	v2 =	vadd.f32 v58, v2;
	v58 =	vld [tilespmem:$0x1FE30]  }
0x332: {  	v25 =	vld [tilespmem:$0x1FD0]  }
0x333: {  	v13 =	vld [tilespmem:$0x1FC0];
	v0 =	vadd.f32 v0, v15  }
0x334: {  	v26 =	vld [tilespmem:$0xFD0]  }
0x335: {  	v0 =	vadd.f32 v3, v0;
	v3 =	vmul.f32 v55, v61;
	v61 =	vld [tilespmem:$0x1FE40]  }
0x336: {  	[tilespmem:$0x2120] =	vst v58;
	v58 =	vld [tilespmem:$0x1FE50]  }
0x337: {  	v36 =	vld [tilespmem:$0x1FE0]  }
0x338: {  	v27 =	vld [tilespmem:$0xFE0]  }
0x339: {  	v5 =	vld [tilespmem:$0x2010];
	v4 =	vadd.f32 v50, v4  }
0x33a: {  	v37 =	vld [tilespmem:$0x1FF0]  }
0x33b: {  	v4 =	vadd.f32 v48, v4;
	v48 =	vmul.f32 v49, v52;
	v52 =	vmul.f32 v58, v61;
	v61 =	vld [tilespmem:$0x1FE60]  }
0x33c: {  	v58 =	vld [tilespmem:$0x1FE70]  }
0x33d: {  	v29 =	vld [tilespmem:$0xFF0]  }
0x33e: {  	v11 =	vld [tilespmem:$0x1000]  }
0x33f: {  	v10 =	vld [tilespmem:$0x2000]  }
0x340: {  	v9 =	vld [tilespmem:$0x1010]  }
0x341: {  	v0 =	vadd.f32 v3, v0;
	v3 =	vmul.f32 v58, v61;
	v61 =	vld [tilespmem:$0x1FE80]  }
0x342: {  	v50 =	vld [tilespmem:$0x1040]  }
0x343: {  	v49 =	vld [tilespmem:$0x1050]  }
0x344: {  	v4 =	vadd.f32 v48, v4;
	v48 =	vmul.f32 v51, v57;
	v57 =	vld [tilespmem:$0x1FEE0]  }
0x345: {  	v58 =	vld [tilespmem:$0x1FE90]  }
0x346: {  	[tilespmem:$0x2130] =	vst v61;
	v61 =	vld [tilespmem:$0x1FEA0]  }
0x347: {  	v1 =	vadd.f32 v8, v1;
	v8 =	vld [tilespmem:$0x2040]  }
0x348: {  	v51 =	vld [tilespmem:$0x1060]  }
0x349: {  	v7 =	vld [tilespmem:$0x1020]  }
0x34a: {  	[tilespmem:$0x2170] =	vst v57;
	v57 =	vld [tilespmem:$0x1FF20]  }
0x34b: {  	v58 =	vmul.f32 v61, v58;
	v61 =	vld [tilespmem:$0x1FEB0]  }
0x34c: {  	v6 =	vld [tilespmem:$0x2020]  }
0x34d: {  	v15 =	vld [tilespmem:$0x2030];
	v0 =	vadd.f32 v3, v0  }
0x34e: {  	v55 =	vld [tilespmem:$0x2050]  }
0x34f: {  	v0 =	vadd.f32 v58, v0;
	v58 =	vld [tilespmem:$0x1FEF0]  }
0x350: {  	[tilespmem:$0x2140] =	vst v61;
	v61 =	vmul.f32 v39, v43;
	v43 =	vld [tilespmem:$0x1FEC0]  }
0x351: {  	v39 =	vmul.f32 v53, v59;
	v53 =	vld [tilespmem:$0x1FED0]  }
0x352: {  	v59 =	vld [tilespmem:$0x1FF00]  }
0x353: {  	v4 =	vadd.f32 v48, v4;
	v3 =	vadd.f32 v31, v61;
	v31 =	vmul.f32 v32, v38;
	v32 =	vld [tilespmem:$0x2070]  }
0x354: {  	v61 =	vld [tilespmem:$0x1FF10]  }
0x355: {  	v4 =	vadd.f32 v39, v4;
	v39 =	vld [tilespmem:$0x1080]  }
0x356: {  	v3 =	vadd.f32 v31, v3;
	v31 =	vld [tilespmem:$0x2090]  }
0x357: {  	[tilespmem:$0x2150] =	vst v43;
	v43 =	vld [tilespmem:$0x1070]  }
0x358: {  	v38 =	vmul.f32 v59, v58;
	v58 =	vld [tilespmem:$0x1FF30]  }
0x359: {  	v59 =	vld [tilespmem:$0x1FF40]  }
0x35a: {  	v48 =	vmul.f32 v57, v61;
	v61 =	vld [tilespmem:$0x1FF50]  }
0x35b: {  	v0 =	vadd.f32 v38, v0;
	v57 =	vld [tilespmem:$0x1FF70]  }
0x35c: {  	v38 =	vld [tilespmem:$0x10D0]  }
0x35d: {  	v0 =	vadd.f32 v48, v0;
	v48 =	vld [tilespmem:$0x1FFC0]  }
0x35e: {  	v2 =	vadd.f32 v52, v2;
	v52 =	vmul.f32 v60, v59;
	v60 =	vmul.f32 v33, v40;
	v33 =	vld [tilespmem:$0x2080]  }
0x35f: {  	v40 =	vld [tilespmem:$0x1FF60]  }
0x360: {  	v21 =	vmul.f32 v21, v23;
	[tilespmem:$0x2180] =	vst v58;
	v58 =	vld [tilespmem:$0x1FF80]  }
0x361: {  	v59 =	vld [tilespmem:$0x1FF90]  }
0x362: {  	[tilespmem:$0x2210] =	vst v62;
	v16 =	vadd.f32 v16, v21;
	v3 =	vadd.f32 v60, v3;
	v60 =	vld [tilespmem:$0x1FFA0]  }
0x363: {  	[tilespmem:$0x2190] =	vst v61;
	v61 =	vmul.f32 v41, v44;
	v41 =	vld [tilespmem:$0x1FFB0]  }
0x364: {  	[tilespmem:$0x2220] =	vst v56;
	v16 =	vadd.f32 v17, v16;
	v44 =	vld [tilespmem:$0x10B0]  }
0x365: {  	[tilespmem:$0x2160] =	vst v53;
	v53 =	vmul.f32 v35, v42;
	v42 =	vmul.f32 v19, v22;
	v4 =	vadd.f32 v52, v4;
	v52 =	vld [tilespmem:$0x20B0]  }
0x366: {  	v13 =	vmul.f32 v13, v24;
	[tilespmem:$0x21A0] =	vst v40;
	v40 =	vld [tilespmem:$0x20A0]  }
0x367: {  	v56 =	vmul.f32 v37, v29;
	v10 =	vmul.f32 v10, v11;
	[tilespmem:$0x21B0] =	vst v57;
	v57 =	vadd.f32 v42, v16;
	v42 =	vld [tilespmem:$0x10E0]  }
0x368: {  	[tilespmem:$0x2230] =	vst v46;
	v5 =	vmul.f32 v5, v9;
	v3 =	vadd.f32 v53, v3;
	v53 =	vld [tilespmem:$0x1FFD0];
	v35 =	vmul.f32 v59, v58  }
0x369: {  	[tilespmem:$0x2240] =	vst v30;
	v58 =	vmul.f32 v33, v39;
	v59 =	vmul.f32 v31, v18;
	v31 =	vld [tilespmem:$0x20C0]  }
0x36a: {  	v5 =	vadd.f32 v5, v10;
	v6 =	vmul.f32 v6, v7;
	v33 =	vmul.f32 v45, v47;
	[tilespmem:$0x21C0] =	vst v60;
	v60 =	vld [tilespmem:$0x10C0]  }
0x36b: {  	[tilespmem:$0x2250] =	vst v28;
	v45 =	vld [tilespmem:$0x20E0];
	v4 =	vadd.f32 v35, v4;
	v16 =	vadd.f32 v59, v58;
	v35 =	vmul.f32 v40, v20  }
0x36c: {  	[tilespmem:$0x2260] =	vst v12;
	v5 =	vadd.f32 v6, v5;
	v49 =	vmul.f32 v55, v49;
	v39 =	vmul.f32 v15, v54;
	v40 =	vld [tilespmem:$0x20D0]  }
0x36d: {  	[tilespmem:$0x2270] =	vst v14;
	v11 =	vadd.f32 v13, v57;
	v47 =	vld [tilespmem:$0x10F0];
	v9 =	vmul.f32 v52, v44;
	v16 =	vadd.f32 v35, v16  }
0x36e: {  	[tilespmem:$0x21D0] =	vst v41;
	v41 =	vmul.f32 v25, v26;
	v5 =	vadd.f32 v39, v5;
	v44 =	vmul.f32 v8, v50;
	v52 =	vld [tilespmem:$0x1FFF0]  }
0x36f: {  	[tilespmem:$0x2280] =	vst v1;
	v3 =	vadd.f32 v61, v3;
	v61 =	vld [tilespmem:$0x1FFE0];
	v7 =	vmul.f32 v31, v60;
	v9 =	vadd.f32 v9, v16  }
0x370: {  	[tilespmem:$0x21E0] =	vst v48;
	v48 =	vmul.f32 v36, v27;
	v50 =	vld [tilespmem:$0x20F0];
	v46 =	vadd.f32 v41, v11;
	v5 =	vadd.f32 v44, v5  }
0x371: {  	v3 =	vadd.f32 v33, v3;
	[tilespmem:$0x21F0] =	vst v53;
	v53 =	vmul.f32 v40, v38;
	v7 =	vadd.f32 v7, v9  }
0x372: {  	v55 =	vmul.f32 v34, v51;
	[tilespmem:$0x2290] =	vst v2;
	v54 =	vadd.f32 v48, v46;
	v5 =	vadd.f32 v49, v5  }
0x373: {  	[tilespmem:$0x22A0] =	vst v0;
	v8 =	vmul.f32 v45, v42;
	v14 =	vmul.f32 v63, v52;
	v7 =	vadd.f32 v53, v7  }
0x374: {  	v59 =	vmul.f32 v32, v43;
	[tilespmem:$0x22B0] =	vst v4;
	v58 =	vadd.f32 v55, v5;
	v1 =	vadd.f32 v56, v54  }
0x375: {  	[tilespmem:$0x2200] =	vst v61;
	v61 =	vmul.f32 v50, v47;
	v57 =	vadd.f32 v14, v3;
	v60 =	vadd.f32 v8, v7  }
0x376: {  	v62 =	vadd.f32 v59, v58;
	[tilespmem:$0x22D0] =	vst v1  }
0x377: {  	[tilespmem:$0x22C0] =	vst v57;
	v63 =	vadd.f32 v61, v60  }
0x378: {  	p0 =	sne.s32 s7, $0x1;
	[tilespmem:$0x22E0] =	vst v62  }
.Ltmp0:
0x379: {  	[tilespmem:$0x22F0] =	vst v63;
	(pc) =	sbr.rel @p0 .LBB2_1-.Ltmp0, $4  }
0x37a: {  	[hbm4b:s6+s2] =	stream.linear.scatter [tilespmem:s14], [sflag:$0x2], $0x200, $0x38;
	[tilespmem:$0x2300] =	vst v63  }
0x37b: {  	_ =	swait.ge [sflag:s8], $0x200  }
0x37c: {  	[sflag:s8] =	ssyncset.done $0x0  }
0x37d: {  	s7 =	sadd.s32 $0xFFFFFFFF, s7;
	[sflag:s8] =	ssyncadd.s32 $0xFFFFFE00  }
0x37e: {  	_ =	sfence.sel $0x180000  }
0x37f: {  	[bflag:$0x0] =	sbarrier.arrive $0xFFFF  }
0x380: {  	p0 =	sne.s32 s1, $0x0;
	_ =	strace $0x90000047  }
0x381: {  	s0 =	sadd.s32 @!p0 $0x100000, s0;
	[bflag:$0x2] =	sbarrier.arrive $0xFFFF  }
0x382: {  	[sflag:s0] =	ssyncadd.tile.s32 @!p0 $0x1;
	_ =	shalt  }
.Lfunc_end2:
_tile_overlayer_lowered:
.L_overlay_start_2:
0x383: {  	(tag) =	ssettag $0x2  }
0x384: {  	s0 =	rddreg [dreg:$0x0];
	s2 =	stileid.u32  }
0x385: {  	s1 =	rddreg [dreg:$0x1];
	p0 =	sne.s32 s2, $0x0  }
0x386: {  	s3 =	rddreg [dreg:$0x2];
	[bflag:$0x3] =	sbarrier.arrive $0xFFFF;
	s2 =	simm.s32 @!p0 $0x1C02  }
0x387: {  	[timem:s3], [sflag:s2] =	dma.local @!p0 [hbm:s0], s1  }
0x388: {  	s0 =	simm.s32 @!p0 $0x2  }
0x389: {  	_ =	swait.ge @!p0 [sflag:s0], s1  }
0x38a: {  	s1 =	ssub.s32 @!p0 $0x0, s1;
	[sflag:s0] =	ssyncset.done @!p0 $0x0  }
0x38b: {  	[sflag:s0] =	ssyncadd.s32 @!p0 s1  }
0x38c: {  	[bflag:$0x3] =	sbarrier.arrive $0xFFFF  }
0x38d: {  	_ =	shalt  }

</sc_bundles>
